<compile_context>
chip_gen: v7x
topology: tpu7x:2x2x1
jax: 0.10.2.dev20260603
libtpu: 0.0.44.dev20260713+nightly
codegen_flags: <defaults>
</compile_context>

<pallas_src>
import jax
import jax.numpy as jnp
from jax import lax
from jax.experimental import pallas as pl
from jax.experimental.pallas import tpu as pltpu
from jax.experimental.pallas import tpu_sc as plsc

N_NODES = 10000
N_EDGES = 320000
IN_F = 128
HID = 256

NPAD = 10240
NC, NS, L = 2, 16, 16
NW = NC * NS
CHUNK = 128
NCHUNK = 80
EPT = CHUNK * NCHUNK
EPAD = EPT * NW
FC = 128



NBUF = 2

SLOWC = 1
NCH_S = 80
NCH_F = 80
TOTCH = NS * (NCH_S + NCH_F)


def _spmm_body(feat_hbm, idx_hbm, out_hbm, cidx, rows, acc, *sems):
    cid = lax.axis_index("c")
    sid = lax.axis_index("s")
    gsem = sems[:NBUF]
    ssem = sems[NBUF:]
    nch = jnp.where(cid == SLOWC, NCH_S, NCH_F)
    cbase = jnp.where(cid == SLOWC, sid * NCH_S, NS * NCH_S + sid * NCH_F)

    def zfill(i, c):
        def zc(k, c2):
            rows[0, i, pl.ds(k * L, L)] = jnp.zeros((L,), jnp.float32)
            return c2
        lax.fori_loop(0, FC // L, zc, 0)
        return c
    lax.fori_loop(0, CHUNK, zfill, 0)

    rpt = NPAD // NS
    base = sid * rpt

    zd = [pltpu.make_async_copy(
        rows.at[0], acc.at[pl.ds(base + k * CHUNK, CHUNK)], ssem[0])
        for k in range(rpt // CHUNK)]
    for d in zd:
        d.start()
    for d in zd:
        d.wait()
    plsc.subcore_barrier()

    for b in range(NBUF):
        pltpu.sync_copy(idx_hbm.at[cbase + b], cidx.at[b])
        pltpu.async_copy(feat_hbm.at[cidx.at[b, 0]], rows.at[b], gsem[b])

    def mloop(t, c):
        for b in range(NBUF):
            pltpu.make_async_copy(
                feat_hbm.at[cidx.at[b, 0]], rows.at[b], gsem[b]).wait()
            pltpu.make_async_copy(
                rows.at[b], acc.at[cidx.at[b, 1]], ssem[b]).start(add=True)
        for b in range(NBUF):
            j = t * NBUF + b
            pltpu.make_async_copy(
                rows.at[b], acc.at[cidx.at[b, 1]], ssem[b]).wait()

            @pl.when(j + NBUF < nch)
            def _():
                pltpu.sync_copy(idx_hbm.at[cbase + j + NBUF], cidx.at[b])
                pltpu.async_copy(feat_hbm.at[cidx.at[b, 0]], rows.at[b], gsem[b])
        return c
    lax.fori_loop(0, nch // NBUF, mloop, 0)
    plsc.subcore_barrier()

    pltpu.sync_copy(acc.at[pl.ds(base, rpt)], out_hbm.at[cid, pl.ds(base, rpt)])


def _make_spmm():
    return pl.kernel(
        _spmm_body,
        out_type=jax.ShapeDtypeStruct((NC, NPAD, FC), jnp.float32),
        mesh=plsc.VectorSubcoreMesh(core_axis_name="c", subcore_axis_name="s"),
        scratch_types=[
            pltpu.VMEM((NBUF, 2, CHUNK), jnp.int32),
            pltpu.VMEM((NBUF, CHUNK, FC), jnp.float32),
            pltpu.VMEM_SHARED((NPAD, FC), jnp.float32),
        ] + [pltpu.SemaphoreType.DMA] * (2 * NBUF),
    )



RB = 1024
NB = NPAD // RB
BE = 4000
NEB = N_EDGES // BE


def _deg_body(s_ref, d_ref, os_ref, od_ref, as_sc, ad_sc):
    i = pl.program_id(0)

    @pl.when(i == 0)
    def _():
        as_sc[...] = jnp.zeros((128, 128), jnp.float32)
        ad_sc[...] = jnp.zeros((128, 128), jnp.float32)

    lane = lax.broadcasted_iota(jnp.int32, (1, 128), 1)

    def onehot_acc(ids, acc):
        hi = lax.shift_right_logical(ids, 7)
        lo = lax.bitwise_and(ids, 127)
        oh_hi = (hi == lane).astype(jnp.float32)
        oh_lo = (lo == lane).astype(jnp.float32)
        acc[...] += lax.dot_general(
            oh_hi, oh_lo, (((0,), (0,)), ((), ())),
            preferred_element_type=jnp.float32)

    onehot_acc(s_ref[...], as_sc)
    onehot_acc(d_ref[...], ad_sc)

    @pl.when(i == NEB - 1)
    def _():
        os_ref[...] = as_sc[...]
        od_ref[...] = ad_sc[...]


def _make_deg():
    return pl.pallas_call(
        _deg_body,
        grid=(NEB,),
        in_specs=[
            pl.BlockSpec((BE, 1), lambda i: (i, 0)),
            pl.BlockSpec((BE, 1), lambda i: (i, 0)),
        ],
        out_specs=[
            pl.BlockSpec((128, 128), lambda i: (0, 0)),
            pl.BlockSpec((128, 128), lambda i: (0, 0)),
        ],
        out_shape=[
            jax.ShapeDtypeStruct((128, 128), jnp.float32),
            jax.ShapeDtypeStruct((128, 128), jnp.float32),
        ],
        scratch_shapes=[
            pltpu.VMEM((128, 128), jnp.float32),
            pltpu.VMEM((128, 128), jnp.float32),
        ],
    )


def _norm(d_ref):
    return lax.rsqrt(jnp.maximum(d_ref[...], 1.0))


def _prep_body(x_ref, dsrc_ref, xn_ref):
    xn_ref[...] = x_ref[...] * _norm(dsrc_ref)


def _layer1_body(agg_ref, ddst_ref, dsrc_ref, w_ref, b_ref, ha_ref, hb_ref):
    agg = (agg_ref[0] + agg_ref[1]) * _norm(ddst_ref)
    h = jnp.maximum(jnp.dot(agg, w_ref[...],
                            preferred_element_type=jnp.float32) + b_ref[...], 0.0)
    hn = h * _norm(dsrc_ref)
    ha_ref[...] = hn[:, :FC]
    hb_ref[...] = hn[:, FC:]


def _layer2_pool_body(agga_ref, aggb_ref, ddst_ref, w_ref, b_ref, wg_ref,
                      bg_ref, wo_ref, bo_ref, out_ref, m_sc, s_sc, r_sc):
    i = pl.program_id(0)
    agg = jnp.concatenate([agga_ref[0] + agga_ref[1],
                           aggb_ref[0] + aggb_ref[1]], axis=1) * _norm(ddst_ref)
    h = jnp.maximum(jnp.dot(agg, w_ref[...],
                            preferred_element_type=jnp.float32) + b_ref[...], 0.0)
    g = jnp.sum(h * wg_ref[...], axis=1) + bg_ref[0, 0]
    rid = i * RB + lax.broadcasted_iota(jnp.int32, (RB,), 0)
    g = jnp.where(rid < N_NODES, g, -1e30)

    @pl.when(i == 0)
    def _():
        m_sc[0, 0] = -1e30
        s_sc[0, 0] = 0.0
        r_sc[...] = jnp.zeros((1, HID), jnp.float32)

    m_old = m_sc[0, 0]
    m_new = jnp.maximum(m_old, jnp.max(g))
    alpha = jnp.exp(m_old - m_new)
    e = jnp.exp(g - m_new)
    s_sc[0, 0] = s_sc[0, 0] * alpha + jnp.sum(e)
    r_sc[...] = r_sc[...] * alpha + jnp.dot(
        e[None, :], h, preferred_element_type=jnp.float32)
    m_sc[0, 0] = m_new

    @pl.when(i == NB - 1)
    def _():
        val = jnp.sum(r_sc[...] * wo_ref[...]) / s_sc[0, 0] + bo_ref[0, 0]
        out_ref[...] = jnp.broadcast_to(val, (1, 1))


def _full(shape):
    return pl.BlockSpec(shape, lambda i: tuple(0 for _ in shape))


def _make_prep():
    return pl.pallas_call(
        _prep_body,
        grid=(NB,),
        in_specs=[
            pl.BlockSpec((RB, IN_F), lambda i: (i, 0)),
            pl.BlockSpec((RB, 1), lambda i: (i, 0)),
        ],
        out_specs=pl.BlockSpec((RB, IN_F), lambda i: (i, 0)),
        out_shape=jax.ShapeDtypeStruct((NPAD, IN_F), jnp.float32),
    )


def _make_layer1():
    return pl.pallas_call(
        _layer1_body,
        grid=(NB,),
        in_specs=[
            pl.BlockSpec((NC, RB, FC), lambda i: (0, i, 0)),
            pl.BlockSpec((RB, 1), lambda i: (i, 0)),
            pl.BlockSpec((RB, 1), lambda i: (i, 0)),
            _full((IN_F, HID)),
            _full((1, HID)),
        ],
        out_specs=[
            pl.BlockSpec((RB, FC), lambda i: (i, 0)),
            pl.BlockSpec((RB, FC), lambda i: (i, 0)),
        ],
        out_shape=[
            jax.ShapeDtypeStruct((NPAD, FC), jnp.float32),
            jax.ShapeDtypeStruct((NPAD, FC), jnp.float32),
        ],
    )


def _make_layer2_pool():
    return pl.pallas_call(
        _layer2_pool_body,
        grid=(NB,),
        in_specs=[
            pl.BlockSpec((NC, RB, FC), lambda i: (0, i, 0)),
            pl.BlockSpec((NC, RB, FC), lambda i: (0, i, 0)),
            pl.BlockSpec((RB, 1), lambda i: (i, 0)),
            _full((HID, HID)),
            _full((1, HID)),
            _full((1, HID)),
            _full((1, 1)),
            _full((1, HID)),
            _full((1, 1)),
        ],
        out_specs=pl.BlockSpec((1, 1), lambda i: (0, 0)),
        out_shape=jax.ShapeDtypeStruct((1, 1), jnp.float32),
        scratch_shapes=[
            pltpu.SMEM((1, 1), jnp.float32),
            pltpu.SMEM((1, 1), jnp.float32),
            pltpu.VMEM((1, HID), jnp.float32),
        ],
    )



@jax.jit
def _run(x, src, dst, W1, b1, W2, b2, Wg, bg, Wo, bo):
    pad_e = EPAD - N_EDGES
    fill = jnp.full((pad_e,), N_NODES, jnp.int32)
    src_p = jnp.concatenate([src, fill]).reshape(TOTCH, 1, CHUNK)
    dst_p = jnp.concatenate([dst, fill]).reshape(TOTCH, 1, CHUNK)
    idx_p = jnp.concatenate([src_p, dst_p], axis=1)
    x_p = jnp.pad(x, ((0, NPAD - N_NODES), (0, 0)))

    ds_hl, dd_hl = _make_deg()(src.reshape(N_EDGES, 1), dst.reshape(N_EDGES, 1))
    dsrc = ds_hl.reshape(128 * 128)[:NPAD, None]
    ddst = dd_hl.reshape(128 * 128)[:NPAD, None]

    spmm = _make_spmm()
    xn = _make_prep()(x_p, dsrc)
    agg1 = spmm(xn, idx_p)
    h1a, h1b = _make_layer1()(agg1, ddst, dsrc, W1, b1.reshape(1, HID))
    agg2a = spmm(h1a, idx_p)
    h1b_seq, agg2a = lax.optimization_barrier((h1b, agg2a))
    agg2b = spmm(h1b_seq, idx_p)
    out = _make_layer2_pool()(
        agg2a, agg2b, ddst, W2, b2.reshape(1, HID),
        Wg.reshape(1, HID), bg.reshape(1, 1),
        Wo.reshape(1, HID), bo.reshape(1, 1))
    return out


def kernel(x, edge_index, W1, b1, W2, b2, Wg, bg, Wo, bo):
    ei = edge_index.astype(jnp.int32)
    return _run(x, ei[0], ei[1], W1, b1, W2, b2, Wg, bg, Wo, bo)

# --- scband reference (transcript-rebuilt; emitter-appended) ---
"""Pipeline reference for scband-gcn-78116865179954 (READ-ONLY COPY).

The authoritative reference and input builder live on the scoring server;
editing this copy changes nothing except your own understanding.
"""

import jax, jax.numpy as jnp
import numpy as np

N_NODES = 10000
N_EDGES = 320000
IN_FEATS = 128
H_FEATS = 256
NUM_CLASSES = 1


def setup_inputs(seed: int = 0) -> dict:
    key = jax.random.key(seed)
    ks = jax.random.split(key, 10)
    x = jax.random.normal(ks[0], (N_NODES, IN_FEATS), dtype=jnp.float32)
    edge_index = jax.random.randint(ks[1], (2, N_EDGES), 0, N_NODES, dtype=jnp.int64)
    W1 = jax.random.normal(ks[2], (IN_FEATS, H_FEATS), dtype=jnp.float32) / np.sqrt(IN_FEATS)
    b1 = jnp.zeros((H_FEATS,), dtype=jnp.float32)
    W2 = jax.random.normal(ks[3], (H_FEATS, H_FEATS), dtype=jnp.float32) / np.sqrt(H_FEATS)
    b2 = jnp.zeros((H_FEATS,), dtype=jnp.float32)
    Wg = jax.random.normal(ks[4], (H_FEATS, NUM_CLASSES), dtype=jnp.float32) / np.sqrt(H_FEATS)
    bg = jnp.zeros((NUM_CLASSES,), dtype=jnp.float32)
    Wo = jax.random.normal(ks[5], (H_FEATS, NUM_CLASSES), dtype=jnp.float32) / np.sqrt(H_FEATS)
    bo = jnp.zeros((NUM_CLASSES,), dtype=jnp.float32)
    return {"x": x, "edge_index": edge_index, "W1": W1, "b1": b1, "W2": W2, "b2": b2, "Wg": Wg, "bg": bg, "Wo": Wo, "bo": bo}


def reference(x, edge_index, W1, b1, W2, b2, Wg, bg, Wo, bo):
    N = x.shape[0]
    src = edge_index[0]
    dst = edge_index[1]
    ones = jnp.ones((src.shape[0],), dtype=jnp.float32)
    out_deg = jax.ops.segment_sum(ones, src, num_segments=N)
    in_deg = jax.ops.segment_sum(ones, dst, num_segments=N)
    norm_src = jax.lax.rsqrt(jnp.maximum(out_deg, 1.0))
    norm_dst = jax.lax.rsqrt(jnp.maximum(in_deg, 1.0))

    def graph_conv(h, W, b):
        # DGL GraphConv norm='both': symmetric normalization; since in_feats <= out_feats,
        # aggregate first then apply the weight.
        h = h * norm_src[:, None]
        msgs = h[src]
        agg = jax.ops.segment_sum(msgs, dst, num_segments=N)
        agg = agg * norm_dst[:, None]
        return agg @ W + b

    h = jax.nn.relu(graph_conv(x, W1, b1))
    h = jax.nn.relu(graph_conv(h, W2, b2))
    # GlobalAttentionPooling over a single graph: softmax over all nodes
    gate = h @ Wg + bg              # [N, 1]
    gate = jax.nn.softmax(gate, axis=0)
    readout = jnp.sum(gate * h, axis=0, keepdims=True)  # [1, H]
    out = readout @ Wo + bo         # [1, num_classes]
    return out

if __name__ == "__main__":
    import jax
    _d = setup_inputs()
    print(jax.jit(kernel)(*tuple(_d.values())))

</pallas_src>

<mosaic_0001>
#map = affine_map<(d0, d1) -> (0, 0)>
#map1 = affine_map<(d0, d1) -> (0, 0, 0)>
module attributes {stable_mosaic.version = 14 : i64} {
  func.func @_spmm_body(%arg0: i32, %arg1: i32, %arg2: memref<10240x128xf32, #tpu.memory_space<hbm>>, %arg3: memref<2560x2x128xi32, #tpu.memory_space<hbm>>, %arg4: memref<2x10240x128xf32, #tpu.memory_space<hbm>>, %arg5: memref<2x2x128xi32, #tpu.memory_space<vmem>>, %arg6: memref<2x128x128xf32, #tpu.memory_space<vmem>>, %arg7: memref<10240x128xf32, #tpu.memory_space<vmem_shared>>, %arg8: memref<!tpu.dma_semaphore, #tpu.memory_space<semaphore_mem>>, %arg9: memref<!tpu.dma_semaphore, #tpu.memory_space<semaphore_mem>>, %arg10: memref<!tpu.dma_semaphore, #tpu.memory_space<semaphore_mem>>, %arg11: memref<!tpu.dma_semaphore, #tpu.memory_space<semaphore_mem>>) attributes {dimension_semantics = [#tpu.dimension_semantics<core_parallel>, #tpu.dimension_semantics<subcore_parallel>], iteration_bounds = array<i64: 2, 16>, scalar_prefetch = 0 : i64, scratch_operands = 7 : i64, tpu.core_type = #tpu.core_type<sc_vector_subcore>, window_params = [{transform_indices = #map}, {transform_indices = #map1}, {transform_indices = #map1}]} {
    %eq3A = arith.constant 1 : i32
    %eq3A_0 = arith.cmpi eq, %arg0, %eq3A : i32
    %jit3A = arith.constant 80 : i32
    %jit3A_1 = arith.constant 80 : i32
    %select_n3A = arith.select %eq3A_0, %jit3A, %jit3A_1 : i32
    %eq3A_2 = arith.constant 1 : i32
    %eq3A_3 = arith.cmpi eq, %arg0, %eq3A_2 : i32
    %mul3A = arith.constant 80 : i32
    %mul3A_4 = arith.muli %arg1, %mul3A : i32
    %mul3A_5 = arith.constant 80 : i32
    %mul3A_6 = arith.muli %arg1, %mul3A_5 : i32
    %add3A = arith.constant 1280 : i32
    %add3A_7 = arith.addi %add3A, %mul3A_6 : i32
    %select_n3A_8 = arith.select %eq3A_3, %mul3A_4, %add3A_7 : i32
    %scan3A = arith.constant 0 : i32
    %scan3A_9 = arith.constant 0 : i32
    %scan3A_10 = arith.constant 128 : i32
    %scan3A_11 = arith.addi %scan3A_9, %scan3A_10 : i32
    %scan3A_12 = arith.constant 1 : i32
    scf.for %scan3A_213 = %scan3A_9 to %scan3A_11 step %scan3A_12  : i32 {
      %scan3A_214 = arith.constant 0 : i32
      %scan3A_215 = arith.constant 0 : i32
      %scan3A_216 = arith.constant 8 : i32
      %scan3A_217 = arith.addi %scan3A_215, %scan3A_216 : i32
      %scan3A_218 = arith.constant 1 : i32
      scf.for %scan3A_220 = %scan3A_215 to %scan3A_217 step %scan3A_218  : i32 {
        %broadcast_in_dim3A = arith.constant 0.000000e+00 : f32
        %broadcast_in_dim3A_221 = vector.broadcast %broadcast_in_dim3A : f32 to vector<16xf32>
        %mul3A_222 = arith.constant 16 : i32
        %mul3A_223 = arith.muli %scan3A_220, %mul3A_222 : i32
        %swap3A = arith.constant 0 : i32
        %swap3A_224 = arith.index_cast %swap3A : i32 to index
        %swap3A_225 = arith.index_cast %scan3A_213 : i32 to index
        %swap3A_226 = arith.index_cast %mul3A_223 : i32 to index
        %swap3A_227 = tpu.vector_load %arg6[%swap3A_224, %swap3A_225, %swap3A_226] {strides = array<i32>} : memref<2x128x128xf32, #tpu.memory_space<vmem>>, vector<1x1x16xf32>,
        %swap3A_228 = vector.shape_cast %swap3A_227 : vector<1x1x16xf32> to vector<16xf32>
        %swap3A_229 = vector.shape_cast %broadcast_in_dim3A_221 : vector<16xf32> to vector<1x1x16xf32>
        tpu.vector_store %arg6[%swap3A_224, %swap3A_225, %swap3A_226], %swap3A_229 {strides = array<i32>} : memref<2x128x128xf32, #tpu.memory_space<vmem>>, vector<1x1x16xf32>,
      }
      %scan3A_219 = arith.constant 8 : i32
    }
    %scan3A_13 = arith.constant 128 : i32
    %mul3A_14 = arith.constant 640 : i32
    %mul3A_15 = arith.muli %arg1, %mul3A_14 : i32
    %add3A_16 = arith.constant 0 : i32
    %add3A_17 = arith.addi %mul3A_15, %add3A_16 : i32
    %add3A_18 = arith.constant 128 : i32
    %add3A_19 = arith.addi %mul3A_15, %add3A_18 : i32
    %add3A_20 = arith.constant 256 : i32
    %add3A_21 = arith.addi %mul3A_15, %add3A_20 : i32
    %add3A_22 = arith.constant 384 : i32
    %add3A_23 = arith.addi %mul3A_15, %add3A_22 : i32
    %add3A_24 = arith.constant 512 : i32
    %add3A_25 = arith.addi %mul3A_15, %add3A_24 : i32
    %dma_start3A = arith.constant 0 : i32
    %dma_start3A_26 = arith.constant 0 : i32
    %dma_start3A_27 = arith.constant 0 : i32
    %dma_start3A_28 = tpu.memref_slice %arg6[%dma_start3A, %dma_start3A_26, %dma_start3A_27] : memref<2x128x128xf32, #tpu.memory_space<vmem>> -> memref<1x128x128xf32, #tpu.memory_space<vmem>>
    %dma_start3A_29 = tpu.memref_squeeze %dma_start3A_28 : memref<1x128x128xf32, #tpu.memory_space<vmem>> -> memref<128x128xf32, #tpu.memory_space<vmem>>
    %dma_start3A_30 = arith.constant 0 : i32
    %dma_start3A_31 = tpu.memref_slice %arg7[%add3A_17, %dma_start3A_30] : memref<10240x128xf32, #tpu.memory_space<vmem_shared>> -> memref<128x128xf32, #tpu.memory_space<vmem_shared>>
    %dma_start3A_32 = arith.constant 0 : i32
    %dma_start3A_33 = tpu.memref_slice %arg7[%add3A_17, %dma_start3A_32] : memref<10240x128xf32, #tpu.memory_space<vmem_shared>> -> memref<128x128xf32, #tpu.memory_space<vmem_shared>>
    %dma_start3A_34 = arith.constant 0 : i32
    %dma_start3A_35 = arith.constant 0 : i32
    %dma_start3A_36 = tpu.memref_slice %arg6[%dma_start3A, %dma_start3A_34, %dma_start3A_35] : memref<2x128x128xf32, #tpu.memory_space<vmem>> -> memref<1x128x128xf32, #tpu.memory_space<vmem>>
    %dma_start3A_37 = tpu.memref_squeeze %dma_start3A_36 : memref<1x128x128xf32, #tpu.memory_space<vmem>> -> memref<128x128xf32, #tpu.memory_space<vmem>>
    tpu.enqueue_dma source(%dma_start3A_37 : memref<128x128xf32, #tpu.memory_space<vmem>>) target(%dma_start3A_33 : memref<128x128xf32, #tpu.memory_space<vmem_shared>>) target_semaphore(%arg10 : memref<!tpu.dma_semaphore, #tpu.memory_space<semaphore_mem>>)
    %dma_start3A_38 = arith.constant 0 : i32
    %dma_start3A_39 = arith.constant 0 : i32
    %dma_start3A_40 = arith.constant 0 : i32
    %dma_start3A_41 = tpu.memref_slice %arg6[%dma_start3A_38, %dma_start3A_39, %dma_start3A_40] : memref<2x128x128xf32, #tpu.memory_space<vmem>> -> memref<1x128x128xf32, #tpu.memory_space<vmem>>
    %dma_start3A_42 = tpu.memref_squeeze %dma_start3A_41 : memref<1x128x128xf32, #tpu.memory_space<vmem>> -> memref<128x128xf32, #tpu.memory_space<vmem>>
    %dma_start3A_43 = arith.constant 0 : i32
    %dma_start3A_44 = tpu.memref_slice %arg7[%add3A_19, %dma_start3A_43] : memref<10240x128xf32, #tpu.memory_space<vmem_shared>> -> memref<128x128xf32, #tpu.memory_space<vmem_shared>>
    %dma_start3A_45 = arith.constant 0 : i32
    %dma_start3A_46 = tpu.memref_slice %arg7[%add3A_19, %dma_start3A_45] : memref<10240x128xf32, #tpu.memory_space<vmem_shared>> -> memref<128x128xf32, #tpu.memory_space<vmem_shared>>
    %dma_start3A_47 = arith.constant 0 : i32
    %dma_start3A_48 = arith.constant 0 : i32
    %dma_start3A_49 = tpu.memref_slice %arg6[%dma_start3A_38, %dma_start3A_47, %dma_start3A_48] : memref<2x128x128xf32, #tpu.memory_space<vmem>> -> memref<1x128x128xf32, #tpu.memory_space<vmem>>
    %dma_start3A_50 = tpu.memref_squeeze %dma_start3A_49 : memref<1x128x128xf32, #tpu.memory_space<vmem>> -> memref<128x128xf32, #tpu.memory_space<vmem>>
    tpu.enqueue_dma source(%dma_start3A_50 : memref<128x128xf32, #tpu.memory_space<vmem>>) target(%dma_start3A_46 : memref<128x128xf32, #tpu.memory_space<vmem_shared>>) target_semaphore(%arg10 : memref<!tpu.dma_semaphore, #tpu.memory_space<semaphore_mem>>)
    %dma_start3A_51 = arith.constant 0 : i32
    %dma_start3A_52 = arith.constant 0 : i32
    %dma_start3A_53 = arith.constant 0 : i32
    %dma_start3A_54 = tpu.memref_slice %arg6[%dma_start3A_51, %dma_start3A_52, %dma_start3A_53] : memref<2x128x128xf32, #tpu.memory_space<vmem>> -> memref<1x128x128xf32, #tpu.memory_space<vmem>>
    %dma_start3A_55 = tpu.memref_squeeze %dma_start3A_54 : memref<1x128x128xf32, #tpu.memory_space<vmem>> -> memref<128x128xf32, #tpu.memory_space<vmem>>
    %dma_start3A_56 = arith.constant 0 : i32
    %dma_start3A_57 = tpu.memref_slice %arg7[%add3A_21, %dma_start3A_56] : memref<10240x128xf32, #tpu.memory_space<vmem_shared>> -> memref<128x128xf32, #tpu.memory_space<vmem_shared>>
    %dma_start3A_58 = arith.constant 0 : i32
    %dma_start3A_59 = tpu.memref_slice %arg7[%add3A_21, %dma_start3A_58] : memref<10240x128xf32, #tpu.memory_space<vmem_shared>> -> memref<128x128xf32, #tpu.memory_space<vmem_shared>>
    %dma_start3A_60 = arith.constant 0 : i32
    %dma_start3A_61 = arith.constant 0 : i32
    %dma_start3A_62 = tpu.memref_slice %arg6[%dma_start3A_51, %dma_start3A_60, %dma_start3A_61] : memref<2x128x128xf32, #tpu.memory_space<vmem>> -> memref<1x128x128xf32, #tpu.memory_space<vmem>>
    %dma_start3A_63 = tpu.memref_squeeze %dma_start3A_62 : memref<1x128x128xf32, #tpu.memory_space<vmem>> -> memref<128x128xf32, #tpu.memory_space<vmem>>
    tpu.enqueue_dma source(%dma_start3A_63 : memref<128x128xf32, #tpu.memory_space<vmem>>) target(%dma_start3A_59 : memref<128x128xf32, #tpu.memory_space<vmem_shared>>) target_semaphore(%arg10 : memref<!tpu.dma_semaphore, #tpu.memory_space<semaphore_mem>>)
    %dma_start3A_64 = arith.constant 0 : i32
    %dma_start3A_65 = arith.constant 0 : i32
    %dma_start3A_66 = arith.constant 0 : i32
    %dma_start3A_67 = tpu.memref_slice %arg6[%dma_start3A_64, %dma_start3A_65, %dma_start3A_66] : memref<2x128x128xf32, #tpu.memory_space<vmem>> -> memref<1x128x128xf32, #tpu.memory_space<vmem>>
    %dma_start3A_68 = tpu.memref_squeeze %dma_start3A_67 : memref<1x128x128xf32, #tpu.memory_space<vmem>> -> memref<128x128xf32, #tpu.memory_space<vmem>>
    %dma_start3A_69 = arith.constant 0 : i32
    %dma_start3A_70 = tpu.memref_slice %arg7[%add3A_23, %dma_start3A_69] : memref<10240x128xf32, #tpu.memory_space<vmem_shared>> -> memref<128x128xf32, #tpu.memory_space<vmem_shared>>
    %dma_start3A_71 = arith.constant 0 : i32
    %dma_start3A_72 = tpu.memref_slice %arg7[%add3A_23, %dma_start3A_71] : memref<10240x128xf32, #tpu.memory_space<vmem_shared>> -> memref<128x128xf32, #tpu.memory_space<vmem_shared>>
    %dma_start3A_73 = arith.constant 0 : i32
    %dma_start3A_74 = arith.constant 0 : i32
    %dma_start3A_75 = tpu.memref_slice %arg6[%dma_start3A_64, %dma_start3A_73, %dma_start3A_74] : memref<2x128x128xf32, #tpu.memory_space<vmem>> -> memref<1x128x128xf32, #tpu.memory_space<vmem>>
    %dma_start3A_76 = tpu.memref_squeeze %dma_start3A_75 : memref<1x128x128xf32, #tpu.memory_space<vmem>> -> memref<128x128xf32, #tpu.memory_space<vmem>>
    tpu.enqueue_dma source(%dma_start3A_76 : memref<128x128xf32, #tpu.memory_space<vmem>>) target(%dma_start3A_72 : memref<128x128xf32, #tpu.memory_space<vmem_shared>>) target_semaphore(%arg10 : memref<!tpu.dma_semaphore, #tpu.memory_space<semaphore_mem>>)
    %dma_start3A_77 = arith.constant 0 : i32
    %dma_start3A_78 = arith.constant 0 : i32
    %dma_start3A_79 = arith.constant 0 : i32
    %dma_start3A_80 = tpu.memref_slice %arg6[%dma_start3A_77, %dma_start3A_78, %dma_start3A_79] : memref<2x128x128xf32, #tpu.memory_space<vmem>> -> memref<1x128x128xf32, #tpu.memory_space<vmem>>
    %dma_start3A_81 = tpu.memref_squeeze %dma_start3A_80 : memref<1x128x128xf32, #tpu.memory_space<vmem>> -> memref<128x128xf32, #tpu.memory_space<vmem>>
    %dma_start3A_82 = arith.constant 0 : i32
    %dma_start3A_83 = tpu.memref_slice %arg7[%add3A_25, %dma_start3A_82] : memref<10240x128xf32, #tpu.memory_space<vmem_shared>> -> memref<128x128xf32, #tpu.memory_space<vmem_shared>>
    %dma_start3A_84 = arith.constant 0 : i32
    %dma_start3A_85 = tpu.memref_slice %arg7[%add3A_25, %dma_start3A_84] : memref<10240x128xf32, #tpu.memory_space<vmem_shared>> -> memref<128x128xf32, #tpu.memory_space<vmem_shared>>
    %dma_start3A_86 = arith.constant 0 : i32
    %dma_start3A_87 = arith.constant 0 : i32
    %dma_start3A_88 = tpu.memref_slice %arg6[%dma_start3A_77, %dma_start3A_86, %dma_start3A_87] : memref<2x128x128xf32, #tpu.memory_space<vmem>> -> memref<1x128x128xf32, #tpu.memory_space<vmem>>
    %dma_start3A_89 = tpu.memref_squeeze %dma_start3A_88 : memref<1x128x128xf32, #tpu.memory_space<vmem>> -> memref<128x128xf32, #tpu.memory_space<vmem>>
    tpu.enqueue_dma source(%dma_start3A_89 : memref<128x128xf32, #tpu.memory_space<vmem>>) target(%dma_start3A_85 : memref<128x128xf32, #tpu.memory_space<vmem_shared>>) target_semaphore(%arg10 : memref<!tpu.dma_semaphore, #tpu.memory_space<semaphore_mem>>)
    %dma_wait3A = arith.constant 0 : i32
    %dma_wait3A_90 = arith.constant 0 : i32
    %dma_wait3A_91 = arith.constant 0 : i32
    %dma_wait3A_92 = tpu.memref_slice %arg6[%dma_wait3A, %dma_wait3A_90, %dma_wait3A_91] : memref<2x128x128xf32, #tpu.memory_space<vmem>> -> memref<1x128x128xf32, #tpu.memory_space<vmem>>
    %dma_wait3A_93 = tpu.memref_squeeze %dma_wait3A_92 : memref<1x128x128xf32, #tpu.memory_space<vmem>> -> memref<128x128xf32, #tpu.memory_space<vmem>>
    %dma_wait3A_94 = arith.constant 0 : i32
    %dma_wait3A_95 = tpu.memref_slice %arg7[%add3A_17, %dma_wait3A_94] : memref<10240x128xf32, #tpu.memory_space<vmem_shared>> -> memref<128x128xf32, #tpu.memory_space<vmem_shared>>
    %dma_wait3A_96 = arith.constant 0 : i32
    %dma_wait3A_97 = tpu.memref_slice %arg7[%add3A_17, %dma_wait3A_96] : memref<10240x128xf32, #tpu.memory_space<vmem_shared>> -> memref<128x128xf32, #tpu.memory_space<vmem_shared>>
    %dma_wait3A_98 = arith.constant 0 : i32
    %dma_wait3A_99 = arith.constant 0 : i32
    %dma_wait3A_100 = tpu.memref_slice %arg6[%dma_wait3A, %dma_wait3A_98, %dma_wait3A_99] : memref<2x128x128xf32, #tpu.memory_space<vmem>> -> memref<1x128x128xf32, #tpu.memory_space<vmem>>
    %dma_wait3A_101 = tpu.memref_squeeze %dma_wait3A_100 : memref<1x128x128xf32, #tpu.memory_space<vmem>> -> memref<128x128xf32, #tpu.memory_space<vmem>>
    tpu.wait_dma2 semaphore(%arg10 : memref<!tpu.dma_semaphore, #tpu.memory_space<semaphore_mem>>) src(%dma_wait3A_101 : memref<128x128xf32, #tpu.memory_space<vmem>>) dst(%dma_wait3A_97 : memref<128x128xf32, #tpu.memory_space<vmem_shared>>)
    %dma_wait3A_102 = arith.constant 0 : i32
    %dma_wait3A_103 = arith.constant 0 : i32
    %dma_wait3A_104 = arith.constant 0 : i32
    %dma_wait3A_105 = tpu.memref_slice %arg6[%dma_wait3A_102, %dma_wait3A_103, %dma_wait3A_104] : memref<2x128x128xf32, #tpu.memory_space<vmem>> -> memref<1x128x128xf32, #tpu.memory_space<vmem>>
    %dma_wait3A_106 = tpu.memref_squeeze %dma_wait3A_105 : memref<1x128x128xf32, #tpu.memory_space<vmem>> -> memref<128x128xf32, #tpu.memory_space<vmem>>
    %dma_wait3A_107 = arith.constant 0 : i32
    %dma_wait3A_108 = tpu.memref_slice %arg7[%add3A_19, %dma_wait3A_107] : memref<10240x128xf32, #tpu.memory_space<vmem_shared>> -> memref<128x128xf32, #tpu.memory_space<vmem_shared>>
    %dma_wait3A_109 = arith.constant 0 : i32
    %dma_wait3A_110 = tpu.memref_slice %arg7[%add3A_19, %dma_wait3A_109] : memref<10240x128xf32, #tpu.memory_space<vmem_shared>> -> memref<128x128xf32, #tpu.memory_space<vmem_shared>>
    %dma_wait3A_111 = arith.constant 0 : i32
    %dma_wait3A_112 = arith.constant 0 : i32
    %dma_wait3A_113 = tpu.memref_slice %arg6[%dma_wait3A_102, %dma_wait3A_111, %dma_wait3A_112] : memref<2x128x128xf32, #tpu.memory_space<vmem>> -> memref<1x128x128xf32, #tpu.memory_space<vmem>>
    %dma_wait3A_114 = tpu.memref_squeeze %dma_wait3A_113 : memref<1x128x128xf32, #tpu.memory_space<vmem>> -> memref<128x128xf32, #tpu.memory_space<vmem>>
    tpu.wait_dma2 semaphore(%arg10 : memref<!tpu.dma_semaphore, #tpu.memory_space<semaphore_mem>>) src(%dma_wait3A_114 : memref<128x128xf32, #tpu.memory_space<vmem>>) dst(%dma_wait3A_110 : memref<128x128xf32, #tpu.memory_space<vmem_shared>>)
    %dma_wait3A_115 = arith.constant 0 : i32
    %dma_wait3A_116 = arith.constant 0 : i32
    %dma_wait3A_117 = arith.constant 0 : i32
    %dma_wait3A_118 = tpu.memref_slice %arg6[%dma_wait3A_115, %dma_wait3A_116, %dma_wait3A_117] : memref<2x128x128xf32, #tpu.memory_space<vmem>> -> memref<1x128x128xf32, #tpu.memory_space<vmem>>
    %dma_wait3A_119 = tpu.memref_squeeze %dma_wait3A_118 : memref<1x128x128xf32, #tpu.memory_space<vmem>> -> memref<128x128xf32, #tpu.memory_space<vmem>>
    %dma_wait3A_120 = arith.constant 0 : i32
    %dma_wait3A_121 = tpu.memref_slice %arg7[%add3A_21, %dma_wait3A_120] : memref<10240x128xf32, #tpu.memory_space<vmem_shared>> -> memref<128x128xf32, #tpu.memory_space<vmem_shared>>
    %dma_wait3A_122 = arith.constant 0 : i32
    %dma_wait3A_123 = tpu.memref_slice %arg7[%add3A_21, %dma_wait3A_122] : memref<10240x128xf32, #tpu.memory_space<vmem_shared>> -> memref<128x128xf32, #tpu.memory_space<vmem_shared>>
    %dma_wait3A_124 = arith.constant 0 : i32
    %dma_wait3A_125 = arith.constant 0 : i32
    %dma_wait3A_126 = tpu.memref_slice %arg6[%dma_wait3A_115, %dma_wait3A_124, %dma_wait3A_125] : memref<2x128x128xf32, #tpu.memory_space<vmem>> -> memref<1x128x128xf32, #tpu.memory_space<vmem>>
    %dma_wait3A_127 = tpu.memref_squeeze %dma_wait3A_126 : memref<1x128x128xf32, #tpu.memory_space<vmem>> -> memref<128x128xf32, #tpu.memory_space<vmem>>
    tpu.wait_dma2 semaphore(%arg10 : memref<!tpu.dma_semaphore, #tpu.memory_space<semaphore_mem>>) src(%dma_wait3A_127 : memref<128x128xf32, #tpu.memory_space<vmem>>) dst(%dma_wait3A_123 : memref<128x128xf32, #tpu.memory_space<vmem_shared>>)
    %dma_wait3A_128 = arith.constant 0 : i32
    %dma_wait3A_129 = arith.constant 0 : i32
    %dma_wait3A_130 = arith.constant 0 : i32
    %dma_wait3A_131 = tpu.memref_slice %arg6[%dma_wait3A_128, %dma_wait3A_129, %dma_wait3A_130] : memref<2x128x128xf32, #tpu.memory_space<vmem>> -> memref<1x128x128xf32, #tpu.memory_space<vmem>>
    %dma_wait3A_132 = tpu.memref_squeeze %dma_wait3A_131 : memref<1x128x128xf32, #tpu.memory_space<vmem>> -> memref<128x128xf32, #tpu.memory_space<vmem>>
    %dma_wait3A_133 = arith.constant 0 : i32
    %dma_wait3A_134 = tpu.memref_slice %arg7[%add3A_23, %dma_wait3A_133] : memref<10240x128xf32, #tpu.memory_space<vmem_shared>> -> memref<128x128xf32, #tpu.memory_space<vmem_shared>>
    %dma_wait3A_135 = arith.constant 0 : i32
    %dma_wait3A_136 = tpu.memref_slice %arg7[%add3A_23, %dma_wait3A_135] : memref<10240x128xf32, #tpu.memory_space<vmem_shared>> -> memref<128x128xf32, #tpu.memory_space<vmem_shared>>
    %dma_wait3A_137 = arith.constant 0 : i32
    %dma_wait3A_138 = arith.constant 0 : i32
    %dma_wait3A_139 = tpu.memref_slice %arg6[%dma_wait3A_128, %dma_wait3A_137, %dma_wait3A_138] : memref<2x128x128xf32, #tpu.memory_space<vmem>> -> memref<1x128x128xf32, #tpu.memory_space<vmem>>
    %dma_wait3A_140 = tpu.memref_squeeze %dma_wait3A_139 : memref<1x128x128xf32, #tpu.memory_space<vmem>> -> memref<128x128xf32, #tpu.memory_space<vmem>>
    tpu.wait_dma2 semaphore(%arg10 : memref<!tpu.dma_semaphore, #tpu.memory_space<semaphore_mem>>) src(%dma_wait3A_140 : memref<128x128xf32, #tpu.memory_space<vmem>>) dst(%dma_wait3A_136 : memref<128x128xf32, #tpu.memory_space<vmem_shared>>)
    %dma_wait3A_141 = arith.constant 0 : i32
    %dma_wait3A_142 = arith.constant 0 : i32
    %dma_wait3A_143 = arith.constant 0 : i32
    %dma_wait3A_144 = tpu.memref_slice %arg6[%dma_wait3A_141, %dma_wait3A_142, %dma_wait3A_143] : memref<2x128x128xf32, #tpu.memory_space<vmem>> -> memref<1x128x128xf32, #tpu.memory_space<vmem>>
    %dma_wait3A_145 = tpu.memref_squeeze %dma_wait3A_144 : memref<1x128x128xf32, #tpu.memory_space<vmem>> -> memref<128x128xf32, #tpu.memory_space<vmem>>
    %dma_wait3A_146 = arith.constant 0 : i32
    %dma_wait3A_147 = tpu.memref_slice %arg7[%add3A_25, %dma_wait3A_146] : memref<10240x128xf32, #tpu.memory_space<vmem_shared>> -> memref<128x128xf32, #tpu.memory_space<vmem_shared>>
    %dma_wait3A_148 = arith.constant 0 : i32
    %dma_wait3A_149 = tpu.memref_slice %arg7[%add3A_25, %dma_wait3A_148] : memref<10240x128xf32, #tpu.memory_space<vmem_shared>> -> memref<128x128xf32, #tpu.memory_space<vmem_shared>>
    %dma_wait3A_150 = arith.constant 0 : i32
    %dma_wait3A_151 = arith.constant 0 : i32
    %dma_wait3A_152 = tpu.memref_slice %arg6[%dma_wait3A_141, %dma_wait3A_150, %dma_wait3A_151] : memref<2x128x128xf32, #tpu.memory_space<vmem>> -> memref<1x128x128xf32, #tpu.memory_space<vmem>>
    %dma_wait3A_153 = tpu.memref_squeeze %dma_wait3A_152 : memref<1x128x128xf32, #tpu.memory_space<vmem>> -> memref<128x128xf32, #tpu.memory_space<vmem>>
    tpu.wait_dma2 semaphore(%arg10 : memref<!tpu.dma_semaphore, #tpu.memory_space<semaphore_mem>>) src(%dma_wait3A_153 : memref<128x128xf32, #tpu.memory_space<vmem>>) dst(%dma_wait3A_149 : memref<128x128xf32, #tpu.memory_space<vmem_shared>>)
    %barrier3A = arith.constant 0 : index
    tpu.barrier barrier_id(%barrier3A)
    %add3A_154 = arith.constant 0 : i32
    %add3A_155 = arith.addi %select_n3A_8, %add3A_154 : i32
    %run_scoped3A = arith.constant 0 : i32
    "tpu.region"() ({
      %run_scoped3A_213 = tpu.sem_alloc : memref<!tpu.dma_semaphore, #tpu.memory_space<semaphore_mem>>
      %dma_start3A_214 = arith.constant 0 : i32
      %dma_start3A_215 = arith.constant 0 : i32
      %dma_start3A_216 = tpu.memref_slice %arg5[%run_scoped3A, %dma_start3A_214, %dma_start3A_215] : memref<2x2x128xi32, #tpu.memory_space<vmem>> -> memref<1x2x128xi32, #tpu.memory_space<vmem>>
      %dma_start3A_217 = tpu.memref_squeeze %dma_start3A_216 : memref<1x2x128xi32, #tpu.memory_space<vmem>> -> memref<2x128xi32, #tpu.memory_space<vmem>>
      %dma_start3A_218 = arith.constant 0 : i32
      %dma_start3A_219 = arith.constant 0 : i32
      %dma_start3A_220 = tpu.memref_slice %arg3[%add3A_155, %dma_start3A_218, %dma_start3A_219] : memref<2560x2x128xi32, #tpu.memory_space<hbm>> -> memref<1x2x128xi32, #tpu.memory_space<hbm>>
      %dma_start3A_221 = tpu.memref_squeeze %dma_start3A_220 : memref<1x2x128xi32, #tpu.memory_space<hbm>> -> memref<2x128xi32, #tpu.memory_space<hbm>>
      %dma_start3A_222 = arith.constant 0 : i32
      %dma_start3A_223 = arith.constant 0 : i32
      %dma_start3A_224 = tpu.memref_slice %arg5[%run_scoped3A, %dma_start3A_222, %dma_start3A_223] : memref<2x2x128xi32, #tpu.memory_space<vmem>> -> memref<1x2x128xi32, #tpu.memory_space<vmem>>
      %dma_start3A_225 = tpu.memref_squeeze %dma_start3A_224 : memref<1x2x128xi32, #tpu.memory_space<vmem>> -> memref<2x128xi32, #tpu.memory_space<vmem>>
      %dma_start3A_226 = arith.constant 0 : i32
      %dma_start3A_227 = arith.constant 0 : i32
      %dma_start3A_228 = tpu.memref_slice %arg3[%add3A_155, %dma_start3A_226, %dma_start3A_227] : memref<2560x2x128xi32, #tpu.memory_space<hbm>> -> memref<1x2x128xi32, #tpu.memory_space<hbm>>
      %dma_start3A_229 = tpu.memref_squeeze %dma_start3A_228 : memref<1x2x128xi32, #tpu.memory_space<hbm>> -> memref<2x128xi32, #tpu.memory_space<hbm>>
      tpu.enqueue_dma source(%dma_start3A_229 : memref<2x128xi32, #tpu.memory_space<hbm>>) target(%dma_start3A_225 : memref<2x128xi32, #tpu.memory_space<vmem>>) target_semaphore(%run_scoped3A_213 : memref<!tpu.dma_semaphore, #tpu.memory_space<semaphore_mem>>)
      %dma_wait3A_230 = arith.constant 0 : i32
      %dma_wait3A_231 = arith.constant 0 : i32
      %dma_wait3A_232 = tpu.memref_slice %arg5[%run_scoped3A, %dma_wait3A_230, %dma_wait3A_231] : memref<2x2x128xi32, #tpu.memory_space<vmem>> -> memref<1x2x128xi32, #tpu.memory_space<vmem>>
      %dma_wait3A_233 = tpu.memref_squeeze %dma_wait3A_232 : memref<1x2x128xi32, #tpu.memory_space<vmem>> -> memref<2x128xi32, #tpu.memory_space<vmem>>
      %dma_wait3A_234 = arith.constant 0 : i32
      %dma_wait3A_235 = arith.constant 0 : i32
      %dma_wait3A_236 = tpu.memref_slice %arg3[%add3A_155, %dma_wait3A_234, %dma_wait3A_235] : memref<2560x2x128xi32, #tpu.memory_space<hbm>> -> memref<1x2x128xi32, #tpu.memory_space<hbm>>
      %dma_wait3A_237 = tpu.memref_squeeze %dma_wait3A_236 : memref<1x2x128xi32, #tpu.memory_space<hbm>> -> memref<2x128xi32, #tpu.memory_space<hbm>>
      %dma_wait3A_238 = arith.constant 0 : i32
      %dma_wait3A_239 = arith.constant 0 : i32
      %dma_wait3A_240 = tpu.memref_slice %arg5[%run_scoped3A, %dma_wait3A_238, %dma_wait3A_239] : memref<2x2x128xi32, #tpu.memory_space<vmem>> -> memref<1x2x128xi32, #tpu.memory_space<vmem>>
      %dma_wait3A_241 = tpu.memref_squeeze %dma_wait3A_240 : memref<1x2x128xi32, #tpu.memory_space<vmem>> -> memref<2x128xi32, #tpu.memory_space<vmem>>
      %dma_wait3A_242 = arith.constant 0 : i32
      %dma_wait3A_243 = arith.constant 0 : i32
      %dma_wait3A_244 = tpu.memref_slice %arg3[%add3A_155, %dma_wait3A_242, %dma_wait3A_243] : memref<2560x2x128xi32, #tpu.memory_space<hbm>> -> memref<1x2x128xi32, #tpu.memory_space<hbm>>
      %dma_wait3A_245 = tpu.memref_squeeze %dma_wait3A_244 : memref<1x2x128xi32, #tpu.memory_space<hbm>> -> memref<2x128xi32, #tpu.memory_space<hbm>>
      tpu.wait_dma2 semaphore(%run_scoped3A_213 : memref<!tpu.dma_semaphore, #tpu.memory_space<semaphore_mem>>) src(%dma_wait3A_245 : memref<2x128xi32, #tpu.memory_space<hbm>>) dst(%dma_wait3A_241 : memref<2x128xi32, #tpu.memory_space<vmem>>)
      tpu.yield
    }) : () -> ()
    %dma_start3A_156 = arith.constant 0 : i32
    %dma_start3A_157 = arith.constant 0 : i32
    %dma_start3A_158 = arith.constant 0 : i32
    %dma_start3A_159 = arith.constant 0 : i32
    %dma_start3A_160 = arith.constant 0 : i32
    %dma_start3A_161 = tpu.memref_slice %arg6[%dma_start3A_158, %dma_start3A_159, %dma_start3A_160] : memref<2x128x128xf32, #tpu.memory_space<vmem>> -> memref<1x128x128xf32, #tpu.memory_space<vmem>>
    %dma_start3A_162 = tpu.memref_squeeze %dma_start3A_161 : memref<1x128x128xf32, #tpu.memory_space<vmem>> -> memref<128x128xf32, #tpu.memory_space<vmem>>
    %dma_start3A_163 = arith.constant 0 : i32
    %dma_start3A_164 = tpu.memref_slice %arg5[%dma_start3A_156, %dma_start3A_157, %dma_start3A_163] : memref<2x2x128xi32, #tpu.memory_space<vmem>> -> memref<1x1x128xi32, #tpu.memory_space<vmem>>
    %dma_start3A_165 = tpu.memref_squeeze %dma_start3A_164 : memref<1x1x128xi32, #tpu.memory_space<vmem>> -> memref<128xi32, #tpu.memory_space<vmem>>
    %dma_start3A_166 = arith.constant 0 : i32
    %dma_start3A_167 = arith.constant 0 : i32
    %dma_start3A_168 = tpu.memref_slice %arg2[%dma_start3A_166, %dma_start3A_167] : memref<10240x128xf32, #tpu.memory_space<hbm>> -> memref<10240x128xf32, #tpu.memory_space<hbm>>
    tpu.enqueue_indirect_dma source(%dma_start3A_168 : memref<10240x128xf32, #tpu.memory_space<hbm>>) target(%dma_start3A_162 : memref<128x128xf32, #tpu.memory_space<vmem>>) offsets(%dma_start3A_165 : memref<128xi32, #tpu.memory_space<vmem>>) semaphore(%arg8 : memref<!tpu.dma_semaphore, #tpu.memory_space<semaphore_mem>>)
    %add3A_169 = arith.constant 1 : i32
    %add3A_170 = arith.addi %select_n3A_8, %add3A_169 : i32
    %run_scoped3A_171 = arith.constant 1 : i32
    "tpu.region"() ({
      %run_scoped3A_213 = tpu.sem_alloc : memref<!tpu.dma_semaphore, #tpu.memory_space<semaphore_mem>>
      %dma_start3A_214 = arith.constant 0 : i32
      %dma_start3A_215 = arith.constant 0 : i32
      %dma_start3A_216 = tpu.memref_slice %arg5[%run_scoped3A_171, %dma_start3A_214, %dma_start3A_215] : memref<2x2x128xi32, #tpu.memory_space<vmem>> -> memref<1x2x128xi32, #tpu.memory_space<vmem>>
      %dma_start3A_217 = tpu.memref_squeeze %dma_start3A_216 : memref<1x2x128xi32, #tpu.memory_space<vmem>> -> memref<2x128xi32, #tpu.memory_space<vmem>>
      %dma_start3A_218 = arith.constant 0 : i32
      %dma_start3A_219 = arith.constant 0 : i32
      %dma_start3A_220 = tpu.memref_slice %arg3[%add3A_170, %dma_start3A_218, %dma_start3A_219] : memref<2560x2x128xi32, #tpu.memory_space<hbm>> -> memref<1x2x128xi32, #tpu.memory_space<hbm>>
      %dma_start3A_221 = tpu.memref_squeeze %dma_start3A_220 : memref<1x2x128xi32, #tpu.memory_space<hbm>> -> memref<2x128xi32, #tpu.memory_space<hbm>>
      %dma_start3A_222 = arith.constant 0 : i32
      %dma_start3A_223 = arith.constant 0 : i32
      %dma_start3A_224 = tpu.memref_slice %arg5[%run_scoped3A_171, %dma_start3A_222, %dma_start3A_223] : memref<2x2x128xi32, #tpu.memory_space<vmem>> -> memref<1x2x128xi32, #tpu.memory_space<vmem>>
      %dma_start3A_225 = tpu.memref_squeeze %dma_start3A_224 : memref<1x2x128xi32, #tpu.memory_space<vmem>> -> memref<2x128xi32, #tpu.memory_space<vmem>>
      %dma_start3A_226 = arith.constant 0 : i32
      %dma_start3A_227 = arith.constant 0 : i32
      %dma_start3A_228 = tpu.memref_slice %arg3[%add3A_170, %dma_start3A_226, %dma_start3A_227] : memref<2560x2x128xi32, #tpu.memory_space<hbm>> -> memref<1x2x128xi32, #tpu.memory_space<hbm>>
      %dma_start3A_229 = tpu.memref_squeeze %dma_start3A_228 : memref<1x2x128xi32, #tpu.memory_space<hbm>> -> memref<2x128xi32, #tpu.memory_space<hbm>>
      tpu.enqueue_dma source(%dma_start3A_229 : memref<2x128xi32, #tpu.memory_space<hbm>>) target(%dma_start3A_225 : memref<2x128xi32, #tpu.memory_space<vmem>>) target_semaphore(%run_scoped3A_213 : memref<!tpu.dma_semaphore, #tpu.memory_space<semaphore_mem>>)
      %dma_wait3A_230 = arith.constant 0 : i32
      %dma_wait3A_231 = arith.constant 0 : i32
      %dma_wait3A_232 = tpu.memref_slice %arg5[%run_scoped3A_171, %dma_wait3A_230, %dma_wait3A_231] : memref<2x2x128xi32, #tpu.memory_space<vmem>> -> memref<1x2x128xi32, #tpu.memory_space<vmem>>
      %dma_wait3A_233 = tpu.memref_squeeze %dma_wait3A_232 : memref<1x2x128xi32, #tpu.memory_space<vmem>> -> memref<2x128xi32, #tpu.memory_space<vmem>>
      %dma_wait3A_234 = arith.constant 0 : i32
      %dma_wait3A_235 = arith.constant 0 : i32
      %dma_wait3A_236 = tpu.memref_slice %arg3[%add3A_170, %dma_wait3A_234, %dma_wait3A_235] : memref<2560x2x128xi32, #tpu.memory_space<hbm>> -> memref<1x2x128xi32, #tpu.memory_space<hbm>>
      %dma_wait3A_237 = tpu.memref_squeeze %dma_wait3A_236 : memref<1x2x128xi32, #tpu.memory_space<hbm>> -> memref<2x128xi32, #tpu.memory_space<hbm>>
      %dma_wait3A_238 = arith.constant 0 : i32
      %dma_wait3A_239 = arith.constant 0 : i32
      %dma_wait3A_240 = tpu.memref_slice %arg5[%run_scoped3A_171, %dma_wait3A_238, %dma_wait3A_239] : memref<2x2x128xi32, #tpu.memory_space<vmem>> -> memref<1x2x128xi32, #tpu.memory_space<vmem>>
      %dma_wait3A_241 = tpu.memref_squeeze %dma_wait3A_240 : memref<1x2x128xi32, #tpu.memory_space<vmem>> -> memref<2x128xi32, #tpu.memory_space<vmem>>
      %dma_wait3A_242 = arith.constant 0 : i32
      %dma_wait3A_243 = arith.constant 0 : i32
      %dma_wait3A_244 = tpu.memref_slice %arg3[%add3A_170, %dma_wait3A_242, %dma_wait3A_243] : memref<2560x2x128xi32, #tpu.memory_space<hbm>> -> memref<1x2x128xi32, #tpu.memory_space<hbm>>
      %dma_wait3A_245 = tpu.memref_squeeze %dma_wait3A_244 : memref<1x2x128xi32, #tpu.memory_space<hbm>> -> memref<2x128xi32, #tpu.memory_space<hbm>>
      tpu.wait_dma2 semaphore(%run_scoped3A_213 : memref<!tpu.dma_semaphore, #tpu.memory_space<semaphore_mem>>) src(%dma_wait3A_245 : memref<2x128xi32, #tpu.memory_space<hbm>>) dst(%dma_wait3A_241 : memref<2x128xi32, #tpu.memory_space<vmem>>)
      tpu.yield
    }) : () -> ()
    %dma_start3A_172 = arith.constant 1 : i32
    %dma_start3A_173 = arith.constant 0 : i32
    %dma_start3A_174 = arith.constant 1 : i32
    %dma_start3A_175 = arith.constant 0 : i32
    %dma_start3A_176 = arith.constant 0 : i32
    %dma_start3A_177 = tpu.memref_slice %arg6[%dma_start3A_174, %dma_start3A_175, %dma_start3A_176] : memref<2x128x128xf32, #tpu.memory_space<vmem>> -> memref<1x128x128xf32, #tpu.memory_space<vmem>>
    %dma_start3A_178 = tpu.memref_squeeze %dma_start3A_177 : memref<1x128x128xf32, #tpu.memory_space<vmem>> -> memref<128x128xf32, #tpu.memory_space<vmem>>
    %dma_start3A_179 = arith.constant 0 : i32
    %dma_start3A_180 = tpu.memref_slice %arg5[%dma_start3A_172, %dma_start3A_173, %dma_start3A_179] : memref<2x2x128xi32, #tpu.memory_space<vmem>> -> memref<1x1x128xi32, #tpu.memory_space<vmem>>
    %dma_start3A_181 = tpu.memref_squeeze %dma_start3A_180 : memref<1x1x128xi32, #tpu.memory_space<vmem>> -> memref<128xi32, #tpu.memory_space<vmem>>
    %dma_start3A_182 = arith.constant 0 : i32
    %dma_start3A_183 = arith.constant 0 : i32
    %dma_start3A_184 = tpu.memref_slice %arg2[%dma_start3A_182, %dma_start3A_183] : memref<10240x128xf32, #tpu.memory_space<hbm>> -> memref<10240x128xf32, #tpu.memory_space<hbm>>
    tpu.enqueue_indirect_dma source(%dma_start3A_184 : memref<10240x128xf32, #tpu.memory_space<hbm>>) target(%dma_start3A_178 : memref<128x128xf32, #tpu.memory_space<vmem>>) offsets(%dma_start3A_181 : memref<128xi32, #tpu.memory_space<vmem>>) semaphore(%arg9 : memref<!tpu.dma_semaphore, #tpu.memory_space<semaphore_mem>>)
    %jit3A_185 = arith.constant 2 : i32
    %div3A = arith.divsi %select_n3A, %jit3A_185 : i32
    %sign3A = arith.constant 0 : i32
    %sign3A_186 = arith.cmpi sgt, %select_n3A, %sign3A : i32
    %sign3A_187 = arith.extui %sign3A_186 : i1 to i32
    %sign3A_188 = arith.constant 0 : i32
    %sign3A_189 = arith.cmpi slt, %select_n3A, %sign3A_188 : i32
    %sign3A_190 = arith.extui %sign3A_189 : i1 to i32
    %sign3A_191 = arith.subi %sign3A_187, %sign3A_190 : i32
    %sign3A_192 = arith.constant 0 : i32
    %sign3A_193 = arith.cmpi sgt, %jit3A_185, %sign3A_192 : i32
    %sign3A_194 = arith.extui %sign3A_193 : i1 to i32
    %sign3A_195 = arith.constant 0 : i32
    %sign3A_196 = arith.cmpi slt, %jit3A_185, %sign3A_195 : i32
    %sign3A_197 = arith.extui %sign3A_196 : i1 to i32
    %sign3A_198 = arith.subi %sign3A_194, %sign3A_197 : i32
    %ne3A = arith.cmpi ne, %sign3A_191, %sign3A_198 : i32
    %rem3A = arith.remsi %select_n3A, %jit3A_185 : i32
    %ne3A_199 = arith.constant 0 : i32
    %ne3A_200 = arith.cmpi ne, %rem3A, %ne3A_199 : i32
    %and3A = arith.andi %ne3A, %ne3A_200 : i1
    %sub3A = arith.constant 1 : i32
    %sub3A_201 = arith.subi %div3A, %sub3A : i32
    %select_n3A_202 = arith.select %and3A, %sub3A_201, %div3A : i32
    %while3A = arith.constant 0 : i32
    %while3A_203 = arith.constant 0 : i32
    %while3A_204 = arith.subi %select_n3A_202, %while3A_203 : i32
    %while3A_205 = arith.addi %while3A_203, %while3A_204 : i32
    %while3A_206 = arith.constant 1 : i32
    %while3A_207 = arith.divsi %while3A_204, %while3A_206 : i32
    %while3A_208 = arith.muli %while3A_207, %while3A_206 : i32
    %while3A_209 = arith.addi %while3A_203, %while3A_208 : i32
    %while3A_210 = arith.constant 1 : i32
    scf.for %while3A_213 = %while3A_203 to %while3A_209 step %while3A_210  : i32 {
      %dma_wait3A_214 = arith.constant 0 : i32
      %dma_wait3A_215 = arith.constant 0 : i32
      %dma_wait3A_216 = arith.constant 0 : i32
      %dma_wait3A_217 = arith.constant 0 : i32
      %dma_wait3A_218 = arith.constant 0 : i32
      %dma_wait3A_219 = tpu.memref_slice %arg6[%dma_wait3A_216, %dma_wait3A_217, %dma_wait3A_218] : memref<2x128x128xf32, #tpu.memory_space<vmem>> -> memref<1x128x128xf32, #tpu.memory_space<vmem>>
      %dma_wait3A_220 = tpu.memref_squeeze %dma_wait3A_219 : memref<1x128x128xf32, #tpu.memory_space<vmem>> -> memref<128x128xf32, #tpu.memory_space<vmem>>
      %dma_wait3A_221 = arith.constant 0 : i32
      %dma_wait3A_222 = tpu.memref_slice %arg5[%dma_wait3A_214, %dma_wait3A_215, %dma_wait3A_221] : memref<2x2x128xi32, #tpu.memory_space<vmem>> -> memref<1x1x128xi32, #tpu.memory_space<vmem>>
      %dma_wait3A_223 = tpu.memref_squeeze %dma_wait3A_222 : memref<1x1x128xi32, #tpu.memory_space<vmem>> -> memref<128xi32, #tpu.memory_space<vmem>>
      %dma_wait3A_224 = arith.constant 0 : i32
      %dma_wait3A_225 = arith.constant 0 : i32
      %dma_wait3A_226 = tpu.memref_slice %arg2[%dma_wait3A_224, %dma_wait3A_225] : memref<10240x128xf32, #tpu.memory_space<hbm>> -> memref<10240x128xf32, #tpu.memory_space<hbm>>
      tpu.wait_indirect_dma semaphore(%arg8 : memref<!tpu.dma_semaphore, #tpu.memory_space<semaphore_mem>>) src(%dma_wait3A_226 : memref<10240x128xf32, #tpu.memory_space<hbm>>) dst(%dma_wait3A_220 : memref<128x128xf32, #tpu.memory_space<vmem>>)
      %dma_start3A_227 = arith.constant 0 : i32
      %dma_start3A_228 = arith.constant 0 : i32
      %dma_start3A_229 = arith.constant 1 : i32
      %dma_start3A_230 = arith.constant 0 : i32
      %dma_start3A_231 = arith.constant 0 : i32
      %dma_start3A_232 = tpu.memref_slice %arg6[%dma_start3A_227, %dma_start3A_230, %dma_start3A_231] : memref<2x128x128xf32, #tpu.memory_space<vmem>> -> memref<1x128x128xf32, #tpu.memory_space<vmem>>
      %dma_start3A_233 = tpu.memref_squeeze %dma_start3A_232 : memref<1x128x128xf32, #tpu.memory_space<vmem>> -> memref<128x128xf32, #tpu.memory_space<vmem>>
      %dma_start3A_234 = arith.constant 0 : i32
      %dma_start3A_235 = tpu.memref_slice %arg5[%dma_start3A_228, %dma_start3A_229, %dma_start3A_234] : memref<2x2x128xi32, #tpu.memory_space<vmem>> -> memref<1x1x128xi32, #tpu.memory_space<vmem>>
      %dma_start3A_236 = tpu.memref_squeeze %dma_start3A_235 : memref<1x1x128xi32, #tpu.memory_space<vmem>> -> memref<128xi32, #tpu.memory_space<vmem>>
      %dma_start3A_237 = arith.constant 0 : i32
      %dma_start3A_238 = arith.constant 0 : i32
      %dma_start3A_239 = tpu.memref_slice %arg7[%dma_start3A_237, %dma_start3A_238] : memref<10240x128xf32, #tpu.memory_space<vmem_shared>> -> memref<10240x128xf32, #tpu.memory_space<vmem_shared>>
      tpu.enqueue_indirect_dma source(%dma_start3A_233 : memref<128x128xf32, #tpu.memory_space<vmem>>) target(%dma_start3A_239 : memref<10240x128xf32, #tpu.memory_space<vmem_shared>>) offsets(%dma_start3A_236 : memref<128xi32, #tpu.memory_space<vmem>>) semaphore(%arg10 : memref<!tpu.dma_semaphore, #tpu.memory_space<semaphore_mem>>) {add = true}
      %dma_wait3A_240 = arith.constant 1 : i32
      %dma_wait3A_241 = arith.constant 0 : i32
      %dma_wait3A_242 = arith.constant 1 : i32
      %dma_wait3A_243 = arith.constant 0 : i32
      %dma_wait3A_244 = arith.constant 0 : i32
      %dma_wait3A_245 = tpu.memref_slice %arg6[%dma_wait3A_242, %dma_wait3A_243, %dma_wait3A_244] : memref<2x128x128xf32, #tpu.memory_space<vmem>> -> memref<1x128x128xf32, #tpu.memory_space<vmem>>
      %dma_wait3A_246 = tpu.memref_squeeze %dma_wait3A_245 : memref<1x128x128xf32, #tpu.memory_space<vmem>> -> memref<128x128xf32, #tpu.memory_space<vmem>>
      %dma_wait3A_247 = arith.constant 0 : i32
      %dma_wait3A_248 = tpu.memref_slice %arg5[%dma_wait3A_240, %dma_wait3A_241, %dma_wait3A_247] : memref<2x2x128xi32, #tpu.memory_space<vmem>> -> memref<1x1x128xi32, #tpu.memory_space<vmem>>
      %dma_wait3A_249 = tpu.memref_squeeze %dma_wait3A_248 : memref<1x1x128xi32, #tpu.memory_space<vmem>> -> memref<128xi32, #tpu.memory_space<vmem>>
      %dma_wait3A_250 = arith.constant 0 : i32
      %dma_wait3A_251 = arith.constant 0 : i32
      %dma_wait3A_252 = tpu.memref_slice %arg2[%dma_wait3A_250, %dma_wait3A_251] : memref<10240x128xf32, #tpu.memory_space<hbm>> -> memref<10240x128xf32, #tpu.memory_space<hbm>>
      tpu.wait_indirect_dma semaphore(%arg9 : memref<!tpu.dma_semaphore, #tpu.memory_space<semaphore_mem>>) src(%dma_wait3A_252 : memref<10240x128xf32, #tpu.memory_space<hbm>>) dst(%dma_wait3A_246 : memref<128x128xf32, #tpu.memory_space<vmem>>)
      %dma_start3A_253 = arith.constant 1 : i32
      %dma_start3A_254 = arith.constant 1 : i32
      %dma_start3A_255 = arith.constant 1 : i32
      %dma_start3A_256 = arith.constant 0 : i32
      %dma_start3A_257 = arith.constant 0 : i32
      %dma_start3A_258 = tpu.memref_slice %arg6[%dma_start3A_253, %dma_start3A_256, %dma_start3A_257] : memref<2x128x128xf32, #tpu.memory_space<vmem>> -> memref<1x128x128xf32, #tpu.memory_space<vmem>>
      %dma_start3A_259 = tpu.memref_squeeze %dma_start3A_258 : memref<1x128x128xf32, #tpu.memory_space<vmem>> -> memref<128x128xf32, #tpu.memory_space<vmem>>
      %dma_start3A_260 = arith.constant 0 : i32
      %dma_start3A_261 = tpu.memref_slice %arg5[%dma_start3A_254, %dma_start3A_255, %dma_start3A_260] : memref<2x2x128xi32, #tpu.memory_space<vmem>> -> memref<1x1x128xi32, #tpu.memory_space<vmem>>
      %dma_start3A_262 = tpu.memref_squeeze %dma_start3A_261 : memref<1x1x128xi32, #tpu.memory_space<vmem>> -> memref<128xi32, #tpu.memory_space<vmem>>
      %dma_start3A_263 = arith.constant 0 : i32
      %dma_start3A_264 = arith.constant 0 : i32
      %dma_start3A_265 = tpu.memref_slice %arg7[%dma_start3A_263, %dma_start3A_264] : memref<10240x128xf32, #tpu.memory_space<vmem_shared>> -> memref<10240x128xf32, #tpu.memory_space<vmem_shared>>
      tpu.enqueue_indirect_dma source(%dma_start3A_259 : memref<128x128xf32, #tpu.memory_space<vmem>>) target(%dma_start3A_265 : memref<10240x128xf32, #tpu.memory_space<vmem_shared>>) offsets(%dma_start3A_262 : memref<128xi32, #tpu.memory_space<vmem>>) semaphore(%arg11 : memref<!tpu.dma_semaphore, #tpu.memory_space<semaphore_mem>>) {add = true}
      %mul3A_266 = arith.constant 2 : i32
      %mul3A_267 = arith.muli %while3A_213, %mul3A_266 : i32
      %add3A_268 = arith.constant 0 : i32
      %add3A_269 = arith.addi %mul3A_267, %add3A_268 : i32
      %dma_wait3A_270 = arith.constant 0 : i32
      %dma_wait3A_271 = arith.constant 0 : i32
      %dma_wait3A_272 = arith.constant 1 : i32
      %dma_wait3A_273 = arith.constant 0 : i32
      %dma_wait3A_274 = arith.constant 0 : i32
      %dma_wait3A_275 = tpu.memref_slice %arg6[%dma_wait3A_270, %dma_wait3A_273, %dma_wait3A_274] : memref<2x128x128xf32, #tpu.memory_space<vmem>> -> memref<1x128x128xf32, #tpu.memory_space<vmem>>
      %dma_wait3A_276 = tpu.memref_squeeze %dma_wait3A_275 : memref<1x128x128xf32, #tpu.memory_space<vmem>> -> memref<128x128xf32, #tpu.memory_space<vmem>>
      %dma_wait3A_277 = arith.constant 0 : i32
      %dma_wait3A_278 = tpu.memref_slice %arg5[%dma_wait3A_271, %dma_wait3A_272, %dma_wait3A_277] : memref<2x2x128xi32, #tpu.memory_space<vmem>> -> memref<1x1x128xi32, #tpu.memory_space<vmem>>
      %dma_wait3A_279 = tpu.memref_squeeze %dma_wait3A_278 : memref<1x1x128xi32, #tpu.memory_space<vmem>> -> memref<128xi32, #tpu.memory_space<vmem>>
      %dma_wait3A_280 = arith.constant 0 : i32
      %dma_wait3A_281 = arith.constant 0 : i32
      %dma_wait3A_282 = tpu.memref_slice %arg7[%dma_wait3A_280, %dma_wait3A_281] : memref<10240x128xf32, #tpu.memory_space<vmem_shared>> -> memref<10240x128xf32, #tpu.memory_space<vmem_shared>>
      tpu.wait_indirect_dma semaphore(%arg10 : memref<!tpu.dma_semaphore, #tpu.memory_space<semaphore_mem>>) src(%dma_wait3A_276 : memref<128x128xf32, #tpu.memory_space<vmem>>) dst(%dma_wait3A_282 : memref<10240x128xf32, #tpu.memory_space<vmem_shared>>)
      %add3A_283 = arith.constant 2 : i32
      %add3A_284 = arith.addi %add3A_269, %add3A_283 : i32
      %lt3A = arith.cmpi slt, %add3A_284, %select_n3A : i32
      %convert_element_type3A = arith.extui %lt3A : i1 to i32
      %cond3A = arith.constant 0 : i32
      %cond3A_285 = arith.cmpi ne, %convert_element_type3A, %cond3A : i32
      scf.if %cond3A_285 {
        %add3A_309 = arith.addi %select_n3A_8, %add3A_269 : i32
        %add3A_310 = arith.constant 2 : i32
        %add3A_311 = arith.addi %add3A_309, %add3A_310 : i32
        %run_scoped3A_312 = arith.constant 0 : i32
        "tpu.region"() ({
          %run_scoped3A_326 = tpu.sem_alloc : memref<!tpu.dma_semaphore, #tpu.memory_space<semaphore_mem>>
          %dma_start3A_327 = arith.constant 0 : i32
          %dma_start3A_328 = arith.constant 0 : i32
          %dma_start3A_329 = tpu.memref_slice %arg5[%run_scoped3A_312, %dma_start3A_327, %dma_start3A_328] : memref<2x2x128xi32, #tpu.memory_space<vmem>> -> memref<1x2x128xi32, #tpu.memory_space<vmem>>
          %dma_start3A_330 = tpu.memref_squeeze %dma_start3A_329 : memref<1x2x128xi32, #tpu.memory_space<vmem>> -> memref<2x128xi32, #tpu.memory_space<vmem>>
          %dma_start3A_331 = arith.constant 0 : i32
          %dma_start3A_332 = arith.constant 0 : i32
          %dma_start3A_333 = tpu.memref_slice %arg3[%add3A_311, %dma_start3A_331, %dma_start3A_332] : memref<2560x2x128xi32, #tpu.memory_space<hbm>> -> memref<1x2x128xi32, #tpu.memory_space<hbm>>
          %dma_start3A_334 = tpu.memref_squeeze %dma_start3A_333 : memref<1x2x128xi32, #tpu.memory_space<hbm>> -> memref<2x128xi32, #tpu.memory_space<hbm>>
          %dma_start3A_335 = arith.constant 0 : i32
          %dma_start3A_336 = arith.constant 0 : i32
          %dma_start3A_337 = tpu.memref_slice %arg5[%run_scoped3A_312, %dma_start3A_335, %dma_start3A_336] : memref<2x2x128xi32, #tpu.memory_space<vmem>> -> memref<1x2x128xi32, #tpu.memory_space<vmem>>
          %dma_start3A_338 = tpu.memref_squeeze %dma_start3A_337 : memref<1x2x128xi32, #tpu.memory_space<vmem>> -> memref<2x128xi32, #tpu.memory_space<vmem>>
          %dma_start3A_339 = arith.constant 0 : i32
          %dma_start3A_340 = arith.constant 0 : i32
          %dma_start3A_341 = tpu.memref_slice %arg3[%add3A_311, %dma_start3A_339, %dma_start3A_340] : memref<2560x2x128xi32, #tpu.memory_space<hbm>> -> memref<1x2x128xi32, #tpu.memory_space<hbm>>
          %dma_start3A_342 = tpu.memref_squeeze %dma_start3A_341 : memref<1x2x128xi32, #tpu.memory_space<hbm>> -> memref<2x128xi32, #tpu.memory_space<hbm>>
          tpu.enqueue_dma source(%dma_start3A_342 : memref<2x128xi32, #tpu.memory_space<hbm>>) target(%dma_start3A_338 : memref<2x128xi32, #tpu.memory_space<vmem>>) target_semaphore(%run_scoped3A_326 : memref<!tpu.dma_semaphore, #tpu.memory_space<semaphore_mem>>)
          %dma_wait3A_343 = arith.constant 0 : i32
          %dma_wait3A_344 = arith.constant 0 : i32
          %dma_wait3A_345 = tpu.memref_slice %arg5[%run_scoped3A_312, %dma_wait3A_343, %dma_wait3A_344] : memref<2x2x128xi32, #tpu.memory_space<vmem>> -> memref<1x2x128xi32, #tpu.memory_space<vmem>>
          %dma_wait3A_346 = tpu.memref_squeeze %dma_wait3A_345 : memref<1x2x128xi32, #tpu.memory_space<vmem>> -> memref<2x128xi32, #tpu.memory_space<vmem>>
          %dma_wait3A_347 = arith.constant 0 : i32
          %dma_wait3A_348 = arith.constant 0 : i32
          %dma_wait3A_349 = tpu.memref_slice %arg3[%add3A_311, %dma_wait3A_347, %dma_wait3A_348] : memref<2560x2x128xi32, #tpu.memory_space<hbm>> -> memref<1x2x128xi32, #tpu.memory_space<hbm>>
          %dma_wait3A_350 = tpu.memref_squeeze %dma_wait3A_349 : memref<1x2x128xi32, #tpu.memory_space<hbm>> -> memref<2x128xi32, #tpu.memory_space<hbm>>
          %dma_wait3A_351 = arith.constant 0 : i32
          %dma_wait3A_352 = arith.constant 0 : i32
          %dma_wait3A_353 = tpu.memref_slice %arg5[%run_scoped3A_312, %dma_wait3A_351, %dma_wait3A_352] : memref<2x2x128xi32, #tpu.memory_space<vmem>> -> memref<1x2x128xi32, #tpu.memory_space<vmem>>
          %dma_wait3A_354 = tpu.memref_squeeze %dma_wait3A_353 : memref<1x2x128xi32, #tpu.memory_space<vmem>> -> memref<2x128xi32, #tpu.memory_space<vmem>>
          %dma_wait3A_355 = arith.constant 0 : i32
          %dma_wait3A_356 = arith.constant 0 : i32
          %dma_wait3A_357 = tpu.memref_slice %arg3[%add3A_311, %dma_wait3A_355, %dma_wait3A_356] : memref<2560x2x128xi32, #tpu.memory_space<hbm>> -> memref<1x2x128xi32, #tpu.memory_space<hbm>>
          %dma_wait3A_358 = tpu.memref_squeeze %dma_wait3A_357 : memref<1x2x128xi32, #tpu.memory_space<hbm>> -> memref<2x128xi32, #tpu.memory_space<hbm>>
          tpu.wait_dma2 semaphore(%run_scoped3A_326 : memref<!tpu.dma_semaphore, #tpu.memory_space<semaphore_mem>>) src(%dma_wait3A_358 : memref<2x128xi32, #tpu.memory_space<hbm>>) dst(%dma_wait3A_354 : memref<2x128xi32, #tpu.memory_space<vmem>>)
          tpu.yield
        }) : () -> ()
        %dma_start3A_313 = arith.constant 0 : i32
        %dma_start3A_314 = arith.constant 0 : i32
        %dma_start3A_315 = arith.constant 0 : i32
        %dma_start3A_316 = arith.constant 0 : i32
        %dma_start3A_317 = arith.constant 0 : i32
        %dma_start3A_318 = tpu.memref_slice %arg6[%dma_start3A_315, %dma_start3A_316, %dma_start3A_317] : memref<2x128x128xf32, #tpu.memory_space<vmem>> -> memref<1x128x128xf32, #tpu.memory_space<vmem>>
        %dma_start3A_319 = tpu.memref_squeeze %dma_start3A_318 : memref<1x128x128xf32, #tpu.memory_space<vmem>> -> memref<128x128xf32, #tpu.memory_space<vmem>>
        %dma_start3A_320 = arith.constant 0 : i32
        %dma_start3A_321 = tpu.memref_slice %arg5[%dma_start3A_313, %dma_start3A_314, %dma_start3A_320] : memref<2x2x128xi32, #tpu.memory_space<vmem>> -> memref<1x1x128xi32, #tpu.memory_space<vmem>>
        %dma_start3A_322 = tpu.memref_squeeze %dma_start3A_321 : memref<1x1x128xi32, #tpu.memory_space<vmem>> -> memref<128xi32, #tpu.memory_space<vmem>>
        %dma_start3A_323 = arith.constant 0 : i32
        %dma_start3A_324 = arith.constant 0 : i32
        %dma_start3A_325 = tpu.memref_slice %arg2[%dma_start3A_323, %dma_start3A_324] : memref<10240x128xf32, #tpu.memory_space<hbm>> -> memref<10240x128xf32, #tpu.memory_space<hbm>>
        tpu.enqueue_indirect_dma source(%dma_start3A_325 : memref<10240x128xf32, #tpu.memory_space<hbm>>) target(%dma_start3A_319 : memref<128x128xf32, #tpu.memory_space<vmem>>) offsets(%dma_start3A_322 : memref<128xi32, #tpu.memory_space<vmem>>) semaphore(%arg8 : memref<!tpu.dma_semaphore, #tpu.memory_space<semaphore_mem>>)
      } else {
      }
      %mul3A_286 = arith.constant 2 : i32
      %mul3A_287 = arith.muli %while3A_213, %mul3A_286 : i32
      %add3A_288 = arith.constant 1 : i32
      %add3A_289 = arith.addi %mul3A_287, %add3A_288 : i32
      %dma_wait3A_290 = arith.constant 1 : i32
      %dma_wait3A_291 = arith.constant 1 : i32
      %dma_wait3A_292 = arith.constant 1 : i32
      %dma_wait3A_293 = arith.constant 0 : i32
      %dma_wait3A_294 = arith.constant 0 : i32
      %dma_wait3A_295 = tpu.memref_slice %arg6[%dma_wait3A_290, %dma_wait3A_293, %dma_wait3A_294] : memref<2x128x128xf32, #tpu.memory_space<vmem>> -> memref<1x128x128xf32, #tpu.memory_space<vmem>>
      %dma_wait3A_296 = tpu.memref_squeeze %dma_wait3A_295 : memref<1x128x128xf32, #tpu.memory_space<vmem>> -> memref<128x128xf32, #tpu.memory_space<vmem>>
      %dma_wait3A_297 = arith.constant 0 : i32
      %dma_wait3A_298 = tpu.memref_slice %arg5[%dma_wait3A_291, %dma_wait3A_292, %dma_wait3A_297] : memref<2x2x128xi32, #tpu.memory_space<vmem>> -> memref<1x1x128xi32, #tpu.memory_space<vmem>>
      %dma_wait3A_299 = tpu.memref_squeeze %dma_wait3A_298 : memref<1x1x128xi32, #tpu.memory_space<vmem>> -> memref<128xi32, #tpu.memory_space<vmem>>
      %dma_wait3A_300 = arith.constant 0 : i32
      %dma_wait3A_301 = arith.constant 0 : i32
      %dma_wait3A_302 = tpu.memref_slice %arg7[%dma_wait3A_300, %dma_wait3A_301] : memref<10240x128xf32, #tpu.memory_space<vmem_shared>> -> memref<10240x128xf32, #tpu.memory_space<vmem_shared>>
      tpu.wait_indirect_dma semaphore(%arg11 : memref<!tpu.dma_semaphore, #tpu.memory_space<semaphore_mem>>) src(%dma_wait3A_296 : memref<128x128xf32, #tpu.memory_space<vmem>>) dst(%dma_wait3A_302 : memref<10240x128xf32, #tpu.memory_space<vmem_shared>>)
      %add3A_303 = arith.constant 2 : i32
      %add3A_304 = arith.addi %add3A_289, %add3A_303 : i32
      %lt3A_305 = arith.cmpi slt, %add3A_304, %select_n3A : i32
      %convert_element_type3A_306 = arith.extui %lt3A_305 : i1 to i32
      %cond3A_307 = arith.constant 0 : i32
      %cond3A_308 = arith.cmpi ne, %convert_element_type3A_306, %cond3A_307 : i32
      scf.if %cond3A_308 {
        %add3A_309 = arith.addi %select_n3A_8, %add3A_289 : i32
        %add3A_310 = arith.constant 2 : i32
        %add3A_311 = arith.addi %add3A_309, %add3A_310 : i32
        %run_scoped3A_312 = arith.constant 1 : i32
        "tpu.region"() ({
          %run_scoped3A_326 = tpu.sem_alloc : memref<!tpu.dma_semaphore, #tpu.memory_space<semaphore_mem>>
          %dma_start3A_327 = arith.constant 0 : i32
          %dma_start3A_328 = arith.constant 0 : i32
          %dma_start3A_329 = tpu.memref_slice %arg5[%run_scoped3A_312, %dma_start3A_327, %dma_start3A_328] : memref<2x2x128xi32, #tpu.memory_space<vmem>> -> memref<1x2x128xi32, #tpu.memory_space<vmem>>
          %dma_start3A_330 = tpu.memref_squeeze %dma_start3A_329 : memref<1x2x128xi32, #tpu.memory_space<vmem>> -> memref<2x128xi32, #tpu.memory_space<vmem>>
          %dma_start3A_331 = arith.constant 0 : i32
          %dma_start3A_332 = arith.constant 0 : i32
          %dma_start3A_333 = tpu.memref_slice %arg3[%add3A_311, %dma_start3A_331, %dma_start3A_332] : memref<2560x2x128xi32, #tpu.memory_space<hbm>> -> memref<1x2x128xi32, #tpu.memory_space<hbm>>
          %dma_start3A_334 = tpu.memref_squeeze %dma_start3A_333 : memref<1x2x128xi32, #tpu.memory_space<hbm>> -> memref<2x128xi32, #tpu.memory_space<hbm>>
          %dma_start3A_335 = arith.constant 0 : i32
          %dma_start3A_336 = arith.constant 0 : i32
          %dma_start3A_337 = tpu.memref_slice %arg5[%run_scoped3A_312, %dma_start3A_335, %dma_start3A_336] : memref<2x2x128xi32, #tpu.memory_space<vmem>> -> memref<1x2x128xi32, #tpu.memory_space<vmem>>
          %dma_start3A_338 = tpu.memref_squeeze %dma_start3A_337 : memref<1x2x128xi32, #tpu.memory_space<vmem>> -> memref<2x128xi32, #tpu.memory_space<vmem>>
          %dma_start3A_339 = arith.constant 0 : i32
          %dma_start3A_340 = arith.constant 0 : i32
          %dma_start3A_341 = tpu.memref_slice %arg3[%add3A_311, %dma_start3A_339, %dma_start3A_340] : memref<2560x2x128xi32, #tpu.memory_space<hbm>> -> memref<1x2x128xi32, #tpu.memory_space<hbm>>
          %dma_start3A_342 = tpu.memref_squeeze %dma_start3A_341 : memref<1x2x128xi32, #tpu.memory_space<hbm>> -> memref<2x128xi32, #tpu.memory_space<hbm>>
          tpu.enqueue_dma source(%dma_start3A_342 : memref<2x128xi32, #tpu.memory_space<hbm>>) target(%dma_start3A_338 : memref<2x128xi32, #tpu.memory_space<vmem>>) target_semaphore(%run_scoped3A_326 : memref<!tpu.dma_semaphore, #tpu.memory_space<semaphore_mem>>)
          %dma_wait3A_343 = arith.constant 0 : i32
          %dma_wait3A_344 = arith.constant 0 : i32
          %dma_wait3A_345 = tpu.memref_slice %arg5[%run_scoped3A_312, %dma_wait3A_343, %dma_wait3A_344] : memref<2x2x128xi32, #tpu.memory_space<vmem>> -> memref<1x2x128xi32, #tpu.memory_space<vmem>>
          %dma_wait3A_346 = tpu.memref_squeeze %dma_wait3A_345 : memref<1x2x128xi32, #tpu.memory_space<vmem>> -> memref<2x128xi32, #tpu.memory_space<vmem>>
          %dma_wait3A_347 = arith.constant 0 : i32
          %dma_wait3A_348 = arith.constant 0 : i32
          %dma_wait3A_349 = tpu.memref_slice %arg3[%add3A_311, %dma_wait3A_347, %dma_wait3A_348] : memref<2560x2x128xi32, #tpu.memory_space<hbm>> -> memref<1x2x128xi32, #tpu.memory_space<hbm>>
          %dma_wait3A_350 = tpu.memref_squeeze %dma_wait3A_349 : memref<1x2x128xi32, #tpu.memory_space<hbm>> -> memref<2x128xi32, #tpu.memory_space<hbm>>
          %dma_wait3A_351 = arith.constant 0 : i32
          %dma_wait3A_352 = arith.constant 0 : i32
          %dma_wait3A_353 = tpu.memref_slice %arg5[%run_scoped3A_312, %dma_wait3A_351, %dma_wait3A_352] : memref<2x2x128xi32, #tpu.memory_space<vmem>> -> memref<1x2x128xi32, #tpu.memory_space<vmem>>
          %dma_wait3A_354 = tpu.memref_squeeze %dma_wait3A_353 : memref<1x2x128xi32, #tpu.memory_space<vmem>> -> memref<2x128xi32, #tpu.memory_space<vmem>>
          %dma_wait3A_355 = arith.constant 0 : i32
          %dma_wait3A_356 = arith.constant 0 : i32
          %dma_wait3A_357 = tpu.memref_slice %arg3[%add3A_311, %dma_wait3A_355, %dma_wait3A_356] : memref<2560x2x128xi32, #tpu.memory_space<hbm>> -> memref<1x2x128xi32, #tpu.memory_space<hbm>>
          %dma_wait3A_358 = tpu.memref_squeeze %dma_wait3A_357 : memref<1x2x128xi32, #tpu.memory_space<hbm>> -> memref<2x128xi32, #tpu.memory_space<hbm>>
          tpu.wait_dma2 semaphore(%run_scoped3A_326 : memref<!tpu.dma_semaphore, #tpu.memory_space<semaphore_mem>>) src(%dma_wait3A_358 : memref<2x128xi32, #tpu.memory_space<hbm>>) dst(%dma_wait3A_354 : memref<2x128xi32, #tpu.memory_space<vmem>>)
          tpu.yield
        }) : () -> ()
        %dma_start3A_313 = arith.constant 1 : i32
        %dma_start3A_314 = arith.constant 0 : i32
        %dma_start3A_315 = arith.constant 1 : i32
        %dma_start3A_316 = arith.constant 0 : i32
        %dma_start3A_317 = arith.constant 0 : i32
        %dma_start3A_318 = tpu.memref_slice %arg6[%dma_start3A_315, %dma_start3A_316, %dma_start3A_317] : memref<2x128x128xf32, #tpu.memory_space<vmem>> -> memref<1x128x128xf32, #tpu.memory_space<vmem>>
        %dma_start3A_319 = tpu.memref_squeeze %dma_start3A_318 : memref<1x128x128xf32, #tpu.memory_space<vmem>> -> memref<128x128xf32, #tpu.memory_space<vmem>>
        %dma_start3A_320 = arith.constant 0 : i32
        %dma_start3A_321 = tpu.memref_slice %arg5[%dma_start3A_313, %dma_start3A_314, %dma_start3A_320] : memref<2x2x128xi32, #tpu.memory_space<vmem>> -> memref<1x1x128xi32, #tpu.memory_space<vmem>>
        %dma_start3A_322 = tpu.memref_squeeze %dma_start3A_321 : memref<1x1x128xi32, #tpu.memory_space<vmem>> -> memref<128xi32, #tpu.memory_space<vmem>>
        %dma_start3A_323 = arith.constant 0 : i32
        %dma_start3A_324 = arith.constant 0 : i32
        %dma_start3A_325 = tpu.memref_slice %arg2[%dma_start3A_323, %dma_start3A_324] : memref<10240x128xf32, #tpu.memory_space<hbm>> -> memref<10240x128xf32, #tpu.memory_space<hbm>>
        tpu.enqueue_indirect_dma source(%dma_start3A_325 : memref<10240x128xf32, #tpu.memory_space<hbm>>) target(%dma_start3A_319 : memref<128x128xf32, #tpu.memory_space<vmem>>) offsets(%dma_start3A_322 : memref<128xi32, #tpu.memory_space<vmem>>) semaphore(%arg9 : memref<!tpu.dma_semaphore, #tpu.memory_space<semaphore_mem>>)
      } else {
      }
    }
    %while3A_211 = arith.constant 1 : i32
    scf.for %while3A_213 = %while3A_209 to %while3A_205 step %while3A_211  : i32 {
      %dma_wait3A_214 = arith.constant 0 : i32
      %dma_wait3A_215 = arith.constant 0 : i32
      %dma_wait3A_216 = arith.constant 0 : i32
      %dma_wait3A_217 = arith.constant 0 : i32
      %dma_wait3A_218 = arith.constant 0 : i32
      %dma_wait3A_219 = tpu.memref_slice %arg6[%dma_wait3A_216, %dma_wait3A_217, %dma_wait3A_218] : memref<2x128x128xf32, #tpu.memory_space<vmem>> -> memref<1x128x128xf32, #tpu.memory_space<vmem>>
      %dma_wait3A_220 = tpu.memref_squeeze %dma_wait3A_219 : memref<1x128x128xf32, #tpu.memory_space<vmem>> -> memref<128x128xf32, #tpu.memory_space<vmem>>
      %dma_wait3A_221 = arith.constant 0 : i32
      %dma_wait3A_222 = tpu.memref_slice %arg5[%dma_wait3A_214, %dma_wait3A_215, %dma_wait3A_221] : memref<2x2x128xi32, #tpu.memory_space<vmem>> -> memref<1x1x128xi32, #tpu.memory_space<vmem>>
      %dma_wait3A_223 = tpu.memref_squeeze %dma_wait3A_222 : memref<1x1x128xi32, #tpu.memory_space<vmem>> -> memref<128xi32, #tpu.memory_space<vmem>>
      %dma_wait3A_224 = arith.constant 0 : i32
      %dma_wait3A_225 = arith.constant 0 : i32
      %dma_wait3A_226 = tpu.memref_slice %arg2[%dma_wait3A_224, %dma_wait3A_225] : memref<10240x128xf32, #tpu.memory_space<hbm>> -> memref<10240x128xf32, #tpu.memory_space<hbm>>
      tpu.wait_indirect_dma semaphore(%arg8 : memref<!tpu.dma_semaphore, #tpu.memory_space<semaphore_mem>>) src(%dma_wait3A_226 : memref<10240x128xf32, #tpu.memory_space<hbm>>) dst(%dma_wait3A_220 : memref<128x128xf32, #tpu.memory_space<vmem>>)
      %dma_start3A_227 = arith.constant 0 : i32
      %dma_start3A_228 = arith.constant 0 : i32
      %dma_start3A_229 = arith.constant 1 : i32
      %dma_start3A_230 = arith.constant 0 : i32
      %dma_start3A_231 = arith.constant 0 : i32
      %dma_start3A_232 = tpu.memref_slice %arg6[%dma_start3A_227, %dma_start3A_230, %dma_start3A_231] : memref<2x128x128xf32, #tpu.memory_space<vmem>> -> memref<1x128x128xf32, #tpu.memory_space<vmem>>
      %dma_start3A_233 = tpu.memref_squeeze %dma_start3A_232 : memref<1x128x128xf32, #tpu.memory_space<vmem>> -> memref<128x128xf32, #tpu.memory_space<vmem>>
      %dma_start3A_234 = arith.constant 0 : i32
      %dma_start3A_235 = tpu.memref_slice %arg5[%dma_start3A_228, %dma_start3A_229, %dma_start3A_234] : memref<2x2x128xi32, #tpu.memory_space<vmem>> -> memref<1x1x128xi32, #tpu.memory_space<vmem>>
      %dma_start3A_236 = tpu.memref_squeeze %dma_start3A_235 : memref<1x1x128xi32, #tpu.memory_space<vmem>> -> memref<128xi32, #tpu.memory_space<vmem>>
      %dma_start3A_237 = arith.constant 0 : i32
      %dma_start3A_238 = arith.constant 0 : i32
      %dma_start3A_239 = tpu.memref_slice %arg7[%dma_start3A_237, %dma_start3A_238] : memref<10240x128xf32, #tpu.memory_space<vmem_shared>> -> memref<10240x128xf32, #tpu.memory_space<vmem_shared>>
      tpu.enqueue_indirect_dma source(%dma_start3A_233 : memref<128x128xf32, #tpu.memory_space<vmem>>) target(%dma_start3A_239 : memref<10240x128xf32, #tpu.memory_space<vmem_shared>>) offsets(%dma_start3A_236 : memref<128xi32, #tpu.memory_space<vmem>>) semaphore(%arg10 : memref<!tpu.dma_semaphore, #tpu.memory_space<semaphore_mem>>) {add = true}
      %dma_wait3A_240 = arith.constant 1 : i32
      %dma_wait3A_241 = arith.constant 0 : i32
      %dma_wait3A_242 = arith.constant 1 : i32
      %dma_wait3A_243 = arith.constant 0 : i32
      %dma_wait3A_244 = arith.constant 0 : i32
      %dma_wait3A_245 = tpu.memref_slice %arg6[%dma_wait3A_242, %dma_wait3A_243, %dma_wait3A_244] : memref<2x128x128xf32, #tpu.memory_space<vmem>> -> memref<1x128x128xf32, #tpu.memory_space<vmem>>
      %dma_wait3A_246 = tpu.memref_squeeze %dma_wait3A_245 : memref<1x128x128xf32, #tpu.memory_space<vmem>> -> memref<128x128xf32, #tpu.memory_space<vmem>>
      %dma_wait3A_247 = arith.constant 0 : i32
      %dma_wait3A_248 = tpu.memref_slice %arg5[%dma_wait3A_240, %dma_wait3A_241, %dma_wait3A_247] : memref<2x2x128xi32, #tpu.memory_space<vmem>> -> memref<1x1x128xi32, #tpu.memory_space<vmem>>
      %dma_wait3A_249 = tpu.memref_squeeze %dma_wait3A_248 : memref<1x1x128xi32, #tpu.memory_space<vmem>> -> memref<128xi32, #tpu.memory_space<vmem>>
      %dma_wait3A_250 = arith.constant 0 : i32
      %dma_wait3A_251 = arith.constant 0 : i32
      %dma_wait3A_252 = tpu.memref_slice %arg2[%dma_wait3A_250, %dma_wait3A_251] : memref<10240x128xf32, #tpu.memory_space<hbm>> -> memref<10240x128xf32, #tpu.memory_space<hbm>>
      tpu.wait_indirect_dma semaphore(%arg9 : memref<!tpu.dma_semaphore, #tpu.memory_space<semaphore_mem>>) src(%dma_wait3A_252 : memref<10240x128xf32, #tpu.memory_space<hbm>>) dst(%dma_wait3A_246 : memref<128x128xf32, #tpu.memory_space<vmem>>)
      %dma_start3A_253 = arith.constant 1 : i32
      %dma_start3A_254 = arith.constant 1 : i32
      %dma_start3A_255 = arith.constant 1 : i32
      %dma_start3A_256 = arith.constant 0 : i32
      %dma_start3A_257 = arith.constant 0 : i32
      %dma_start3A_258 = tpu.memref_slice %arg6[%dma_start3A_253, %dma_start3A_256, %dma_start3A_257] : memref<2x128x128xf32, #tpu.memory_space<vmem>> -> memref<1x128x128xf32, #tpu.memory_space<vmem>>
      %dma_start3A_259 = tpu.memref_squeeze %dma_start3A_258 : memref<1x128x128xf32, #tpu.memory_space<vmem>> -> memref<128x128xf32, #tpu.memory_space<vmem>>
      %dma_start3A_260 = arith.constant 0 : i32
      %dma_start3A_261 = tpu.memref_slice %arg5[%dma_start3A_254, %dma_start3A_255, %dma_start3A_260] : memref<2x2x128xi32, #tpu.memory_space<vmem>> -> memref<1x1x128xi32, #tpu.memory_space<vmem>>
      %dma_start3A_262 = tpu.memref_squeeze %dma_start3A_261 : memref<1x1x128xi32, #tpu.memory_space<vmem>> -> memref<128xi32, #tpu.memory_space<vmem>>
      %dma_start3A_263 = arith.constant 0 : i32
      %dma_start3A_264 = arith.constant 0 : i32
      %dma_start3A_265 = tpu.memref_slice %arg7[%dma_start3A_263, %dma_start3A_264] : memref<10240x128xf32, #tpu.memory_space<vmem_shared>> -> memref<10240x128xf32, #tpu.memory_space<vmem_shared>>
      tpu.enqueue_indirect_dma source(%dma_start3A_259 : memref<128x128xf32, #tpu.memory_space<vmem>>) target(%dma_start3A_265 : memref<10240x128xf32, #tpu.memory_space<vmem_shared>>) offsets(%dma_start3A_262 : memref<128xi32, #tpu.memory_space<vmem>>) semaphore(%arg11 : memref<!tpu.dma_semaphore, #tpu.memory_space<semaphore_mem>>) {add = true}
      %mul3A_266 = arith.constant 2 : i32
      %mul3A_267 = arith.muli %while3A_213, %mul3A_266 : i32
      %add3A_268 = arith.constant 0 : i32
      %add3A_269 = arith.addi %mul3A_267, %add3A_268 : i32
      %dma_wait3A_270 = arith.constant 0 : i32
      %dma_wait3A_271 = arith.constant 0 : i32
      %dma_wait3A_272 = arith.constant 1 : i32
      %dma_wait3A_273 = arith.constant 0 : i32
      %dma_wait3A_274 = arith.constant 0 : i32
      %dma_wait3A_275 = tpu.memref_slice %arg6[%dma_wait3A_270, %dma_wait3A_273, %dma_wait3A_274] : memref<2x128x128xf32, #tpu.memory_space<vmem>> -> memref<1x128x128xf32, #tpu.memory_space<vmem>>
      %dma_wait3A_276 = tpu.memref_squeeze %dma_wait3A_275 : memref<1x128x128xf32, #tpu.memory_space<vmem>> -> memref<128x128xf32, #tpu.memory_space<vmem>>
      %dma_wait3A_277 = arith.constant 0 : i32
      %dma_wait3A_278 = tpu.memref_slice %arg5[%dma_wait3A_271, %dma_wait3A_272, %dma_wait3A_277] : memref<2x2x128xi32, #tpu.memory_space<vmem>> -> memref<1x1x128xi32, #tpu.memory_space<vmem>>
      %dma_wait3A_279 = tpu.memref_squeeze %dma_wait3A_278 : memref<1x1x128xi32, #tpu.memory_space<vmem>> -> memref<128xi32, #tpu.memory_space<vmem>>
      %dma_wait3A_280 = arith.constant 0 : i32
      %dma_wait3A_281 = arith.constant 0 : i32
      %dma_wait3A_282 = tpu.memref_slice %arg7[%dma_wait3A_280, %dma_wait3A_281] : memref<10240x128xf32, #tpu.memory_space<vmem_shared>> -> memref<10240x128xf32, #tpu.memory_space<vmem_shared>>
      tpu.wait_indirect_dma semaphore(%arg10 : memref<!tpu.dma_semaphore, #tpu.memory_space<semaphore_mem>>) src(%dma_wait3A_276 : memref<128x128xf32, #tpu.memory_space<vmem>>) dst(%dma_wait3A_282 : memref<10240x128xf32, #tpu.memory_space<vmem_shared>>)
      %add3A_283 = arith.constant 2 : i32
      %add3A_284 = arith.addi %add3A_269, %add3A_283 : i32
      %lt3A = arith.cmpi slt, %add3A_284, %select_n3A : i32
      %convert_element_type3A = arith.extui %lt3A : i1 to i32
      %cond3A = arith.constant 0 : i32
      %cond3A_285 = arith.cmpi ne, %convert_element_type3A, %cond3A : i32
      scf.if %cond3A_285 {
        %add3A_309 = arith.addi %select_n3A_8, %add3A_269 : i32
        %add3A_310 = arith.constant 2 : i32
        %add3A_311 = arith.addi %add3A_309, %add3A_310 : i32
        %run_scoped3A_312 = arith.constant 0 : i32
        "tpu.region"() ({
          %run_scoped3A_326 = tpu.sem_alloc : memref<!tpu.dma_semaphore, #tpu.memory_space<semaphore_mem>>
          %dma_start3A_327 = arith.constant 0 : i32
          %dma_start3A_328 = arith.constant 0 : i32
          %dma_start3A_329 = tpu.memref_slice %arg5[%run_scoped3A_312, %dma_start3A_327, %dma_start3A_328] : memref<2x2x128xi32, #tpu.memory_space<vmem>> -> memref<1x2x128xi32, #tpu.memory_space<vmem>>
          %dma_start3A_330 = tpu.memref_squeeze %dma_start3A_329 : memref<1x2x128xi32, #tpu.memory_space<vmem>> -> memref<2x128xi32, #tpu.memory_space<vmem>>
          %dma_start3A_331 = arith.constant 0 : i32
          %dma_start3A_332 = arith.constant 0 : i32
          %dma_start3A_333 = tpu.memref_slice %arg3[%add3A_311, %dma_start3A_331, %dma_start3A_332] : memref<2560x2x128xi32, #tpu.memory_space<hbm>> -> memref<1x2x128xi32, #tpu.memory_space<hbm>>
          %dma_start3A_334 = tpu.memref_squeeze %dma_start3A_333 : memref<1x2x128xi32, #tpu.memory_space<hbm>> -> memref<2x128xi32, #tpu.memory_space<hbm>>
          %dma_start3A_335 = arith.constant 0 : i32
          %dma_start3A_336 = arith.constant 0 : i32
          %dma_start3A_337 = tpu.memref_slice %arg5[%run_scoped3A_312, %dma_start3A_335, %dma_start3A_336] : memref<2x2x128xi32, #tpu.memory_space<vmem>> -> memref<1x2x128xi32, #tpu.memory_space<vmem>>
          %dma_start3A_338 = tpu.memref_squeeze %dma_start3A_337 : memref<1x2x128xi32, #tpu.memory_space<vmem>> -> memref<2x128xi32, #tpu.memory_space<vmem>>
          %dma_start3A_339 = arith.constant 0 : i32
          %dma_start3A_340 = arith.constant 0 : i32
          %dma_start3A_341 = tpu.memref_slice %arg3[%add3A_311, %dma_start3A_339, %dma_start3A_340] : memref<2560x2x128xi32, #tpu.memory_space<hbm>> -> memref<1x2x128xi32, #tpu.memory_space<hbm>>
          %dma_start3A_342 = tpu.memref_squeeze %dma_start3A_341 : memref<1x2x128xi32, #tpu.memory_space<hbm>> -> memref<2x128xi32, #tpu.memory_space<hbm>>
          tpu.enqueue_dma source(%dma_start3A_342 : memref<2x128xi32, #tpu.memory_space<hbm>>) target(%dma_start3A_338 : memref<2x128xi32, #tpu.memory_space<vmem>>) target_semaphore(%run_scoped3A_326 : memref<!tpu.dma_semaphore, #tpu.memory_space<semaphore_mem>>)
          %dma_wait3A_343 = arith.constant 0 : i32
          %dma_wait3A_344 = arith.constant 0 : i32
          %dma_wait3A_345 = tpu.memref_slice %arg5[%run_scoped3A_312, %dma_wait3A_343, %dma_wait3A_344] : memref<2x2x128xi32, #tpu.memory_space<vmem>> -> memref<1x2x128xi32, #tpu.memory_space<vmem>>
          %dma_wait3A_346 = tpu.memref_squeeze %dma_wait3A_345 : memref<1x2x128xi32, #tpu.memory_space<vmem>> -> memref<2x128xi32, #tpu.memory_space<vmem>>
          %dma_wait3A_347 = arith.constant 0 : i32
          %dma_wait3A_348 = arith.constant 0 : i32
          %dma_wait3A_349 = tpu.memref_slice %arg3[%add3A_311, %dma_wait3A_347, %dma_wait3A_348] : memref<2560x2x128xi32, #tpu.memory_space<hbm>> -> memref<1x2x128xi32, #tpu.memory_space<hbm>>
          %dma_wait3A_350 = tpu.memref_squeeze %dma_wait3A_349 : memref<1x2x128xi32, #tpu.memory_space<hbm>> -> memref<2x128xi32, #tpu.memory_space<hbm>>
          %dma_wait3A_351 = arith.constant 0 : i32
          %dma_wait3A_352 = arith.constant 0 : i32
          %dma_wait3A_353 = tpu.memref_slice %arg5[%run_scoped3A_312, %dma_wait3A_351, %dma_wait3A_352] : memref<2x2x128xi32, #tpu.memory_space<vmem>> -> memref<1x2x128xi32, #tpu.memory_space<vmem>>
          %dma_wait3A_354 = tpu.memref_squeeze %dma_wait3A_353 : memref<1x2x128xi32, #tpu.memory_space<vmem>> -> memref<2x128xi32, #tpu.memory_space<vmem>>
          %dma_wait3A_355 = arith.constant 0 : i32
          %dma_wait3A_356 = arith.constant 0 : i32
          %dma_wait3A_357 = tpu.memref_slice %arg3[%add3A_311, %dma_wait3A_355, %dma_wait3A_356] : memref<2560x2x128xi32, #tpu.memory_space<hbm>> -> memref<1x2x128xi32, #tpu.memory_space<hbm>>
          %dma_wait3A_358 = tpu.memref_squeeze %dma_wait3A_357 : memref<1x2x128xi32, #tpu.memory_space<hbm>> -> memref<2x128xi32, #tpu.memory_space<hbm>>
          tpu.wait_dma2 semaphore(%run_scoped3A_326 : memref<!tpu.dma_semaphore, #tpu.memory_space<semaphore_mem>>) src(%dma_wait3A_358 : memref<2x128xi32, #tpu.memory_space<hbm>>) dst(%dma_wait3A_354 : memref<2x128xi32, #tpu.memory_space<vmem>>)
          tpu.yield
        }) : () -> ()
        %dma_start3A_313 = arith.constant 0 : i32
        %dma_start3A_314 = arith.constant 0 : i32
        %dma_start3A_315 = arith.constant 0 : i32
        %dma_start3A_316 = arith.constant 0 : i32
        %dma_start3A_317 = arith.constant 0 : i32
        %dma_start3A_318 = tpu.memref_slice %arg6[%dma_start3A_315, %dma_start3A_316, %dma_start3A_317] : memref<2x128x128xf32, #tpu.memory_space<vmem>> -> memref<1x128x128xf32, #tpu.memory_space<vmem>>
        %dma_start3A_319 = tpu.memref_squeeze %dma_start3A_318 : memref<1x128x128xf32, #tpu.memory_space<vmem>> -> memref<128x128xf32, #tpu.memory_space<vmem>>
        %dma_start3A_320 = arith.constant 0 : i32
        %dma_start3A_321 = tpu.memref_slice %arg5[%dma_start3A_313, %dma_start3A_314, %dma_start3A_320] : memref<2x2x128xi32, #tpu.memory_space<vmem>> -> memref<1x1x128xi32, #tpu.memory_space<vmem>>
        %dma_start3A_322 = tpu.memref_squeeze %dma_start3A_321 : memref<1x1x128xi32, #tpu.memory_space<vmem>> -> memref<128xi32, #tpu.memory_space<vmem>>
        %dma_start3A_323 = arith.constant 0 : i32
        %dma_start3A_324 = arith.constant 0 : i32
        %dma_start3A_325 = tpu.memref_slice %arg2[%dma_start3A_323, %dma_start3A_324] : memref<10240x128xf32, #tpu.memory_space<hbm>> -> memref<10240x128xf32, #tpu.memory_space<hbm>>
        tpu.enqueue_indirect_dma source(%dma_start3A_325 : memref<10240x128xf32, #tpu.memory_space<hbm>>) target(%dma_start3A_319 : memref<128x128xf32, #tpu.memory_space<vmem>>) offsets(%dma_start3A_322 : memref<128xi32, #tpu.memory_space<vmem>>) semaphore(%arg8 : memref<!tpu.dma_semaphore, #tpu.memory_space<semaphore_mem>>)
      } else {
      }
      %mul3A_286 = arith.constant 2 : i32
      %mul3A_287 = arith.muli %while3A_213, %mul3A_286 : i32
      %add3A_288 = arith.constant 1 : i32
      %add3A_289 = arith.addi %mul3A_287, %add3A_288 : i32
      %dma_wait3A_290 = arith.constant 1 : i32
      %dma_wait3A_291 = arith.constant 1 : i32
      %dma_wait3A_292 = arith.constant 1 : i32
      %dma_wait3A_293 = arith.constant 0 : i32
      %dma_wait3A_294 = arith.constant 0 : i32
      %dma_wait3A_295 = tpu.memref_slice %arg6[%dma_wait3A_290, %dma_wait3A_293, %dma_wait3A_294] : memref<2x128x128xf32, #tpu.memory_space<vmem>> -> memref<1x128x128xf32, #tpu.memory_space<vmem>>
      %dma_wait3A_296 = tpu.memref_squeeze %dma_wait3A_295 : memref<1x128x128xf32, #tpu.memory_space<vmem>> -> memref<128x128xf32, #tpu.memory_space<vmem>>
      %dma_wait3A_297 = arith.constant 0 : i32
      %dma_wait3A_298 = tpu.memref_slice %arg5[%dma_wait3A_291, %dma_wait3A_292, %dma_wait3A_297] : memref<2x2x128xi32, #tpu.memory_space<vmem>> -> memref<1x1x128xi32, #tpu.memory_space<vmem>>
      %dma_wait3A_299 = tpu.memref_squeeze %dma_wait3A_298 : memref<1x1x128xi32, #tpu.memory_space<vmem>> -> memref<128xi32, #tpu.memory_space<vmem>>
      %dma_wait3A_300 = arith.constant 0 : i32
      %dma_wait3A_301 = arith.constant 0 : i32
      %dma_wait3A_302 = tpu.memref_slice %arg7[%dma_wait3A_300, %dma_wait3A_301] : memref<10240x128xf32, #tpu.memory_space<vmem_shared>> -> memref<10240x128xf32, #tpu.memory_space<vmem_shared>>
      tpu.wait_indirect_dma semaphore(%arg11 : memref<!tpu.dma_semaphore, #tpu.memory_space<semaphore_mem>>) src(%dma_wait3A_296 : memref<128x128xf32, #tpu.memory_space<vmem>>) dst(%dma_wait3A_302 : memref<10240x128xf32, #tpu.memory_space<vmem_shared>>)
      %add3A_303 = arith.constant 2 : i32
      %add3A_304 = arith.addi %add3A_289, %add3A_303 : i32
      %lt3A_305 = arith.cmpi slt, %add3A_304, %select_n3A : i32
      %convert_element_type3A_306 = arith.extui %lt3A_305 : i1 to i32
      %cond3A_307 = arith.constant 0 : i32
      %cond3A_308 = arith.cmpi ne, %convert_element_type3A_306, %cond3A_307 : i32
      scf.if %cond3A_308 {
        %add3A_309 = arith.addi %select_n3A_8, %add3A_289 : i32
        %add3A_310 = arith.constant 2 : i32
        %add3A_311 = arith.addi %add3A_309, %add3A_310 : i32
        %run_scoped3A_312 = arith.constant 1 : i32
        "tpu.region"() ({
          %run_scoped3A_326 = tpu.sem_alloc : memref<!tpu.dma_semaphore, #tpu.memory_space<semaphore_mem>>
          %dma_start3A_327 = arith.constant 0 : i32
          %dma_start3A_328 = arith.constant 0 : i32
          %dma_start3A_329 = tpu.memref_slice %arg5[%run_scoped3A_312, %dma_start3A_327, %dma_start3A_328] : memref<2x2x128xi32, #tpu.memory_space<vmem>> -> memref<1x2x128xi32, #tpu.memory_space<vmem>>
          %dma_start3A_330 = tpu.memref_squeeze %dma_start3A_329 : memref<1x2x128xi32, #tpu.memory_space<vmem>> -> memref<2x128xi32, #tpu.memory_space<vmem>>
          %dma_start3A_331 = arith.constant 0 : i32
          %dma_start3A_332 = arith.constant 0 : i32
          %dma_start3A_333 = tpu.memref_slice %arg3[%add3A_311, %dma_start3A_331, %dma_start3A_332] : memref<2560x2x128xi32, #tpu.memory_space<hbm>> -> memref<1x2x128xi32, #tpu.memory_space<hbm>>
          %dma_start3A_334 = tpu.memref_squeeze %dma_start3A_333 : memref<1x2x128xi32, #tpu.memory_space<hbm>> -> memref<2x128xi32, #tpu.memory_space<hbm>>
          %dma_start3A_335 = arith.constant 0 : i32
          %dma_start3A_336 = arith.constant 0 : i32
          %dma_start3A_337 = tpu.memref_slice %arg5[%run_scoped3A_312, %dma_start3A_335, %dma_start3A_336] : memref<2x2x128xi32, #tpu.memory_space<vmem>> -> memref<1x2x128xi32, #tpu.memory_space<vmem>>
          %dma_start3A_338 = tpu.memref_squeeze %dma_start3A_337 : memref<1x2x128xi32, #tpu.memory_space<vmem>> -> memref<2x128xi32, #tpu.memory_space<vmem>>
          %dma_start3A_339 = arith.constant 0 : i32
          %dma_start3A_340 = arith.constant 0 : i32
          %dma_start3A_341 = tpu.memref_slice %arg3[%add3A_311, %dma_start3A_339, %dma_start3A_340] : memref<2560x2x128xi32, #tpu.memory_space<hbm>> -> memref<1x2x128xi32, #tpu.memory_space<hbm>>
          %dma_start3A_342 = tpu.memref_squeeze %dma_start3A_341 : memref<1x2x128xi32, #tpu.memory_space<hbm>> -> memref<2x128xi32, #tpu.memory_space<hbm>>
          tpu.enqueue_dma source(%dma_start3A_342 : memref<2x128xi32, #tpu.memory_space<hbm>>) target(%dma_start3A_338 : memref<2x128xi32, #tpu.memory_space<vmem>>) target_semaphore(%run_scoped3A_326 : memref<!tpu.dma_semaphore, #tpu.memory_space<semaphore_mem>>)
          %dma_wait3A_343 = arith.constant 0 : i32
          %dma_wait3A_344 = arith.constant 0 : i32
          %dma_wait3A_345 = tpu.memref_slice %arg5[%run_scoped3A_312, %dma_wait3A_343, %dma_wait3A_344] : memref<2x2x128xi32, #tpu.memory_space<vmem>> -> memref<1x2x128xi32, #tpu.memory_space<vmem>>
          %dma_wait3A_346 = tpu.memref_squeeze %dma_wait3A_345 : memref<1x2x128xi32, #tpu.memory_space<vmem>> -> memref<2x128xi32, #tpu.memory_space<vmem>>
          %dma_wait3A_347 = arith.constant 0 : i32
          %dma_wait3A_348 = arith.constant 0 : i32
          %dma_wait3A_349 = tpu.memref_slice %arg3[%add3A_311, %dma_wait3A_347, %dma_wait3A_348] : memref<2560x2x128xi32, #tpu.memory_space<hbm>> -> memref<1x2x128xi32, #tpu.memory_space<hbm>>
          %dma_wait3A_350 = tpu.memref_squeeze %dma_wait3A_349 : memref<1x2x128xi32, #tpu.memory_space<hbm>> -> memref<2x128xi32, #tpu.memory_space<hbm>>
          %dma_wait3A_351 = arith.constant 0 : i32
          %dma_wait3A_352 = arith.constant 0 : i32
          %dma_wait3A_353 = tpu.memref_slice %arg5[%run_scoped3A_312, %dma_wait3A_351, %dma_wait3A_352] : memref<2x2x128xi32, #tpu.memory_space<vmem>> -> memref<1x2x128xi32, #tpu.memory_space<vmem>>
          %dma_wait3A_354 = tpu.memref_squeeze %dma_wait3A_353 : memref<1x2x128xi32, #tpu.memory_space<vmem>> -> memref<2x128xi32, #tpu.memory_space<vmem>>
          %dma_wait3A_355 = arith.constant 0 : i32
          %dma_wait3A_356 = arith.constant 0 : i32
          %dma_wait3A_357 = tpu.memref_slice %arg3[%add3A_311, %dma_wait3A_355, %dma_wait3A_356] : memref<2560x2x128xi32, #tpu.memory_space<hbm>> -> memref<1x2x128xi32, #tpu.memory_space<hbm>>
          %dma_wait3A_358 = tpu.memref_squeeze %dma_wait3A_357 : memref<1x2x128xi32, #tpu.memory_space<hbm>> -> memref<2x128xi32, #tpu.memory_space<hbm>>
          tpu.wait_dma2 semaphore(%run_scoped3A_326 : memref<!tpu.dma_semaphore, #tpu.memory_space<semaphore_mem>>) src(%dma_wait3A_358 : memref<2x128xi32, #tpu.memory_space<hbm>>) dst(%dma_wait3A_354 : memref<2x128xi32, #tpu.memory_space<vmem>>)
          tpu.yield
        }) : () -> ()
        %dma_start3A_313 = arith.constant 1 : i32
        %dma_start3A_314 = arith.constant 0 : i32
        %dma_start3A_315 = arith.constant 1 : i32
        %dma_start3A_316 = arith.constant 0 : i32
        %dma_start3A_317 = arith.constant 0 : i32
        %dma_start3A_318 = tpu.memref_slice %arg6[%dma_start3A_315, %dma_start3A_316, %dma_start3A_317] : memref<2x128x128xf32, #tpu.memory_space<vmem>> -> memref<1x128x128xf32, #tpu.memory_space<vmem>>
        %dma_start3A_319 = tpu.memref_squeeze %dma_start3A_318 : memref<1x128x128xf32, #tpu.memory_space<vmem>> -> memref<128x128xf32, #tpu.memory_space<vmem>>
        %dma_start3A_320 = arith.constant 0 : i32
        %dma_start3A_321 = tpu.memref_slice %arg5[%dma_start3A_313, %dma_start3A_314, %dma_start3A_320] : memref<2x2x128xi32, #tpu.memory_space<vmem>> -> memref<1x1x128xi32, #tpu.memory_space<vmem>>
        %dma_start3A_322 = tpu.memref_squeeze %dma_start3A_321 : memref<1x1x128xi32, #tpu.memory_space<vmem>> -> memref<128xi32, #tpu.memory_space<vmem>>
        %dma_start3A_323 = arith.constant 0 : i32
        %dma_start3A_324 = arith.constant 0 : i32
        %dma_start3A_325 = tpu.memref_slice %arg2[%dma_start3A_323, %dma_start3A_324] : memref<10240x128xf32, #tpu.memory_space<hbm>> -> memref<10240x128xf32, #tpu.memory_space<hbm>>
        tpu.enqueue_indirect_dma source(%dma_start3A_325 : memref<10240x128xf32, #tpu.memory_space<hbm>>) target(%dma_start3A_319 : memref<128x128xf32, #tpu.memory_space<vmem>>) offsets(%dma_start3A_322 : memref<128xi32, #tpu.memory_space<vmem>>) semaphore(%arg9 : memref<!tpu.dma_semaphore, #tpu.memory_space<semaphore_mem>>)
      } else {
      }
    }
    %barrier3A_212 = arith.constant 0 : index
    tpu.barrier barrier_id(%barrier3A_212)
    "tpu.region"() ({
      %run_scoped3A_213 = tpu.sem_alloc : memref<!tpu.dma_semaphore, #tpu.memory_space<semaphore_mem>>
      %dma_start3A_214 = arith.constant 0 : i32
      %dma_start3A_215 = tpu.memref_slice %arg4[%arg0, %mul3A_15, %dma_start3A_214] : memref<2x10240x128xf32, #tpu.memory_space<hbm>> -> memref<1x640x128xf32, #tpu.memory_space<hbm>>
      %dma_start3A_216 = tpu.memref_squeeze %dma_start3A_215 : memref<1x640x128xf32, #tpu.memory_space<hbm>> -> memref<640x128xf32, #tpu.memory_space<hbm>>
      %dma_start3A_217 = arith.constant 0 : i32
      %dma_start3A_218 = tpu.memref_slice %arg7[%mul3A_15, %dma_start3A_217] : memref<10240x128xf32, #tpu.memory_space<vmem_shared>> -> memref<640x128xf32, #tpu.memory_space<vmem_shared>>
      tpu.enqueue_dma source(%dma_start3A_218 : memref<640x128xf32, #tpu.memory_space<vmem_shared>>) target(%dma_start3A_216 : memref<640x128xf32, #tpu.memory_space<hbm>>) target_semaphore(%run_scoped3A_213 : memref<!tpu.dma_semaphore, #tpu.memory_space<semaphore_mem>>)
      %dma_wait3A_219 = arith.constant 0 : i32
      %dma_wait3A_220 = tpu.memref_slice %arg4[%arg0, %mul3A_15, %dma_wait3A_219] : memref<2x10240x128xf32, #tpu.memory_space<hbm>> -> memref<1x640x128xf32, #tpu.memory_space<hbm>>
      %dma_wait3A_221 = tpu.memref_squeeze %dma_wait3A_220 : memref<1x640x128xf32, #tpu.memory_space<hbm>> -> memref<640x128xf32, #tpu.memory_space<hbm>>
      %dma_wait3A_222 = arith.constant 0 : i32
      %dma_wait3A_223 = tpu.memref_slice %arg7[%mul3A_15, %dma_wait3A_222] : memref<10240x128xf32, #tpu.memory_space<vmem_shared>> -> memref<640x128xf32, #tpu.memory_space<vmem_shared>>
      tpu.wait_dma2 semaphore(%run_scoped3A_213 : memref<!tpu.dma_semaphore, #tpu.memory_space<semaphore_mem>>) src(%dma_wait3A_223 : memref<640x128xf32, #tpu.memory_space<vmem_shared>>) dst(%dma_wait3A_221 : memref<640x128xf32, #tpu.memory_space<hbm>>)
      tpu.yield
    }) : () -> ()
    return
  }
}

#map = affine_map<(d0, d1) -> (0, 0)>
#map1 = affine_map<(d0, d1) -> (0, 0, 0)>
module attributes {stable_mosaic.version = 14 : i64} {
  func.func @_spmm_body(%arg0: i32, %arg1: i32, %arg2: memref<10240x128xf32, #tpu.memory_space<hbm>>, %arg3: memref<2560x2x128xi32, #tpu.memory_space<hbm>>, %arg4: memref<2x10240x128xf32, #tpu.memory_space<hbm>>, %arg5: memref<2x2x128xi32, #tpu.memory_space<vmem>>, %arg6: memref<2x128x128xf32, #tpu.memory_space<vmem>>, %arg7: memref<10240x128xf32, #tpu.memory_space<vmem_shared>>, %arg8: memref<!tpu.dma_semaphore, #tpu.memory_space<semaphore_mem>>, %arg9: memref<!tpu.dma_semaphore, #tpu.memory_space<semaphore_mem>>, %arg10: memref<!tpu.dma_semaphore, #tpu.memory_space<semaphore_mem>>, %arg11: memref<!tpu.dma_semaphore, #tpu.memory_space<semaphore_mem>>) attributes {dimension_semantics = [#tpu.dimension_semantics<core_parallel>, #tpu.dimension_semantics<subcore_parallel>], iteration_bounds = array<i64: 2, 16>, scalar_prefetch = 0 : i64, scratch_operands = 7 : i64, tpu.core_type = #tpu.core_type<sc_vector_subcore>, window_params = [{transform_indices = #map}, {transform_indices = #map1}, {transform_indices = #map1}]} {
    %eq3A = arith.constant 1 : i32
    %eq3A_0 = arith.cmpi eq, %arg0, %eq3A : i32
    %jit3A = arith.constant 80 : i32
    %jit3A_1 = arith.constant 80 : i32
    %select_n3A = arith.select %eq3A_0, %jit3A, %jit3A_1 : i32
    %eq3A_2 = arith.constant 1 : i32
    %eq3A_3 = arith.cmpi eq, %arg0, %eq3A_2 : i32
    %mul3A = arith.constant 80 : i32
    %mul3A_4 = arith.muli %arg1, %mul3A : i32
    %mul3A_5 = arith.constant 80 : i32
    %mul3A_6 = arith.muli %arg1, %mul3A_5 : i32
    %add3A = arith.constant 1280 : i32
    %add3A_7 = arith.addi %add3A, %mul3A_6 : i32
    %select_n3A_8 = arith.select %eq3A_3, %mul3A_4, %add3A_7 : i32
    %scan3A = arith.constant 0 : i32
    %scan3A_9 = arith.constant 0 : i32
    %scan3A_10 = arith.constant 128 : i32
    %scan3A_11 = arith.addi %scan3A_9, %scan3A_10 : i32
    %scan3A_12 = arith.constant 1 : i32
    scf.for %scan3A_213 = %scan3A_9 to %scan3A_11 step %scan3A_12  : i32 {
      %scan3A_214 = arith.constant 0 : i32
      %scan3A_215 = arith.constant 0 : i32
      %scan3A_216 = arith.constant 8 : i32
      %scan3A_217 = arith.addi %scan3A_215, %scan3A_216 : i32
      %scan3A_218 = arith.constant 1 : i32
      scf.for %scan3A_220 = %scan3A_215 to %scan3A_217 step %scan3A_218  : i32 {
        %broadcast_in_dim3A = arith.constant 0.000000e+00 : f32
        %broadcast_in_dim3A_221 = vector.broadcast %broadcast_in_dim3A : f32 to vector<16xf32>
        %mul3A_222 = arith.constant 16 : i32
        %mul3A_223 = arith.muli %scan3A_220, %mul3A_222 : i32
        %swap3A = arith.constant 0 : i32
        %swap3A_224 = arith.index_cast %swap3A : i32 to index
        %swap3A_225 = arith.index_cast %scan3A_213 : i32 to index
        %swap3A_226 = arith.index_cast %mul3A_223 : i32 to index
        %swap3A_227 = tpu.vector_load %arg6[%swap3A_224, %swap3A_225, %swap3A_226] {strides = array<i32>} : memref<2x128x128xf32, #tpu.memory_space<vmem>>, vector<1x1x16xf32>,
        %swap3A_228 = vector.shape_cast %swap3A_227 : vector<1x1x16xf32> to vector<16xf32>
        %swap3A_229 = vector.shape_cast %broadcast_in_dim3A_221 : vector<16xf32> to vector<1x1x16xf32>
        tpu.vector_store %arg6[%swap3A_224, %swap3A_225, %swap3A_226], %swap3A_229 {strides = array<i32>} : memref<2x128x128xf32, #tpu.memory_space<vmem>>, vector<1x1x16xf32>,
      }
      %scan3A_219 = arith.constant 8 : i32
    }
    %scan3A_13 = arith.constant 128 : i32
    %mul3A_14 = arith.constant 640 : i32
    %mul3A_15 = arith.muli %arg1, %mul3A_14 : i32
    %add3A_16 = arith.constant 0 : i32
    %add3A_17 = arith.addi %mul3A_15, %add3A_16 : i32
    %add3A_18 = arith.constant 128 : i32
    %add3A_19 = arith.addi %mul3A_15, %add3A_18 : i32
    %add3A_20 = arith.constant 256 : i32
    %add3A_21 = arith.addi %mul3A_15, %add3A_20 : i32
    %add3A_22 = arith.constant 384 : i32
    %add3A_23 = arith.addi %mul3A_15, %add3A_22 : i32
    %add3A_24 = arith.constant 512 : i32
    %add3A_25 = arith.addi %mul3A_15, %add3A_24 : i32
    %dma_start3A = arith.constant 0 : i32
    %dma_start3A_26 = arith.constant 0 : i32
    %dma_start3A_27 = arith.constant 0 : i32
    %dma_start3A_28 = tpu.memref_slice %arg6[%dma_start3A, %dma_start3A_26, %dma_start3A_27] : memref<2x128x128xf32, #tpu.memory_space<vmem>> -> memref<1x128x128xf32, #tpu.memory_space<vmem>>
    %dma_start3A_29 = tpu.memref_squeeze %dma_start3A_28 : memref<1x128x128xf32, #tpu.memory_space<vmem>> -> memref<128x128xf32, #tpu.memory_space<vmem>>
    %dma_start3A_30 = arith.constant 0 : i32
    %dma_start3A_31 = tpu.memref_slice %arg7[%add3A_17, %dma_start3A_30] : memref<10240x128xf32, #tpu.memory_space<vmem_shared>> -> memref<128x128xf32, #tpu.memory_space<vmem_shared>>
    %dma_start3A_32 = arith.constant 0 : i32
    %dma_start3A_33 = tpu.memref_slice %arg7[%add3A_17, %dma_start3A_32] : memref<10240x128xf32, #tpu.memory_space<vmem_shared>> -> memref<128x128xf32, #tpu.memory_space<vmem_shared>>
    %dma_start3A_34 = arith.constant 0 : i32
    %dma_start3A_35 = arith.constant 0 : i32
    %dma_start3A_36 = tpu.memref_slice %arg6[%dma_start3A, %dma_start3A_34, %dma_start3A_35] : memref<2x128x128xf32, #tpu.memory_space<vmem>> -> memref<1x128x128xf32, #tpu.memory_space<vmem>>
    %dma_start3A_37 = tpu.memref_squeeze %dma_start3A_36 : memref<1x128x128xf32, #tpu.memory_space<vmem>> -> memref<128x128xf32, #tpu.memory_space<vmem>>
    tpu.enqueue_dma source(%dma_start3A_37 : memref<128x128xf32, #tpu.memory_space<vmem>>) target(%dma_start3A_33 : memref<128x128xf32, #tpu.memory_space<vmem_shared>>) target_semaphore(%arg10 : memref<!tpu.dma_semaphore, #tpu.memory_space<semaphore_mem>>)
    %dma_start3A_38 = arith.constant 0 : i32
    %dma_start3A_39 = arith.constant 0 : i32
    %dma_start3A_40 = arith.constant 0 : i32
    %dma_start3A_41 = tpu.memref_slice %arg6[%dma_start3A_38, %dma_start3A_39, %dma_start3A_40] : memref<2x128x128xf32, #tpu.memory_space<vmem>> -> memref<1x128x128xf32, #tpu.memory_space<vmem>>
    %dma_start3A_42 = tpu.memref_squeeze %dma_start3A_41 : memref<1x128x128xf32, #tpu.memory_space<vmem>> -> memref<128x128xf32, #tpu.memory_space<vmem>>
    %dma_start3A_43 = arith.constant 0 : i32
    %dma_start3A_44 = tpu.memref_slice %arg7[%add3A_19, %dma_start3A_43] : memref<10240x128xf32, #tpu.memory_space<vmem_shared>> -> memref<128x128xf32, #tpu.memory_space<vmem_shared>>
    %dma_start3A_45 = arith.constant 0 : i32
    %dma_start3A_46 = tpu.memref_slice %arg7[%add3A_19, %dma_start3A_45] : memref<10240x128xf32, #tpu.memory_space<vmem_shared>> -> memref<128x128xf32, #tpu.memory_space<vmem_shared>>
    %dma_start3A_47 = arith.constant 0 : i32
    %dma_start3A_48 = arith.constant 0 : i32
    %dma_start3A_49 = tpu.memref_slice %arg6[%dma_start3A_38, %dma_start3A_47, %dma_start3A_48] : memref<2x128x128xf32, #tpu.memory_space<vmem>> -> memref<1x128x128xf32, #tpu.memory_space<vmem>>
    %dma_start3A_50 = tpu.memref_squeeze %dma_start3A_49 : memref<1x128x128xf32, #tpu.memory_space<vmem>> -> memref<128x128xf32, #tpu.memory_space<vmem>>
    tpu.enqueue_dma source(%dma_start3A_50 : memref<128x128xf32, #tpu.memory_space<vmem>>) target(%dma_start3A_46 : memref<128x128xf32, #tpu.memory_space<vmem_shared>>) target_semaphore(%arg10 : memref<!tpu.dma_semaphore, #tpu.memory_space<semaphore_mem>>)
    %dma_start3A_51 = arith.constant 0 : i32
    %dma_start3A_52 = arith.constant 0 : i32
    %dma_start3A_53 = arith.constant 0 : i32
    %dma_start3A_54 = tpu.memref_slice %arg6[%dma_start3A_51, %dma_start3A_52, %dma_start3A_53] : memref<2x128x128xf32, #tpu.memory_space<vmem>> -> memref<1x128x128xf32, #tpu.memory_space<vmem>>
    %dma_start3A_55 = tpu.memref_squeeze %dma_start3A_54 : memref<1x128x128xf32, #tpu.memory_space<vmem>> -> memref<128x128xf32, #tpu.memory_space<vmem>>
    %dma_start3A_56 = arith.constant 0 : i32
    %dma_start3A_57 = tpu.memref_slice %arg7[%add3A_21, %dma_start3A_56] : memref<10240x128xf32, #tpu.memory_space<vmem_shared>> -> memref<128x128xf32, #tpu.memory_space<vmem_shared>>
    %dma_start3A_58 = arith.constant 0 : i32
    %dma_start3A_59 = tpu.memref_slice %arg7[%add3A_21, %dma_start3A_58] : memref<10240x128xf32, #tpu.memory_space<vmem_shared>> -> memref<128x128xf32, #tpu.memory_space<vmem_shared>>
    %dma_start3A_60 = arith.constant 0 : i32
    %dma_start3A_61 = arith.constant 0 : i32
    %dma_start3A_62 = tpu.memref_slice %arg6[%dma_start3A_51, %dma_start3A_60, %dma_start3A_61] : memref<2x128x128xf32, #tpu.memory_space<vmem>> -> memref<1x128x128xf32, #tpu.memory_space<vmem>>
    %dma_start3A_63 = tpu.memref_squeeze %dma_start3A_62 : memref<1x128x128xf32, #tpu.memory_space<vmem>> -> memref<128x128xf32, #tpu.memory_space<vmem>>
    tpu.enqueue_dma source(%dma_start3A_63 : memref<128x128xf32, #tpu.memory_space<vmem>>) target(%dma_start3A_59 : memref<128x128xf32, #tpu.memory_space<vmem_shared>>) target_semaphore(%arg10 : memref<!tpu.dma_semaphore, #tpu.memory_space<semaphore_mem>>)
    %dma_start3A_64 = arith.constant 0 : i32
    %dma_start3A_65 = arith.constant 0 : i32
    %dma_start3A_66 = arith.constant 0 : i32
    %dma_start3A_67 = tpu.memref_slice %arg6[%dma_start3A_64, %dma_start3A_65, %dma_start3A_66] : memref<2x128x128xf32, #tpu.memory_space<vmem>> -> memref<1x128x128xf32, #tpu.memory_space<vmem>>
    %dma_start3A_68 = tpu.memref_squeeze %dma_start3A_67 : memref<1x128x128xf32, #tpu.memory_space<vmem>> -> memref<128x128xf32, #tpu.memory_space<vmem>>
    %dma_start3A_69 = arith.constant 0 : i32
    %dma_start3A_70 = tpu.memref_slice %arg7[%add3A_23, %dma_start3A_69] : memref<10240x128xf32, #tpu.memory_space<vmem_shared>> -> memref<128x128xf32, #tpu.memory_space<vmem_shared>>
    %dma_start3A_71 = arith.constant 0 : i32
    %dma_start3A_72 = tpu.memref_slice %arg7[%add3A_23, %dma_start3A_71] : memref<10240x128xf32, #tpu.memory_space<vmem_shared>> -> memref<128x128xf32, #tpu.memory_space<vmem_shared>>
    %dma_start3A_73 = arith.constant 0 : i32
    %dma_start3A_74 = arith.constant 0 : i32
    %dma_start3A_75 = tpu.memref_slice %arg6[%dma_start3A_64, %dma_start3A_73, %dma_start3A_74] : memref<2x128x128xf32, #tpu.memory_space<vmem>> -> memref<1x128x128xf32, #tpu.memory_space<vmem>>
    %dma_start3A_76 = tpu.memref_squeeze %dma_start3A_75 : memref<1x128x128xf32, #tpu.memory_space<vmem>> -> memref<128x128xf32, #tpu.memory_space<vmem>>
    tpu.enqueue_dma source(%dma_start3A_76 : memref<128x128xf32, #tpu.memory_space<vmem>>) target(%dma_start3A_72 : memref<128x128xf32, #tpu.memory_space<vmem_shared>>) target_semaphore(%arg10 : memref<!tpu.dma_semaphore, #tpu.memory_space<semaphore_mem>>)
    %dma_start3A_77 = arith.constant 0 : i32
    %dma_start3A_78 = arith.constant 0 : i32
    %dma_start3A_79 = arith.constant 0 : i32
    %dma_start3A_80 = tpu.memref_slice %arg6[%dma_start3A_77, %dma_start3A_78, %dma_start3A_79] : memref<2x128x128xf32, #tpu.memory_space<vmem>> -> memref<1x128x128xf32, #tpu.memory_space<vmem>>
    %dma_start3A_81 = tpu.memref_squeeze %dma_start3A_80 : memref<1x128x128xf32, #tpu.memory_space<vmem>> -> memref<128x128xf32, #tpu.memory_space<vmem>>
    %dma_start3A_82 = arith.constant 0 : i32
    %dma_start3A_83 = tpu.memref_slice %arg7[%add3A_25, %dma_start3A_82] : memref<10240x128xf32, #tpu.memory_space<vmem_shared>> -> memref<128x128xf32, #tpu.memory_space<vmem_shared>>
    %dma_start3A_84 = arith.constant 0 : i32
    %dma_start3A_85 = tpu.memref_slice %arg7[%add3A_25, %dma_start3A_84] : memref<10240x128xf32, #tpu.memory_space<vmem_shared>> -> memref<128x128xf32, #tpu.memory_space<vmem_shared>>
    %dma_start3A_86 = arith.constant 0 : i32
    %dma_start3A_87 = arith.constant 0 : i32
    %dma_start3A_88 = tpu.memref_slice %arg6[%dma_start3A_77, %dma_start3A_86, %dma_start3A_87] : memref<2x128x128xf32, #tpu.memory_space<vmem>> -> memref<1x128x128xf32, #tpu.memory_space<vmem>>
    %dma_start3A_89 = tpu.memref_squeeze %dma_start3A_88 : memref<1x128x128xf32, #tpu.memory_space<vmem>> -> memref<128x128xf32, #tpu.memory_space<vmem>>
    tpu.enqueue_dma source(%dma_start3A_89 : memref<128x128xf32, #tpu.memory_space<vmem>>) target(%dma_start3A_85 : memref<128x128xf32, #tpu.memory_space<vmem_shared>>) target_semaphore(%arg10 : memref<!tpu.dma_semaphore, #tpu.memory_space<semaphore_mem>>)
    %dma_wait3A = arith.constant 0 : i32
    %dma_wait3A_90 = arith.constant 0 : i32
    %dma_wait3A_91 = arith.constant 0 : i32
    %dma_wait3A_92 = tpu.memref_slice %arg6[%dma_wait3A, %dma_wait3A_90, %dma_wait3A_91] : memref<2x128x128xf32, #tpu.memory_space<vmem>> -> memref<1x128x128xf32, #tpu.memory_space<vmem>>
    %dma_wait3A_93 = tpu.memref_squeeze %dma_wait3A_92 : memref<1x128x128xf32, #tpu.memory_space<vmem>> -> memref<128x128xf32, #tpu.memory_space<vmem>>
    %dma_wait3A_94 = arith.constant 0 : i32
    %dma_wait3A_95 = tpu.memref_slice %arg7[%add3A_17, %dma_wait3A_94] : memref<10240x128xf32, #tpu.memory_space<vmem_shared>> -> memref<128x128xf32, #tpu.memory_space<vmem_shared>>
    %dma_wait3A_96 = arith.constant 0 : i32
    %dma_wait3A_97 = tpu.memref_slice %arg7[%add3A_17, %dma_wait3A_96] : memref<10240x128xf32, #tpu.memory_space<vmem_shared>> -> memref<128x128xf32, #tpu.memory_space<vmem_shared>>
    %dma_wait3A_98 = arith.constant 0 : i32
    %dma_wait3A_99 = arith.constant 0 : i32
    %dma_wait3A_100 = tpu.memref_slice %arg6[%dma_wait3A, %dma_wait3A_98, %dma_wait3A_99] : memref<2x128x128xf32, #tpu.memory_space<vmem>> -> memref<1x128x128xf32, #tpu.memory_space<vmem>>
    %dma_wait3A_101 = tpu.memref_squeeze %dma_wait3A_100 : memref<1x128x128xf32, #tpu.memory_space<vmem>> -> memref<128x128xf32, #tpu.memory_space<vmem>>
    tpu.wait_dma2 semaphore(%arg10 : memref<!tpu.dma_semaphore, #tpu.memory_space<semaphore_mem>>) src(%dma_wait3A_101 : memref<128x128xf32, #tpu.memory_space<vmem>>) dst(%dma_wait3A_97 : memref<128x128xf32, #tpu.memory_space<vmem_shared>>)
    %dma_wait3A_102 = arith.constant 0 : i32
    %dma_wait3A_103 = arith.constant 0 : i32
    %dma_wait3A_104 = arith.constant 0 : i32
    %dma_wait3A_105 = tpu.memref_slice %arg6[%dma_wait3A_102, %dma_wait3A_103, %dma_wait3A_104] : memref<2x128x128xf32, #tpu.memory_space<vmem>> -> memref<1x128x128xf32, #tpu.memory_space<vmem>>
    %dma_wait3A_106 = tpu.memref_squeeze %dma_wait3A_105 : memref<1x128x128xf32, #tpu.memory_space<vmem>> -> memref<128x128xf32, #tpu.memory_space<vmem>>
    %dma_wait3A_107 = arith.constant 0 : i32
    %dma_wait3A_108 = tpu.memref_slice %arg7[%add3A_19, %dma_wait3A_107] : memref<10240x128xf32, #tpu.memory_space<vmem_shared>> -> memref<128x128xf32, #tpu.memory_space<vmem_shared>>
    %dma_wait3A_109 = arith.constant 0 : i32
    %dma_wait3A_110 = tpu.memref_slice %arg7[%add3A_19, %dma_wait3A_109] : memref<10240x128xf32, #tpu.memory_space<vmem_shared>> -> memref<128x128xf32, #tpu.memory_space<vmem_shared>>
    %dma_wait3A_111 = arith.constant 0 : i32
    %dma_wait3A_112 = arith.constant 0 : i32
    %dma_wait3A_113 = tpu.memref_slice %arg6[%dma_wait3A_102, %dma_wait3A_111, %dma_wait3A_112] : memref<2x128x128xf32, #tpu.memory_space<vmem>> -> memref<1x128x128xf32, #tpu.memory_space<vmem>>
    %dma_wait3A_114 = tpu.memref_squeeze %dma_wait3A_113 : memref<1x128x128xf32, #tpu.memory_space<vmem>> -> memref<128x128xf32, #tpu.memory_space<vmem>>
    tpu.wait_dma2 semaphore(%arg10 : memref<!tpu.dma_semaphore, #tpu.memory_space<semaphore_mem>>) src(%dma_wait3A_114 : memref<128x128xf32, #tpu.memory_space<vmem>>) dst(%dma_wait3A_110 : memref<128x128xf32, #tpu.memory_space<vmem_shared>>)
    %dma_wait3A_115 = arith.constant 0 : i32
    %dma_wait3A_116 = arith.constant 0 : i32
    %dma_wait3A_117 = arith.constant 0 : i32
    %dma_wait3A_118 = tpu.memref_slice %arg6[%dma_wait3A_115, %dma_wait3A_116, %dma_wait3A_117] : memref<2x128x128xf32, #tpu.memory_space<vmem>> -> memref<1x128x128xf32, #tpu.memory_space<vmem>>
    %dma_wait3A_119 = tpu.memref_squeeze %dma_wait3A_118 : memref<1x128x128xf32, #tpu.memory_space<vmem>> -> memref<128x128xf32, #tpu.memory_space<vmem>>
    %dma_wait3A_120 = arith.constant 0 : i32
    %dma_wait3A_121 = tpu.memref_slice %arg7[%add3A_21, %dma_wait3A_120] : memref<10240x128xf32, #tpu.memory_space<vmem_shared>> -> memref<128x128xf32, #tpu.memory_space<vmem_shared>>
    %dma_wait3A_122 = arith.constant 0 : i32
    %dma_wait3A_123 = tpu.memref_slice %arg7[%add3A_21, %dma_wait3A_122] : memref<10240x128xf32, #tpu.memory_space<vmem_shared>> -> memref<128x128xf32, #tpu.memory_space<vmem_shared>>
    %dma_wait3A_124 = arith.constant 0 : i32
    %dma_wait3A_125 = arith.constant 0 : i32
    %dma_wait3A_126 = tpu.memref_slice %arg6[%dma_wait3A_115, %dma_wait3A_124, %dma_wait3A_125] : memref<2x128x128xf32, #tpu.memory_space<vmem>> -> memref<1x128x128xf32, #tpu.memory_space<vmem>>
    %dma_wait3A_127 = tpu.memref_squeeze %dma_wait3A_126 : memref<1x128x128xf32, #tpu.memory_space<vmem>> -> memref<128x128xf32, #tpu.memory_space<vmem>>
    tpu.wait_dma2 semaphore(%arg10 : memref<!tpu.dma_semaphore, #tpu.memory_space<semaphore_mem>>) src(%dma_wait3A_127 : memref<128x128xf32, #tpu.memory_space<vmem>>) dst(%dma_wait3A_123 : memref<128x128xf32, #tpu.memory_space<vmem_shared>>)
    %dma_wait3A_128 = arith.constant 0 : i32
    %dma_wait3A_129 = arith.constant 0 : i32
    %dma_wait3A_130 = arith.constant 0 : i32
    %dma_wait3A_131 = tpu.memref_slice %arg6[%dma_wait3A_128, %dma_wait3A_129, %dma_wait3A_130] : memref<2x128x128xf32, #tpu.memory_space<vmem>> -> memref<1x128x128xf32, #tpu.memory_space<vmem>>
    %dma_wait3A_132 = tpu.memref_squeeze %dma_wait3A_131 : memref<1x128x128xf32, #tpu.memory_space<vmem>> -> memref<128x128xf32, #tpu.memory_space<vmem>>
    %dma_wait3A_133 = arith.constant 0 : i32
    %dma_wait3A_134 = tpu.memref_slice %arg7[%add3A_23, %dma_wait3A_133] : memref<10240x128xf32, #tpu.memory_space<vmem_shared>> -> memref<128x128xf32, #tpu.memory_space<vmem_shared>>
    %dma_wait3A_135 = arith.constant 0 : i32
    %dma_wait3A_136 = tpu.memref_slice %arg7[%add3A_23, %dma_wait3A_135] : memref<10240x128xf32, #tpu.memory_space<vmem_shared>> -> memref<128x128xf32, #tpu.memory_space<vmem_shared>>
    %dma_wait3A_137 = arith.constant 0 : i32
    %dma_wait3A_138 = arith.constant 0 : i32
    %dma_wait3A_139 = tpu.memref_slice %arg6[%dma_wait3A_128, %dma_wait3A_137, %dma_wait3A_138] : memref<2x128x128xf32, #tpu.memory_space<vmem>> -> memref<1x128x128xf32, #tpu.memory_space<vmem>>
    %dma_wait3A_140 = tpu.memref_squeeze %dma_wait3A_139 : memref<1x128x128xf32, #tpu.memory_space<vmem>> -> memref<128x128xf32, #tpu.memory_space<vmem>>
    tpu.wait_dma2 semaphore(%arg10 : memref<!tpu.dma_semaphore, #tpu.memory_space<semaphore_mem>>) src(%dma_wait3A_140 : memref<128x128xf32, #tpu.memory_space<vmem>>) dst(%dma_wait3A_136 : memref<128x128xf32, #tpu.memory_space<vmem_shared>>)
    %dma_wait3A_141 = arith.constant 0 : i32
    %dma_wait3A_142 = arith.constant 0 : i32
    %dma_wait3A_143 = arith.constant 0 : i32
    %dma_wait3A_144 = tpu.memref_slice %arg6[%dma_wait3A_141, %dma_wait3A_142, %dma_wait3A_143] : memref<2x128x128xf32, #tpu.memory_space<vmem>> -> memref<1x128x128xf32, #tpu.memory_space<vmem>>
    %dma_wait3A_145 = tpu.memref_squeeze %dma_wait3A_144 : memref<1x128x128xf32, #tpu.memory_space<vmem>> -> memref<128x128xf32, #tpu.memory_space<vmem>>
    %dma_wait3A_146 = arith.constant 0 : i32
    %dma_wait3A_147 = tpu.memref_slice %arg7[%add3A_25, %dma_wait3A_146] : memref<10240x128xf32, #tpu.memory_space<vmem_shared>> -> memref<128x128xf32, #tpu.memory_space<vmem_shared>>
    %dma_wait3A_148 = arith.constant 0 : i32
    %dma_wait3A_149 = tpu.memref_slice %arg7[%add3A_25, %dma_wait3A_148] : memref<10240x128xf32, #tpu.memory_space<vmem_shared>> -> memref<128x128xf32, #tpu.memory_space<vmem_shared>>
    %dma_wait3A_150 = arith.constant 0 : i32
    %dma_wait3A_151 = arith.constant 0 : i32
    %dma_wait3A_152 = tpu.memref_slice %arg6[%dma_wait3A_141, %dma_wait3A_150, %dma_wait3A_151] : memref<2x128x128xf32, #tpu.memory_space<vmem>> -> memref<1x128x128xf32, #tpu.memory_space<vmem>>
    %dma_wait3A_153 = tpu.memref_squeeze %dma_wait3A_152 : memref<1x128x128xf32, #tpu.memory_space<vmem>> -> memref<128x128xf32, #tpu.memory_space<vmem>>
    tpu.wait_dma2 semaphore(%arg10 : memref<!tpu.dma_semaphore, #tpu.memory_space<semaphore_mem>>) src(%dma_wait3A_153 : memref<128x128xf32, #tpu.memory_space<vmem>>) dst(%dma_wait3A_149 : memref<128x128xf32, #tpu.memory_space<vmem_shared>>)
    %barrier3A = arith.constant 0 : index
    tpu.barrier barrier_id(%barrier3A)
    %add3A_154 = arith.constant 0 : i32
    %add3A_155 = arith.addi %select_n3A_8, %add3A_154 : i32
    %run_scoped3A = arith.constant 0 : i32
    "tpu.region"() ({
      %run_scoped3A_213 = tpu.sem_alloc : memref<!tpu.dma_semaphore, #tpu.memory_space<semaphore_mem>>
      %dma_start3A_214 = arith.constant 0 : i32
      %dma_start3A_215 = arith.constant 0 : i32
      %dma_start3A_216 = tpu.memref_slice %arg5[%run_scoped3A, %dma_start3A_214, %dma_start3A_215] : memref<2x2x128xi32, #tpu.memory_space<vmem>> -> memref<1x2x128xi32, #tpu.memory_space<vmem>>
      %dma_start3A_217 = tpu.memref_squeeze %dma_start3A_216 : memref<1x2x128xi32, #tpu.memory_space<vmem>> -> memref<2x128xi32, #tpu.memory_space<vmem>>
      %dma_start3A_218 = arith.constant 0 : i32
      %dma_start3A_219 = arith.constant 0 : i32
      %dma_start3A_220 = tpu.memref_slice %arg3[%add3A_155, %dma_start3A_218, %dma_start3A_219] : memref<2560x2x128xi32, #tpu.memory_space<hbm>> -> memref<1x2x128xi32, #tpu.memory_space<hbm>>
      %dma_start3A_221 = tpu.memref_squeeze %dma_start3A_220 : memref<1x2x128xi32, #tpu.memory_space<hbm>> -> memref<2x128xi32, #tpu.memory_space<hbm>>
      %dma_start3A_222 = arith.constant 0 : i32
      %dma_start3A_223 = arith.constant 0 : i32
      %dma_start3A_224 = tpu.memref_slice %arg5[%run_scoped3A, %dma_start3A_222, %dma_start3A_223] : memref<2x2x128xi32, #tpu.memory_space<vmem>> -> memref<1x2x128xi32, #tpu.memory_space<vmem>>
      %dma_start3A_225 = tpu.memref_squeeze %dma_start3A_224 : memref<1x2x128xi32, #tpu.memory_space<vmem>> -> memref<2x128xi32, #tpu.memory_space<vmem>>
      %dma_start3A_226 = arith.constant 0 : i32
      %dma_start3A_227 = arith.constant 0 : i32
      %dma_start3A_228 = tpu.memref_slice %arg3[%add3A_155, %dma_start3A_226, %dma_start3A_227] : memref<2560x2x128xi32, #tpu.memory_space<hbm>> -> memref<1x2x128xi32, #tpu.memory_space<hbm>>
      %dma_start3A_229 = tpu.memref_squeeze %dma_start3A_228 : memref<1x2x128xi32, #tpu.memory_space<hbm>> -> memref<2x128xi32, #tpu.memory_space<hbm>>
      tpu.enqueue_dma source(%dma_start3A_229 : memref<2x128xi32, #tpu.memory_space<hbm>>) target(%dma_start3A_225 : memref<2x128xi32, #tpu.memory_space<vmem>>) target_semaphore(%run_scoped3A_213 : memref<!tpu.dma_semaphore, #tpu.memory_space<semaphore_mem>>)
      %dma_wait3A_230 = arith.constant 0 : i32
      %dma_wait3A_231 = arith.constant 0 : i32
      %dma_wait3A_232 = tpu.memref_slice %arg5[%run_scoped3A, %dma_wait3A_230, %dma_wait3A_231] : memref<2x2x128xi32, #tpu.memory_space<vmem>> -> memref<1x2x128xi32, #tpu.memory_space<vmem>>
      %dma_wait3A_233 = tpu.memref_squeeze %dma_wait3A_232 : memref<1x2x128xi32, #tpu.memory_space<vmem>> -> memref<2x128xi32, #tpu.memory_space<vmem>>
      %dma_wait3A_234 = arith.constant 0 : i32
      %dma_wait3A_235 = arith.constant 0 : i32
      %dma_wait3A_236 = tpu.memref_slice %arg3[%add3A_155, %dma_wait3A_234, %dma_wait3A_235] : memref<2560x2x128xi32, #tpu.memory_space<hbm>> -> memref<1x2x128xi32, #tpu.memory_space<hbm>>
      %dma_wait3A_237 = tpu.memref_squeeze %dma_wait3A_236 : memref<1x2x128xi32, #tpu.memory_space<hbm>> -> memref<2x128xi32, #tpu.memory_space<hbm>>
      %dma_wait3A_238 = arith.constant 0 : i32
      %dma_wait3A_239 = arith.constant 0 : i32
      %dma_wait3A_240 = tpu.memref_slice %arg5[%run_scoped3A, %dma_wait3A_238, %dma_wait3A_239] : memref<2x2x128xi32, #tpu.memory_space<vmem>> -> memref<1x2x128xi32, #tpu.memory_space<vmem>>
      %dma_wait3A_241 = tpu.memref_squeeze %dma_wait3A_240 : memref<1x2x128xi32, #tpu.memory_space<vmem>> -> memref<2x128xi32, #tpu.memory_space<vmem>>
      %dma_wait3A_242 = arith.constant 0 : i32
      %dma_wait3A_243 = arith.constant 0 : i32
      %dma_wait3A_244 = tpu.memref_slice %arg3[%add3A_155, %dma_wait3A_242, %dma_wait3A_243] : memref<2560x2x128xi32, #tpu.memory_space<hbm>> -> memref<1x2x128xi32, #tpu.memory_space<hbm>>
      %dma_wait3A_245 = tpu.memref_squeeze %dma_wait3A_244 : memref<1x2x128xi32, #tpu.memory_space<hbm>> -> memref<2x128xi32, #tpu.memory_space<hbm>>
      tpu.wait_dma2 semaphore(%run_scoped3A_213 : memref<!tpu.dma_semaphore, #tpu.memory_space<semaphore_mem>>) src(%dma_wait3A_245 : memref<2x128xi32, #tpu.memory_space<hbm>>) dst(%dma_wait3A_241 : memref<2x128xi32, #tpu.memory_space<vmem>>)
      tpu.yield
    }) : () -> ()
    %dma_start3A_156 = arith.constant 0 : i32
    %dma_start3A_157 = arith.constant 0 : i32
    %dma_start3A_158 = arith.constant 0 : i32
    %dma_start3A_159 = arith.constant 0 : i32
    %dma_start3A_160 = arith.constant 0 : i32
    %dma_start3A_161 = tpu.memref_slice %arg6[%dma_start3A_158, %dma_start3A_159, %dma_start3A_160] : memref<2x128x128xf32, #tpu.memory_space<vmem>> -> memref<1x128x128xf32, #tpu.memory_space<vmem>>
    %dma_start3A_162 = tpu.memref_squeeze %dma_start3A_161 : memref<1x128x128xf32, #tpu.memory_space<vmem>> -> memref<128x128xf32, #tpu.memory_space<vmem>>
    %dma_start3A_163 = arith.constant 0 : i32
    %dma_start3A_164 = tpu.memref_slice %arg5[%dma_start3A_156, %dma_start3A_157, %dma_start3A_163] : memref<2x2x128xi32, #tpu.memory_space<vmem>> -> memref<1x1x128xi32, #tpu.memory_space<vmem>>
    %dma_start3A_165 = tpu.memref_squeeze %dma_start3A_164 : memref<1x1x128xi32, #tpu.memory_space<vmem>> -> memref<128xi32, #tpu.memory_space<vmem>>
    %dma_start3A_166 = arith.constant 0 : i32
    %dma_start3A_167 = arith.constant 0 : i32
    %dma_start3A_168 = tpu.memref_slice %arg2[%dma_start3A_166, %dma_start3A_167] : memref<10240x128xf32, #tpu.memory_space<hbm>> -> memref<10240x128xf32, #tpu.memory_space<hbm>>
    tpu.enqueue_indirect_dma source(%dma_start3A_168 : memref<10240x128xf32, #tpu.memory_space<hbm>>) target(%dma_start3A_162 : memref<128x128xf32, #tpu.memory_space<vmem>>) offsets(%dma_start3A_165 : memref<128xi32, #tpu.memory_space<vmem>>) semaphore(%arg8 : memref<!tpu.dma_semaphore, #tpu.memory_space<semaphore_mem>>)
    %add3A_169 = arith.constant 1 : i32
    %add3A_170 = arith.addi %select_n3A_8, %add3A_169 : i32
    %run_scoped3A_171 = arith.constant 1 : i32
    "tpu.region"() ({
      %run_scoped3A_213 = tpu.sem_alloc : memref<!tpu.dma_semaphore, #tpu.memory_space<semaphore_mem>>
      %dma_start3A_214 = arith.constant 0 : i32
      %dma_start3A_215 = arith.constant 0 : i32
      %dma_start3A_216 = tpu.memref_slice %arg5[%run_scoped3A_171, %dma_start3A_214, %dma_start3A_215] : memref<2x2x128xi32, #tpu.memory_space<vmem>> -> memref<1x2x128xi32, #tpu.memory_space<vmem>>
      %dma_start3A_217 = tpu.memref_squeeze %dma_start3A_216 : memref<1x2x128xi32, #tpu.memory_space<vmem>> -> memref<2x128xi32, #tpu.memory_space<vmem>>
      %dma_start3A_218 = arith.constant 0 : i32
      %dma_start3A_219 = arith.constant 0 : i32
      %dma_start3A_220 = tpu.memref_slice %arg3[%add3A_170, %dma_start3A_218, %dma_start3A_219] : memref<2560x2x128xi32, #tpu.memory_space<hbm>> -> memref<1x2x128xi32, #tpu.memory_space<hbm>>
      %dma_start3A_221 = tpu.memref_squeeze %dma_start3A_220 : memref<1x2x128xi32, #tpu.memory_space<hbm>> -> memref<2x128xi32, #tpu.memory_space<hbm>>
      %dma_start3A_222 = arith.constant 0 : i32
      %dma_start3A_223 = arith.constant 0 : i32
      %dma_start3A_224 = tpu.memref_slice %arg5[%run_scoped3A_171, %dma_start3A_222, %dma_start3A_223] : memref<2x2x128xi32, #tpu.memory_space<vmem>> -> memref<1x2x128xi32, #tpu.memory_space<vmem>>
      %dma_start3A_225 = tpu.memref_squeeze %dma_start3A_224 : memref<1x2x128xi32, #tpu.memory_space<vmem>> -> memref<2x128xi32, #tpu.memory_space<vmem>>
      %dma_start3A_226 = arith.constant 0 : i32
      %dma_start3A_227 = arith.constant 0 : i32
      %dma_start3A_228 = tpu.memref_slice %arg3[%add3A_170, %dma_start3A_226, %dma_start3A_227] : memref<2560x2x128xi32, #tpu.memory_space<hbm>> -> memref<1x2x128xi32, #tpu.memory_space<hbm>>
      %dma_start3A_229 = tpu.memref_squeeze %dma_start3A_228 : memref<1x2x128xi32, #tpu.memory_space<hbm>> -> memref<2x128xi32, #tpu.memory_space<hbm>>
      tpu.enqueue_dma source(%dma_start3A_229 : memref<2x128xi32, #tpu.memory_space<hbm>>) target(%dma_start3A_225 : memref<2x128xi32, #tpu.memory_space<vmem>>) target_semaphore(%run_scoped3A_213 : memref<!tpu.dma_semaphore, #tpu.memory_space<semaphore_mem>>)
      %dma_wait3A_230 = arith.constant 0 : i32
      %dma_wait3A_231 = arith.constant 0 : i32
      %dma_wait3A_232 = tpu.memref_slice %arg5[%run_scoped3A_171, %dma_wait3A_230, %dma_wait3A_231] : memref<2x2x128xi32, #tpu.memory_space<vmem>> -> memref<1x2x128xi32, #tpu.memory_space<vmem>>
      %dma_wait3A_233 = tpu.memref_squeeze %dma_wait3A_232 : memref<1x2x128xi32, #tpu.memory_space<vmem>> -> memref<2x128xi32, #tpu.memory_space<vmem>>
      %dma_wait3A_234 = arith.constant 0 : i32
      %dma_wait3A_235 = arith.constant 0 : i32
      %dma_wait3A_236 = tpu.memref_slice %arg3[%add3A_170, %dma_wait3A_234, %dma_wait3A_235] : memref<2560x2x128xi32, #tpu.memory_space<hbm>> -> memref<1x2x128xi32, #tpu.memory_space<hbm>>
      %dma_wait3A_237 = tpu.memref_squeeze %dma_wait3A_236 : memref<1x2x128xi32, #tpu.memory_space<hbm>> -> memref<2x128xi32, #tpu.memory_space<hbm>>
      %dma_wait3A_238 = arith.constant 0 : i32
      %dma_wait3A_239 = arith.constant 0 : i32
      %dma_wait3A_240 = tpu.memref_slice %arg5[%run_scoped3A_171, %dma_wait3A_238, %dma_wait3A_239] : memref<2x2x128xi32, #tpu.memory_space<vmem>> -> memref<1x2x128xi32, #tpu.memory_space<vmem>>
      %dma_wait3A_241 = tpu.memref_squeeze %dma_wait3A_240 : memref<1x2x128xi32, #tpu.memory_space<vmem>> -> memref<2x128xi32, #tpu.memory_space<vmem>>
      %dma_wait3A_242 = arith.constant 0 : i32
      %dma_wait3A_243 = arith.constant 0 : i32
      %dma_wait3A_244 = tpu.memref_slice %arg3[%add3A_170, %dma_wait3A_242, %dma_wait3A_243] : memref<2560x2x128xi32, #tpu.memory_space<hbm>> -> memref<1x2x128xi32, #tpu.memory_space<hbm>>
      %dma_wait3A_245 = tpu.memref_squeeze %dma_wait3A_244 : memref<1x2x128xi32, #tpu.memory_space<hbm>> -> memref<2x128xi32, #tpu.memory_space<hbm>>
      tpu.wait_dma2 semaphore(%run_scoped3A_213 : memref<!tpu.dma_semaphore, #tpu.memory_space<semaphore_mem>>) src(%dma_wait3A_245 : memref<2x128xi32, #tpu.memory_space<hbm>>) dst(%dma_wait3A_241 : memref<2x128xi32, #tpu.memory_space<vmem>>)
      tpu.yield
    }) : () -> ()
    %dma_start3A_172 = arith.constant 1 : i32
    %dma_start3A_173 = arith.constant 0 : i32
    %dma_start3A_174 = arith.constant 1 : i32
    %dma_start3A_175 = arith.constant 0 : i32
    %dma_start3A_176 = arith.constant 0 : i32
    %dma_start3A_177 = tpu.memref_slice %arg6[%dma_start3A_174, %dma_start3A_175, %dma_start3A_176] : memref<2x128x128xf32, #tpu.memory_space<vmem>> -> memref<1x128x128xf32, #tpu.memory_space<vmem>>
    %dma_start3A_178 = tpu.memref_squeeze %dma_start3A_177 : memref<1x128x128xf32, #tpu.memory_space<vmem>> -> memref<128x128xf32, #tpu.memory_space<vmem>>
    %dma_start3A_179 = arith.constant 0 : i32
    %dma_start3A_180 = tpu.memref_slice %arg5[%dma_start3A_172, %dma_start3A_173, %dma_start3A_179] : memref<2x2x128xi32, #tpu.memory_space<vmem>> -> memref<1x1x128xi32, #tpu.memory_space<vmem>>
    %dma_start3A_181 = tpu.memref_squeeze %dma_start3A_180 : memref<1x1x128xi32, #tpu.memory_space<vmem>> -> memref<128xi32, #tpu.memory_space<vmem>>
    %dma_start3A_182 = arith.constant 0 : i32
    %dma_start3A_183 = arith.constant 0 : i32
    %dma_start3A_184 = tpu.memref_slice %arg2[%dma_start3A_182, %dma_start3A_183] : memref<10240x128xf32, #tpu.memory_space<hbm>> -> memref<10240x128xf32, #tpu.memory_space<hbm>>
    tpu.enqueue_indirect_dma source(%dma_start3A_184 : memref<10240x128xf32, #tpu.memory_space<hbm>>) target(%dma_start3A_178 : memref<128x128xf32, #tpu.memory_space<vmem>>) offsets(%dma_start3A_181 : memref<128xi32, #tpu.memory_space<vmem>>) semaphore(%arg9 : memref<!tpu.dma_semaphore, #tpu.memory_space<semaphore_mem>>)
    %jit3A_185 = arith.constant 2 : i32
    %div3A = arith.divsi %select_n3A, %jit3A_185 : i32
    %sign3A = arith.constant 0 : i32
    %sign3A_186 = arith.cmpi sgt, %select_n3A, %sign3A : i32
    %sign3A_187 = arith.extui %sign3A_186 : i1 to i32
    %sign3A_188 = arith.constant 0 : i32
    %sign3A_189 = arith.cmpi slt, %select_n3A, %sign3A_188 : i32
    %sign3A_190 = arith.extui %sign3A_189 : i1 to i32
    %sign3A_191 = arith.subi %sign3A_187, %sign3A_190 : i32
    %sign3A_192 = arith.constant 0 : i32
    %sign3A_193 = arith.cmpi sgt, %jit3A_185, %sign3A_192 : i32
    %sign3A_194 = arith.extui %sign3A_193 : i1 to i32
    %sign3A_195 = arith.constant 0 : i32
    %sign3A_196 = arith.cmpi slt, %jit3A_185, %sign3A_195 : i32
    %sign3A_197 = arith.extui %sign3A_196 : i1 to i32
    %sign3A_198 = arith.subi %sign3A_194, %sign3A_197 : i32
    %ne3A = arith.cmpi ne, %sign3A_191, %sign3A_198 : i32
    %rem3A = arith.remsi %select_n3A, %jit3A_185 : i32
    %ne3A_199 = arith.constant 0 : i32
    %ne3A_200 = arith.cmpi ne, %rem3A, %ne3A_199 : i32
    %and3A = arith.andi %ne3A, %ne3A_200 : i1
    %sub3A = arith.constant 1 : i32
    %sub3A_201 = arith.subi %div3A, %sub3A : i32
    %select_n3A_202 = arith.select %and3A, %sub3A_201, %div3A : i32
    %while3A = arith.constant 0 : i32
    %while3A_203 = arith.constant 0 : i32
    %while3A_204 = arith.subi %select_n3A_202, %while3A_203 : i32
    %while3A_205 = arith.addi %while3A_203, %while3A_204 : i32
    %while3A_206 = arith.constant 1 : i32
    %while3A_207 = arith.divsi %while3A_204, %while3A_206 : i32
    %while3A_208 = arith.muli %while3A_207, %while3A_206 : i32
    %while3A_209 = arith.addi %while3A_203, %while3A_208 : i32
    %while3A_210 = arith.constant 1 : i32
    scf.for %while3A_213 = %while3A_203 to %while3A_209 step %while3A_210  : i32 {
      %dma_wait3A_214 = arith.constant 0 : i32
      %dma_wait3A_215 = arith.constant 0 : i32
      %dma_wait3A_216 = arith.constant 0 : i32
      %dma_wait3A_217 = arith.constant 0 : i32
      %dma_wait3A_218 = arith.constant 0 : i32
      %dma_wait3A_219 = tpu.memref_slice %arg6[%dma_wait3A_216, %dma_wait3A_217, %dma_wait3A_218] : memref<2x128x128xf32, #tpu.memory_space<vmem>> -> memref<1x128x128xf32, #tpu.memory_space<vmem>>
      %dma_wait3A_220 = tpu.memref_squeeze %dma_wait3A_219 : memref<1x128x128xf32, #tpu.memory_space<vmem>> -> memref<128x128xf32, #tpu.memory_space<vmem>>
      %dma_wait3A_221 = arith.constant 0 : i32
      %dma_wait3A_222 = tpu.memref_slice %arg5[%dma_wait3A_214, %dma_wait3A_215, %dma_wait3A_221] : memref<2x2x128xi32, #tpu.memory_space<vmem>> -> memref<1x1x128xi32, #tpu.memory_space<vmem>>
      %dma_wait3A_223 = tpu.memref_squeeze %dma_wait3A_222 : memref<1x1x128xi32, #tpu.memory_space<vmem>> -> memref<128xi32, #tpu.memory_space<vmem>>
      %dma_wait3A_224 = arith.constant 0 : i32
      %dma_wait3A_225 = arith.constant 0 : i32
      %dma_wait3A_226 = tpu.memref_slice %arg2[%dma_wait3A_224, %dma_wait3A_225] : memref<10240x128xf32, #tpu.memory_space<hbm>> -> memref<10240x128xf32, #tpu.memory_space<hbm>>
      tpu.wait_indirect_dma semaphore(%arg8 : memref<!tpu.dma_semaphore, #tpu.memory_space<semaphore_mem>>) src(%dma_wait3A_226 : memref<10240x128xf32, #tpu.memory_space<hbm>>) dst(%dma_wait3A_220 : memref<128x128xf32, #tpu.memory_space<vmem>>)
      %dma_start3A_227 = arith.constant 0 : i32
      %dma_start3A_228 = arith.constant 0 : i32
      %dma_start3A_229 = arith.constant 1 : i32
      %dma_start3A_230 = arith.constant 0 : i32
      %dma_start3A_231 = arith.constant 0 : i32
      %dma_start3A_232 = tpu.memref_slice %arg6[%dma_start3A_227, %dma_start3A_230, %dma_start3A_231] : memref<2x128x128xf32, #tpu.memory_space<vmem>> -> memref<1x128x128xf32, #tpu.memory_space<vmem>>
      %dma_start3A_233 = tpu.memref_squeeze %dma_start3A_232 : memref<1x128x128xf32, #tpu.memory_space<vmem>> -> memref<128x128xf32, #tpu.memory_space<vmem>>
      %dma_start3A_234 = arith.constant 0 : i32
      %dma_start3A_235 = tpu.memref_slice %arg5[%dma_start3A_228, %dma_start3A_229, %dma_start3A_234] : memref<2x2x128xi32, #tpu.memory_space<vmem>> -> memref<1x1x128xi32, #tpu.memory_space<vmem>>
      %dma_start3A_236 = tpu.memref_squeeze %dma_start3A_235 : memref<1x1x128xi32, #tpu.memory_space<vmem>> -> memref<128xi32, #tpu.memory_space<vmem>>
      %dma_start3A_237 = arith.constant 0 : i32
      %dma_start3A_238 = arith.constant 0 : i32
      %dma_start3A_239 = tpu.memref_slice %arg7[%dma_start3A_237, %dma_start3A_238] : memref<10240x128xf32, #tpu.memory_space<vmem_shared>> -> memref<10240x128xf32, #tpu.memory_space<vmem_shared>>
      tpu.enqueue_indirect_dma source(%dma_start3A_233 : memref<128x128xf32, #tpu.memory_space<vmem>>) target(%dma_start3A_239 : memref<10240x128xf32, #tpu.memory_space<vmem_shared>>) offsets(%dma_start3A_236 : memref<128xi32, #tpu.memory_space<vmem>>) semaphore(%arg10 : memref<!tpu.dma_semaphore, #tpu.memory_space<semaphore_mem>>) {add = true}
      %dma_wait3A_240 = arith.constant 1 : i32
      %dma_wait3A_241 = arith.constant 0 : i32
      %dma_wait3A_242 = arith.constant 1 : i32
      %dma_wait3A_243 = arith.constant 0 : i32
      %dma_wait3A_244 = arith.constant 0 : i32
      %dma_wait3A_245 = tpu.memref_slice %arg6[%dma_wait3A_242, %dma_wait3A_243, %dma_wait3A_244] : memref<2x128x128xf32, #tpu.memory_space<vmem>> -> memref<1x128x128xf32, #tpu.memory_space<vmem>>
      %dma_wait3A_246 = tpu.memref_squeeze %dma_wait3A_245 : memref<1x128x128xf32, #tpu.memory_space<vmem>> -> memref<128x128xf32, #tpu.memory_space<vmem>>
      %dma_wait3A_247 = arith.constant 0 : i32
      %dma_wait3A_248 = tpu.memref_slice %arg5[%dma_wait3A_240, %dma_wait3A_241, %dma_wait3A_247] : memref<2x2x128xi32, #tpu.memory_space<vmem>> -> memref<1x1x128xi32, #tpu.memory_space<vmem>>
      %dma_wait3A_249 = tpu.memref_squeeze %dma_wait3A_248 : memref<1x1x128xi32, #tpu.memory_space<vmem>> -> memref<128xi32, #tpu.memory_space<vmem>>
      %dma_wait3A_250 = arith.constant 0 : i32
      %dma_wait3A_251 = arith.constant 0 : i32
      %dma_wait3A_252 = tpu.memref_slice %arg2[%dma_wait3A_250, %dma_wait3A_251] : memref<10240x128xf32, #tpu.memory_space<hbm>> -> memref<10240x128xf32, #tpu.memory_space<hbm>>
      tpu.wait_indirect_dma semaphore(%arg9 : memref<!tpu.dma_semaphore, #tpu.memory_space<semaphore_mem>>) src(%dma_wait3A_252 : memref<10240x128xf32, #tpu.memory_space<hbm>>) dst(%dma_wait3A_246 : memref<128x128xf32, #tpu.memory_space<vmem>>)
      %dma_start3A_253 = arith.constant 1 : i32
      %dma_start3A_254 = arith.constant 1 : i32
      %dma_start3A_255 = arith.constant 1 : i32
      %dma_start3A_256 = arith.constant 0 : i32
      %dma_start3A_257 = arith.constant 0 : i32
      %dma_start3A_258 = tpu.memref_slice %arg6[%dma_start3A_253, %dma_start3A_256, %dma_start3A_257] : memref<2x128x128xf32, #tpu.memory_space<vmem>> -> memref<1x128x128xf32, #tpu.memory_space<vmem>>
      %dma_start3A_259 = tpu.memref_squeeze %dma_start3A_258 : memref<1x128x128xf32, #tpu.memory_space<vmem>> -> memref<128x128xf32, #tpu.memory_space<vmem>>
      %dma_start3A_260 = arith.constant 0 : i32
      %dma_start3A_261 = tpu.memref_slice %arg5[%dma_start3A_254, %dma_start3A_255, %dma_start3A_260] : memref<2x2x128xi32, #tpu.memory_space<vmem>> -> memref<1x1x128xi32, #tpu.memory_space<vmem>>
      %dma_start3A_262 = tpu.memref_squeeze %dma_start3A_261 : memref<1x1x128xi32, #tpu.memory_space<vmem>> -> memref<128xi32, #tpu.memory_space<vmem>>
      %dma_start3A_263 = arith.constant 0 : i32
      %dma_start3A_264 = arith.constant 0 : i32
      %dma_start3A_265 = tpu.memref_slice %arg7[%dma_start3A_263, %dma_start3A_264] : memref<10240x128xf32, #tpu.memory_space<vmem_shared>> -> memref<10240x128xf32, #tpu.memory_space<vmem_shared>>
      tpu.enqueue_indirect_dma source(%dma_start3A_259 : memref<128x128xf32, #tpu.memory_space<vmem>>) target(%dma_start3A_265 : memref<10240x128xf32, #tpu.memory_space<vmem_shared>>) offsets(%dma_start3A_262 : memref<128xi32, #tpu.memory_space<vmem>>) semaphore(%arg11 : memref<!tpu.dma_semaphore, #tpu.memory_space<semaphore_mem>>) {add = true}
      %mul3A_266 = arith.constant 2 : i32
      %mul3A_267 = arith.muli %while3A_213, %mul3A_266 : i32
      %add3A_268 = arith.constant 0 : i32
      %add3A_269 = arith.addi %mul3A_267, %add3A_268 : i32
      %dma_wait3A_270 = arith.constant 0 : i32
      %dma_wait3A_271 = arith.constant 0 : i32
      %dma_wait3A_272 = arith.constant 1 : i32
      %dma_wait3A_273 = arith.constant 0 : i32
      %dma_wait3A_274 = arith.constant 0 : i32
      %dma_wait3A_275 = tpu.memref_slice %arg6[%dma_wait3A_270, %dma_wait3A_273, %dma_wait3A_274] : memref<2x128x128xf32, #tpu.memory_space<vmem>> -> memref<1x128x128xf32, #tpu.memory_space<vmem>>
      %dma_wait3A_276 = tpu.memref_squeeze %dma_wait3A_275 : memref<1x128x128xf32, #tpu.memory_space<vmem>> -> memref<128x128xf32, #tpu.memory_space<vmem>>
      %dma_wait3A_277 = arith.constant 0 : i32
      %dma_wait3A_278 = tpu.memref_slice %arg5[%dma_wait3A_271, %dma_wait3A_272, %dma_wait3A_277] : memref<2x2x128xi32, #tpu.memory_space<vmem>> -> memref<1x1x128xi32, #tpu.memory_space<vmem>>
      %dma_wait3A_279 = tpu.memref_squeeze %dma_wait3A_278 : memref<1x1x128xi32, #tpu.memory_space<vmem>> -> memref<128xi32, #tpu.memory_space<vmem>>
      %dma_wait3A_280 = arith.constant 0 : i32
      %dma_wait3A_281 = arith.constant 0 : i32
      %dma_wait3A_282 = tpu.memref_slice %arg7[%dma_wait3A_280, %dma_wait3A_281] : memref<10240x128xf32, #tpu.memory_space<vmem_shared>> -> memref<10240x128xf32, #tpu.memory_space<vmem_shared>>
      tpu.wait_indirect_dma semaphore(%arg10 : memref<!tpu.dma_semaphore, #tpu.memory_space<semaphore_mem>>) src(%dma_wait3A_276 : memref<128x128xf32, #tpu.memory_space<vmem>>) dst(%dma_wait3A_282 : memref<10240x128xf32, #tpu.memory_space<vmem_shared>>)
      %add3A_283 = arith.constant 2 : i32
      %add3A_284 = arith.addi %add3A_269, %add3A_283 : i32
      %lt3A = arith.cmpi slt, %add3A_284, %select_n3A : i32
      %convert_element_type3A = arith.extui %lt3A : i1 to i32
      %cond3A = arith.constant 0 : i32
      %cond3A_285 = arith.cmpi ne, %convert_element_type3A, %cond3A : i32
      scf.if %cond3A_285 {
        %add3A_309 = arith.addi %select_n3A_8, %add3A_269 : i32
        %add3A_310 = arith.constant 2 : i32
        %add3A_311 = arith.addi %add3A_309, %add3A_310 : i32
        %run_scoped3A_312 = arith.constant 0 : i32
        "tpu.region"() ({
          %run_scoped3A_326 = tpu.sem_alloc : memref<!tpu.dma_semaphore, #tpu.memory_space<semaphore_mem>>
          %dma_start3A_327 = arith.constant 0 : i32
          %dma_start3A_328 = arith.constant 0 : i32
          %dma_start3A_329 = tpu.memref_slice %arg5[%run_scoped3A_312, %dma_start3A_327, %dma_start3A_328] : memref<2x2x128xi32, #tpu.memory_space<vmem>> -> memref<1x2x128xi32, #tpu.memory_space<vmem>>
          %dma_start3A_330 = tpu.memref_squeeze %dma_start3A_329 : memref<1x2x128xi32, #tpu.memory_space<vmem>> -> memref<2x128xi32, #tpu.memory_space<vmem>>
          %dma_start3A_331 = arith.constant 0 : i32
          %dma_start3A_332 = arith.constant 0 : i32
          %dma_start3A_333 = tpu.memref_slice %arg3[%add3A_311, %dma_start3A_331, %dma_start3A_332] : memref<2560x2x128xi32, #tpu.memory_space<hbm>> -> memref<1x2x128xi32, #tpu.memory_space<hbm>>
          %dma_start3A_334 = tpu.memref_squeeze %dma_start3A_333 : memref<1x2x128xi32, #tpu.memory_space<hbm>> -> memref<2x128xi32, #tpu.memory_space<hbm>>
          %dma_start3A_335 = arith.constant 0 : i32
          %dma_start3A_336 = arith.constant 0 : i32
          %dma_start3A_337 = tpu.memref_slice %arg5[%run_scoped3A_312, %dma_start3A_335, %dma_start3A_336] : memref<2x2x128xi32, #tpu.memory_space<vmem>> -> memref<1x2x128xi32, #tpu.memory_space<vmem>>
          %dma_start3A_338 = tpu.memref_squeeze %dma_start3A_337 : memref<1x2x128xi32, #tpu.memory_space<vmem>> -> memref<2x128xi32, #tpu.memory_space<vmem>>
          %dma_start3A_339 = arith.constant 0 : i32
          %dma_start3A_340 = arith.constant 0 : i32
          %dma_start3A_341 = tpu.memref_slice %arg3[%add3A_311, %dma_start3A_339, %dma_start3A_340] : memref<2560x2x128xi32, #tpu.memory_space<hbm>> -> memref<1x2x128xi32, #tpu.memory_space<hbm>>
          %dma_start3A_342 = tpu.memref_squeeze %dma_start3A_341 : memref<1x2x128xi32, #tpu.memory_space<hbm>> -> memref<2x128xi32, #tpu.memory_space<hbm>>
          tpu.enqueue_dma source(%dma_start3A_342 : memref<2x128xi32, #tpu.memory_space<hbm>>) target(%dma_start3A_338 : memref<2x128xi32, #tpu.memory_space<vmem>>) target_semaphore(%run_scoped3A_326 : memref<!tpu.dma_semaphore, #tpu.memory_space<semaphore_mem>>)
          %dma_wait3A_343 = arith.constant 0 : i32
          %dma_wait3A_344 = arith.constant 0 : i32
          %dma_wait3A_345 = tpu.memref_slice %arg5[%run_scoped3A_312, %dma_wait3A_343, %dma_wait3A_344] : memref<2x2x128xi32, #tpu.memory_space<vmem>> -> memref<1x2x128xi32, #tpu.memory_space<vmem>>
          %dma_wait3A_346 = tpu.memref_squeeze %dma_wait3A_345 : memref<1x2x128xi32, #tpu.memory_space<vmem>> -> memref<2x128xi32, #tpu.memory_space<vmem>>
          %dma_wait3A_347 = arith.constant 0 : i32
          %dma_wait3A_348 = arith.constant 0 : i32
          %dma_wait3A_349 = tpu.memref_slice %arg3[%add3A_311, %dma_wait3A_347, %dma_wait3A_348] : memref<2560x2x128xi32, #tpu.memory_space<hbm>> -> memref<1x2x128xi32, #tpu.memory_space<hbm>>
          %dma_wait3A_350 = tpu.memref_squeeze %dma_wait3A_349 : memref<1x2x128xi32, #tpu.memory_space<hbm>> -> memref<2x128xi32, #tpu.memory_space<hbm>>
          %dma_wait3A_351 = arith.constant 0 : i32
          %dma_wait3A_352 = arith.constant 0 : i32
          %dma_wait3A_353 = tpu.memref_slice %arg5[%run_scoped3A_312, %dma_wait3A_351, %dma_wait3A_352] : memref<2x2x128xi32, #tpu.memory_space<vmem>> -> memref<1x2x128xi32, #tpu.memory_space<vmem>>
          %dma_wait3A_354 = tpu.memref_squeeze %dma_wait3A_353 : memref<1x2x128xi32, #tpu.memory_space<vmem>> -> memref<2x128xi32, #tpu.memory_space<vmem>>
          %dma_wait3A_355 = arith.constant 0 : i32
          %dma_wait3A_356 = arith.constant 0 : i32
          %dma_wait3A_357 = tpu.memref_slice %arg3[%add3A_311, %dma_wait3A_355, %dma_wait3A_356] : memref<2560x2x128xi32, #tpu.memory_space<hbm>> -> memref<1x2x128xi32, #tpu.memory_space<hbm>>
          %dma_wait3A_358 = tpu.memref_squeeze %dma_wait3A_357 : memref<1x2x128xi32, #tpu.memory_space<hbm>> -> memref<2x128xi32, #tpu.memory_space<hbm>>
          tpu.wait_dma2 semaphore(%run_scoped3A_326 : memref<!tpu.dma_semaphore, #tpu.memory_space<semaphore_mem>>) src(%dma_wait3A_358 : memref<2x128xi32, #tpu.memory_space<hbm>>) dst(%dma_wait3A_354 : memref<2x128xi32, #tpu.memory_space<vmem>>)
          tpu.yield
        }) : () -> ()
        %dma_start3A_313 = arith.constant 0 : i32
        %dma_start3A_314 = arith.constant 0 : i32
        %dma_start3A_315 = arith.constant 0 : i32
        %dma_start3A_316 = arith.constant 0 : i32
        %dma_start3A_317 = arith.constant 0 : i32
        %dma_start3A_318 = tpu.memref_slice %arg6[%dma_start3A_315, %dma_start3A_316, %dma_start3A_317] : memref<2x128x128xf32, #tpu.memory_space<vmem>> -> memref<1x128x128xf32, #tpu.memory_space<vmem>>
        %dma_start3A_319 = tpu.memref_squeeze %dma_start3A_318 : memref<1x128x128xf32, #tpu.memory_space<vmem>> -> memref<128x128xf32, #tpu.memory_space<vmem>>
        %dma_start3A_320 = arith.constant 0 : i32
        %dma_start3A_321 = tpu.memref_slice %arg5[%dma_start3A_313, %dma_start3A_314, %dma_start3A_320] : memref<2x2x128xi32, #tpu.memory_space<vmem>> -> memref<1x1x128xi32, #tpu.memory_space<vmem>>
        %dma_start3A_322 = tpu.memref_squeeze %dma_start3A_321 : memref<1x1x128xi32, #tpu.memory_space<vmem>> -> memref<128xi32, #tpu.memory_space<vmem>>
        %dma_start3A_323 = arith.constant 0 : i32
        %dma_start3A_324 = arith.constant 0 : i32
        %dma_start3A_325 = tpu.memref_slice %arg2[%dma_start3A_323, %dma_start3A_324] : memref<10240x128xf32, #tpu.memory_space<hbm>> -> memref<10240x128xf32, #tpu.memory_space<hbm>>
        tpu.enqueue_indirect_dma source(%dma_start3A_325 : memref<10240x128xf32, #tpu.memory_space<hbm>>) target(%dma_start3A_319 : memref<128x128xf32, #tpu.memory_space<vmem>>) offsets(%dma_start3A_322 : memref<128xi32, #tpu.memory_space<vmem>>) semaphore(%arg8 : memref<!tpu.dma_semaphore, #tpu.memory_space<semaphore_mem>>)
      } else {
      }
      %mul3A_286 = arith.constant 2 : i32
      %mul3A_287 = arith.muli %while3A_213, %mul3A_286 : i32
      %add3A_288 = arith.constant 1 : i32
      %add3A_289 = arith.addi %mul3A_287, %add3A_288 : i32
      %dma_wait3A_290 = arith.constant 1 : i32
      %dma_wait3A_291 = arith.constant 1 : i32
      %dma_wait3A_292 = arith.constant 1 : i32
      %dma_wait3A_293 = arith.constant 0 : i32
      %dma_wait3A_294 = arith.constant 0 : i32
      %dma_wait3A_295 = tpu.memref_slice %arg6[%dma_wait3A_290, %dma_wait3A_293, %dma_wait3A_294] : memref<2x128x128xf32, #tpu.memory_space<vmem>> -> memref<1x128x128xf32, #tpu.memory_space<vmem>>
      %dma_wait3A_296 = tpu.memref_squeeze %dma_wait3A_295 : memref<1x128x128xf32, #tpu.memory_space<vmem>> -> memref<128x128xf32, #tpu.memory_space<vmem>>
      %dma_wait3A_297 = arith.constant 0 : i32
      %dma_wait3A_298 = tpu.memref_slice %arg5[%dma_wait3A_291, %dma_wait3A_292, %dma_wait3A_297] : memref<2x2x128xi32, #tpu.memory_space<vmem>> -> memref<1x1x128xi32, #tpu.memory_space<vmem>>
      %dma_wait3A_299 = tpu.memref_squeeze %dma_wait3A_298 : memref<1x1x128xi32, #tpu.memory_space<vmem>> -> memref<128xi32, #tpu.memory_space<vmem>>
      %dma_wait3A_300 = arith.constant 0 : i32
      %dma_wait3A_301 = arith.constant 0 : i32
      %dma_wait3A_302 = tpu.memref_slice %arg7[%dma_wait3A_300, %dma_wait3A_301] : memref<10240x128xf32, #tpu.memory_space<vmem_shared>> -> memref<10240x128xf32, #tpu.memory_space<vmem_shared>>
      tpu.wait_indirect_dma semaphore(%arg11 : memref<!tpu.dma_semaphore, #tpu.memory_space<semaphore_mem>>) src(%dma_wait3A_296 : memref<128x128xf32, #tpu.memory_space<vmem>>) dst(%dma_wait3A_302 : memref<10240x128xf32, #tpu.memory_space<vmem_shared>>)
      %add3A_303 = arith.constant 2 : i32
      %add3A_304 = arith.addi %add3A_289, %add3A_303 : i32
      %lt3A_305 = arith.cmpi slt, %add3A_304, %select_n3A : i32
      %convert_element_type3A_306 = arith.extui %lt3A_305 : i1 to i32
      %cond3A_307 = arith.constant 0 : i32
      %cond3A_308 = arith.cmpi ne, %convert_element_type3A_306, %cond3A_307 : i32
      scf.if %cond3A_308 {
        %add3A_309 = arith.addi %select_n3A_8, %add3A_289 : i32
        %add3A_310 = arith.constant 2 : i32
        %add3A_311 = arith.addi %add3A_309, %add3A_310 : i32
        %run_scoped3A_312 = arith.constant 1 : i32
        "tpu.region"() ({
          %run_scoped3A_326 = tpu.sem_alloc : memref<!tpu.dma_semaphore, #tpu.memory_space<semaphore_mem>>
          %dma_start3A_327 = arith.constant 0 : i32
          %dma_start3A_328 = arith.constant 0 : i32
          %dma_start3A_329 = tpu.memref_slice %arg5[%run_scoped3A_312, %dma_start3A_327, %dma_start3A_328] : memref<2x2x128xi32, #tpu.memory_space<vmem>> -> memref<1x2x128xi32, #tpu.memory_space<vmem>>
          %dma_start3A_330 = tpu.memref_squeeze %dma_start3A_329 : memref<1x2x128xi32, #tpu.memory_space<vmem>> -> memref<2x128xi32, #tpu.memory_space<vmem>>
          %dma_start3A_331 = arith.constant 0 : i32
          %dma_start3A_332 = arith.constant 0 : i32
          %dma_start3A_333 = tpu.memref_slice %arg3[%add3A_311, %dma_start3A_331, %dma_start3A_332] : memref<2560x2x128xi32, #tpu.memory_space<hbm>> -> memref<1x2x128xi32, #tpu.memory_space<hbm>>
          %dma_start3A_334 = tpu.memref_squeeze %dma_start3A_333 : memref<1x2x128xi32, #tpu.memory_space<hbm>> -> memref<2x128xi32, #tpu.memory_space<hbm>>
          %dma_start3A_335 = arith.constant 0 : i32
          %dma_start3A_336 = arith.constant 0 : i32
          %dma_start3A_337 = tpu.memref_slice %arg5[%run_scoped3A_312, %dma_start3A_335, %dma_start3A_336] : memref<2x2x128xi32, #tpu.memory_space<vmem>> -> memref<1x2x128xi32, #tpu.memory_space<vmem>>
          %dma_start3A_338 = tpu.memref_squeeze %dma_start3A_337 : memref<1x2x128xi32, #tpu.memory_space<vmem>> -> memref<2x128xi32, #tpu.memory_space<vmem>>
          %dma_start3A_339 = arith.constant 0 : i32
          %dma_start3A_340 = arith.constant 0 : i32
          %dma_start3A_341 = tpu.memref_slice %arg3[%add3A_311, %dma_start3A_339, %dma_start3A_340] : memref<2560x2x128xi32, #tpu.memory_space<hbm>> -> memref<1x2x128xi32, #tpu.memory_space<hbm>>
          %dma_start3A_342 = tpu.memref_squeeze %dma_start3A_341 : memref<1x2x128xi32, #tpu.memory_space<hbm>> -> memref<2x128xi32, #tpu.memory_space<hbm>>
          tpu.enqueue_dma source(%dma_start3A_342 : memref<2x128xi32, #tpu.memory_space<hbm>>) target(%dma_start3A_338 : memref<2x128xi32, #tpu.memory_space<vmem>>) target_semaphore(%run_scoped3A_326 : memref<!tpu.dma_semaphore, #tpu.memory_space<semaphore_mem>>)
          %dma_wait3A_343 = arith.constant 0 : i32
          %dma_wait3A_344 = arith.constant 0 : i32
          %dma_wait3A_345 = tpu.memref_slice %arg5[%run_scoped3A_312, %dma_wait3A_343, %dma_wait3A_344] : memref<2x2x128xi32, #tpu.memory_space<vmem>> -> memref<1x2x128xi32, #tpu.memory_space<vmem>>
          %dma_wait3A_346 = tpu.memref_squeeze %dma_wait3A_345 : memref<1x2x128xi32, #tpu.memory_space<vmem>> -> memref<2x128xi32, #tpu.memory_space<vmem>>
          %dma_wait3A_347 = arith.constant 0 : i32
          %dma_wait3A_348 = arith.constant 0 : i32
          %dma_wait3A_349 = tpu.memref_slice %arg3[%add3A_311, %dma_wait3A_347, %dma_wait3A_348] : memref<2560x2x128xi32, #tpu.memory_space<hbm>> -> memref<1x2x128xi32, #tpu.memory_space<hbm>>
          %dma_wait3A_350 = tpu.memref_squeeze %dma_wait3A_349 : memref<1x2x128xi32, #tpu.memory_space<hbm>> -> memref<2x128xi32, #tpu.memory_space<hbm>>
          %dma_wait3A_351 = arith.constant 0 : i32
          %dma_wait3A_352 = arith.constant 0 : i32
          %dma_wait3A_353 = tpu.memref_slice %arg5[%run_scoped3A_312, %dma_wait3A_351, %dma_wait3A_352] : memref<2x2x128xi32, #tpu.memory_space<vmem>> -> memref<1x2x128xi32, #tpu.memory_space<vmem>>
          %dma_wait3A_354 = tpu.memref_squeeze %dma_wait3A_353 : memref<1x2x128xi32, #tpu.memory_space<vmem>> -> memref<2x128xi32, #tpu.memory_space<vmem>>
          %dma_wait3A_355 = arith.constant 0 : i32
          %dma_wait3A_356 = arith.constant 0 : i32
          %dma_wait3A_357 = tpu.memref_slice %arg3[%add3A_311, %dma_wait3A_355, %dma_wait3A_356] : memref<2560x2x128xi32, #tpu.memory_space<hbm>> -> memref<1x2x128xi32, #tpu.memory_space<hbm>>
          %dma_wait3A_358 = tpu.memref_squeeze %dma_wait3A_357 : memref<1x2x128xi32, #tpu.memory_space<hbm>> -> memref<2x128xi32, #tpu.memory_space<hbm>>
          tpu.wait_dma2 semaphore(%run_scoped3A_326 : memref<!tpu.dma_semaphore, #tpu.memory_space<semaphore_mem>>) src(%dma_wait3A_358 : memref<2x128xi32, #tpu.memory_space<hbm>>) dst(%dma_wait3A_354 : memref<2x128xi32, #tpu.memory_space<vmem>>)
          tpu.yield
        }) : () -> ()
        %dma_start3A_313 = arith.constant 1 : i32
        %dma_start3A_314 = arith.constant 0 : i32
        %dma_start3A_315 = arith.constant 1 : i32
        %dma_start3A_316 = arith.constant 0 : i32
        %dma_start3A_317 = arith.constant 0 : i32
        %dma_start3A_318 = tpu.memref_slice %arg6[%dma_start3A_315, %dma_start3A_316, %dma_start3A_317] : memref<2x128x128xf32, #tpu.memory_space<vmem>> -> memref<1x128x128xf32, #tpu.memory_space<vmem>>
        %dma_start3A_319 = tpu.memref_squeeze %dma_start3A_318 : memref<1x128x128xf32, #tpu.memory_space<vmem>> -> memref<128x128xf32, #tpu.memory_space<vmem>>
        %dma_start3A_320 = arith.constant 0 : i32
        %dma_start3A_321 = tpu.memref_slice %arg5[%dma_start3A_313, %dma_start3A_314, %dma_start3A_320] : memref<2x2x128xi32, #tpu.memory_space<vmem>> -> memref<1x1x128xi32, #tpu.memory_space<vmem>>
        %dma_start3A_322 = tpu.memref_squeeze %dma_start3A_321 : memref<1x1x128xi32, #tpu.memory_space<vmem>> -> memref<128xi32, #tpu.memory_space<vmem>>
        %dma_start3A_323 = arith.constant 0 : i32
        %dma_start3A_324 = arith.constant 0 : i32
        %dma_start3A_325 = tpu.memref_slice %arg2[%dma_start3A_323, %dma_start3A_324] : memref<10240x128xf32, #tpu.memory_space<hbm>> -> memref<10240x128xf32, #tpu.memory_space<hbm>>
        tpu.enqueue_indirect_dma source(%dma_start3A_325 : memref<10240x128xf32, #tpu.memory_space<hbm>>) target(%dma_start3A_319 : memref<128x128xf32, #tpu.memory_space<vmem>>) offsets(%dma_start3A_322 : memref<128xi32, #tpu.memory_space<vmem>>) semaphore(%arg9 : memref<!tpu.dma_semaphore, #tpu.memory_space<semaphore_mem>>)
      } else {
      }
    }
    %while3A_211 = arith.constant 1 : i32
    scf.for %while3A_213 = %while3A_209 to %while3A_205 step %while3A_211  : i32 {
      %dma_wait3A_214 = arith.constant 0 : i32
      %dma_wait3A_215 = arith.constant 0 : i32
      %dma_wait3A_216 = arith.constant 0 : i32
      %dma_wait3A_217 = arith.constant 0 : i32
      %dma_wait3A_218 = arith.constant 0 : i32
      %dma_wait3A_219 = tpu.memref_slice %arg6[%dma_wait3A_216, %dma_wait3A_217, %dma_wait3A_218] : memref<2x128x128xf32, #tpu.memory_space<vmem>> -> memref<1x128x128xf32, #tpu.memory_space<vmem>>
      %dma_wait3A_220 = tpu.memref_squeeze %dma_wait3A_219 : memref<1x128x128xf32, #tpu.memory_space<vmem>> -> memref<128x128xf32, #tpu.memory_space<vmem>>
      %dma_wait3A_221 = arith.constant 0 : i32
      %dma_wait3A_222 = tpu.memref_slice %arg5[%dma_wait3A_214, %dma_wait3A_215, %dma_wait3A_221] : memref<2x2x128xi32, #tpu.memory_space<vmem>> -> memref<1x1x128xi32, #tpu.memory_space<vmem>>
      %dma_wait3A_223 = tpu.memref_squeeze %dma_wait3A_222 : memref<1x1x128xi32, #tpu.memory_space<vmem>> -> memref<128xi32, #tpu.memory_space<vmem>>
      %dma_wait3A_224 = arith.constant 0 : i32
      %dma_wait3A_225 = arith.constant 0 : i32
      %dma_wait3A_226 = tpu.memref_slice %arg2[%dma_wait3A_224, %dma_wait3A_225] : memref<10240x128xf32, #tpu.memory_space<hbm>> -> memref<10240x128xf32, #tpu.memory_space<hbm>>
      tpu.wait_indirect_dma semaphore(%arg8 : memref<!tpu.dma_semaphore, #tpu.memory_space<semaphore_mem>>) src(%dma_wait3A_226 : memref<10240x128xf32, #tpu.memory_space<hbm>>) dst(%dma_wait3A_220 : memref<128x128xf32, #tpu.memory_space<vmem>>)
      %dma_start3A_227 = arith.constant 0 : i32
      %dma_start3A_228 = arith.constant 0 : i32
      %dma_start3A_229 = arith.constant 1 : i32
      %dma_start3A_230 = arith.constant 0 : i32
      %dma_start3A_231 = arith.constant 0 : i32
      %dma_start3A_232 = tpu.memref_slice %arg6[%dma_start3A_227, %dma_start3A_230, %dma_start3A_231] : memref<2x128x128xf32, #tpu.memory_space<vmem>> -> memref<1x128x128xf32, #tpu.memory_space<vmem>>
      %dma_start3A_233 = tpu.memref_squeeze %dma_start3A_232 : memref<1x128x128xf32, #tpu.memory_space<vmem>> -> memref<128x128xf32, #tpu.memory_space<vmem>>
      %dma_start3A_234 = arith.constant 0 : i32
      %dma_start3A_235 = tpu.memref_slice %arg5[%dma_start3A_228, %dma_start3A_229, %dma_start3A_234] : memref<2x2x128xi32, #tpu.memory_space<vmem>> -> memref<1x1x128xi32, #tpu.memory_space<vmem>>
      %dma_start3A_236 = tpu.memref_squeeze %dma_start3A_235 : memref<1x1x128xi32, #tpu.memory_space<vmem>> -> memref<128xi32, #tpu.memory_space<vmem>>
      %dma_start3A_237 = arith.constant 0 : i32
      %dma_start3A_238 = arith.constant 0 : i32
      %dma_start3A_239 = tpu.memref_slice %arg7[%dma_start3A_237, %dma_start3A_238] : memref<10240x128xf32, #tpu.memory_space<vmem_shared>> -> memref<10240x128xf32, #tpu.memory_space<vmem_shared>>
      tpu.enqueue_indirect_dma source(%dma_start3A_233 : memref<128x128xf32, #tpu.memory_space<vmem>>) target(%dma_start3A_239 : memref<10240x128xf32, #tpu.memory_space<vmem_shared>>) offsets(%dma_start3A_236 : memref<128xi32, #tpu.memory_space<vmem>>) semaphore(%arg10 : memref<!tpu.dma_semaphore, #tpu.memory_space<semaphore_mem>>) {add = true}
      %dma_wait3A_240 = arith.constant 1 : i32
      %dma_wait3A_241 = arith.constant 0 : i32
      %dma_wait3A_242 = arith.constant 1 : i32
      %dma_wait3A_243 = arith.constant 0 : i32
      %dma_wait3A_244 = arith.constant 0 : i32
      %dma_wait3A_245 = tpu.memref_slice %arg6[%dma_wait3A_242, %dma_wait3A_243, %dma_wait3A_244] : memref<2x128x128xf32, #tpu.memory_space<vmem>> -> memref<1x128x128xf32, #tpu.memory_space<vmem>>
      %dma_wait3A_246 = tpu.memref_squeeze %dma_wait3A_245 : memref<1x128x128xf32, #tpu.memory_space<vmem>> -> memref<128x128xf32, #tpu.memory_space<vmem>>
      %dma_wait3A_247 = arith.constant 0 : i32
      %dma_wait3A_248 = tpu.memref_slice %arg5[%dma_wait3A_240, %dma_wait3A_241, %dma_wait3A_247] : memref<2x2x128xi32, #tpu.memory_space<vmem>> -> memref<1x1x128xi32, #tpu.memory_space<vmem>>
      %dma_wait3A_249 = tpu.memref_squeeze %dma_wait3A_248 : memref<1x1x128xi32, #tpu.memory_space<vmem>> -> memref<128xi32, #tpu.memory_space<vmem>>
      %dma_wait3A_250 = arith.constant 0 : i32
      %dma_wait3A_251 = arith.constant 0 : i32
      %dma_wait3A_252 = tpu.memref_slice %arg2[%dma_wait3A_250, %dma_wait3A_251] : memref<10240x128xf32, #tpu.memory_space<hbm>> -> memref<10240x128xf32, #tpu.memory_space<hbm>>
      tpu.wait_indirect_dma semaphore(%arg9 : memref<!tpu.dma_semaphore, #tpu.memory_space<semaphore_mem>>) src(%dma_wait3A_252 : memref<10240x128xf32, #tpu.memory_space<hbm>>) dst(%dma_wait3A_246 : memref<128x128xf32, #tpu.memory_space<vmem>>)
      %dma_start3A_253 = arith.constant 1 : i32
      %dma_start3A_254 = arith.constant 1 : i32
      %dma_start3A_255 = arith.constant 1 : i32
      %dma_start3A_256 = arith.constant 0 : i32
      %dma_start3A_257 = arith.constant 0 : i32
      %dma_start3A_258 = tpu.memref_slice %arg6[%dma_start3A_253, %dma_start3A_256, %dma_start3A_257] : memref<2x128x128xf32, #tpu.memory_space<vmem>> -> memref<1x128x128xf32, #tpu.memory_space<vmem>>
      %dma_start3A_259 = tpu.memref_squeeze %dma_start3A_258 : memref<1x128x128xf32, #tpu.memory_space<vmem>> -> memref<128x128xf32, #tpu.memory_space<vmem>>
      %dma_start3A_260 = arith.constant 0 : i32
      %dma_start3A_261 = tpu.memref_slice %arg5[%dma_start3A_254, %dma_start3A_255, %dma_start3A_260] : memref<2x2x128xi32, #tpu.memory_space<vmem>> -> memref<1x1x128xi32, #tpu.memory_space<vmem>>
      %dma_start3A_262 = tpu.memref_squeeze %dma_start3A_261 : memref<1x1x128xi32, #tpu.memory_space<vmem>> -> memref<128xi32, #tpu.memory_space<vmem>>
      %dma_start3A_263 = arith.constant 0 : i32
      %dma_start3A_264 = arith.constant 0 : i32
      %dma_start3A_265 = tpu.memref_slice %arg7[%dma_start3A_263, %dma_start3A_264] : memref<10240x128xf32, #tpu.memory_space<vmem_shared>> -> memref<10240x128xf32, #tpu.memory_space<vmem_shared>>
      tpu.enqueue_indirect_dma source(%dma_start3A_259 : memref<128x128xf32, #tpu.memory_space<vmem>>) target(%dma_start3A_265 : memref<10240x128xf32, #tpu.memory_space<vmem_shared>>) offsets(%dma_start3A_262 : memref<128xi32, #tpu.memory_space<vmem>>) semaphore(%arg11 : memref<!tpu.dma_semaphore, #tpu.memory_space<semaphore_mem>>) {add = true}
      %mul3A_266 = arith.constant 2 : i32
      %mul3A_267 = arith.muli %while3A_213, %mul3A_266 : i32
      %add3A_268 = arith.constant 0 : i32
      %add3A_269 = arith.addi %mul3A_267, %add3A_268 : i32
      %dma_wait3A_270 = arith.constant 0 : i32
      %dma_wait3A_271 = arith.constant 0 : i32
      %dma_wait3A_272 = arith.constant 1 : i32
      %dma_wait3A_273 = arith.constant 0 : i32
      %dma_wait3A_274 = arith.constant 0 : i32
      %dma_wait3A_275 = tpu.memref_slice %arg6[%dma_wait3A_270, %dma_wait3A_273, %dma_wait3A_274] : memref<2x128x128xf32, #tpu.memory_space<vmem>> -> memref<1x128x128xf32, #tpu.memory_space<vmem>>
      %dma_wait3A_276 = tpu.memref_squeeze %dma_wait3A_275 : memref<1x128x128xf32, #tpu.memory_space<vmem>> -> memref<128x128xf32, #tpu.memory_space<vmem>>
      %dma_wait3A_277 = arith.constant 0 : i32
      %dma_wait3A_278 = tpu.memref_slice %arg5[%dma_wait3A_271, %dma_wait3A_272, %dma_wait3A_277] : memref<2x2x128xi32, #tpu.memory_space<vmem>> -> memref<1x1x128xi32, #tpu.memory_space<vmem>>
      %dma_wait3A_279 = tpu.memref_squeeze %dma_wait3A_278 : memref<1x1x128xi32, #tpu.memory_space<vmem>> -> memref<128xi32, #tpu.memory_space<vmem>>
      %dma_wait3A_280 = arith.constant 0 : i32
      %dma_wait3A_281 = arith.constant 0 : i32
      %dma_wait3A_282 = tpu.memref_slice %arg7[%dma_wait3A_280, %dma_wait3A_281] : memref<10240x128xf32, #tpu.memory_space<vmem_shared>> -> memref<10240x128xf32, #tpu.memory_space<vmem_shared>>
      tpu.wait_indirect_dma semaphore(%arg10 : memref<!tpu.dma_semaphore, #tpu.memory_space<semaphore_mem>>) src(%dma_wait3A_276 : memref<128x128xf32, #tpu.memory_space<vmem>>) dst(%dma_wait3A_282 : memref<10240x128xf32, #tpu.memory_space<vmem_shared>>)
      %add3A_283 = arith.constant 2 : i32
      %add3A_284 = arith.addi %add3A_269, %add3A_283 : i32
      %lt3A = arith.cmpi slt, %add3A_284, %select_n3A : i32
      %convert_element_type3A = arith.extui %lt3A : i1 to i32
      %cond3A = arith.constant 0 : i32
      %cond3A_285 = arith.cmpi ne, %convert_element_type3A, %cond3A : i32
      scf.if %cond3A_285 {
        %add3A_309 = arith.addi %select_n3A_8, %add3A_269 : i32
        %add3A_310 = arith.constant 2 : i32
        %add3A_311 = arith.addi %add3A_309, %add3A_310 : i32
        %run_scoped3A_312 = arith.constant 0 : i32
        "tpu.region"() ({
          %run_scoped3A_326 = tpu.sem_alloc : memref<!tpu.dma_semaphore, #tpu.memory_space<semaphore_mem>>
          %dma_start3A_327 = arith.constant 0 : i32
          %dma_start3A_328 = arith.constant 0 : i32
          %dma_start3A_329 = tpu.memref_slice %arg5[%run_scoped3A_312, %dma_start3A_327, %dma_start3A_328] : memref<2x2x128xi32, #tpu.memory_space<vmem>> -> memref<1x2x128xi32, #tpu.memory_space<vmem>>
          %dma_start3A_330 = tpu.memref_squeeze %dma_start3A_329 : memref<1x2x128xi32, #tpu.memory_space<vmem>> -> memref<2x128xi32, #tpu.memory_space<vmem>>
          %dma_start3A_331 = arith.constant 0 : i32
          %dma_start3A_332 = arith.constant 0 : i32
          %dma_start3A_333 = tpu.memref_slice %arg3[%add3A_311, %dma_start3A_331, %dma_start3A_332] : memref<2560x2x128xi32, #tpu.memory_space<hbm>> -> memref<1x2x128xi32, #tpu.memory_space<hbm>>
          %dma_start3A_334 = tpu.memref_squeeze %dma_start3A_333 : memref<1x2x128xi32, #tpu.memory_space<hbm>> -> memref<2x128xi32, #tpu.memory_space<hbm>>
          %dma_start3A_335 = arith.constant 0 : i32
          %dma_start3A_336 = arith.constant 0 : i32
          %dma_start3A_337 = tpu.memref_slice %arg5[%run_scoped3A_312, %dma_start3A_335, %dma_start3A_336] : memref<2x2x128xi32, #tpu.memory_space<vmem>> -> memref<1x2x128xi32, #tpu.memory_space<vmem>>
          %dma_start3A_338 = tpu.memref_squeeze %dma_start3A_337 : memref<1x2x128xi32, #tpu.memory_space<vmem>> -> memref<2x128xi32, #tpu.memory_space<vmem>>
          %dma_start3A_339 = arith.constant 0 : i32
          %dma_start3A_340 = arith.constant 0 : i32
          %dma_start3A_341 = tpu.memref_slice %arg3[%add3A_311, %dma_start3A_339, %dma_start3A_340] : memref<2560x2x128xi32, #tpu.memory_space<hbm>> -> memref<1x2x128xi32, #tpu.memory_space<hbm>>
          %dma_start3A_342 = tpu.memref_squeeze %dma_start3A_341 : memref<1x2x128xi32, #tpu.memory_space<hbm>> -> memref<2x128xi32, #tpu.memory_space<hbm>>
          tpu.enqueue_dma source(%dma_start3A_342 : memref<2x128xi32, #tpu.memory_space<hbm>>) target(%dma_start3A_338 : memref<2x128xi32, #tpu.memory_space<vmem>>) target_semaphore(%run_scoped3A_326 : memref<!tpu.dma_semaphore, #tpu.memory_space<semaphore_mem>>)
          %dma_wait3A_343 = arith.constant 0 : i32
          %dma_wait3A_344 = arith.constant 0 : i32
          %dma_wait3A_345 = tpu.memref_slice %arg5[%run_scoped3A_312, %dma_wait3A_343, %dma_wait3A_344] : memref<2x2x128xi32, #tpu.memory_space<vmem>> -> memref<1x2x128xi32, #tpu.memory_space<vmem>>
          %dma_wait3A_346 = tpu.memref_squeeze %dma_wait3A_345 : memref<1x2x128xi32, #tpu.memory_space<vmem>> -> memref<2x128xi32, #tpu.memory_space<vmem>>
          %dma_wait3A_347 = arith.constant 0 : i32
          %dma_wait3A_348 = arith.constant 0 : i32
          %dma_wait3A_349 = tpu.memref_slice %arg3[%add3A_311, %dma_wait3A_347, %dma_wait3A_348] : memref<2560x2x128xi32, #tpu.memory_space<hbm>> -> memref<1x2x128xi32, #tpu.memory_space<hbm>>
          %dma_wait3A_350 = tpu.memref_squeeze %dma_wait3A_349 : memref<1x2x128xi32, #tpu.memory_space<hbm>> -> memref<2x128xi32, #tpu.memory_space<hbm>>
          %dma_wait3A_351 = arith.constant 0 : i32
          %dma_wait3A_352 = arith.constant 0 : i32
          %dma_wait3A_353 = tpu.memref_slice %arg5[%run_scoped3A_312, %dma_wait3A_351, %dma_wait3A_352] : memref<2x2x128xi32, #tpu.memory_space<vmem>> -> memref<1x2x128xi32, #tpu.memory_space<vmem>>
          %dma_wait3A_354 = tpu.memref_squeeze %dma_wait3A_353 : memref<1x2x128xi32, #tpu.memory_space<vmem>> -> memref<2x128xi32, #tpu.memory_space<vmem>>
          %dma_wait3A_355 = arith.constant 0 : i32
          %dma_wait3A_356 = arith.constant 0 : i32
          %dma_wait3A_357 = tpu.memref_slice %arg3[%add3A_311, %dma_wait3A_355, %dma_wait3A_356] : memref<2560x2x128xi32, #tpu.memory_space<hbm>> -> memref<1x2x128xi32, #tpu.memory_space<hbm>>
          %dma_wait3A_358 = tpu.memref_squeeze %dma_wait3A_357 : memref<1x2x128xi32, #tpu.memory_space<hbm>> -> memref<2x128xi32, #tpu.memory_space<hbm>>
          tpu.wait_dma2 semaphore(%run_scoped3A_326 : memref<!tpu.dma_semaphore, #tpu.memory_space<semaphore_mem>>) src(%dma_wait3A_358 : memref<2x128xi32, #tpu.memory_space<hbm>>) dst(%dma_wait3A_354 : memref<2x128xi32, #tpu.memory_space<vmem>>)
          tpu.yield
        }) : () -> ()
        %dma_start3A_313 = arith.constant 0 : i32
        %dma_start3A_314 = arith.constant 0 : i32
        %dma_start3A_315 = arith.constant 0 : i32
        %dma_start3A_316 = arith.constant 0 : i32
        %dma_start3A_317 = arith.constant 0 : i32
        %dma_start3A_318 = tpu.memref_slice %arg6[%dma_start3A_315, %dma_start3A_316, %dma_start3A_317] : memref<2x128x128xf32, #tpu.memory_space<vmem>> -> memref<1x128x128xf32, #tpu.memory_space<vmem>>
        %dma_start3A_319 = tpu.memref_squeeze %dma_start3A_318 : memref<1x128x128xf32, #tpu.memory_space<vmem>> -> memref<128x128xf32, #tpu.memory_space<vmem>>
        %dma_start3A_320 = arith.constant 0 : i32
        %dma_start3A_321 = tpu.memref_slice %arg5[%dma_start3A_313, %dma_start3A_314, %dma_start3A_320] : memref<2x2x128xi32, #tpu.memory_space<vmem>> -> memref<1x1x128xi32, #tpu.memory_space<vmem>>
        %dma_start3A_322 = tpu.memref_squeeze %dma_start3A_321 : memref<1x1x128xi32, #tpu.memory_space<vmem>> -> memref<128xi32, #tpu.memory_space<vmem>>
        %dma_start3A_323 = arith.constant 0 : i32
        %dma_start3A_324 = arith.constant 0 : i32
        %dma_start3A_325 = tpu.memref_slice %arg2[%dma_start3A_323, %dma_start3A_324] : memref<10240x128xf32, #tpu.memory_space<hbm>> -> memref<10240x128xf32, #tpu.memory_space<hbm>>
        tpu.enqueue_indirect_dma source(%dma_start3A_325 : memref<10240x128xf32, #tpu.memory_space<hbm>>) target(%dma_start3A_319 : memref<128x128xf32, #tpu.memory_space<vmem>>) offsets(%dma_start3A_322 : memref<128xi32, #tpu.memory_space<vmem>>) semaphore(%arg8 : memref<!tpu.dma_semaphore, #tpu.memory_space<semaphore_mem>>)
      } else {
      }
      %mul3A_286 = arith.constant 2 : i32
      %mul3A_287 = arith.muli %while3A_213, %mul3A_286 : i32
      %add3A_288 = arith.constant 1 : i32
      %add3A_289 = arith.addi %mul3A_287, %add3A_288 : i32
      %dma_wait3A_290 = arith.constant 1 : i32
      %dma_wait3A_291 = arith.constant 1 : i32
      %dma_wait3A_292 = arith.constant 1 : i32
      %dma_wait3A_293 = arith.constant 0 : i32
      %dma_wait3A_294 = arith.constant 0 : i32
      %dma_wait3A_295 = tpu.memref_slice %arg6[%dma_wait3A_290, %dma_wait3A_293, %dma_wait3A_294] : memref<2x128x128xf32, #tpu.memory_space<vmem>> -> memref<1x128x128xf32, #tpu.memory_space<vmem>>
      %dma_wait3A_296 = tpu.memref_squeeze %dma_wait3A_295 : memref<1x128x128xf32, #tpu.memory_space<vmem>> -> memref<128x128xf32, #tpu.memory_space<vmem>>
      %dma_wait3A_297 = arith.constant 0 : i32
      %dma_wait3A_298 = tpu.memref_slice %arg5[%dma_wait3A_291, %dma_wait3A_292, %dma_wait3A_297] : memref<2x2x128xi32, #tpu.memory_space<vmem>> -> memref<1x1x128xi32, #tpu.memory_space<vmem>>
      %dma_wait3A_299 = tpu.memref_squeeze %dma_wait3A_298 : memref<1x1x128xi32, #tpu.memory_space<vmem>> -> memref<128xi32, #tpu.memory_space<vmem>>
      %dma_wait3A_300 = arith.constant 0 : i32
      %dma_wait3A_301 = arith.constant 0 : i32
      %dma_wait3A_302 = tpu.memref_slice %arg7[%dma_wait3A_300, %dma_wait3A_301] : memref<10240x128xf32, #tpu.memory_space<vmem_shared>> -> memref<10240x128xf32, #tpu.memory_space<vmem_shared>>
      tpu.wait_indirect_dma semaphore(%arg11 : memref<!tpu.dma_semaphore, #tpu.memory_space<semaphore_mem>>) src(%dma_wait3A_296 : memref<128x128xf32, #tpu.memory_space<vmem>>) dst(%dma_wait3A_302 : memref<10240x128xf32, #tpu.memory_space<vmem_shared>>)
      %add3A_303 = arith.constant 2 : i32
      %add3A_304 = arith.addi %add3A_289, %add3A_303 : i32
      %lt3A_305 = arith.cmpi slt, %add3A_304, %select_n3A : i32
      %convert_element_type3A_306 = arith.extui %lt3A_305 : i1 to i32
      %cond3A_307 = arith.constant 0 : i32
      %cond3A_308 = arith.cmpi ne, %convert_element_type3A_306, %cond3A_307 : i32
      scf.if %cond3A_308 {
        %add3A_309 = arith.addi %select_n3A_8, %add3A_289 : i32
        %add3A_310 = arith.constant 2 : i32
        %add3A_311 = arith.addi %add3A_309, %add3A_310 : i32
        %run_scoped3A_312 = arith.constant 1 : i32
        "tpu.region"() ({
          %run_scoped3A_326 = tpu.sem_alloc : memref<!tpu.dma_semaphore, #tpu.memory_space<semaphore_mem>>
          %dma_start3A_327 = arith.constant 0 : i32
          %dma_start3A_328 = arith.constant 0 : i32
          %dma_start3A_329 = tpu.memref_slice %arg5[%run_scoped3A_312, %dma_start3A_327, %dma_start3A_328] : memref<2x2x128xi32, #tpu.memory_space<vmem>> -> memref<1x2x128xi32, #tpu.memory_space<vmem>>
          %dma_start3A_330 = tpu.memref_squeeze %dma_start3A_329 : memref<1x2x128xi32, #tpu.memory_space<vmem>> -> memref<2x128xi32, #tpu.memory_space<vmem>>
          %dma_start3A_331 = arith.constant 0 : i32
          %dma_start3A_332 = arith.constant 0 : i32
          %dma_start3A_333 = tpu.memref_slice %arg3[%add3A_311, %dma_start3A_331, %dma_start3A_332] : memref<2560x2x128xi32, #tpu.memory_space<hbm>> -> memref<1x2x128xi32, #tpu.memory_space<hbm>>
          %dma_start3A_334 = tpu.memref_squeeze %dma_start3A_333 : memref<1x2x128xi32, #tpu.memory_space<hbm>> -> memref<2x128xi32, #tpu.memory_space<hbm>>
          %dma_start3A_335 = arith.constant 0 : i32
          %dma_start3A_336 = arith.constant 0 : i32
          %dma_start3A_337 = tpu.memref_slice %arg5[%run_scoped3A_312, %dma_start3A_335, %dma_start3A_336] : memref<2x2x128xi32, #tpu.memory_space<vmem>> -> memref<1x2x128xi32, #tpu.memory_space<vmem>>
          %dma_start3A_338 = tpu.memref_squeeze %dma_start3A_337 : memref<1x2x128xi32, #tpu.memory_space<vmem>> -> memref<2x128xi32, #tpu.memory_space<vmem>>
          %dma_start3A_339 = arith.constant 0 : i32
          %dma_start3A_340 = arith.constant 0 : i32
          %dma_start3A_341 = tpu.memref_slice %arg3[%add3A_311, %dma_start3A_339, %dma_start3A_340] : memref<2560x2x128xi32, #tpu.memory_space<hbm>> -> memref<1x2x128xi32, #tpu.memory_space<hbm>>
          %dma_start3A_342 = tpu.memref_squeeze %dma_start3A_341 : memref<1x2x128xi32, #tpu.memory_space<hbm>> -> memref<2x128xi32, #tpu.memory_space<hbm>>
          tpu.enqueue_dma source(%dma_start3A_342 : memref<2x128xi32, #tpu.memory_space<hbm>>) target(%dma_start3A_338 : memref<2x128xi32, #tpu.memory_space<vmem>>) target_semaphore(%run_scoped3A_326 : memref<!tpu.dma_semaphore, #tpu.memory_space<semaphore_mem>>)
          %dma_wait3A_343 = arith.constant 0 : i32
          %dma_wait3A_344 = arith.constant 0 : i32
          %dma_wait3A_345 = tpu.memref_slice %arg5[%run_scoped3A_312, %dma_wait3A_343, %dma_wait3A_344] : memref<2x2x128xi32, #tpu.memory_space<vmem>> -> memref<1x2x128xi32, #tpu.memory_space<vmem>>
          %dma_wait3A_346 = tpu.memref_squeeze %dma_wait3A_345 : memref<1x2x128xi32, #tpu.memory_space<vmem>> -> memref<2x128xi32, #tpu.memory_space<vmem>>
          %dma_wait3A_347 = arith.constant 0 : i32
          %dma_wait3A_348 = arith.constant 0 : i32
          %dma_wait3A_349 = tpu.memref_slice %arg3[%add3A_311, %dma_wait3A_347, %dma_wait3A_348] : memref<2560x2x128xi32, #tpu.memory_space<hbm>> -> memref<1x2x128xi32, #tpu.memory_space<hbm>>
          %dma_wait3A_350 = tpu.memref_squeeze %dma_wait3A_349 : memref<1x2x128xi32, #tpu.memory_space<hbm>> -> memref<2x128xi32, #tpu.memory_space<hbm>>
          %dma_wait3A_351 = arith.constant 0 : i32
          %dma_wait3A_352 = arith.constant 0 : i32
          %dma_wait3A_353 = tpu.memref_slice %arg5[%run_scoped3A_312, %dma_wait3A_351, %dma_wait3A_352] : memref<2x2x128xi32, #tpu.memory_space<vmem>> -> memref<1x2x128xi32, #tpu.memory_space<vmem>>
          %dma_wait3A_354 = tpu.memref_squeeze %dma_wait3A_353 : memref<1x2x128xi32, #tpu.memory_space<vmem>> -> memref<2x128xi32, #tpu.memory_space<vmem>>
          %dma_wait3A_355 = arith.constant 0 : i32
          %dma_wait3A_356 = arith.constant 0 : i32
          %dma_wait3A_357 = tpu.memref_slice %arg3[%add3A_311, %dma_wait3A_355, %dma_wait3A_356] : memref<2560x2x128xi32, #tpu.memory_space<hbm>> -> memref<1x2x128xi32, #tpu.memory_space<hbm>>
          %dma_wait3A_358 = tpu.memref_squeeze %dma_wait3A_357 : memref<1x2x128xi32, #tpu.memory_space<hbm>> -> memref<2x128xi32, #tpu.memory_space<hbm>>
          tpu.wait_dma2 semaphore(%run_scoped3A_326 : memref<!tpu.dma_semaphore, #tpu.memory_space<semaphore_mem>>) src(%dma_wait3A_358 : memref<2x128xi32, #tpu.memory_space<hbm>>) dst(%dma_wait3A_354 : memref<2x128xi32, #tpu.memory_space<vmem>>)
          tpu.yield
        }) : () -> ()
        %dma_start3A_313 = arith.constant 1 : i32
        %dma_start3A_314 = arith.constant 0 : i32
        %dma_start3A_315 = arith.constant 1 : i32
        %dma_start3A_316 = arith.constant 0 : i32
        %dma_start3A_317 = arith.constant 0 : i32
        %dma_start3A_318 = tpu.memref_slice %arg6[%dma_start3A_315, %dma_start3A_316, %dma_start3A_317] : memref<2x128x128xf32, #tpu.memory_space<vmem>> -> memref<1x128x128xf32, #tpu.memory_space<vmem>>
        %dma_start3A_319 = tpu.memref_squeeze %dma_start3A_318 : memref<1x128x128xf32, #tpu.memory_space<vmem>> -> memref<128x128xf32, #tpu.memory_space<vmem>>
        %dma_start3A_320 = arith.constant 0 : i32
        %dma_start3A_321 = tpu.memref_slice %arg5[%dma_start3A_313, %dma_start3A_314, %dma_start3A_320] : memref<2x2x128xi32, #tpu.memory_space<vmem>> -> memref<1x1x128xi32, #tpu.memory_space<vmem>>
        %dma_start3A_322 = tpu.memref_squeeze %dma_start3A_321 : memref<1x1x128xi32, #tpu.memory_space<vmem>> -> memref<128xi32, #tpu.memory_space<vmem>>
        %dma_start3A_323 = arith.constant 0 : i32
        %dma_start3A_324 = arith.constant 0 : i32
        %dma_start3A_325 = tpu.memref_slice %arg2[%dma_start3A_323, %dma_start3A_324] : memref<10240x128xf32, #tpu.memory_space<hbm>> -> memref<10240x128xf32, #tpu.memory_space<hbm>>
        tpu.enqueue_indirect_dma source(%dma_start3A_325 : memref<10240x128xf32, #tpu.memory_space<hbm>>) target(%dma_start3A_319 : memref<128x128xf32, #tpu.memory_space<vmem>>) offsets(%dma_start3A_322 : memref<128xi32, #tpu.memory_space<vmem>>) semaphore(%arg9 : memref<!tpu.dma_semaphore, #tpu.memory_space<semaphore_mem>>)
      } else {
      }
    }
    %barrier3A_212 = arith.constant 0 : index
    tpu.barrier barrier_id(%barrier3A_212)
    "tpu.region"() ({
      %run_scoped3A_213 = tpu.sem_alloc : memref<!tpu.dma_semaphore, #tpu.memory_space<semaphore_mem>>
      %dma_start3A_214 = arith.constant 0 : i32
      %dma_start3A_215 = tpu.memref_slice %arg4[%arg0, %mul3A_15, %dma_start3A_214] : memref<2x10240x128xf32, #tpu.memory_space<hbm>> -> memref<1x640x128xf32, #tpu.memory_space<hbm>>
      %dma_start3A_216 = tpu.memref_squeeze %dma_start3A_215 : memref<1x640x128xf32, #tpu.memory_space<hbm>> -> memref<640x128xf32, #tpu.memory_space<hbm>>
      %dma_start3A_217 = arith.constant 0 : i32
      %dma_start3A_218 = tpu.memref_slice %arg7[%mul3A_15, %dma_start3A_217] : memref<10240x128xf32, #tpu.memory_space<vmem_shared>> -> memref<640x128xf32, #tpu.memory_space<vmem_shared>>
      tpu.enqueue_dma source(%dma_start3A_218 : memref<640x128xf32, #tpu.memory_space<vmem_shared>>) target(%dma_start3A_216 : memref<640x128xf32, #tpu.memory_space<hbm>>) target_semaphore(%run_scoped3A_213 : memref<!tpu.dma_semaphore, #tpu.memory_space<semaphore_mem>>)
      %dma_wait3A_219 = arith.constant 0 : i32
      %dma_wait3A_220 = tpu.memref_slice %arg4[%arg0, %mul3A_15, %dma_wait3A_219] : memref<2x10240x128xf32, #tpu.memory_space<hbm>> -> memref<1x640x128xf32, #tpu.memory_space<hbm>>
      %dma_wait3A_221 = tpu.memref_squeeze %dma_wait3A_220 : memref<1x640x128xf32, #tpu.memory_space<hbm>> -> memref<640x128xf32, #tpu.memory_space<hbm>>
      %dma_wait3A_222 = arith.constant 0 : i32
      %dma_wait3A_223 = tpu.memref_slice %arg7[%mul3A_15, %dma_wait3A_222] : memref<10240x128xf32, #tpu.memory_space<vmem_shared>> -> memref<640x128xf32, #tpu.memory_space<vmem_shared>>
      tpu.wait_dma2 semaphore(%run_scoped3A_213 : memref<!tpu.dma_semaphore, #tpu.memory_space<semaphore_mem>>) src(%dma_wait3A_223 : memref<640x128xf32, #tpu.memory_space<vmem_shared>>) dst(%dma_wait3A_221 : memref<640x128xf32, #tpu.memory_space<hbm>>)
      tpu.yield
    }) : () -> ()
    return
  }
}

#map = affine_map<(d0, d1) -> (0, 0)>
#map1 = affine_map<(d0, d1) -> (0, 0, 0)>
module attributes {stable_mosaic.version = 14 : i64} {
  func.func @_spmm_body(%arg0: i32, %arg1: i32, %arg2: memref<10240x128xf32, #tpu.memory_space<hbm>>, %arg3: memref<2560x2x128xi32, #tpu.memory_space<hbm>>, %arg4: memref<2x10240x128xf32, #tpu.memory_space<hbm>>, %arg5: memref<2x2x128xi32, #tpu.memory_space<vmem>>, %arg6: memref<2x128x128xf32, #tpu.memory_space<vmem>>, %arg7: memref<10240x128xf32, #tpu.memory_space<vmem_shared>>, %arg8: memref<!tpu.dma_semaphore, #tpu.memory_space<semaphore_mem>>, %arg9: memref<!tpu.dma_semaphore, #tpu.memory_space<semaphore_mem>>, %arg10: memref<!tpu.dma_semaphore, #tpu.memory_space<semaphore_mem>>, %arg11: memref<!tpu.dma_semaphore, #tpu.memory_space<semaphore_mem>>) attributes {dimension_semantics = [#tpu.dimension_semantics<core_parallel>, #tpu.dimension_semantics<subcore_parallel>], iteration_bounds = array<i64: 2, 16>, scalar_prefetch = 0 : i64, scratch_operands = 7 : i64, tpu.core_type = #tpu.core_type<sc_vector_subcore>, window_params = [{transform_indices = #map}, {transform_indices = #map1}, {transform_indices = #map1}]} {
    %eq3A = arith.constant 1 : i32
    %eq3A_0 = arith.cmpi eq, %arg0, %eq3A : i32
    %jit3A = arith.constant 80 : i32
    %jit3A_1 = arith.constant 80 : i32
    %select_n3A = arith.select %eq3A_0, %jit3A, %jit3A_1 : i32
    %eq3A_2 = arith.constant 1 : i32
    %eq3A_3 = arith.cmpi eq, %arg0, %eq3A_2 : i32
    %mul3A = arith.constant 80 : i32
    %mul3A_4 = arith.muli %arg1, %mul3A : i32
    %mul3A_5 = arith.constant 80 : i32
    %mul3A_6 = arith.muli %arg1, %mul3A_5 : i32
    %add3A = arith.constant 1280 : i32
    %add3A_7 = arith.addi %add3A, %mul3A_6 : i32
    %select_n3A_8 = arith.select %eq3A_3, %mul3A_4, %add3A_7 : i32
    %scan3A = arith.constant 0 : i32
    %scan3A_9 = arith.constant 0 : i32
    %scan3A_10 = arith.constant 128 : i32
    %scan3A_11 = arith.addi %scan3A_9, %scan3A_10 : i32
    %scan3A_12 = arith.constant 1 : i32
    scf.for %scan3A_213 = %scan3A_9 to %scan3A_11 step %scan3A_12  : i32 {
      %scan3A_214 = arith.constant 0 : i32
      %scan3A_215 = arith.constant 0 : i32
      %scan3A_216 = arith.constant 8 : i32
      %scan3A_217 = arith.addi %scan3A_215, %scan3A_216 : i32
      %scan3A_218 = arith.constant 1 : i32
      scf.for %scan3A_220 = %scan3A_215 to %scan3A_217 step %scan3A_218  : i32 {
        %broadcast_in_dim3A = arith.constant 0.000000e+00 : f32
        %broadcast_in_dim3A_221 = vector.broadcast %broadcast_in_dim3A : f32 to vector<16xf32>
        %mul3A_222 = arith.constant 16 : i32
        %mul3A_223 = arith.muli %scan3A_220, %mul3A_222 : i32
        %swap3A = arith.constant 0 : i32
        %swap3A_224 = arith.index_cast %swap3A : i32 to index
        %swap3A_225 = arith.index_cast %scan3A_213 : i32 to index
        %swap3A_226 = arith.index_cast %mul3A_223 : i32 to index
        %swap3A_227 = tpu.vector_load %arg6[%swap3A_224, %swap3A_225, %swap3A_226] {strides = array<i32>} : memref<2x128x128xf32, #tpu.memory_space<vmem>>, vector<1x1x16xf32>,
        %swap3A_228 = vector.shape_cast %swap3A_227 : vector<1x1x16xf32> to vector<16xf32>
        %swap3A_229 = vector.shape_cast %broadcast_in_dim3A_221 : vector<16xf32> to vector<1x1x16xf32>
        tpu.vector_store %arg6[%swap3A_224, %swap3A_225, %swap3A_226], %swap3A_229 {strides = array<i32>} : memref<2x128x128xf32, #tpu.memory_space<vmem>>, vector<1x1x16xf32>,
      }
      %scan3A_219 = arith.constant 8 : i32
    }
    %scan3A_13 = arith.constant 128 : i32
    %mul3A_14 = arith.constant 640 : i32
    %mul3A_15 = arith.muli %arg1, %mul3A_14 : i32
    %add3A_16 = arith.constant 0 : i32
    %add3A_17 = arith.addi %mul3A_15, %add3A_16 : i32
    %add3A_18 = arith.constant 128 : i32
    %add3A_19 = arith.addi %mul3A_15, %add3A_18 : i32
    %add3A_20 = arith.constant 256 : i32
    %add3A_21 = arith.addi %mul3A_15, %add3A_20 : i32
    %add3A_22 = arith.constant 384 : i32
    %add3A_23 = arith.addi %mul3A_15, %add3A_22 : i32
    %add3A_24 = arith.constant 512 : i32
    %add3A_25 = arith.addi %mul3A_15, %add3A_24 : i32
    %dma_start3A = arith.constant 0 : i32
    %dma_start3A_26 = arith.constant 0 : i32
    %dma_start3A_27 = arith.constant 0 : i32
    %dma_start3A_28 = tpu.memref_slice %arg6[%dma_start3A, %dma_start3A_26, %dma_start3A_27] : memref<2x128x128xf32, #tpu.memory_space<vmem>> -> memref<1x128x128xf32, #tpu.memory_space<vmem>>
    %dma_start3A_29 = tpu.memref_squeeze %dma_start3A_28 : memref<1x128x128xf32, #tpu.memory_space<vmem>> -> memref<128x128xf32, #tpu.memory_space<vmem>>
    %dma_start3A_30 = arith.constant 0 : i32
    %dma_start3A_31 = tpu.memref_slice %arg7[%add3A_17, %dma_start3A_30] : memref<10240x128xf32, #tpu.memory_space<vmem_shared>> -> memref<128x128xf32, #tpu.memory_space<vmem_shared>>
    %dma_start3A_32 = arith.constant 0 : i32
    %dma_start3A_33 = tpu.memref_slice %arg7[%add3A_17, %dma_start3A_32] : memref<10240x128xf32, #tpu.memory_space<vmem_shared>> -> memref<128x128xf32, #tpu.memory_space<vmem_shared>>
    %dma_start3A_34 = arith.constant 0 : i32
    %dma_start3A_35 = arith.constant 0 : i32
    %dma_start3A_36 = tpu.memref_slice %arg6[%dma_start3A, %dma_start3A_34, %dma_start3A_35] : memref<2x128x128xf32, #tpu.memory_space<vmem>> -> memref<1x128x128xf32, #tpu.memory_space<vmem>>
    %dma_start3A_37 = tpu.memref_squeeze %dma_start3A_36 : memref<1x128x128xf32, #tpu.memory_space<vmem>> -> memref<128x128xf32, #tpu.memory_space<vmem>>
    tpu.enqueue_dma source(%dma_start3A_37 : memref<128x128xf32, #tpu.memory_space<vmem>>) target(%dma_start3A_33 : memref<128x128xf32, #tpu.memory_space<vmem_shared>>) target_semaphore(%arg10 : memref<!tpu.dma_semaphore, #tpu.memory_space<semaphore_mem>>)
    %dma_start3A_38 = arith.constant 0 : i32
    %dma_start3A_39 = arith.constant 0 : i32
    %dma_start3A_40 = arith.constant 0 : i32
    %dma_start3A_41 = tpu.memref_slice %arg6[%dma_start3A_38, %dma_start3A_39, %dma_start3A_40] : memref<2x128x128xf32, #tpu.memory_space<vmem>> -> memref<1x128x128xf32, #tpu.memory_space<vmem>>
    %dma_start3A_42 = tpu.memref_squeeze %dma_start3A_41 : memref<1x128x128xf32, #tpu.memory_space<vmem>> -> memref<128x128xf32, #tpu.memory_space<vmem>>
    %dma_start3A_43 = arith.constant 0 : i32
    %dma_start3A_44 = tpu.memref_slice %arg7[%add3A_19, %dma_start3A_43] : memref<10240x128xf32, #tpu.memory_space<vmem_shared>> -> memref<128x128xf32, #tpu.memory_space<vmem_shared>>
    %dma_start3A_45 = arith.constant 0 : i32
    %dma_start3A_46 = tpu.memref_slice %arg7[%add3A_19, %dma_start3A_45] : memref<10240x128xf32, #tpu.memory_space<vmem_shared>> -> memref<128x128xf32, #tpu.memory_space<vmem_shared>>
    %dma_start3A_47 = arith.constant 0 : i32
    %dma_start3A_48 = arith.constant 0 : i32
    %dma_start3A_49 = tpu.memref_slice %arg6[%dma_start3A_38, %dma_start3A_47, %dma_start3A_48] : memref<2x128x128xf32, #tpu.memory_space<vmem>> -> memref<1x128x128xf32, #tpu.memory_space<vmem>>
    %dma_start3A_50 = tpu.memref_squeeze %dma_start3A_49 : memref<1x128x128xf32, #tpu.memory_space<vmem>> -> memref<128x128xf32, #tpu.memory_space<vmem>>
    tpu.enqueue_dma source(%dma_start3A_50 : memref<128x128xf32, #tpu.memory_space<vmem>>) target(%dma_start3A_46 : memref<128x128xf32, #tpu.memory_space<vmem_shared>>) target_semaphore(%arg10 : memref<!tpu.dma_semaphore, #tpu.memory_space<semaphore_mem>>)
    %dma_start3A_51 = arith.constant 0 : i32
    %dma_start3A_52 = arith.constant 0 : i32
    %dma_start3A_53 = arith.constant 0 : i32
    %dma_start3A_54 = tpu.memref_slice %arg6[%dma_start3A_51, %dma_start3A_52, %dma_start3A_53] : memref<2x128x128xf32, #tpu.memory_space<vmem>> -> memref<1x128x128xf32, #tpu.memory_space<vmem>>
    %dma_start3A_55 = tpu.memref_squeeze %dma_start3A_54 : memref<1x128x128xf32, #tpu.memory_space<vmem>> -> memref<128x128xf32, #tpu.memory_space<vmem>>
    %dma_start3A_56 = arith.constant 0 : i32
    %dma_start3A_57 = tpu.memref_slice %arg7[%add3A_21, %dma_start3A_56] : memref<10240x128xf32, #tpu.memory_space<vmem_shared>> -> memref<128x128xf32, #tpu.memory_space<vmem_shared>>
    %dma_start3A_58 = arith.constant 0 : i32
    %dma_start3A_59 = tpu.memref_slice %arg7[%add3A_21, %dma_start3A_58] : memref<10240x128xf32, #tpu.memory_space<vmem_shared>> -> memref<128x128xf32, #tpu.memory_space<vmem_shared>>
    %dma_start3A_60 = arith.constant 0 : i32
    %dma_start3A_61 = arith.constant 0 : i32
    %dma_start3A_62 = tpu.memref_slice %arg6[%dma_start3A_51, %dma_start3A_60, %dma_start3A_61] : memref<2x128x128xf32, #tpu.memory_space<vmem>> -> memref<1x128x128xf32, #tpu.memory_space<vmem>>
    %dma_start3A_63 = tpu.memref_squeeze %dma_start3A_62 : memref<1x128x128xf32, #tpu.memory_space<vmem>> -> memref<128x128xf32, #tpu.memory_space<vmem>>
    tpu.enqueue_dma source(%dma_start3A_63 : memref<128x128xf32, #tpu.memory_space<vmem>>) target(%dma_start3A_59 : memref<128x128xf32, #tpu.memory_space<vmem_shared>>) target_semaphore(%arg10 : memref<!tpu.dma_semaphore, #tpu.memory_space<semaphore_mem>>)
    %dma_start3A_64 = arith.constant 0 : i32
    %dma_start3A_65 = arith.constant 0 : i32
    %dma_start3A_66 = arith.constant 0 : i32
    %dma_start3A_67 = tpu.memref_slice %arg6[%dma_start3A_64, %dma_start3A_65, %dma_start3A_66] : memref<2x128x128xf32, #tpu.memory_space<vmem>> -> memref<1x128x128xf32, #tpu.memory_space<vmem>>
    %dma_start3A_68 = tpu.memref_squeeze %dma_start3A_67 : memref<1x128x128xf32, #tpu.memory_space<vmem>> -> memref<128x128xf32, #tpu.memory_space<vmem>>
    %dma_start3A_69 = arith.constant 0 : i32
    %dma_start3A_70 = tpu.memref_slice %arg7[%add3A_23, %dma_start3A_69] : memref<10240x128xf32, #tpu.memory_space<vmem_shared>> -> memref<128x128xf32, #tpu.memory_space<vmem_shared>>
    %dma_start3A_71 = arith.constant 0 : i32
    %dma_start3A_72 = tpu.memref_slice %arg7[%add3A_23, %dma_start3A_71] : memref<10240x128xf32, #tpu.memory_space<vmem_shared>> -> memref<128x128xf32, #tpu.memory_space<vmem_shared>>
    %dma_start3A_73 = arith.constant 0 : i32
    %dma_start3A_74 = arith.constant 0 : i32
    %dma_start3A_75 = tpu.memref_slice %arg6[%dma_start3A_64, %dma_start3A_73, %dma_start3A_74] : memref<2x128x128xf32, #tpu.memory_space<vmem>> -> memref<1x128x128xf32, #tpu.memory_space<vmem>>
    %dma_start3A_76 = tpu.memref_squeeze %dma_start3A_75 : memref<1x128x128xf32, #tpu.memory_space<vmem>> -> memref<128x128xf32, #tpu.memory_space<vmem>>
    tpu.enqueue_dma source(%dma_start3A_76 : memref<128x128xf32, #tpu.memory_space<vmem>>) target(%dma_start3A_72 : memref<128x128xf32, #tpu.memory_space<vmem_shared>>) target_semaphore(%arg10 : memref<!tpu.dma_semaphore, #tpu.memory_space<semaphore_mem>>)
    %dma_start3A_77 = arith.constant 0 : i32
    %dma_start3A_78 = arith.constant 0 : i32
    %dma_start3A_79 = arith.constant 0 : i32
    %dma_start3A_80 = tpu.memref_slice %arg6[%dma_start3A_77, %dma_start3A_78, %dma_start3A_79] : memref<2x128x128xf32, #tpu.memory_space<vmem>> -> memref<1x128x128xf32, #tpu.memory_space<vmem>>
    %dma_start3A_81 = tpu.memref_squeeze %dma_start3A_80 : memref<1x128x128xf32, #tpu.memory_space<vmem>> -> memref<128x128xf32, #tpu.memory_space<vmem>>
    %dma_start3A_82 = arith.constant 0 : i32
    %dma_start3A_83 = tpu.memref_slice %arg7[%add3A_25, %dma_start3A_82] : memref<10240x128xf32, #tpu.memory_space<vmem_shared>> -> memref<128x128xf32, #tpu.memory_space<vmem_shared>>
    %dma_start3A_84 = arith.constant 0 : i32
    %dma_start3A_85 = tpu.memref_slice %arg7[%add3A_25, %dma_start3A_84] : memref<10240x128xf32, #tpu.memory_space<vmem_shared>> -> memref<128x128xf32, #tpu.memory_space<vmem_shared>>
    %dma_start3A_86 = arith.constant 0 : i32
    %dma_start3A_87 = arith.constant 0 : i32
    %dma_start3A_88 = tpu.memref_slice %arg6[%dma_start3A_77, %dma_start3A_86, %dma_start3A_87] : memref<2x128x128xf32, #tpu.memory_space<vmem>> -> memref<1x128x128xf32, #tpu.memory_space<vmem>>
    %dma_start3A_89 = tpu.memref_squeeze %dma_start3A_88 : memref<1x128x128xf32, #tpu.memory_space<vmem>> -> memref<128x128xf32, #tpu.memory_space<vmem>>
    tpu.enqueue_dma source(%dma_start3A_89 : memref<128x128xf32, #tpu.memory_space<vmem>>) target(%dma_start3A_85 : memref<128x128xf32, #tpu.memory_space<vmem_shared>>) target_semaphore(%arg10 : memref<!tpu.dma_semaphore, #tpu.memory_space<semaphore_mem>>)
    %dma_wait3A = arith.constant 0 : i32
    %dma_wait3A_90 = arith.constant 0 : i32
    %dma_wait3A_91 = arith.constant 0 : i32
    %dma_wait3A_92 = tpu.memref_slice %arg6[%dma_wait3A, %dma_wait3A_90, %dma_wait3A_91] : memref<2x128x128xf32, #tpu.memory_space<vmem>> -> memref<1x128x128xf32, #tpu.memory_space<vmem>>
    %dma_wait3A_93 = tpu.memref_squeeze %dma_wait3A_92 : memref<1x128x128xf32, #tpu.memory_space<vmem>> -> memref<128x128xf32, #tpu.memory_space<vmem>>
    %dma_wait3A_94 = arith.constant 0 : i32
    %dma_wait3A_95 = tpu.memref_slice %arg7[%add3A_17, %dma_wait3A_94] : memref<10240x128xf32, #tpu.memory_space<vmem_shared>> -> memref<128x128xf32, #tpu.memory_space<vmem_shared>>
    %dma_wait3A_96 = arith.constant 0 : i32
    %dma_wait3A_97 = tpu.memref_slice %arg7[%add3A_17, %dma_wait3A_96] : memref<10240x128xf32, #tpu.memory_space<vmem_shared>> -> memref<128x128xf32, #tpu.memory_space<vmem_shared>>
    %dma_wait3A_98 = arith.constant 0 : i32
    %dma_wait3A_99 = arith.constant 0 : i32
    %dma_wait3A_100 = tpu.memref_slice %arg6[%dma_wait3A, %dma_wait3A_98, %dma_wait3A_99] : memref<2x128x128xf32, #tpu.memory_space<vmem>> -> memref<1x128x128xf32, #tpu.memory_space<vmem>>
    %dma_wait3A_101 = tpu.memref_squeeze %dma_wait3A_100 : memref<1x128x128xf32, #tpu.memory_space<vmem>> -> memref<128x128xf32, #tpu.memory_space<vmem>>
    tpu.wait_dma2 semaphore(%arg10 : memref<!tpu.dma_semaphore, #tpu.memory_space<semaphore_mem>>) src(%dma_wait3A_101 : memref<128x128xf32, #tpu.memory_space<vmem>>) dst(%dma_wait3A_97 : memref<128x128xf32, #tpu.memory_space<vmem_shared>>)
    %dma_wait3A_102 = arith.constant 0 : i32
    %dma_wait3A_103 = arith.constant 0 : i32
    %dma_wait3A_104 = arith.constant 0 : i32
    %dma_wait3A_105 = tpu.memref_slice %arg6[%dma_wait3A_102, %dma_wait3A_103, %dma_wait3A_104] : memref<2x128x128xf32, #tpu.memory_space<vmem>> -> memref<1x128x128xf32, #tpu.memory_space<vmem>>
    %dma_wait3A_106 = tpu.memref_squeeze %dma_wait3A_105 : memref<1x128x128xf32, #tpu.memory_space<vmem>> -> memref<128x128xf32, #tpu.memory_space<vmem>>
    %dma_wait3A_107 = arith.constant 0 : i32
    %dma_wait3A_108 = tpu.memref_slice %arg7[%add3A_19, %dma_wait3A_107] : memref<10240x128xf32, #tpu.memory_space<vmem_shared>> -> memref<128x128xf32, #tpu.memory_space<vmem_shared>>
    %dma_wait3A_109 = arith.constant 0 : i32
    %dma_wait3A_110 = tpu.memref_slice %arg7[%add3A_19, %dma_wait3A_109] : memref<10240x128xf32, #tpu.memory_space<vmem_shared>> -> memref<128x128xf32, #tpu.memory_space<vmem_shared>>
    %dma_wait3A_111 = arith.constant 0 : i32
    %dma_wait3A_112 = arith.constant 0 : i32
    %dma_wait3A_113 = tpu.memref_slice %arg6[%dma_wait3A_102, %dma_wait3A_111, %dma_wait3A_112] : memref<2x128x128xf32, #tpu.memory_space<vmem>> -> memref<1x128x128xf32, #tpu.memory_space<vmem>>
    %dma_wait3A_114 = tpu.memref_squeeze %dma_wait3A_113 : memref<1x128x128xf32, #tpu.memory_space<vmem>> -> memref<128x128xf32, #tpu.memory_space<vmem>>
    tpu.wait_dma2 semaphore(%arg10 : memref<!tpu.dma_semaphore, #tpu.memory_space<semaphore_mem>>) src(%dma_wait3A_114 : memref<128x128xf32, #tpu.memory_space<vmem>>) dst(%dma_wait3A_110 : memref<128x128xf32, #tpu.memory_space<vmem_shared>>)
    %dma_wait3A_115 = arith.constant 0 : i32
    %dma_wait3A_116 = arith.constant 0 : i32
    %dma_wait3A_117 = arith.constant 0 : i32
    %dma_wait3A_118 = tpu.memref_slice %arg6[%dma_wait3A_115, %dma_wait3A_116, %dma_wait3A_117] : memref<2x128x128xf32, #tpu.memory_space<vmem>> -> memref<1x128x128xf32, #tpu.memory_space<vmem>>
    %dma_wait3A_119 = tpu.memref_squeeze %dma_wait3A_118 : memref<1x128x128xf32, #tpu.memory_space<vmem>> -> memref<128x128xf32, #tpu.memory_space<vmem>>
    %dma_wait3A_120 = arith.constant 0 : i32
    %dma_wait3A_121 = tpu.memref_slice %arg7[%add3A_21, %dma_wait3A_120] : memref<10240x128xf32, #tpu.memory_space<vmem_shared>> -> memref<128x128xf32, #tpu.memory_space<vmem_shared>>
    %dma_wait3A_122 = arith.constant 0 : i32
    %dma_wait3A_123 = tpu.memref_slice %arg7[%add3A_21, %dma_wait3A_122] : memref<10240x128xf32, #tpu.memory_space<vmem_shared>> -> memref<128x128xf32, #tpu.memory_space<vmem_shared>>
    %dma_wait3A_124 = arith.constant 0 : i32
    %dma_wait3A_125 = arith.constant 0 : i32
    %dma_wait3A_126 = tpu.memref_slice %arg6[%dma_wait3A_115, %dma_wait3A_124, %dma_wait3A_125] : memref<2x128x128xf32, #tpu.memory_space<vmem>> -> memref<1x128x128xf32, #tpu.memory_space<vmem>>
    %dma_wait3A_127 = tpu.memref_squeeze %dma_wait3A_126 : memref<1x128x128xf32, #tpu.memory_space<vmem>> -> memref<128x128xf32, #tpu.memory_space<vmem>>
    tpu.wait_dma2 semaphore(%arg10 : memref<!tpu.dma_semaphore, #tpu.memory_space<semaphore_mem>>) src(%dma_wait3A_127 : memref<128x128xf32, #tpu.memory_space<vmem>>) dst(%dma_wait3A_123 : memref<128x128xf32, #tpu.memory_space<vmem_shared>>)
    %dma_wait3A_128 = arith.constant 0 : i32
    %dma_wait3A_129 = arith.constant 0 : i32
    %dma_wait3A_130 = arith.constant 0 : i32
    %dma_wait3A_131 = tpu.memref_slice %arg6[%dma_wait3A_128, %dma_wait3A_129, %dma_wait3A_130] : memref<2x128x128xf32, #tpu.memory_space<vmem>> -> memref<1x128x128xf32, #tpu.memory_space<vmem>>
    %dma_wait3A_132 = tpu.memref_squeeze %dma_wait3A_131 : memref<1x128x128xf32, #tpu.memory_space<vmem>> -> memref<128x128xf32, #tpu.memory_space<vmem>>
    %dma_wait3A_133 = arith.constant 0 : i32
    %dma_wait3A_134 = tpu.memref_slice %arg7[%add3A_23, %dma_wait3A_133] : memref<10240x128xf32, #tpu.memory_space<vmem_shared>> -> memref<128x128xf32, #tpu.memory_space<vmem_shared>>
    %dma_wait3A_135 = arith.constant 0 : i32
    %dma_wait3A_136 = tpu.memref_slice %arg7[%add3A_23, %dma_wait3A_135] : memref<10240x128xf32, #tpu.memory_space<vmem_shared>> -> memref<128x128xf32, #tpu.memory_space<vmem_shared>>
    %dma_wait3A_137 = arith.constant 0 : i32
    %dma_wait3A_138 = arith.constant 0 : i32
    %dma_wait3A_139 = tpu.memref_slice %arg6[%dma_wait3A_128, %dma_wait3A_137, %dma_wait3A_138] : memref<2x128x128xf32, #tpu.memory_space<vmem>> -> memref<1x128x128xf32, #tpu.memory_space<vmem>>
    %dma_wait3A_140 = tpu.memref_squeeze %dma_wait3A_139 : memref<1x128x128xf32, #tpu.memory_space<vmem>> -> memref<128x128xf32, #tpu.memory_space<vmem>>
    tpu.wait_dma2 semaphore(%arg10 : memref<!tpu.dma_semaphore, #tpu.memory_space<semaphore_mem>>) src(%dma_wait3A_140 : memref<128x128xf32, #tpu.memory_space<vmem>>) dst(%dma_wait3A_136 : memref<128x128xf32, #tpu.memory_space<vmem_shared>>)
    %dma_wait3A_141 = arith.constant 0 : i32
    %dma_wait3A_142 = arith.constant 0 : i32
    %dma_wait3A_143 = arith.constant 0 : i32
    %dma_wait3A_144 = tpu.memref_slice %arg6[%dma_wait3A_141, %dma_wait3A_142, %dma_wait3A_143] : memref<2x128x128xf32, #tpu.memory_space<vmem>> -> memref<1x128x128xf32, #tpu.memory_space<vmem>>
    %dma_wait3A_145 = tpu.memref_squeeze %dma_wait3A_144 : memref<1x128x128xf32, #tpu.memory_space<vmem>> -> memref<128x128xf32, #tpu.memory_space<vmem>>
    %dma_wait3A_146 = arith.constant 0 : i32
    %dma_wait3A_147 = tpu.memref_slice %arg7[%add3A_25, %dma_wait3A_146] : memref<10240x128xf32, #tpu.memory_space<vmem_shared>> -> memref<128x128xf32, #tpu.memory_space<vmem_shared>>
    %dma_wait3A_148 = arith.constant 0 : i32
    %dma_wait3A_149 = tpu.memref_slice %arg7[%add3A_25, %dma_wait3A_148] : memref<10240x128xf32, #tpu.memory_space<vmem_shared>> -> memref<128x128xf32, #tpu.memory_space<vmem_shared>>
    %dma_wait3A_150 = arith.constant 0 : i32
    %dma_wait3A_151 = arith.constant 0 : i32
    %dma_wait3A_152 = tpu.memref_slice %arg6[%dma_wait3A_141, %dma_wait3A_150, %dma_wait3A_151] : memref<2x128x128xf32, #tpu.memory_space<vmem>> -> memref<1x128x128xf32, #tpu.memory_space<vmem>>
    %dma_wait3A_153 = tpu.memref_squeeze %dma_wait3A_152 : memref<1x128x128xf32, #tpu.memory_space<vmem>> -> memref<128x128xf32, #tpu.memory_space<vmem>>
    tpu.wait_dma2 semaphore(%arg10 : memref<!tpu.dma_semaphore, #tpu.memory_space<semaphore_mem>>) src(%dma_wait3A_153 : memref<128x128xf32, #tpu.memory_space<vmem>>) dst(%dma_wait3A_149 : memref<128x128xf32, #tpu.memory_space<vmem_shared>>)
    %barrier3A = arith.constant 0 : index
    tpu.barrier barrier_id(%barrier3A)
    %add3A_154 = arith.constant 0 : i32
    %add3A_155 = arith.addi %select_n3A_8, %add3A_154 : i32
    %run_scoped3A = arith.constant 0 : i32
    "tpu.region"() ({
      %run_scoped3A_213 = tpu.sem_alloc : memref<!tpu.dma_semaphore, #tpu.memory_space<semaphore_mem>>
      %dma_start3A_214 = arith.constant 0 : i32
      %dma_start3A_215 = arith.constant 0 : i32
      %dma_start3A_216 = tpu.memref_slice %arg5[%run_scoped3A, %dma_start3A_214, %dma_start3A_215] : memref<2x2x128xi32, #tpu.memory_space<vmem>> -> memref<1x2x128xi32, #tpu.memory_space<vmem>>
      %dma_start3A_217 = tpu.memref_squeeze %dma_start3A_216 : memref<1x2x128xi32, #tpu.memory_space<vmem>> -> memref<2x128xi32, #tpu.memory_space<vmem>>
      %dma_start3A_218 = arith.constant 0 : i32
      %dma_start3A_219 = arith.constant 0 : i32
      %dma_start3A_220 = tpu.memref_slice %arg3[%add3A_155, %dma_start3A_218, %dma_start3A_219] : memref<2560x2x128xi32, #tpu.memory_space<hbm>> -> memref<1x2x128xi32, #tpu.memory_space<hbm>>
      %dma_start3A_221 = tpu.memref_squeeze %dma_start3A_220 : memref<1x2x128xi32, #tpu.memory_space<hbm>> -> memref<2x128xi32, #tpu.memory_space<hbm>>
      %dma_start3A_222 = arith.constant 0 : i32
      %dma_start3A_223 = arith.constant 0 : i32
      %dma_start3A_224 = tpu.memref_slice %arg5[%run_scoped3A, %dma_start3A_222, %dma_start3A_223] : memref<2x2x128xi32, #tpu.memory_space<vmem>> -> memref<1x2x128xi32, #tpu.memory_space<vmem>>
      %dma_start3A_225 = tpu.memref_squeeze %dma_start3A_224 : memref<1x2x128xi32, #tpu.memory_space<vmem>> -> memref<2x128xi32, #tpu.memory_space<vmem>>
      %dma_start3A_226 = arith.constant 0 : i32
      %dma_start3A_227 = arith.constant 0 : i32
      %dma_start3A_228 = tpu.memref_slice %arg3[%add3A_155, %dma_start3A_226, %dma_start3A_227] : memref<2560x2x128xi32, #tpu.memory_space<hbm>> -> memref<1x2x128xi32, #tpu.memory_space<hbm>>
      %dma_start3A_229 = tpu.memref_squeeze %dma_start3A_228 : memref<1x2x128xi32, #tpu.memory_space<hbm>> -> memref<2x128xi32, #tpu.memory_space<hbm>>
      tpu.enqueue_dma source(%dma_start3A_229 : memref<2x128xi32, #tpu.memory_space<hbm>>) target(%dma_start3A_225 : memref<2x128xi32, #tpu.memory_space<vmem>>) target_semaphore(%run_scoped3A_213 : memref<!tpu.dma_semaphore, #tpu.memory_space<semaphore_mem>>)
      %dma_wait3A_230 = arith.constant 0 : i32
      %dma_wait3A_231 = arith.constant 0 : i32
      %dma_wait3A_232 = tpu.memref_slice %arg5[%run_scoped3A, %dma_wait3A_230, %dma_wait3A_231] : memref<2x2x128xi32, #tpu.memory_space<vmem>> -> memref<1x2x128xi32, #tpu.memory_space<vmem>>
      %dma_wait3A_233 = tpu.memref_squeeze %dma_wait3A_232 : memref<1x2x128xi32, #tpu.memory_space<vmem>> -> memref<2x128xi32, #tpu.memory_space<vmem>>
      %dma_wait3A_234 = arith.constant 0 : i32
      %dma_wait3A_235 = arith.constant 0 : i32
      %dma_wait3A_236 = tpu.memref_slice %arg3[%add3A_155, %dma_wait3A_234, %dma_wait3A_235] : memref<2560x2x128xi32, #tpu.memory_space<hbm>> -> memref<1x2x128xi32, #tpu.memory_space<hbm>>
      %dma_wait3A_237 = tpu.memref_squeeze %dma_wait3A_236 : memref<1x2x128xi32, #tpu.memory_space<hbm>> -> memref<2x128xi32, #tpu.memory_space<hbm>>
      %dma_wait3A_238 = arith.constant 0 : i32
      %dma_wait3A_239 = arith.constant 0 : i32
      %dma_wait3A_240 = tpu.memref_slice %arg5[%run_scoped3A, %dma_wait3A_238, %dma_wait3A_239] : memref<2x2x128xi32, #tpu.memory_space<vmem>> -> memref<1x2x128xi32, #tpu.memory_space<vmem>>
      %dma_wait3A_241 = tpu.memref_squeeze %dma_wait3A_240 : memref<1x2x128xi32, #tpu.memory_space<vmem>> -> memref<2x128xi32, #tpu.memory_space<vmem>>
      %dma_wait3A_242 = arith.constant 0 : i32
      %dma_wait3A_243 = arith.constant 0 : i32
      %dma_wait3A_244 = tpu.memref_slice %arg3[%add3A_155, %dma_wait3A_242, %dma_wait3A_243] : memref<2560x2x128xi32, #tpu.memory_space<hbm>> -> memref<1x2x128xi32, #tpu.memory_space<hbm>>
      %dma_wait3A_245 = tpu.memref_squeeze %dma_wait3A_244 : memref<1x2x128xi32, #tpu.memory_space<hbm>> -> memref<2x128xi32, #tpu.memory_space<hbm>>
      tpu.wait_dma2 semaphore(%run_scoped3A_213 : memref<!tpu.dma_semaphore, #tpu.memory_space<semaphore_mem>>) src(%dma_wait3A_245 : memref<2x128xi32, #tpu.memory_space<hbm>>) dst(%dma_wait3A_241 : memref<2x128xi32, #tpu.memory_space<vmem>>)
      tpu.yield
    }) : () -> ()
    %dma_start3A_156 = arith.constant 0 : i32
    %dma_start3A_157 = arith.constant 0 : i32
    %dma_start3A_158 = arith.constant 0 : i32
    %dma_start3A_159 = arith.constant 0 : i32
    %dma_start3A_160 = arith.constant 0 : i32
    %dma_start3A_161 = tpu.memref_slice %arg6[%dma_start3A_158, %dma_start3A_159, %dma_start3A_160] : memref<2x128x128xf32, #tpu.memory_space<vmem>> -> memref<1x128x128xf32, #tpu.memory_space<vmem>>
    %dma_start3A_162 = tpu.memref_squeeze %dma_start3A_161 : memref<1x128x128xf32, #tpu.memory_space<vmem>> -> memref<128x128xf32, #tpu.memory_space<vmem>>
    %dma_start3A_163 = arith.constant 0 : i32
    %dma_start3A_164 = tpu.memref_slice %arg5[%dma_start3A_156, %dma_start3A_157, %dma_start3A_163] : memref<2x2x128xi32, #tpu.memory_space<vmem>> -> memref<1x1x128xi32, #tpu.memory_space<vmem>>
    %dma_start3A_165 = tpu.memref_squeeze %dma_start3A_164 : memref<1x1x128xi32, #tpu.memory_space<vmem>> -> memref<128xi32, #tpu.memory_space<vmem>>
    %dma_start3A_166 = arith.constant 0 : i32
    %dma_start3A_167 = arith.constant 0 : i32
    %dma_start3A_168 = tpu.memref_slice %arg2[%dma_start3A_166, %dma_start3A_167] : memref<10240x128xf32, #tpu.memory_space<hbm>> -> memref<10240x128xf32, #tpu.memory_space<hbm>>
    tpu.enqueue_indirect_dma source(%dma_start3A_168 : memref<10240x128xf32, #tpu.memory_space<hbm>>) target(%dma_start3A_162 : memref<128x128xf32, #tpu.memory_space<vmem>>) offsets(%dma_start3A_165 : memref<128xi32, #tpu.memory_space<vmem>>) semaphore(%arg8 : memref<!tpu.dma_semaphore, #tpu.memory_space<semaphore_mem>>)
    %add3A_169 = arith.constant 1 : i32
    %add3A_170 = arith.addi %select_n3A_8, %add3A_169 : i32
    %run_scoped3A_171 = arith.constant 1 : i32
    "tpu.region"() ({
      %run_scoped3A_213 = tpu.sem_alloc : memref<!tpu.dma_semaphore, #tpu.memory_space<semaphore_mem>>
      %dma_start3A_214 = arith.constant 0 : i32
      %dma_start3A_215 = arith.constant 0 : i32
      %dma_start3A_216 = tpu.memref_slice %arg5[%run_scoped3A_171, %dma_start3A_214, %dma_start3A_215] : memref<2x2x128xi32, #tpu.memory_space<vmem>> -> memref<1x2x128xi32, #tpu.memory_space<vmem>>
      %dma_start3A_217 = tpu.memref_squeeze %dma_start3A_216 : memref<1x2x128xi32, #tpu.memory_space<vmem>> -> memref<2x128xi32, #tpu.memory_space<vmem>>
      %dma_start3A_218 = arith.constant 0 : i32
      %dma_start3A_219 = arith.constant 0 : i32
      %dma_start3A_220 = tpu.memref_slice %arg3[%add3A_170, %dma_start3A_218, %dma_start3A_219] : memref<2560x2x128xi32, #tpu.memory_space<hbm>> -> memref<1x2x128xi32, #tpu.memory_space<hbm>>
      %dma_start3A_221 = tpu.memref_squeeze %dma_start3A_220 : memref<1x2x128xi32, #tpu.memory_space<hbm>> -> memref<2x128xi32, #tpu.memory_space<hbm>>
      %dma_start3A_222 = arith.constant 0 : i32
      %dma_start3A_223 = arith.constant 0 : i32
      %dma_start3A_224 = tpu.memref_slice %arg5[%run_scoped3A_171, %dma_start3A_222, %dma_start3A_223] : memref<2x2x128xi32, #tpu.memory_space<vmem>> -> memref<1x2x128xi32, #tpu.memory_space<vmem>>
      %dma_start3A_225 = tpu.memref_squeeze %dma_start3A_224 : memref<1x2x128xi32, #tpu.memory_space<vmem>> -> memref<2x128xi32, #tpu.memory_space<vmem>>
      %dma_start3A_226 = arith.constant 0 : i32
      %dma_start3A_227 = arith.constant 0 : i32
      %dma_start3A_228 = tpu.memref_slice %arg3[%add3A_170, %dma_start3A_226, %dma_start3A_227] : memref<2560x2x128xi32, #tpu.memory_space<hbm>> -> memref<1x2x128xi32, #tpu.memory_space<hbm>>
      %dma_start3A_229 = tpu.memref_squeeze %dma_start3A_228 : memref<1x2x128xi32, #tpu.memory_space<hbm>> -> memref<2x128xi32, #tpu.memory_space<hbm>>
      tpu.enqueue_dma source(%dma_start3A_229 : memref<2x128xi32, #tpu.memory_space<hbm>>) target(%dma_start3A_225 : memref<2x128xi32, #tpu.memory_space<vmem>>) target_semaphore(%run_scoped3A_213 : memref<!tpu.dma_semaphore, #tpu.memory_space<semaphore_mem>>)
      %dma_wait3A_230 = arith.constant 0 : i32
      %dma_wait3A_231 = arith.constant 0 : i32
      %dma_wait3A_232 = tpu.memref_slice %arg5[%run_scoped3A_171, %dma_wait3A_230, %dma_wait3A_231] : memref<2x2x128xi32, #tpu.memory_space<vmem>> -> memref<1x2x128xi32, #tpu.memory_space<vmem>>
      %dma_wait3A_233 = tpu.memref_squeeze %dma_wait3A_232 : memref<1x2x128xi32, #tpu.memory_space<vmem>> -> memref<2x128xi32, #tpu.memory_space<vmem>>
      %dma_wait3A_234 = arith.constant 0 : i32
      %dma_wait3A_235 = arith.constant 0 : i32
      %dma_wait3A_236 = tpu.memref_slice %arg3[%add3A_170, %dma_wait3A_234, %dma_wait3A_235] : memref<2560x2x128xi32, #tpu.memory_space<hbm>> -> memref<1x2x128xi32, #tpu.memory_space<hbm>>
      %dma_wait3A_237 = tpu.memref_squeeze %dma_wait3A_236 : memref<1x2x128xi32, #tpu.memory_space<hbm>> -> memref<2x128xi32, #tpu.memory_space<hbm>>
      %dma_wait3A_238 = arith.constant 0 : i32
      %dma_wait3A_239 = arith.constant 0 : i32
      %dma_wait3A_240 = tpu.memref_slice %arg5[%run_scoped3A_171, %dma_wait3A_238, %dma_wait3A_239] : memref<2x2x128xi32, #tpu.memory_space<vmem>> -> memref<1x2x128xi32, #tpu.memory_space<vmem>>
      %dma_wait3A_241 = tpu.memref_squeeze %dma_wait3A_240 : memref<1x2x128xi32, #tpu.memory_space<vmem>> -> memref<2x128xi32, #tpu.memory_space<vmem>>
      %dma_wait3A_242 = arith.constant 0 : i32
      %dma_wait3A_243 = arith.constant 0 : i32
      %dma_wait3A_244 = tpu.memref_slice %arg3[%add3A_170, %dma_wait3A_242, %dma_wait3A_243] : memref<2560x2x128xi32, #tpu.memory_space<hbm>> -> memref<1x2x128xi32, #tpu.memory_space<hbm>>
      %dma_wait3A_245 = tpu.memref_squeeze %dma_wait3A_244 : memref<1x2x128xi32, #tpu.memory_space<hbm>> -> memref<2x128xi32, #tpu.memory_space<hbm>>
      tpu.wait_dma2 semaphore(%run_scoped3A_213 : memref<!tpu.dma_semaphore, #tpu.memory_space<semaphore_mem>>) src(%dma_wait3A_245 : memref<2x128xi32, #tpu.memory_space<hbm>>) dst(%dma_wait3A_241 : memref<2x128xi32, #tpu.memory_space<vmem>>)
      tpu.yield
    }) : () -> ()
    %dma_start3A_172 = arith.constant 1 : i32
    %dma_start3A_173 = arith.constant 0 : i32
    %dma_start3A_174 = arith.constant 1 : i32
    %dma_start3A_175 = arith.constant 0 : i32
    %dma_start3A_176 = arith.constant 0 : i32
    %dma_start3A_177 = tpu.memref_slice %arg6[%dma_start3A_174, %dma_start3A_175, %dma_start3A_176] : memref<2x128x128xf32, #tpu.memory_space<vmem>> -> memref<1x128x128xf32, #tpu.memory_space<vmem>>
    %dma_start3A_178 = tpu.memref_squeeze %dma_start3A_177 : memref<1x128x128xf32, #tpu.memory_space<vmem>> -> memref<128x128xf32, #tpu.memory_space<vmem>>
    %dma_start3A_179 = arith.constant 0 : i32
    %dma_start3A_180 = tpu.memref_slice %arg5[%dma_start3A_172, %dma_start3A_173, %dma_start3A_179] : memref<2x2x128xi32, #tpu.memory_space<vmem>> -> memref<1x1x128xi32, #tpu.memory_space<vmem>>
    %dma_start3A_181 = tpu.memref_squeeze %dma_start3A_180 : memref<1x1x128xi32, #tpu.memory_space<vmem>> -> memref<128xi32, #tpu.memory_space<vmem>>
    %dma_start3A_182 = arith.constant 0 : i32
    %dma_start3A_183 = arith.constant 0 : i32
    %dma_start3A_184 = tpu.memref_slice %arg2[%dma_start3A_182, %dma_start3A_183] : memref<10240x128xf32, #tpu.memory_space<hbm>> -> memref<10240x128xf32, #tpu.memory_space<hbm>>
    tpu.enqueue_indirect_dma source(%dma_start3A_184 : memref<10240x128xf32, #tpu.memory_space<hbm>>) target(%dma_start3A_178 : memref<128x128xf32, #tpu.memory_space<vmem>>) offsets(%dma_start3A_181 : memref<128xi32, #tpu.memory_space<vmem>>) semaphore(%arg9 : memref<!tpu.dma_semaphore, #tpu.memory_space<semaphore_mem>>)
    %jit3A_185 = arith.constant 2 : i32
    %div3A = arith.divsi %select_n3A, %jit3A_185 : i32
    %sign3A = arith.constant 0 : i32
    %sign3A_186 = arith.cmpi sgt, %select_n3A, %sign3A : i32
    %sign3A_187 = arith.extui %sign3A_186 : i1 to i32
    %sign3A_188 = arith.constant 0 : i32
    %sign3A_189 = arith.cmpi slt, %select_n3A, %sign3A_188 : i32
    %sign3A_190 = arith.extui %sign3A_189 : i1 to i32
    %sign3A_191 = arith.subi %sign3A_187, %sign3A_190 : i32
    %sign3A_192 = arith.constant 0 : i32
    %sign3A_193 = arith.cmpi sgt, %jit3A_185, %sign3A_192 : i32
    %sign3A_194 = arith.extui %sign3A_193 : i1 to i32
    %sign3A_195 = arith.constant 0 : i32
    %sign3A_196 = arith.cmpi slt, %jit3A_185, %sign3A_195 : i32
    %sign3A_197 = arith.extui %sign3A_196 : i1 to i32
    %sign3A_198 = arith.subi %sign3A_194, %sign3A_197 : i32
    %ne3A = arith.cmpi ne, %sign3A_191, %sign3A_198 : i32
    %rem3A = arith.remsi %select_n3A, %jit3A_185 : i32
    %ne3A_199 = arith.constant 0 : i32
    %ne3A_200 = arith.cmpi ne, %rem3A, %ne3A_199 : i32
    %and3A = arith.andi %ne3A, %ne3A_200 : i1
    %sub3A = arith.constant 1 : i32
    %sub3A_201 = arith.subi %div3A, %sub3A : i32
    %select_n3A_202 = arith.select %and3A, %sub3A_201, %div3A : i32
    %while3A = arith.constant 0 : i32
    %while3A_203 = arith.constant 0 : i32
    %while3A_204 = arith.subi %select_n3A_202, %while3A_203 : i32
    %while3A_205 = arith.addi %while3A_203, %while3A_204 : i32
    %while3A_206 = arith.constant 1 : i32
    %while3A_207 = arith.divsi %while3A_204, %while3A_206 : i32
    %while3A_208 = arith.muli %while3A_207, %while3A_206 : i32
    %while3A_209 = arith.addi %while3A_203, %while3A_208 : i32
    %while3A_210 = arith.constant 1 : i32
    scf.for %while3A_213 = %while3A_203 to %while3A_209 step %while3A_210  : i32 {
      %dma_wait3A_214 = arith.constant 0 : i32
      %dma_wait3A_215 = arith.constant 0 : i32
      %dma_wait3A_216 = arith.constant 0 : i32
      %dma_wait3A_217 = arith.constant 0 : i32
      %dma_wait3A_218 = arith.constant 0 : i32
      %dma_wait3A_219 = tpu.memref_slice %arg6[%dma_wait3A_216, %dma_wait3A_217, %dma_wait3A_218] : memref<2x128x128xf32, #tpu.memory_space<vmem>> -> memref<1x128x128xf32, #tpu.memory_space<vmem>>
      %dma_wait3A_220 = tpu.memref_squeeze %dma_wait3A_219 : memref<1x128x128xf32, #tpu.memory_space<vmem>> -> memref<128x128xf32, #tpu.memory_space<vmem>>
      %dma_wait3A_221 = arith.constant 0 : i32
      %dma_wait3A_222 = tpu.memref_slice %arg5[%dma_wait3A_214, %dma_wait3A_215, %dma_wait3A_221] : memref<2x2x128xi32, #tpu.memory_space<vmem>> -> memref<1x1x128xi32, #tpu.memory_space<vmem>>
      %dma_wait3A_223 = tpu.memref_squeeze %dma_wait3A_222 : memref<1x1x128xi32, #tpu.memory_space<vmem>> -> memref<128xi32, #tpu.memory_space<vmem>>
      %dma_wait3A_224 = arith.constant 0 : i32
      %dma_wait3A_225 = arith.constant 0 : i32
      %dma_wait3A_226 = tpu.memref_slice %arg2[%dma_wait3A_224, %dma_wait3A_225] : memref<10240x128xf32, #tpu.memory_space<hbm>> -> memref<10240x128xf32, #tpu.memory_space<hbm>>
      tpu.wait_indirect_dma semaphore(%arg8 : memref<!tpu.dma_semaphore, #tpu.memory_space<semaphore_mem>>) src(%dma_wait3A_226 : memref<10240x128xf32, #tpu.memory_space<hbm>>) dst(%dma_wait3A_220 : memref<128x128xf32, #tpu.memory_space<vmem>>)
      %dma_start3A_227 = arith.constant 0 : i32
      %dma_start3A_228 = arith.constant 0 : i32
      %dma_start3A_229 = arith.constant 1 : i32
      %dma_start3A_230 = arith.constant 0 : i32
      %dma_start3A_231 = arith.constant 0 : i32
      %dma_start3A_232 = tpu.memref_slice %arg6[%dma_start3A_227, %dma_start3A_230, %dma_start3A_231] : memref<2x128x128xf32, #tpu.memory_space<vmem>> -> memref<1x128x128xf32, #tpu.memory_space<vmem>>
      %dma_start3A_233 = tpu.memref_squeeze %dma_start3A_232 : memref<1x128x128xf32, #tpu.memory_space<vmem>> -> memref<128x128xf32, #tpu.memory_space<vmem>>
      %dma_start3A_234 = arith.constant 0 : i32
      %dma_start3A_235 = tpu.memref_slice %arg5[%dma_start3A_228, %dma_start3A_229, %dma_start3A_234] : memref<2x2x128xi32, #tpu.memory_space<vmem>> -> memref<1x1x128xi32, #tpu.memory_space<vmem>>
      %dma_start3A_236 = tpu.memref_squeeze %dma_start3A_235 : memref<1x1x128xi32, #tpu.memory_space<vmem>> -> memref<128xi32, #tpu.memory_space<vmem>>
      %dma_start3A_237 = arith.constant 0 : i32
      %dma_start3A_238 = arith.constant 0 : i32
      %dma_start3A_239 = tpu.memref_slice %arg7[%dma_start3A_237, %dma_start3A_238] : memref<10240x128xf32, #tpu.memory_space<vmem_shared>> -> memref<10240x128xf32, #tpu.memory_space<vmem_shared>>
      tpu.enqueue_indirect_dma source(%dma_start3A_233 : memref<128x128xf32, #tpu.memory_space<vmem>>) target(%dma_start3A_239 : memref<10240x128xf32, #tpu.memory_space<vmem_shared>>) offsets(%dma_start3A_236 : memref<128xi32, #tpu.memory_space<vmem>>) semaphore(%arg10 : memref<!tpu.dma_semaphore, #tpu.memory_space<semaphore_mem>>) {add = true}
      %dma_wait3A_240 = arith.constant 1 : i32
      %dma_wait3A_241 = arith.constant 0 : i32
      %dma_wait3A_242 = arith.constant 1 : i32
      %dma_wait3A_243 = arith.constant 0 : i32
      %dma_wait3A_244 = arith.constant 0 : i32
      %dma_wait3A_245 = tpu.memref_slice %arg6[%dma_wait3A_242, %dma_wait3A_243, %dma_wait3A_244] : memref<2x128x128xf32, #tpu.memory_space<vmem>> -> memref<1x128x128xf32, #tpu.memory_space<vmem>>
      %dma_wait3A_246 = tpu.memref_squeeze %dma_wait3A_245 : memref<1x128x128xf32, #tpu.memory_space<vmem>> -> memref<128x128xf32, #tpu.memory_space<vmem>>
      %dma_wait3A_247 = arith.constant 0 : i32
      %dma_wait3A_248 = tpu.memref_slice %arg5[%dma_wait3A_240, %dma_wait3A_241, %dma_wait3A_247] : memref<2x2x128xi32, #tpu.memory_space<vmem>> -> memref<1x1x128xi32, #tpu.memory_space<vmem>>
      %dma_wait3A_249 = tpu.memref_squeeze %dma_wait3A_248 : memref<1x1x128xi32, #tpu.memory_space<vmem>> -> memref<128xi32, #tpu.memory_space<vmem>>
      %dma_wait3A_250 = arith.constant 0 : i32
      %dma_wait3A_251 = arith.constant 0 : i32
      %dma_wait3A_252 = tpu.memref_slice %arg2[%dma_wait3A_250, %dma_wait3A_251] : memref<10240x128xf32, #tpu.memory_space<hbm>> -> memref<10240x128xf32, #tpu.memory_space<hbm>>
      tpu.wait_indirect_dma semaphore(%arg9 : memref<!tpu.dma_semaphore, #tpu.memory_space<semaphore_mem>>) src(%dma_wait3A_252 : memref<10240x128xf32, #tpu.memory_space<hbm>>) dst(%dma_wait3A_246 : memref<128x128xf32, #tpu.memory_space<vmem>>)
      %dma_start3A_253 = arith.constant 1 : i32
      %dma_start3A_254 = arith.constant 1 : i32
      %dma_start3A_255 = arith.constant 1 : i32
      %dma_start3A_256 = arith.constant 0 : i32
      %dma_start3A_257 = arith.constant 0 : i32
      %dma_start3A_258 = tpu.memref_slice %arg6[%dma_start3A_253, %dma_start3A_256, %dma_start3A_257] : memref<2x128x128xf32, #tpu.memory_space<vmem>> -> memref<1x128x128xf32, #tpu.memory_space<vmem>>
      %dma_start3A_259 = tpu.memref_squeeze %dma_start3A_258 : memref<1x128x128xf32, #tpu.memory_space<vmem>> -> memref<128x128xf32, #tpu.memory_space<vmem>>
      %dma_start3A_260 = arith.constant 0 : i32
      %dma_start3A_261 = tpu.memref_slice %arg5[%dma_start3A_254, %dma_start3A_255, %dma_start3A_260] : memref<2x2x128xi32, #tpu.memory_space<vmem>> -> memref<1x1x128xi32, #tpu.memory_space<vmem>>
      %dma_start3A_262 = tpu.memref_squeeze %dma_start3A_261 : memref<1x1x128xi32, #tpu.memory_space<vmem>> -> memref<128xi32, #tpu.memory_space<vmem>>
      %dma_start3A_263 = arith.constant 0 : i32
      %dma_start3A_264 = arith.constant 0 : i32
      %dma_start3A_265 = tpu.memref_slice %arg7[%dma_start3A_263, %dma_start3A_264] : memref<10240x128xf32, #tpu.memory_space<vmem_shared>> -> memref<10240x128xf32, #tpu.memory_space<vmem_shared>>
      tpu.enqueue_indirect_dma source(%dma_start3A_259 : memref<128x128xf32, #tpu.memory_space<vmem>>) target(%dma_start3A_265 : memref<10240x128xf32, #tpu.memory_space<vmem_shared>>) offsets(%dma_start3A_262 : memref<128xi32, #tpu.memory_space<vmem>>) semaphore(%arg11 : memref<!tpu.dma_semaphore, #tpu.memory_space<semaphore_mem>>) {add = true}
      %mul3A_266 = arith.constant 2 : i32
      %mul3A_267 = arith.muli %while3A_213, %mul3A_266 : i32
      %add3A_268 = arith.constant 0 : i32
      %add3A_269 = arith.addi %mul3A_267, %add3A_268 : i32
      %dma_wait3A_270 = arith.constant 0 : i32
      %dma_wait3A_271 = arith.constant 0 : i32
      %dma_wait3A_272 = arith.constant 1 : i32
      %dma_wait3A_273 = arith.constant 0 : i32
      %dma_wait3A_274 = arith.constant 0 : i32
      %dma_wait3A_275 = tpu.memref_slice %arg6[%dma_wait3A_270, %dma_wait3A_273, %dma_wait3A_274] : memref<2x128x128xf32, #tpu.memory_space<vmem>> -> memref<1x128x128xf32, #tpu.memory_space<vmem>>
      %dma_wait3A_276 = tpu.memref_squeeze %dma_wait3A_275 : memref<1x128x128xf32, #tpu.memory_space<vmem>> -> memref<128x128xf32, #tpu.memory_space<vmem>>
      %dma_wait3A_277 = arith.constant 0 : i32
      %dma_wait3A_278 = tpu.memref_slice %arg5[%dma_wait3A_271, %dma_wait3A_272, %dma_wait3A_277] : memref<2x2x128xi32, #tpu.memory_space<vmem>> -> memref<1x1x128xi32, #tpu.memory_space<vmem>>
      %dma_wait3A_279 = tpu.memref_squeeze %dma_wait3A_278 : memref<1x1x128xi32, #tpu.memory_space<vmem>> -> memref<128xi32, #tpu.memory_space<vmem>>
      %dma_wait3A_280 = arith.constant 0 : i32
      %dma_wait3A_281 = arith.constant 0 : i32
      %dma_wait3A_282 = tpu.memref_slice %arg7[%dma_wait3A_280, %dma_wait3A_281] : memref<10240x128xf32, #tpu.memory_space<vmem_shared>> -> memref<10240x128xf32, #tpu.memory_space<vmem_shared>>
      tpu.wait_indirect_dma semaphore(%arg10 : memref<!tpu.dma_semaphore, #tpu.memory_space<semaphore_mem>>) src(%dma_wait3A_276 : memref<128x128xf32, #tpu.memory_space<vmem>>) dst(%dma_wait3A_282 : memref<10240x128xf32, #tpu.memory_space<vmem_shared>>)
      %add3A_283 = arith.constant 2 : i32
      %add3A_284 = arith.addi %add3A_269, %add3A_283 : i32
      %lt3A = arith.cmpi slt, %add3A_284, %select_n3A : i32
      %convert_element_type3A = arith.extui %lt3A : i1 to i32
      %cond3A = arith.constant 0 : i32
      %cond3A_285 = arith.cmpi ne, %convert_element_type3A, %cond3A : i32
      scf.if %cond3A_285 {
        %add3A_309 = arith.addi %select_n3A_8, %add3A_269 : i32
        %add3A_310 = arith.constant 2 : i32
        %add3A_311 = arith.addi %add3A_309, %add3A_310 : i32
        %run_scoped3A_312 = arith.constant 0 : i32
        "tpu.region"() ({
          %run_scoped3A_326 = tpu.sem_alloc : memref<!tpu.dma_semaphore, #tpu.memory_space<semaphore_mem>>
          %dma_start3A_327 = arith.constant 0 : i32
          %dma_start3A_328 = arith.constant 0 : i32
          %dma_start3A_329 = tpu.memref_slice %arg5[%run_scoped3A_312, %dma_start3A_327, %dma_start3A_328] : memref<2x2x128xi32, #tpu.memory_space<vmem>> -> memref<1x2x128xi32, #tpu.memory_space<vmem>>
          %dma_start3A_330 = tpu.memref_squeeze %dma_start3A_329 : memref<1x2x128xi32, #tpu.memory_space<vmem>> -> memref<2x128xi32, #tpu.memory_space<vmem>>
          %dma_start3A_331 = arith.constant 0 : i32
          %dma_start3A_332 = arith.constant 0 : i32
          %dma_start3A_333 = tpu.memref_slice %arg3[%add3A_311, %dma_start3A_331, %dma_start3A_332] : memref<2560x2x128xi32, #tpu.memory_space<hbm>> -> memref<1x2x128xi32, #tpu.memory_space<hbm>>
          %dma_start3A_334 = tpu.memref_squeeze %dma_start3A_333 : memref<1x2x128xi32, #tpu.memory_space<hbm>> -> memref<2x128xi32, #tpu.memory_space<hbm>>
          %dma_start3A_335 = arith.constant 0 : i32
          %dma_start3A_336 = arith.constant 0 : i32
          %dma_start3A_337 = tpu.memref_slice %arg5[%run_scoped3A_312, %dma_start3A_335, %dma_start3A_336] : memref<2x2x128xi32, #tpu.memory_space<vmem>> -> memref<1x2x128xi32, #tpu.memory_space<vmem>>
          %dma_start3A_338 = tpu.memref_squeeze %dma_start3A_337 : memref<1x2x128xi32, #tpu.memory_space<vmem>> -> memref<2x128xi32, #tpu.memory_space<vmem>>
          %dma_start3A_339 = arith.constant 0 : i32
          %dma_start3A_340 = arith.constant 0 : i32
          %dma_start3A_341 = tpu.memref_slice %arg3[%add3A_311, %dma_start3A_339, %dma_start3A_340] : memref<2560x2x128xi32, #tpu.memory_space<hbm>> -> memref<1x2x128xi32, #tpu.memory_space<hbm>>
          %dma_start3A_342 = tpu.memref_squeeze %dma_start3A_341 : memref<1x2x128xi32, #tpu.memory_space<hbm>> -> memref<2x128xi32, #tpu.memory_space<hbm>>
          tpu.enqueue_dma source(%dma_start3A_342 : memref<2x128xi32, #tpu.memory_space<hbm>>) target(%dma_start3A_338 : memref<2x128xi32, #tpu.memory_space<vmem>>) target_semaphore(%run_scoped3A_326 : memref<!tpu.dma_semaphore, #tpu.memory_space<semaphore_mem>>)
          %dma_wait3A_343 = arith.constant 0 : i32
          %dma_wait3A_344 = arith.constant 0 : i32
          %dma_wait3A_345 = tpu.memref_slice %arg5[%run_scoped3A_312, %dma_wait3A_343, %dma_wait3A_344] : memref<2x2x128xi32, #tpu.memory_space<vmem>> -> memref<1x2x128xi32, #tpu.memory_space<vmem>>
          %dma_wait3A_346 = tpu.memref_squeeze %dma_wait3A_345 : memref<1x2x128xi32, #tpu.memory_space<vmem>> -> memref<2x128xi32, #tpu.memory_space<vmem>>
          %dma_wait3A_347 = arith.constant 0 : i32
          %dma_wait3A_348 = arith.constant 0 : i32
          %dma_wait3A_349 = tpu.memref_slice %arg3[%add3A_311, %dma_wait3A_347, %dma_wait3A_348] : memref<2560x2x128xi32, #tpu.memory_space<hbm>> -> memref<1x2x128xi32, #tpu.memory_space<hbm>>
          %dma_wait3A_350 = tpu.memref_squeeze %dma_wait3A_349 : memref<1x2x128xi32, #tpu.memory_space<hbm>> -> memref<2x128xi32, #tpu.memory_space<hbm>>
          %dma_wait3A_351 = arith.constant 0 : i32
          %dma_wait3A_352 = arith.constant 0 : i32
          %dma_wait3A_353 = tpu.memref_slice %arg5[%run_scoped3A_312, %dma_wait3A_351, %dma_wait3A_352] : memref<2x2x128xi32, #tpu.memory_space<vmem>> -> memref<1x2x128xi32, #tpu.memory_space<vmem>>
          %dma_wait3A_354 = tpu.memref_squeeze %dma_wait3A_353 : memref<1x2x128xi32, #tpu.memory_space<vmem>> -> memref<2x128xi32, #tpu.memory_space<vmem>>
          %dma_wait3A_355 = arith.constant 0 : i32
          %dma_wait3A_356 = arith.constant 0 : i32
          %dma_wait3A_357 = tpu.memref_slice %arg3[%add3A_311, %dma_wait3A_355, %dma_wait3A_356] : memref<2560x2x128xi32, #tpu.memory_space<hbm>> -> memref<1x2x128xi32, #tpu.memory_space<hbm>>
          %dma_wait3A_358 = tpu.memref_squeeze %dma_wait3A_357 : memref<1x2x128xi32, #tpu.memory_space<hbm>> -> memref<2x128xi32, #tpu.memory_space<hbm>>
          tpu.wait_dma2 semaphore(%run_scoped3A_326 : memref<!tpu.dma_semaphore, #tpu.memory_space<semaphore_mem>>) src(%dma_wait3A_358 : memref<2x128xi32, #tpu.memory_space<hbm>>) dst(%dma_wait3A_354 : memref<2x128xi32, #tpu.memory_space<vmem>>)
          tpu.yield
        }) : () -> ()
        %dma_start3A_313 = arith.constant 0 : i32
        %dma_start3A_314 = arith.constant 0 : i32
        %dma_start3A_315 = arith.constant 0 : i32
        %dma_start3A_316 = arith.constant 0 : i32
        %dma_start3A_317 = arith.constant 0 : i32
        %dma_start3A_318 = tpu.memref_slice %arg6[%dma_start3A_315, %dma_start3A_316, %dma_start3A_317] : memref<2x128x128xf32, #tpu.memory_space<vmem>> -> memref<1x128x128xf32, #tpu.memory_space<vmem>>
        %dma_start3A_319 = tpu.memref_squeeze %dma_start3A_318 : memref<1x128x128xf32, #tpu.memory_space<vmem>> -> memref<128x128xf32, #tpu.memory_space<vmem>>
        %dma_start3A_320 = arith.constant 0 : i32
        %dma_start3A_321 = tpu.memref_slice %arg5[%dma_start3A_313, %dma_start3A_314, %dma_start3A_320] : memref<2x2x128xi32, #tpu.memory_space<vmem>> -> memref<1x1x128xi32, #tpu.memory_space<vmem>>
        %dma_start3A_322 = tpu.memref_squeeze %dma_start3A_321 : memref<1x1x128xi32, #tpu.memory_space<vmem>> -> memref<128xi32, #tpu.memory_space<vmem>>
        %dma_start3A_323 = arith.constant 0 : i32
        %dma_start3A_324 = arith.constant 0 : i32
        %dma_start3A_325 = tpu.memref_slice %arg2[%dma_start3A_323, %dma_start3A_324] : memref<10240x128xf32, #tpu.memory_space<hbm>> -> memref<10240x128xf32, #tpu.memory_space<hbm>>
        tpu.enqueue_indirect_dma source(%dma_start3A_325 : memref<10240x128xf32, #tpu.memory_space<hbm>>) target(%dma_start3A_319 : memref<128x128xf32, #tpu.memory_space<vmem>>) offsets(%dma_start3A_322 : memref<128xi32, #tpu.memory_space<vmem>>) semaphore(%arg8 : memref<!tpu.dma_semaphore, #tpu.memory_space<semaphore_mem>>)
      } else {
      }
      %mul3A_286 = arith.constant 2 : i32
      %mul3A_287 = arith.muli %while3A_213, %mul3A_286 : i32
      %add3A_288 = arith.constant 1 : i32
      %add3A_289 = arith.addi %mul3A_287, %add3A_288 : i32
      %dma_wait3A_290 = arith.constant 1 : i32
      %dma_wait3A_291 = arith.constant 1 : i32
      %dma_wait3A_292 = arith.constant 1 : i32
      %dma_wait3A_293 = arith.constant 0 : i32
      %dma_wait3A_294 = arith.constant 0 : i32
      %dma_wait3A_295 = tpu.memref_slice %arg6[%dma_wait3A_290, %dma_wait3A_293, %dma_wait3A_294] : memref<2x128x128xf32, #tpu.memory_space<vmem>> -> memref<1x128x128xf32, #tpu.memory_space<vmem>>
      %dma_wait3A_296 = tpu.memref_squeeze %dma_wait3A_295 : memref<1x128x128xf32, #tpu.memory_space<vmem>> -> memref<128x128xf32, #tpu.memory_space<vmem>>
      %dma_wait3A_297 = arith.constant 0 : i32
      %dma_wait3A_298 = tpu.memref_slice %arg5[%dma_wait3A_291, %dma_wait3A_292, %dma_wait3A_297] : memref<2x2x128xi32, #tpu.memory_space<vmem>> -> memref<1x1x128xi32, #tpu.memory_space<vmem>>
      %dma_wait3A_299 = tpu.memref_squeeze %dma_wait3A_298 : memref<1x1x128xi32, #tpu.memory_space<vmem>> -> memref<128xi32, #tpu.memory_space<vmem>>
      %dma_wait3A_300 = arith.constant 0 : i32
      %dma_wait3A_301 = arith.constant 0 : i32
      %dma_wait3A_302 = tpu.memref_slice %arg7[%dma_wait3A_300, %dma_wait3A_301] : memref<10240x128xf32, #tpu.memory_space<vmem_shared>> -> memref<10240x128xf32, #tpu.memory_space<vmem_shared>>
      tpu.wait_indirect_dma semaphore(%arg11 : memref<!tpu.dma_semaphore, #tpu.memory_space<semaphore_mem>>) src(%dma_wait3A_296 : memref<128x128xf32, #tpu.memory_space<vmem>>) dst(%dma_wait3A_302 : memref<10240x128xf32, #tpu.memory_space<vmem_shared>>)
      %add3A_303 = arith.constant 2 : i32
      %add3A_304 = arith.addi %add3A_289, %add3A_303 : i32
      %lt3A_305 = arith.cmpi slt, %add3A_304, %select_n3A : i32
      %convert_element_type3A_306 = arith.extui %lt3A_305 : i1 to i32
      %cond3A_307 = arith.constant 0 : i32
      %cond3A_308 = arith.cmpi ne, %convert_element_type3A_306, %cond3A_307 : i32
      scf.if %cond3A_308 {
        %add3A_309 = arith.addi %select_n3A_8, %add3A_289 : i32
        %add3A_310 = arith.constant 2 : i32
        %add3A_311 = arith.addi %add3A_309, %add3A_310 : i32
        %run_scoped3A_312 = arith.constant 1 : i32
        "tpu.region"() ({
          %run_scoped3A_326 = tpu.sem_alloc : memref<!tpu.dma_semaphore, #tpu.memory_space<semaphore_mem>>
          %dma_start3A_327 = arith.constant 0 : i32
          %dma_start3A_328 = arith.constant 0 : i32
          %dma_start3A_329 = tpu.memref_slice %arg5[%run_scoped3A_312, %dma_start3A_327, %dma_start3A_328] : memref<2x2x128xi32, #tpu.memory_space<vmem>> -> memref<1x2x128xi32, #tpu.memory_space<vmem>>
          %dma_start3A_330 = tpu.memref_squeeze %dma_start3A_329 : memref<1x2x128xi32, #tpu.memory_space<vmem>> -> memref<2x128xi32, #tpu.memory_space<vmem>>
          %dma_start3A_331 = arith.constant 0 : i32
          %dma_start3A_332 = arith.constant 0 : i32
          %dma_start3A_333 = tpu.memref_slice %arg3[%add3A_311, %dma_start3A_331, %dma_start3A_332] : memref<2560x2x128xi32, #tpu.memory_space<hbm>> -> memref<1x2x128xi32, #tpu.memory_space<hbm>>
          %dma_start3A_334 = tpu.memref_squeeze %dma_start3A_333 : memref<1x2x128xi32, #tpu.memory_space<hbm>> -> memref<2x128xi32, #tpu.memory_space<hbm>>
          %dma_start3A_335 = arith.constant 0 : i32
          %dma_start3A_336 = arith.constant 0 : i32
          %dma_start3A_337 = tpu.memref_slice %arg5[%run_scoped3A_312, %dma_start3A_335, %dma_start3A_336] : memref<2x2x128xi32, #tpu.memory_space<vmem>> -> memref<1x2x128xi32, #tpu.memory_space<vmem>>
          %dma_start3A_338 = tpu.memref_squeeze %dma_start3A_337 : memref<1x2x128xi32, #tpu.memory_space<vmem>> -> memref<2x128xi32, #tpu.memory_space<vmem>>
          %dma_start3A_339 = arith.constant 0 : i32
          %dma_start3A_340 = arith.constant 0 : i32
          %dma_start3A_341 = tpu.memref_slice %arg3[%add3A_311, %dma_start3A_339, %dma_start3A_340] : memref<2560x2x128xi32, #tpu.memory_space<hbm>> -> memref<1x2x128xi32, #tpu.memory_space<hbm>>
          %dma_start3A_342 = tpu.memref_squeeze %dma_start3A_341 : memref<1x2x128xi32, #tpu.memory_space<hbm>> -> memref<2x128xi32, #tpu.memory_space<hbm>>
          tpu.enqueue_dma source(%dma_start3A_342 : memref<2x128xi32, #tpu.memory_space<hbm>>) target(%dma_start3A_338 : memref<2x128xi32, #tpu.memory_space<vmem>>) target_semaphore(%run_scoped3A_326 : memref<!tpu.dma_semaphore, #tpu.memory_space<semaphore_mem>>)
          %dma_wait3A_343 = arith.constant 0 : i32
          %dma_wait3A_344 = arith.constant 0 : i32
          %dma_wait3A_345 = tpu.memref_slice %arg5[%run_scoped3A_312, %dma_wait3A_343, %dma_wait3A_344] : memref<2x2x128xi32, #tpu.memory_space<vmem>> -> memref<1x2x128xi32, #tpu.memory_space<vmem>>
          %dma_wait3A_346 = tpu.memref_squeeze %dma_wait3A_345 : memref<1x2x128xi32, #tpu.memory_space<vmem>> -> memref<2x128xi32, #tpu.memory_space<vmem>>
          %dma_wait3A_347 = arith.constant 0 : i32
          %dma_wait3A_348 = arith.constant 0 : i32
          %dma_wait3A_349 = tpu.memref_slice %arg3[%add3A_311, %dma_wait3A_347, %dma_wait3A_348] : memref<2560x2x128xi32, #tpu.memory_space<hbm>> -> memref<1x2x128xi32, #tpu.memory_space<hbm>>
          %dma_wait3A_350 = tpu.memref_squeeze %dma_wait3A_349 : memref<1x2x128xi32, #tpu.memory_space<hbm>> -> memref<2x128xi32, #tpu.memory_space<hbm>>
          %dma_wait3A_351 = arith.constant 0 : i32
          %dma_wait3A_352 = arith.constant 0 : i32
          %dma_wait3A_353 = tpu.memref_slice %arg5[%run_scoped3A_312, %dma_wait3A_351, %dma_wait3A_352] : memref<2x2x128xi32, #tpu.memory_space<vmem>> -> memref<1x2x128xi32, #tpu.memory_space<vmem>>
          %dma_wait3A_354 = tpu.memref_squeeze %dma_wait3A_353 : memref<1x2x128xi32, #tpu.memory_space<vmem>> -> memref<2x128xi32, #tpu.memory_space<vmem>>
          %dma_wait3A_355 = arith.constant 0 : i32
          %dma_wait3A_356 = arith.constant 0 : i32
          %dma_wait3A_357 = tpu.memref_slice %arg3[%add3A_311, %dma_wait3A_355, %dma_wait3A_356] : memref<2560x2x128xi32, #tpu.memory_space<hbm>> -> memref<1x2x128xi32, #tpu.memory_space<hbm>>
          %dma_wait3A_358 = tpu.memref_squeeze %dma_wait3A_357 : memref<1x2x128xi32, #tpu.memory_space<hbm>> -> memref<2x128xi32, #tpu.memory_space<hbm>>
          tpu.wait_dma2 semaphore(%run_scoped3A_326 : memref<!tpu.dma_semaphore, #tpu.memory_space<semaphore_mem>>) src(%dma_wait3A_358 : memref<2x128xi32, #tpu.memory_space<hbm>>) dst(%dma_wait3A_354 : memref<2x128xi32, #tpu.memory_space<vmem>>)
          tpu.yield
        }) : () -> ()
        %dma_start3A_313 = arith.constant 1 : i32
        %dma_start3A_314 = arith.constant 0 : i32
        %dma_start3A_315 = arith.constant 1 : i32
        %dma_start3A_316 = arith.constant 0 : i32
        %dma_start3A_317 = arith.constant 0 : i32
        %dma_start3A_318 = tpu.memref_slice %arg6[%dma_start3A_315, %dma_start3A_316, %dma_start3A_317] : memref<2x128x128xf32, #tpu.memory_space<vmem>> -> memref<1x128x128xf32, #tpu.memory_space<vmem>>
        %dma_start3A_319 = tpu.memref_squeeze %dma_start3A_318 : memref<1x128x128xf32, #tpu.memory_space<vmem>> -> memref<128x128xf32, #tpu.memory_space<vmem>>
        %dma_start3A_320 = arith.constant 0 : i32
        %dma_start3A_321 = tpu.memref_slice %arg5[%dma_start3A_313, %dma_start3A_314, %dma_start3A_320] : memref<2x2x128xi32, #tpu.memory_space<vmem>> -> memref<1x1x128xi32, #tpu.memory_space<vmem>>
        %dma_start3A_322 = tpu.memref_squeeze %dma_start3A_321 : memref<1x1x128xi32, #tpu.memory_space<vmem>> -> memref<128xi32, #tpu.memory_space<vmem>>
        %dma_start3A_323 = arith.constant 0 : i32
        %dma_start3A_324 = arith.constant 0 : i32
        %dma_start3A_325 = tpu.memref_slice %arg2[%dma_start3A_323, %dma_start3A_324] : memref<10240x128xf32, #tpu.memory_space<hbm>> -> memref<10240x128xf32, #tpu.memory_space<hbm>>
        tpu.enqueue_indirect_dma source(%dma_start3A_325 : memref<10240x128xf32, #tpu.memory_space<hbm>>) target(%dma_start3A_319 : memref<128x128xf32, #tpu.memory_space<vmem>>) offsets(%dma_start3A_322 : memref<128xi32, #tpu.memory_space<vmem>>) semaphore(%arg9 : memref<!tpu.dma_semaphore, #tpu.memory_space<semaphore_mem>>)
      } else {
      }
    }
    %while3A_211 = arith.constant 1 : i32
    scf.for %while3A_213 = %while3A_209 to %while3A_205 step %while3A_211  : i32 {
      %dma_wait3A_214 = arith.constant 0 : i32
      %dma_wait3A_215 = arith.constant 0 : i32
      %dma_wait3A_216 = arith.constant 0 : i32
      %dma_wait3A_217 = arith.constant 0 : i32
      %dma_wait3A_218 = arith.constant 0 : i32
      %dma_wait3A_219 = tpu.memref_slice %arg6[%dma_wait3A_216, %dma_wait3A_217, %dma_wait3A_218] : memref<2x128x128xf32, #tpu.memory_space<vmem>> -> memref<1x128x128xf32, #tpu.memory_space<vmem>>
      %dma_wait3A_220 = tpu.memref_squeeze %dma_wait3A_219 : memref<1x128x128xf32, #tpu.memory_space<vmem>> -> memref<128x128xf32, #tpu.memory_space<vmem>>
      %dma_wait3A_221 = arith.constant 0 : i32
      %dma_wait3A_222 = tpu.memref_slice %arg5[%dma_wait3A_214, %dma_wait3A_215, %dma_wait3A_221] : memref<2x2x128xi32, #tpu.memory_space<vmem>> -> memref<1x1x128xi32, #tpu.memory_space<vmem>>
      %dma_wait3A_223 = tpu.memref_squeeze %dma_wait3A_222 : memref<1x1x128xi32, #tpu.memory_space<vmem>> -> memref<128xi32, #tpu.memory_space<vmem>>
      %dma_wait3A_224 = arith.constant 0 : i32
      %dma_wait3A_225 = arith.constant 0 : i32
      %dma_wait3A_226 = tpu.memref_slice %arg2[%dma_wait3A_224, %dma_wait3A_225] : memref<10240x128xf32, #tpu.memory_space<hbm>> -> memref<10240x128xf32, #tpu.memory_space<hbm>>
      tpu.wait_indirect_dma semaphore(%arg8 : memref<!tpu.dma_semaphore, #tpu.memory_space<semaphore_mem>>) src(%dma_wait3A_226 : memref<10240x128xf32, #tpu.memory_space<hbm>>) dst(%dma_wait3A_220 : memref<128x128xf32, #tpu.memory_space<vmem>>)
      %dma_start3A_227 = arith.constant 0 : i32
      %dma_start3A_228 = arith.constant 0 : i32
      %dma_start3A_229 = arith.constant 1 : i32
      %dma_start3A_230 = arith.constant 0 : i32
      %dma_start3A_231 = arith.constant 0 : i32
      %dma_start3A_232 = tpu.memref_slice %arg6[%dma_start3A_227, %dma_start3A_230, %dma_start3A_231] : memref<2x128x128xf32, #tpu.memory_space<vmem>> -> memref<1x128x128xf32, #tpu.memory_space<vmem>>
      %dma_start3A_233 = tpu.memref_squeeze %dma_start3A_232 : memref<1x128x128xf32, #tpu.memory_space<vmem>> -> memref<128x128xf32, #tpu.memory_space<vmem>>
      %dma_start3A_234 = arith.constant 0 : i32
      %dma_start3A_235 = tpu.memref_slice %arg5[%dma_start3A_228, %dma_start3A_229, %dma_start3A_234] : memref<2x2x128xi32, #tpu.memory_space<vmem>> -> memref<1x1x128xi32, #tpu.memory_space<vmem>>
      %dma_start3A_236 = tpu.memref_squeeze %dma_start3A_235 : memref<1x1x128xi32, #tpu.memory_space<vmem>> -> memref<128xi32, #tpu.memory_space<vmem>>
      %dma_start3A_237 = arith.constant 0 : i32
      %dma_start3A_238 = arith.constant 0 : i32
      %dma_start3A_239 = tpu.memref_slice %arg7[%dma_start3A_237, %dma_start3A_238] : memref<10240x128xf32, #tpu.memory_space<vmem_shared>> -> memref<10240x128xf32, #tpu.memory_space<vmem_shared>>
      tpu.enqueue_indirect_dma source(%dma_start3A_233 : memref<128x128xf32, #tpu.memory_space<vmem>>) target(%dma_start3A_239 : memref<10240x128xf32, #tpu.memory_space<vmem_shared>>) offsets(%dma_start3A_236 : memref<128xi32, #tpu.memory_space<vmem>>) semaphore(%arg10 : memref<!tpu.dma_semaphore, #tpu.memory_space<semaphore_mem>>) {add = true}
      %dma_wait3A_240 = arith.constant 1 : i32
      %dma_wait3A_241 = arith.constant 0 : i32
      %dma_wait3A_242 = arith.constant 1 : i32
      %dma_wait3A_243 = arith.constant 0 : i32
      %dma_wait3A_244 = arith.constant 0 : i32
      %dma_wait3A_245 = tpu.memref_slice %arg6[%dma_wait3A_242, %dma_wait3A_243, %dma_wait3A_244] : memref<2x128x128xf32, #tpu.memory_space<vmem>> -> memref<1x128x128xf32, #tpu.memory_space<vmem>>
      %dma_wait3A_246 = tpu.memref_squeeze %dma_wait3A_245 : memref<1x128x128xf32, #tpu.memory_space<vmem>> -> memref<128x128xf32, #tpu.memory_space<vmem>>
      %dma_wait3A_247 = arith.constant 0 : i32
      %dma_wait3A_248 = tpu.memref_slice %arg5[%dma_wait3A_240, %dma_wait3A_241, %dma_wait3A_247] : memref<2x2x128xi32, #tpu.memory_space<vmem>> -> memref<1x1x128xi32, #tpu.memory_space<vmem>>
      %dma_wait3A_249 = tpu.memref_squeeze %dma_wait3A_248 : memref<1x1x128xi32, #tpu.memory_space<vmem>> -> memref<128xi32, #tpu.memory_space<vmem>>
      %dma_wait3A_250 = arith.constant 0 : i32
      %dma_wait3A_251 = arith.constant 0 : i32
      %dma_wait3A_252 = tpu.memref_slice %arg2[%dma_wait3A_250, %dma_wait3A_251] : memref<10240x128xf32, #tpu.memory_space<hbm>> -> memref<10240x128xf32, #tpu.memory_space<hbm>>
      tpu.wait_indirect_dma semaphore(%arg9 : memref<!tpu.dma_semaphore, #tpu.memory_space<semaphore_mem>>) src(%dma_wait3A_252 : memref<10240x128xf32, #tpu.memory_space<hbm>>) dst(%dma_wait3A_246 : memref<128x128xf32, #tpu.memory_space<vmem>>)
      %dma_start3A_253 = arith.constant 1 : i32
      %dma_start3A_254 = arith.constant 1 : i32
      %dma_start3A_255 = arith.constant 1 : i32
      %dma_start3A_256 = arith.constant 0 : i32
      %dma_start3A_257 = arith.constant 0 : i32
      %dma_start3A_258 = tpu.memref_slice %arg6[%dma_start3A_253, %dma_start3A_256, %dma_start3A_257] : memref<2x128x128xf32, #tpu.memory_space<vmem>> -> memref<1x128x128xf32, #tpu.memory_space<vmem>>
      %dma_start3A_259 = tpu.memref_squeeze %dma_start3A_258 : memref<1x128x128xf32, #tpu.memory_space<vmem>> -> memref<128x128xf32, #tpu.memory_space<vmem>>
      %dma_start3A_260 = arith.constant 0 : i32
      %dma_start3A_261 = tpu.memref_slice %arg5[%dma_start3A_254, %dma_start3A_255, %dma_start3A_260] : memref<2x2x128xi32, #tpu.memory_space<vmem>> -> memref<1x1x128xi32, #tpu.memory_space<vmem>>
      %dma_start3A_262 = tpu.memref_squeeze %dma_start3A_261 : memref<1x1x128xi32, #tpu.memory_space<vmem>> -> memref<128xi32, #tpu.memory_space<vmem>>
      %dma_start3A_263 = arith.constant 0 : i32
      %dma_start3A_264 = arith.constant 0 : i32
      %dma_start3A_265 = tpu.memref_slice %arg7[%dma_start3A_263, %dma_start3A_264] : memref<10240x128xf32, #tpu.memory_space<vmem_shared>> -> memref<10240x128xf32, #tpu.memory_space<vmem_shared>>
      tpu.enqueue_indirect_dma source(%dma_start3A_259 : memref<128x128xf32, #tpu.memory_space<vmem>>) target(%dma_start3A_265 : memref<10240x128xf32, #tpu.memory_space<vmem_shared>>) offsets(%dma_start3A_262 : memref<128xi32, #tpu.memory_space<vmem>>) semaphore(%arg11 : memref<!tpu.dma_semaphore, #tpu.memory_space<semaphore_mem>>) {add = true}
      %mul3A_266 = arith.constant 2 : i32
      %mul3A_267 = arith.muli %while3A_213, %mul3A_266 : i32
      %add3A_268 = arith.constant 0 : i32
      %add3A_269 = arith.addi %mul3A_267, %add3A_268 : i32
      %dma_wait3A_270 = arith.constant 0 : i32
      %dma_wait3A_271 = arith.constant 0 : i32
      %dma_wait3A_272 = arith.constant 1 : i32
      %dma_wait3A_273 = arith.constant 0 : i32
      %dma_wait3A_274 = arith.constant 0 : i32
      %dma_wait3A_275 = tpu.memref_slice %arg6[%dma_wait3A_270, %dma_wait3A_273, %dma_wait3A_274] : memref<2x128x128xf32, #tpu.memory_space<vmem>> -> memref<1x128x128xf32, #tpu.memory_space<vmem>>
      %dma_wait3A_276 = tpu.memref_squeeze %dma_wait3A_275 : memref<1x128x128xf32, #tpu.memory_space<vmem>> -> memref<128x128xf32, #tpu.memory_space<vmem>>
      %dma_wait3A_277 = arith.constant 0 : i32
      %dma_wait3A_278 = tpu.memref_slice %arg5[%dma_wait3A_271, %dma_wait3A_272, %dma_wait3A_277] : memref<2x2x128xi32, #tpu.memory_space<vmem>> -> memref<1x1x128xi32, #tpu.memory_space<vmem>>
      %dma_wait3A_279 = tpu.memref_squeeze %dma_wait3A_278 : memref<1x1x128xi32, #tpu.memory_space<vmem>> -> memref<128xi32, #tpu.memory_space<vmem>>
      %dma_wait3A_280 = arith.constant 0 : i32
      %dma_wait3A_281 = arith.constant 0 : i32
      %dma_wait3A_282 = tpu.memref_slice %arg7[%dma_wait3A_280, %dma_wait3A_281] : memref<10240x128xf32, #tpu.memory_space<vmem_shared>> -> memref<10240x128xf32, #tpu.memory_space<vmem_shared>>
      tpu.wait_indirect_dma semaphore(%arg10 : memref<!tpu.dma_semaphore, #tpu.memory_space<semaphore_mem>>) src(%dma_wait3A_276 : memref<128x128xf32, #tpu.memory_space<vmem>>) dst(%dma_wait3A_282 : memref<10240x128xf32, #tpu.memory_space<vmem_shared>>)
      %add3A_283 = arith.constant 2 : i32
      %add3A_284 = arith.addi %add3A_269, %add3A_283 : i32
      %lt3A = arith.cmpi slt, %add3A_284, %select_n3A : i32
      %convert_element_type3A = arith.extui %lt3A : i1 to i32
      %cond3A = arith.constant 0 : i32
      %cond3A_285 = arith.cmpi ne, %convert_element_type3A, %cond3A : i32
      scf.if %cond3A_285 {
        %add3A_309 = arith.addi %select_n3A_8, %add3A_269 : i32
        %add3A_310 = arith.constant 2 : i32
        %add3A_311 = arith.addi %add3A_309, %add3A_310 : i32
        %run_scoped3A_312 = arith.constant 0 : i32
        "tpu.region"() ({
          %run_scoped3A_326 = tpu.sem_alloc : memref<!tpu.dma_semaphore, #tpu.memory_space<semaphore_mem>>
          %dma_start3A_327 = arith.constant 0 : i32
          %dma_start3A_328 = arith.constant 0 : i32
          %dma_start3A_329 = tpu.memref_slice %arg5[%run_scoped3A_312, %dma_start3A_327, %dma_start3A_328] : memref<2x2x128xi32, #tpu.memory_space<vmem>> -> memref<1x2x128xi32, #tpu.memory_space<vmem>>
          %dma_start3A_330 = tpu.memref_squeeze %dma_start3A_329 : memref<1x2x128xi32, #tpu.memory_space<vmem>> -> memref<2x128xi32, #tpu.memory_space<vmem>>
          %dma_start3A_331 = arith.constant 0 : i32
          %dma_start3A_332 = arith.constant 0 : i32
          %dma_start3A_333 = tpu.memref_slice %arg3[%add3A_311, %dma_start3A_331, %dma_start3A_332] : memref<2560x2x128xi32, #tpu.memory_space<hbm>> -> memref<1x2x128xi32, #tpu.memory_space<hbm>>
          %dma_start3A_334 = tpu.memref_squeeze %dma_start3A_333 : memref<1x2x128xi32, #tpu.memory_space<hbm>> -> memref<2x128xi32, #tpu.memory_space<hbm>>
          %dma_start3A_335 = arith.constant 0 : i32
          %dma_start3A_336 = arith.constant 0 : i32
          %dma_start3A_337 = tpu.memref_slice %arg5[%run_scoped3A_312, %dma_start3A_335, %dma_start3A_336] : memref<2x2x128xi32, #tpu.memory_space<vmem>> -> memref<1x2x128xi32, #tpu.memory_space<vmem>>
          %dma_start3A_338 = tpu.memref_squeeze %dma_start3A_337 : memref<1x2x128xi32, #tpu.memory_space<vmem>> -> memref<2x128xi32, #tpu.memory_space<vmem>>
          %dma_start3A_339 = arith.constant 0 : i32
          %dma_start3A_340 = arith.constant 0 : i32
          %dma_start3A_341 = tpu.memref_slice %arg3[%add3A_311, %dma_start3A_339, %dma_start3A_340] : memref<2560x2x128xi32, #tpu.memory_space<hbm>> -> memref<1x2x128xi32, #tpu.memory_space<hbm>>
          %dma_start3A_342 = tpu.memref_squeeze %dma_start3A_341 : memref<1x2x128xi32, #tpu.memory_space<hbm>> -> memref<2x128xi32, #tpu.memory_space<hbm>>
          tpu.enqueue_dma source(%dma_start3A_342 : memref<2x128xi32, #tpu.memory_space<hbm>>) target(%dma_start3A_338 : memref<2x128xi32, #tpu.memory_space<vmem>>) target_semaphore(%run_scoped3A_326 : memref<!tpu.dma_semaphore, #tpu.memory_space<semaphore_mem>>)
          %dma_wait3A_343 = arith.constant 0 : i32
          %dma_wait3A_344 = arith.constant 0 : i32
          %dma_wait3A_345 = tpu.memref_slice %arg5[%run_scoped3A_312, %dma_wait3A_343, %dma_wait3A_344] : memref<2x2x128xi32, #tpu.memory_space<vmem>> -> memref<1x2x128xi32, #tpu.memory_space<vmem>>
          %dma_wait3A_346 = tpu.memref_squeeze %dma_wait3A_345 : memref<1x2x128xi32, #tpu.memory_space<vmem>> -> memref<2x128xi32, #tpu.memory_space<vmem>>
          %dma_wait3A_347 = arith.constant 0 : i32
          %dma_wait3A_348 = arith.constant 0 : i32
          %dma_wait3A_349 = tpu.memref_slice %arg3[%add3A_311, %dma_wait3A_347, %dma_wait3A_348] : memref<2560x2x128xi32, #tpu.memory_space<hbm>> -> memref<1x2x128xi32, #tpu.memory_space<hbm>>
          %dma_wait3A_350 = tpu.memref_squeeze %dma_wait3A_349 : memref<1x2x128xi32, #tpu.memory_space<hbm>> -> memref<2x128xi32, #tpu.memory_space<hbm>>
          %dma_wait3A_351 = arith.constant 0 : i32
          %dma_wait3A_352 = arith.constant 0 : i32
          %dma_wait3A_353 = tpu.memref_slice %arg5[%run_scoped3A_312, %dma_wait3A_351, %dma_wait3A_352] : memref<2x2x128xi32, #tpu.memory_space<vmem>> -> memref<1x2x128xi32, #tpu.memory_space<vmem>>
          %dma_wait3A_354 = tpu.memref_squeeze %dma_wait3A_353 : memref<1x2x128xi32, #tpu.memory_space<vmem>> -> memref<2x128xi32, #tpu.memory_space<vmem>>
          %dma_wait3A_355 = arith.constant 0 : i32
          %dma_wait3A_356 = arith.constant 0 : i32
          %dma_wait3A_357 = tpu.memref_slice %arg3[%add3A_311, %dma_wait3A_355, %dma_wait3A_356] : memref<2560x2x128xi32, #tpu.memory_space<hbm>> -> memref<1x2x128xi32, #tpu.memory_space<hbm>>
          %dma_wait3A_358 = tpu.memref_squeeze %dma_wait3A_357 : memref<1x2x128xi32, #tpu.memory_space<hbm>> -> memref<2x128xi32, #tpu.memory_space<hbm>>
          tpu.wait_dma2 semaphore(%run_scoped3A_326 : memref<!tpu.dma_semaphore, #tpu.memory_space<semaphore_mem>>) src(%dma_wait3A_358 : memref<2x128xi32, #tpu.memory_space<hbm>>) dst(%dma_wait3A_354 : memref<2x128xi32, #tpu.memory_space<vmem>>)
          tpu.yield
        }) : () -> ()
        %dma_start3A_313 = arith.constant 0 : i32
        %dma_start3A_314 = arith.constant 0 : i32
        %dma_start3A_315 = arith.constant 0 : i32
        %dma_start3A_316 = arith.constant 0 : i32
        %dma_start3A_317 = arith.constant 0 : i32
        %dma_start3A_318 = tpu.memref_slice %arg6[%dma_start3A_315, %dma_start3A_316, %dma_start3A_317] : memref<2x128x128xf32, #tpu.memory_space<vmem>> -> memref<1x128x128xf32, #tpu.memory_space<vmem>>
        %dma_start3A_319 = tpu.memref_squeeze %dma_start3A_318 : memref<1x128x128xf32, #tpu.memory_space<vmem>> -> memref<128x128xf32, #tpu.memory_space<vmem>>
        %dma_start3A_320 = arith.constant 0 : i32
        %dma_start3A_321 = tpu.memref_slice %arg5[%dma_start3A_313, %dma_start3A_314, %dma_start3A_320] : memref<2x2x128xi32, #tpu.memory_space<vmem>> -> memref<1x1x128xi32, #tpu.memory_space<vmem>>
        %dma_start3A_322 = tpu.memref_squeeze %dma_start3A_321 : memref<1x1x128xi32, #tpu.memory_space<vmem>> -> memref<128xi32, #tpu.memory_space<vmem>>
        %dma_start3A_323 = arith.constant 0 : i32
        %dma_start3A_324 = arith.constant 0 : i32
        %dma_start3A_325 = tpu.memref_slice %arg2[%dma_start3A_323, %dma_start3A_324] : memref<10240x128xf32, #tpu.memory_space<hbm>> -> memref<10240x128xf32, #tpu.memory_space<hbm>>
        tpu.enqueue_indirect_dma source(%dma_start3A_325 : memref<10240x128xf32, #tpu.memory_space<hbm>>) target(%dma_start3A_319 : memref<128x128xf32, #tpu.memory_space<vmem>>) offsets(%dma_start3A_322 : memref<128xi32, #tpu.memory_space<vmem>>) semaphore(%arg8 : memref<!tpu.dma_semaphore, #tpu.memory_space<semaphore_mem>>)
      } else {
      }
      %mul3A_286 = arith.constant 2 : i32
      %mul3A_287 = arith.muli %while3A_213, %mul3A_286 : i32
      %add3A_288 = arith.constant 1 : i32
      %add3A_289 = arith.addi %mul3A_287, %add3A_288 : i32
      %dma_wait3A_290 = arith.constant 1 : i32
      %dma_wait3A_291 = arith.constant 1 : i32
      %dma_wait3A_292 = arith.constant 1 : i32
      %dma_wait3A_293 = arith.constant 0 : i32
      %dma_wait3A_294 = arith.constant 0 : i32
      %dma_wait3A_295 = tpu.memref_slice %arg6[%dma_wait3A_290, %dma_wait3A_293, %dma_wait3A_294] : memref<2x128x128xf32, #tpu.memory_space<vmem>> -> memref<1x128x128xf32, #tpu.memory_space<vmem>>
      %dma_wait3A_296 = tpu.memref_squeeze %dma_wait3A_295 : memref<1x128x128xf32, #tpu.memory_space<vmem>> -> memref<128x128xf32, #tpu.memory_space<vmem>>
      %dma_wait3A_297 = arith.constant 0 : i32
      %dma_wait3A_298 = tpu.memref_slice %arg5[%dma_wait3A_291, %dma_wait3A_292, %dma_wait3A_297] : memref<2x2x128xi32, #tpu.memory_space<vmem>> -> memref<1x1x128xi32, #tpu.memory_space<vmem>>
      %dma_wait3A_299 = tpu.memref_squeeze %dma_wait3A_298 : memref<1x1x128xi32, #tpu.memory_space<vmem>> -> memref<128xi32, #tpu.memory_space<vmem>>
      %dma_wait3A_300 = arith.constant 0 : i32
      %dma_wait3A_301 = arith.constant 0 : i32
      %dma_wait3A_302 = tpu.memref_slice %arg7[%dma_wait3A_300, %dma_wait3A_301] : memref<10240x128xf32, #tpu.memory_space<vmem_shared>> -> memref<10240x128xf32, #tpu.memory_space<vmem_shared>>
      tpu.wait_indirect_dma semaphore(%arg11 : memref<!tpu.dma_semaphore, #tpu.memory_space<semaphore_mem>>) src(%dma_wait3A_296 : memref<128x128xf32, #tpu.memory_space<vmem>>) dst(%dma_wait3A_302 : memref<10240x128xf32, #tpu.memory_space<vmem_shared>>)
      %add3A_303 = arith.constant 2 : i32
      %add3A_304 = arith.addi %add3A_289, %add3A_303 : i32
      %lt3A_305 = arith.cmpi slt, %add3A_304, %select_n3A : i32
      %convert_element_type3A_306 = arith.extui %lt3A_305 : i1 to i32
      %cond3A_307 = arith.constant 0 : i32
      %cond3A_308 = arith.cmpi ne, %convert_element_type3A_306, %cond3A_307 : i32
      scf.if %cond3A_308 {
        %add3A_309 = arith.addi %select_n3A_8, %add3A_289 : i32
        %add3A_310 = arith.constant 2 : i32
        %add3A_311 = arith.addi %add3A_309, %add3A_310 : i32
        %run_scoped3A_312 = arith.constant 1 : i32
        "tpu.region"() ({
          %run_scoped3A_326 = tpu.sem_alloc : memref<!tpu.dma_semaphore, #tpu.memory_space<semaphore_mem>>
          %dma_start3A_327 = arith.constant 0 : i32
          %dma_start3A_328 = arith.constant 0 : i32
          %dma_start3A_329 = tpu.memref_slice %arg5[%run_scoped3A_312, %dma_start3A_327, %dma_start3A_328] : memref<2x2x128xi32, #tpu.memory_space<vmem>> -> memref<1x2x128xi32, #tpu.memory_space<vmem>>
          %dma_start3A_330 = tpu.memref_squeeze %dma_start3A_329 : memref<1x2x128xi32, #tpu.memory_space<vmem>> -> memref<2x128xi32, #tpu.memory_space<vmem>>
          %dma_start3A_331 = arith.constant 0 : i32
          %dma_start3A_332 = arith.constant 0 : i32
          %dma_start3A_333 = tpu.memref_slice %arg3[%add3A_311, %dma_start3A_331, %dma_start3A_332] : memref<2560x2x128xi32, #tpu.memory_space<hbm>> -> memref<1x2x128xi32, #tpu.memory_space<hbm>>
          %dma_start3A_334 = tpu.memref_squeeze %dma_start3A_333 : memref<1x2x128xi32, #tpu.memory_space<hbm>> -> memref<2x128xi32, #tpu.memory_space<hbm>>
          %dma_start3A_335 = arith.constant 0 : i32
          %dma_start3A_336 = arith.constant 0 : i32
          %dma_start3A_337 = tpu.memref_slice %arg5[%run_scoped3A_312, %dma_start3A_335, %dma_start3A_336] : memref<2x2x128xi32, #tpu.memory_space<vmem>> -> memref<1x2x128xi32, #tpu.memory_space<vmem>>
          %dma_start3A_338 = tpu.memref_squeeze %dma_start3A_337 : memref<1x2x128xi32, #tpu.memory_space<vmem>> -> memref<2x128xi32, #tpu.memory_space<vmem>>
          %dma_start3A_339 = arith.constant 0 : i32
          %dma_start3A_340 = arith.constant 0 : i32
          %dma_start3A_341 = tpu.memref_slice %arg3[%add3A_311, %dma_start3A_339, %dma_start3A_340] : memref<2560x2x128xi32, #tpu.memory_space<hbm>> -> memref<1x2x128xi32, #tpu.memory_space<hbm>>
          %dma_start3A_342 = tpu.memref_squeeze %dma_start3A_341 : memref<1x2x128xi32, #tpu.memory_space<hbm>> -> memref<2x128xi32, #tpu.memory_space<hbm>>
          tpu.enqueue_dma source(%dma_start3A_342 : memref<2x128xi32, #tpu.memory_space<hbm>>) target(%dma_start3A_338 : memref<2x128xi32, #tpu.memory_space<vmem>>) target_semaphore(%run_scoped3A_326 : memref<!tpu.dma_semaphore, #tpu.memory_space<semaphore_mem>>)
          %dma_wait3A_343 = arith.constant 0 : i32
          %dma_wait3A_344 = arith.constant 0 : i32
          %dma_wait3A_345 = tpu.memref_slice %arg5[%run_scoped3A_312, %dma_wait3A_343, %dma_wait3A_344] : memref<2x2x128xi32, #tpu.memory_space<vmem>> -> memref<1x2x128xi32, #tpu.memory_space<vmem>>
          %dma_wait3A_346 = tpu.memref_squeeze %dma_wait3A_345 : memref<1x2x128xi32, #tpu.memory_space<vmem>> -> memref<2x128xi32, #tpu.memory_space<vmem>>
          %dma_wait3A_347 = arith.constant 0 : i32
          %dma_wait3A_348 = arith.constant 0 : i32
          %dma_wait3A_349 = tpu.memref_slice %arg3[%add3A_311, %dma_wait3A_347, %dma_wait3A_348] : memref<2560x2x128xi32, #tpu.memory_space<hbm>> -> memref<1x2x128xi32, #tpu.memory_space<hbm>>
          %dma_wait3A_350 = tpu.memref_squeeze %dma_wait3A_349 : memref<1x2x128xi32, #tpu.memory_space<hbm>> -> memref<2x128xi32, #tpu.memory_space<hbm>>
          %dma_wait3A_351 = arith.constant 0 : i32
          %dma_wait3A_352 = arith.constant 0 : i32
          %dma_wait3A_353 = tpu.memref_slice %arg5[%run_scoped3A_312, %dma_wait3A_351, %dma_wait3A_352] : memref<2x2x128xi32, #tpu.memory_space<vmem>> -> memref<1x2x128xi32, #tpu.memory_space<vmem>>
          %dma_wait3A_354 = tpu.memref_squeeze %dma_wait3A_353 : memref<1x2x128xi32, #tpu.memory_space<vmem>> -> memref<2x128xi32, #tpu.memory_space<vmem>>
          %dma_wait3A_355 = arith.constant 0 : i32
          %dma_wait3A_356 = arith.constant 0 : i32
          %dma_wait3A_357 = tpu.memref_slice %arg3[%add3A_311, %dma_wait3A_355, %dma_wait3A_356] : memref<2560x2x128xi32, #tpu.memory_space<hbm>> -> memref<1x2x128xi32, #tpu.memory_space<hbm>>
          %dma_wait3A_358 = tpu.memref_squeeze %dma_wait3A_357 : memref<1x2x128xi32, #tpu.memory_space<hbm>> -> memref<2x128xi32, #tpu.memory_space<hbm>>
          tpu.wait_dma2 semaphore(%run_scoped3A_326 : memref<!tpu.dma_semaphore, #tpu.memory_space<semaphore_mem>>) src(%dma_wait3A_358 : memref<2x128xi32, #tpu.memory_space<hbm>>) dst(%dma_wait3A_354 : memref<2x128xi32, #tpu.memory_space<vmem>>)
          tpu.yield
        }) : () -> ()
        %dma_start3A_313 = arith.constant 1 : i32
        %dma_start3A_314 = arith.constant 0 : i32
        %dma_start3A_315 = arith.constant 1 : i32
        %dma_start3A_316 = arith.constant 0 : i32
        %dma_start3A_317 = arith.constant 0 : i32
        %dma_start3A_318 = tpu.memref_slice %arg6[%dma_start3A_315, %dma_start3A_316, %dma_start3A_317] : memref<2x128x128xf32, #tpu.memory_space<vmem>> -> memref<1x128x128xf32, #tpu.memory_space<vmem>>
        %dma_start3A_319 = tpu.memref_squeeze %dma_start3A_318 : memref<1x128x128xf32, #tpu.memory_space<vmem>> -> memref<128x128xf32, #tpu.memory_space<vmem>>
        %dma_start3A_320 = arith.constant 0 : i32
        %dma_start3A_321 = tpu.memref_slice %arg5[%dma_start3A_313, %dma_start3A_314, %dma_start3A_320] : memref<2x2x128xi32, #tpu.memory_space<vmem>> -> memref<1x1x128xi32, #tpu.memory_space<vmem>>
        %dma_start3A_322 = tpu.memref_squeeze %dma_start3A_321 : memref<1x1x128xi32, #tpu.memory_space<vmem>> -> memref<128xi32, #tpu.memory_space<vmem>>
        %dma_start3A_323 = arith.constant 0 : i32
        %dma_start3A_324 = arith.constant 0 : i32
        %dma_start3A_325 = tpu.memref_slice %arg2[%dma_start3A_323, %dma_start3A_324] : memref<10240x128xf32, #tpu.memory_space<hbm>> -> memref<10240x128xf32, #tpu.memory_space<hbm>>
        tpu.enqueue_indirect_dma source(%dma_start3A_325 : memref<10240x128xf32, #tpu.memory_space<hbm>>) target(%dma_start3A_319 : memref<128x128xf32, #tpu.memory_space<vmem>>) offsets(%dma_start3A_322 : memref<128xi32, #tpu.memory_space<vmem>>) semaphore(%arg9 : memref<!tpu.dma_semaphore, #tpu.memory_space<semaphore_mem>>)
      } else {
      }
    }
    %barrier3A_212 = arith.constant 0 : index
    tpu.barrier barrier_id(%barrier3A_212)
    "tpu.region"() ({
      %run_scoped3A_213 = tpu.sem_alloc : memref<!tpu.dma_semaphore, #tpu.memory_space<semaphore_mem>>
      %dma_start3A_214 = arith.constant 0 : i32
      %dma_start3A_215 = tpu.memref_slice %arg4[%arg0, %mul3A_15, %dma_start3A_214] : memref<2x10240x128xf32, #tpu.memory_space<hbm>> -> memref<1x640x128xf32, #tpu.memory_space<hbm>>
      %dma_start3A_216 = tpu.memref_squeeze %dma_start3A_215 : memref<1x640x128xf32, #tpu.memory_space<hbm>> -> memref<640x128xf32, #tpu.memory_space<hbm>>
      %dma_start3A_217 = arith.constant 0 : i32
      %dma_start3A_218 = tpu.memref_slice %arg7[%mul3A_15, %dma_start3A_217] : memref<10240x128xf32, #tpu.memory_space<vmem_shared>> -> memref<640x128xf32, #tpu.memory_space<vmem_shared>>
      tpu.enqueue_dma source(%dma_start3A_218 : memref<640x128xf32, #tpu.memory_space<vmem_shared>>) target(%dma_start3A_216 : memref<640x128xf32, #tpu.memory_space<hbm>>) target_semaphore(%run_scoped3A_213 : memref<!tpu.dma_semaphore, #tpu.memory_space<semaphore_mem>>)
      %dma_wait3A_219 = arith.constant 0 : i32
      %dma_wait3A_220 = tpu.memref_slice %arg4[%arg0, %mul3A_15, %dma_wait3A_219] : memref<2x10240x128xf32, #tpu.memory_space<hbm>> -> memref<1x640x128xf32, #tpu.memory_space<hbm>>
      %dma_wait3A_221 = tpu.memref_squeeze %dma_wait3A_220 : memref<1x640x128xf32, #tpu.memory_space<hbm>> -> memref<640x128xf32, #tpu.memory_space<hbm>>
      %dma_wait3A_222 = arith.constant 0 : i32
      %dma_wait3A_223 = tpu.memref_slice %arg7[%mul3A_15, %dma_wait3A_222] : memref<10240x128xf32, #tpu.memory_space<vmem_shared>> -> memref<640x128xf32, #tpu.memory_space<vmem_shared>>
      tpu.wait_dma2 semaphore(%run_scoped3A_213 : memref<!tpu.dma_semaphore, #tpu.memory_space<semaphore_mem>>) src(%dma_wait3A_223 : memref<640x128xf32, #tpu.memory_space<vmem_shared>>) dst(%dma_wait3A_221 : memref<640x128xf32, #tpu.memory_space<hbm>>)
      tpu.yield
    }) : () -> ()
    return
  }
}

module attributes {stable_mosaic.version = 14 : i64} {
  func.func @_deg_body(%arg0: i32, %arg1: memref<4000x1xi32, #tpu.memory_space<vmem>>, %arg2: memref<4000x1xi32, #tpu.memory_space<vmem>>, %arg3: memref<128x128xf32, #tpu.memory_space<vmem>>, %arg4: memref<128x128xf32, #tpu.memory_space<vmem>>, %arg5: memref<128x128xf32, #tpu.memory_space<vmem>>, %arg6: memref<128x128xf32, #tpu.memory_space<vmem>>) attributes {dimension_semantics = [#tpu.dimension_semantics<arbitrary>], iteration_bounds = array<i64: 80>, scalar_prefetch = 0 : i64, scratch_operands = 2 : i64, tpu.core_type = #tpu.core_type<tc>, window_params = [{transform_indices = @transform_0, window_bounds = array<i64: 4000, 1>}, {transform_indices = @transform_1, window_bounds = array<i64: 4000, 1>}, {pipeline_mode = #tpu.pipeline_mode<synchronous>, transform_indices = @transform_2, window_bounds = array<i64: 128, 128>}, {pipeline_mode = #tpu.pipeline_mode<synchronous>, transform_indices = @transform_3, window_bounds = array<i64: 128, 128>}]} {
    %eq3A = arith.constant 0 : i32
    %eq3A_0 = arith.cmpi eq, %arg0, %eq3A : i32
    %convert_element_type3A = arith.extui %eq3A_0 : i1 to i32
    %cond3A = arith.constant 0 : i32
    %cond3A_1 = arith.cmpi ne, %convert_element_type3A, %cond3A : i32
    scf.if %cond3A_1 {
      %broadcast_in_dim3A = arith.constant 0.000000e+00 : f32
      %broadcast_in_dim3A_57 = vector.broadcast %broadcast_in_dim3A : f32 to vector<128x128xf32>
      %swap3A_58 = arith.constant 0 : index
      %swap3A_59 = arith.constant 0 : index
      %swap3A_60 = vector.load %arg5[%swap3A_58, %swap3A_59] : memref<128x128xf32, #tpu.memory_space<vmem>>, vector<128x128xf32>
      tpu.vector_store %arg5[%swap3A_58, %swap3A_59], %broadcast_in_dim3A_57 {strides = array<i32>} : memref<128x128xf32, #tpu.memory_space<vmem>>, vector<128x128xf32>,
      %broadcast_in_dim3A_61 = arith.constant 0.000000e+00 : f32
      %broadcast_in_dim3A_62 = vector.broadcast %broadcast_in_dim3A_61 : f32 to vector<128x128xf32>
      %swap3A_63 = arith.constant 0 : index
      %swap3A_64 = arith.constant 0 : index
      %swap3A_65 = vector.load %arg6[%swap3A_63, %swap3A_64] : memref<128x128xf32, #tpu.memory_space<vmem>>, vector<128x128xf32>
      tpu.vector_store %arg6[%swap3A_63, %swap3A_64], %broadcast_in_dim3A_62 {strides = array<i32>} : memref<128x128xf32, #tpu.memory_space<vmem>>, vector<128x128xf32>,
    } else {
    }
    %iota3A = tpu.iota {dimensions = array<i32: 1>} : vector<1x128xi32>
    %get3A = arith.constant 0 : index
    %get3A_2 = arith.constant 0 : index
    %get3A_3 = vector.load %arg1[%get3A, %get3A_2] : memref<4000x1xi32, #tpu.memory_space<vmem>>, vector<4000x1xi32>
    %shift_right_logical3A = arith.constant 7 : i32
    %shift_right_logical3A_4 = vector.broadcast %shift_right_logical3A : i32 to vector<4000x1xi32>
    %shift_right_logical3A_5 = arith.shrui %get3A_3, %shift_right_logical3A_4 : vector<4000x1xi32>
    %and3A = arith.constant 127 : i32
    %and3A_6 = vector.broadcast %and3A : i32 to vector<4000x1xi32>
    %and3A_7 = arith.andi %get3A_3, %and3A_6 : vector<4000x1xi32>
    %eq3A_8 = vector.broadcast %shift_right_logical3A_5 : vector<4000x1xi32> to vector<4000x128xi32>
    %eq3A_9 = vector.broadcast %iota3A : vector<1x128xi32> to vector<4000x128xi32>
    %eq3A_10 = arith.cmpi eq, %eq3A_8, %eq3A_9 : vector<4000x128xi32>
    %convert_element_type3A_11 = arith.extui %eq3A_10 : vector<4000x128xi1> to vector<4000x128xi32>
    %convert_element_type3A_12 = arith.sitofp %convert_element_type3A_11 : vector<4000x128xi32> to vector<4000x128xf32>
    %eq3A_13 = vector.broadcast %and3A_7 : vector<4000x1xi32> to vector<4000x128xi32>
    %eq3A_14 = vector.broadcast %iota3A : vector<1x128xi32> to vector<4000x128xi32>
    %eq3A_15 = arith.cmpi eq, %eq3A_13, %eq3A_14 : vector<4000x128xi32>
    %convert_element_type3A_16 = arith.extui %eq3A_15 : vector<4000x128xi1> to vector<4000x128xi32>
    %convert_element_type3A_17 = arith.sitofp %convert_element_type3A_16 : vector<4000x128xi32> to vector<4000x128xf32>
    %get3A_18 = arith.constant 0 : index
    %get3A_19 = arith.constant 0 : index
    %get3A_20 = vector.load %arg5[%get3A_18, %get3A_19] : memref<128x128xf32, #tpu.memory_space<vmem>>, vector<128x128xf32>
    %dot_general3A = arith.constant dense<0.000000e+00> : vector<128x128xf32>
    %dot_general3A_21 = tpu.matmul %convert_element_type3A_12, %convert_element_type3A_17, %dot_general3A {dimension_numbers = #tpu.dot_dimension_numbers<[0], [0], [1], [1], [0, 1, 1, 1], [], []>, transpose_lhs_hint = false} : vector<4000x128xf32>, vector<4000x128xf32>, vector<128x128xf32> -> vector<128x128xf32>
    %add3A = arith.addf %get3A_20, %dot_general3A_21 : vector<128x128xf32>
    %swap3A = arith.constant 0 : index
    %swap3A_22 = arith.constant 0 : index
    %swap3A_23 = vector.load %arg5[%swap3A, %swap3A_22] : memref<128x128xf32, #tpu.memory_space<vmem>>, vector<128x128xf32>
    tpu.vector_store %arg5[%swap3A, %swap3A_22], %add3A {strides = array<i32>} : memref<128x128xf32, #tpu.memory_space<vmem>>, vector<128x128xf32>,
    %get3A_24 = arith.constant 0 : index
    %get3A_25 = arith.constant 0 : index
    %get3A_26 = vector.load %arg2[%get3A_24, %get3A_25] : memref<4000x1xi32, #tpu.memory_space<vmem>>, vector<4000x1xi32>
    %shift_right_logical3A_27 = arith.constant 7 : i32
    %shift_right_logical3A_28 = vector.broadcast %shift_right_logical3A_27 : i32 to vector<4000x1xi32>
    %shift_right_logical3A_29 = arith.shrui %get3A_26, %shift_right_logical3A_28 : vector<4000x1xi32>
    %and3A_30 = arith.constant 127 : i32
    %and3A_31 = vector.broadcast %and3A_30 : i32 to vector<4000x1xi32>
    %and3A_32 = arith.andi %get3A_26, %and3A_31 : vector<4000x1xi32>
    %eq3A_33 = vector.broadcast %shift_right_logical3A_29 : vector<4000x1xi32> to vector<4000x128xi32>
    %eq3A_34 = vector.broadcast %iota3A : vector<1x128xi32> to vector<4000x128xi32>
    %eq3A_35 = arith.cmpi eq, %eq3A_33, %eq3A_34 : vector<4000x128xi32>
    %convert_element_type3A_36 = arith.extui %eq3A_35 : vector<4000x128xi1> to vector<4000x128xi32>
    %convert_element_type3A_37 = arith.sitofp %convert_element_type3A_36 : vector<4000x128xi32> to vector<4000x128xf32>
    %eq3A_38 = vector.broadcast %and3A_32 : vector<4000x1xi32> to vector<4000x128xi32>
    %eq3A_39 = vector.broadcast %iota3A : vector<1x128xi32> to vector<4000x128xi32>
    %eq3A_40 = arith.cmpi eq, %eq3A_38, %eq3A_39 : vector<4000x128xi32>
    %convert_element_type3A_41 = arith.extui %eq3A_40 : vector<4000x128xi1> to vector<4000x128xi32>
    %convert_element_type3A_42 = arith.sitofp %convert_element_type3A_41 : vector<4000x128xi32> to vector<4000x128xf32>
    %get3A_43 = arith.constant 0 : index
    %get3A_44 = arith.constant 0 : index
    %get3A_45 = vector.load %arg6[%get3A_43, %get3A_44] : memref<128x128xf32, #tpu.memory_space<vmem>>, vector<128x128xf32>
    %dot_general3A_46 = arith.constant dense<0.000000e+00> : vector<128x128xf32>
    %dot_general3A_47 = tpu.matmul %convert_element_type3A_37, %convert_element_type3A_42, %dot_general3A_46 {dimension_numbers = #tpu.dot_dimension_numbers<[0], [0], [1], [1], [0, 1, 1, 1], [], []>, transpose_lhs_hint = false} : vector<4000x128xf32>, vector<4000x128xf32>, vector<128x128xf32> -> vector<128x128xf32>
    %add3A_48 = arith.addf %get3A_45, %dot_general3A_47 : vector<128x128xf32>
    %swap3A_49 = arith.constant 0 : index
    %swap3A_50 = arith.constant 0 : index
    %swap3A_51 = vector.load %arg6[%swap3A_49, %swap3A_50] : memref<128x128xf32, #tpu.memory_space<vmem>>, vector<128x128xf32>
    tpu.vector_store %arg6[%swap3A_49, %swap3A_50], %add3A_48 {strides = array<i32>} : memref<128x128xf32, #tpu.memory_space<vmem>>, vector<128x128xf32>,
    %eq3A_52 = arith.constant 79 : i32
    %eq3A_53 = arith.cmpi eq, %arg0, %eq3A_52 : i32
    %convert_element_type3A_54 = arith.extui %eq3A_53 : i1 to i32
    %cond3A_55 = arith.constant 0 : i32
    %cond3A_56 = arith.cmpi ne, %convert_element_type3A_54, %cond3A_55 : i32
    scf.if %cond3A_56 {
      %get3A_57 = arith.constant 0 : index
      %get3A_58 = arith.constant 0 : index
      %get3A_59 = vector.load %arg5[%get3A_57, %get3A_58] : memref<128x128xf32, #tpu.memory_space<vmem>>, vector<128x128xf32>
      %swap3A_60 = arith.constant 0 : index
      %swap3A_61 = arith.constant 0 : index
      %swap3A_62 = vector.load %arg3[%swap3A_60, %swap3A_61] : memref<128x128xf32, #tpu.memory_space<vmem>>, vector<128x128xf32>
      tpu.vector_store %arg3[%swap3A_60, %swap3A_61], %get3A_59 {strides = array<i32>} : memref<128x128xf32, #tpu.memory_space<vmem>>, vector<128x128xf32>,
      %get3A_63 = arith.constant 0 : index
      %get3A_64 = arith.constant 0 : index
      %get3A_65 = vector.load %arg6[%get3A_63, %get3A_64] : memref<128x128xf32, #tpu.memory_space<vmem>>, vector<128x128xf32>
      %swap3A_66 = arith.constant 0 : index
      %swap3A_67 = arith.constant 0 : index
      %swap3A_68 = vector.load %arg4[%swap3A_66, %swap3A_67] : memref<128x128xf32, #tpu.memory_space<vmem>>, vector<128x128xf32>
      tpu.vector_store %arg4[%swap3A_66, %swap3A_67], %get3A_65 {strides = array<i32>} : memref<128x128xf32, #tpu.memory_space<vmem>>, vector<128x128xf32>,
    } else {
    }
    return
  }
  func.func @transform_0(%arg0: i32) -> (i32, i32) {
    %c0_i32 = arith.constant 0 : i32
    %c0_i32_0 = arith.constant 0 : i32
    return %arg0, %c0_i32 : i32, i32
  }
  func.func @transform_1(%arg0: i32) -> (i32, i32) {
    %c0_i32 = arith.constant 0 : i32
    %c0_i32_0 = arith.constant 0 : i32
    return %arg0, %c0_i32 : i32, i32
  }
  func.func @transform_2(%arg0: i32) -> (i32, i32) {
    %c0_i32 = arith.constant 0 : i32
    %c0_i32_0 = arith.constant 0 : i32
    %c0_i32_1 = arith.constant 0 : i32
    return %c0_i32, %c0_i32_0 : i32, i32
  }
  func.func @transform_3(%arg0: i32) -> (i32, i32) {
    %c0_i32 = arith.constant 0 : i32
    %c0_i32_0 = arith.constant 0 : i32
    %c0_i32_1 = arith.constant 0 : i32
    return %c0_i32, %c0_i32_0 : i32, i32
  }
}

module attributes {stable_mosaic.version = 14 : i64} {
  func.func @_prep_body(%arg0: i32, %arg1: memref<1024x128xf32, #tpu.memory_space<vmem>>, %arg2: memref<1024x1xf32, #tpu.memory_space<vmem>>, %arg3: memref<1024x128xf32, #tpu.memory_space<vmem>>) attributes {dimension_semantics = [#tpu.dimension_semantics<arbitrary>], iteration_bounds = array<i64: 10>, scalar_prefetch = 0 : i64, scratch_operands = 0 : i64, tpu.core_type = #tpu.core_type<tc>, window_params = [{transform_indices = @transform_0, window_bounds = array<i64: 1024, 128>}, {transform_indices = @transform_1, window_bounds = array<i64: 1024, 1>}, {transform_indices = @transform_2, window_bounds = array<i64: 1024, 128>}]} {
    %get3A = arith.constant 0 : index
    %get3A_0 = arith.constant 0 : index
    %get3A_1 = vector.load %arg1[%get3A, %get3A_0] : memref<1024x128xf32, #tpu.memory_space<vmem>>, vector<1024x128xf32>
    %get3A_2 = arith.constant 0 : index
    %get3A_3 = arith.constant 0 : index
    %get3A_4 = vector.load %arg2[%get3A_2, %get3A_3] : memref<1024x1xf32, #tpu.memory_space<vmem>>, vector<1024x1xf32>
    %max3A = arith.constant 1.000000e+00 : f32
    %max3A_5 = vector.broadcast %max3A : f32 to vector<1024x1xf32>
    %max3A_6 = arith.maximumf %get3A_4, %max3A_5 : vector<1024x1xf32>
    %rsqrt3A = math.rsqrt %max3A_6 : vector<1024x1xf32>
    %mul3A = vector.broadcast %rsqrt3A : vector<1024x1xf32> to vector<1024x128xf32>
    %mul3A_7 = arith.mulf %get3A_1, %mul3A : vector<1024x128xf32>
    %swap3A = arith.constant 0 : index
    %swap3A_8 = arith.constant 0 : index
    %swap3A_9 = vector.load %arg3[%swap3A, %swap3A_8] : memref<1024x128xf32, #tpu.memory_space<vmem>>, vector<1024x128xf32>
    tpu.vector_store %arg3[%swap3A, %swap3A_8], %mul3A_7 {strides = array<i32>} : memref<1024x128xf32, #tpu.memory_space<vmem>>, vector<1024x128xf32>,
    return
  }
  func.func @transform_0(%arg0: i32) -> (i32, i32) {
    %c0_i32 = arith.constant 0 : i32
    %c0_i32_0 = arith.constant 0 : i32
    return %arg0, %c0_i32 : i32, i32
  }
  func.func @transform_1(%arg0: i32) -> (i32, i32) {
    %c0_i32 = arith.constant 0 : i32
    %c0_i32_0 = arith.constant 0 : i32
    return %arg0, %c0_i32 : i32, i32
  }
  func.func @transform_2(%arg0: i32) -> (i32, i32) {
    %c0_i32 = arith.constant 0 : i32
    %c0_i32_0 = arith.constant 0 : i32
    return %arg0, %c0_i32 : i32, i32
  }
}

module attributes {stable_mosaic.version = 14 : i64} {
  func.func @_layer1_body(%arg0: i32, %arg1: memref<2x1024x128xf32, #tpu.memory_space<vmem>>, %arg2: memref<1024x1xf32, #tpu.memory_space<vmem>>, %arg3: memref<1024x1xf32, #tpu.memory_space<vmem>>, %arg4: memref<128x256xf32, #tpu.memory_space<vmem>>, %arg5: memref<1x256xf32, #tpu.memory_space<vmem>>, %arg6: memref<1024x128xf32, #tpu.memory_space<vmem>>, %arg7: memref<1024x128xf32, #tpu.memory_space<vmem>>) attributes {dimension_semantics = [#tpu.dimension_semantics<arbitrary>], iteration_bounds = array<i64: 10>, scalar_prefetch = 0 : i64, scratch_operands = 0 : i64, tpu.core_type = #tpu.core_type<tc>, window_params = [{transform_indices = @transform_0, window_bounds = array<i64: 2, 1024, 128>}, {transform_indices = @transform_1, window_bounds = array<i64: 1024, 1>}, {transform_indices = @transform_2, window_bounds = array<i64: 1024, 1>}, {pipeline_mode = #tpu.pipeline_mode<synchronous>, transform_indices = @transform_3, window_bounds = array<i64: 128, 256>}, {pipeline_mode = #tpu.pipeline_mode<synchronous>, transform_indices = @transform_4, window_bounds = array<i64: 1, 256>}, {transform_indices = @transform_5, window_bounds = array<i64: 1024, 128>}, {transform_indices = @transform_6, window_bounds = array<i64: 1024, 128>}]} {
    %get3A = arith.constant 0 : index
    %get3A_0 = arith.constant 0 : index
    %get3A_1 = arith.constant 0 : index
    %get3A_2 = vector.load %arg1[%get3A, %get3A_0, %get3A_1] : memref<2x1024x128xf32, #tpu.memory_space<vmem>>, vector<1x1024x128xf32>
    %get3A_3 = vector.shape_cast %get3A_2 : vector<1x1024x128xf32> to vector<1024x128xf32>
    %get3A_4 = arith.constant 1 : index
    %get3A_5 = arith.constant 0 : index
    %get3A_6 = arith.constant 0 : index
    %get3A_7 = vector.load %arg1[%get3A_4, %get3A_5, %get3A_6] : memref<2x1024x128xf32, #tpu.memory_space<vmem>>, vector<1x1024x128xf32>
    %get3A_8 = vector.shape_cast %get3A_7 : vector<1x1024x128xf32> to vector<1024x128xf32>
    %add3A = arith.addf %get3A_3, %get3A_8 : vector<1024x128xf32>
    %get3A_9 = arith.constant 0 : index
    %get3A_10 = arith.constant 0 : index
    %get3A_11 = vector.load %arg2[%get3A_9, %get3A_10] : memref<1024x1xf32, #tpu.memory_space<vmem>>, vector<1024x1xf32>
    %max3A = arith.constant 1.000000e+00 : f32
    %max3A_12 = vector.broadcast %max3A : f32 to vector<1024x1xf32>
    %max3A_13 = arith.maximumf %get3A_11, %max3A_12 : vector<1024x1xf32>
    %rsqrt3A = math.rsqrt %max3A_13 : vector<1024x1xf32>
    %mul3A = vector.broadcast %rsqrt3A : vector<1024x1xf32> to vector<1024x128xf32>
    %mul3A_14 = arith.mulf %add3A, %mul3A : vector<1024x128xf32>
    %get3A_15 = arith.constant 0 : index
    %get3A_16 = arith.constant 0 : index
    %get3A_17 = vector.load %arg4[%get3A_15, %get3A_16] : memref<128x256xf32, #tpu.memory_space<vmem>>, vector<128x256xf32>
    %dot_general3A = arith.constant dense<0.000000e+00> : vector<1024x256xf32>
    %dot_general3A_18 = tpu.matmul %mul3A_14, %get3A_17, %dot_general3A {dimension_numbers = #tpu.dot_dimension_numbers<[1], [0], [0], [1], [0, 0, 1, 1], [], []>, transpose_lhs_hint = false} : vector<1024x128xf32>, vector<128x256xf32>, vector<1024x256xf32> -> vector<1024x256xf32>
    %get3A_19 = arith.constant 0 : index
    %get3A_20 = arith.constant 0 : index
    %get3A_21 = vector.load %arg5[%get3A_19, %get3A_20] : memref<1x256xf32, #tpu.memory_space<vmem>>, vector<1x256xf32>
    %add3A_22 = vector.broadcast %get3A_21 : vector<1x256xf32> to vector<1024x256xf32>
    %add3A_23 = arith.addf %dot_general3A_18, %add3A_22 : vector<1024x256xf32>
    %max3A_24 = arith.constant 0.000000e+00 : f32
    %max3A_25 = vector.broadcast %max3A_24 : f32 to vector<1024x256xf32>
    %max3A_26 = arith.maximumf %add3A_23, %max3A_25 : vector<1024x256xf32>
    %get3A_27 = arith.constant 0 : index
    %get3A_28 = arith.constant 0 : index
    %get3A_29 = vector.load %arg3[%get3A_27, %get3A_28] : memref<1024x1xf32, #tpu.memory_space<vmem>>, vector<1024x1xf32>
    %max3A_30 = arith.constant 1.000000e+00 : f32
    %max3A_31 = vector.broadcast %max3A_30 : f32 to vector<1024x1xf32>
    %max3A_32 = arith.maximumf %get3A_29, %max3A_31 : vector<1024x1xf32>
    %rsqrt3A_33 = math.rsqrt %max3A_32 : vector<1024x1xf32>
    %mul3A_34 = vector.broadcast %rsqrt3A_33 : vector<1024x1xf32> to vector<1024x256xf32>
    %mul3A_35 = arith.mulf %max3A_26, %mul3A_34 : vector<1024x256xf32>
    %slice3A = vector.extract_strided_slice %mul3A_35 {offsets = [0, 0], sizes = [1024, 128], strides = [1, 1]} : vector<1024x256xf32> to vector<1024x128xf32>
    %swap3A = arith.constant 0 : index
    %swap3A_36 = arith.constant 0 : index
    %swap3A_37 = vector.load %arg6[%swap3A, %swap3A_36] : memref<1024x128xf32, #tpu.memory_space<vmem>>, vector<1024x128xf32>
    tpu.vector_store %arg6[%swap3A, %swap3A_36], %slice3A {strides = array<i32>} : memref<1024x128xf32, #tpu.memory_space<vmem>>, vector<1024x128xf32>,
    %slice3A_38 = vector.extract_strided_slice %mul3A_35 {offsets = [0, 128], sizes = [1024, 128], strides = [1, 1]} : vector<1024x256xf32> to vector<1024x128xf32>
    %swap3A_39 = arith.constant 0 : index
    %swap3A_40 = arith.constant 0 : index
    %swap3A_41 = vector.load %arg7[%swap3A_39, %swap3A_40] : memref<1024x128xf32, #tpu.memory_space<vmem>>, vector<1024x128xf32>
    tpu.vector_store %arg7[%swap3A_39, %swap3A_40], %slice3A_38 {strides = array<i32>} : memref<1024x128xf32, #tpu.memory_space<vmem>>, vector<1024x128xf32>,
    return
  }
  func.func @transform_0(%arg0: i32) -> (i32, i32, i32) {
    %c0_i32 = arith.constant 0 : i32
    %c0_i32_0 = arith.constant 0 : i32
    %c0_i32_1 = arith.constant 0 : i32
    return %c0_i32, %arg0, %c0_i32_0 : i32, i32, i32
  }
  func.func @transform_1(%arg0: i32) -> (i32, i32) {
    %c0_i32 = arith.constant 0 : i32
    %c0_i32_0 = arith.constant 0 : i32
    return %arg0, %c0_i32 : i32, i32
  }
  func.func @transform_2(%arg0: i32) -> (i32, i32) {
    %c0_i32 = arith.constant 0 : i32
    %c0_i32_0 = arith.constant 0 : i32
    return %arg0, %c0_i32 : i32, i32
  }
  func.func @transform_3(%arg0: i32) -> (i32, i32) {
    %c0_i32 = arith.constant 0 : i32
    %c0_i32_0 = arith.constant 0 : i32
    %c0_i32_1 = arith.constant 0 : i32
    return %c0_i32, %c0_i32_0 : i32, i32
  }
  func.func @transform_4(%arg0: i32) -> (i32, i32) {
    %c0_i32 = arith.constant 0 : i32
    %c0_i32_0 = arith.constant 0 : i32
    %c0_i32_1 = arith.constant 0 : i32
    return %c0_i32, %c0_i32_0 : i32, i32
  }
  func.func @transform_5(%arg0: i32) -> (i32, i32) {
    %c0_i32 = arith.constant 0 : i32
    %c0_i32_0 = arith.constant 0 : i32
    return %arg0, %c0_i32 : i32, i32
  }
  func.func @transform_6(%arg0: i32) -> (i32, i32) {
    %c0_i32 = arith.constant 0 : i32
    %c0_i32_0 = arith.constant 0 : i32
    return %arg0, %c0_i32 : i32, i32
  }
}

module attributes {stable_mosaic.version = 14 : i64} {
  func.func @_layer2_pool_body(%arg0: i32, %arg1: memref<2x1024x128xf32, #tpu.memory_space<vmem>>, %arg2: memref<2x1024x128xf32, #tpu.memory_space<vmem>>, %arg3: memref<1024x1xf32, #tpu.memory_space<vmem>>, %arg4: memref<256x256xf32, #tpu.memory_space<vmem>>, %arg5: memref<1x256xf32, #tpu.memory_space<vmem>>, %arg6: memref<1x256xf32, #tpu.memory_space<vmem>>, %arg7: memref<1x1xf32, #tpu.memory_space<vmem>>, %arg8: memref<1x256xf32, #tpu.memory_space<vmem>>, %arg9: memref<1x1xf32, #tpu.memory_space<vmem>>, %arg10: memref<1x1xf32, #tpu.memory_space<vmem>>, %arg11: memref<1x1xf32, #tpu.memory_space<smem>>, %arg12: memref<1x1xf32, #tpu.memory_space<smem>>, %arg13: memref<1x256xf32, #tpu.memory_space<vmem>>) attributes {dimension_semantics = [#tpu.dimension_semantics<arbitrary>], iteration_bounds = array<i64: 10>, scalar_prefetch = 0 : i64, scratch_operands = 3 : i64, tpu.core_type = #tpu.core_type<tc>, window_params = [{transform_indices = @transform_0, window_bounds = array<i64: 2, 1024, 128>}, {transform_indices = @transform_1, window_bounds = array<i64: 2, 1024, 128>}, {transform_indices = @transform_2, window_bounds = array<i64: 1024, 1>}, {pipeline_mode = #tpu.pipeline_mode<synchronous>, transform_indices = @transform_3, window_bounds = array<i64: 256, 256>}, {pipeline_mode = #tpu.pipeline_mode<synchronous>, transform_indices = @transform_4, window_bounds = array<i64: 1, 256>}, {pipeline_mode = #tpu.pipeline_mode<synchronous>, transform_indices = @transform_5, window_bounds = array<i64: 1, 256>}, {pipeline_mode = #tpu.pipeline_mode<synchronous>, transform_indices = @transform_6, window_bounds = array<i64: 1, 1>}, {pipeline_mode = #tpu.pipeline_mode<synchronous>, transform_indices = @transform_7, window_bounds = array<i64: 1, 256>}, {pipeline_mode = #tpu.pipeline_mode<synchronous>, transform_indices = @transform_8, window_bounds = array<i64: 1, 1>}, {pipeline_mode = #tpu.pipeline_mode<synchronous>, transform_indices = @transform_9, window_bounds = array<i64: 1, 1>}]} {
    %get3A = arith.constant 0 : index
    %get3A_0 = arith.constant 0 : index
    %get3A_1 = arith.constant 0 : index
    %get3A_2 = vector.load %arg1[%get3A, %get3A_0, %get3A_1] : memref<2x1024x128xf32, #tpu.memory_space<vmem>>, vector<1x1024x128xf32>
    %get3A_3 = vector.shape_cast %get3A_2 : vector<1x1024x128xf32> to vector<1024x128xf32>
    %get3A_4 = arith.constant 1 : index
    %get3A_5 = arith.constant 0 : index
    %get3A_6 = arith.constant 0 : index
    %get3A_7 = vector.load %arg1[%get3A_4, %get3A_5, %get3A_6] : memref<2x1024x128xf32, #tpu.memory_space<vmem>>, vector<1x1024x128xf32>
    %get3A_8 = vector.shape_cast %get3A_7 : vector<1x1024x128xf32> to vector<1024x128xf32>
    %add3A = arith.addf %get3A_3, %get3A_8 : vector<1024x128xf32>
    %get3A_9 = arith.constant 0 : index
    %get3A_10 = arith.constant 0 : index
    %get3A_11 = arith.constant 0 : index
    %get3A_12 = vector.load %arg2[%get3A_9, %get3A_10, %get3A_11] : memref<2x1024x128xf32, #tpu.memory_space<vmem>>, vector<1x1024x128xf32>
    %get3A_13 = vector.shape_cast %get3A_12 : vector<1x1024x128xf32> to vector<1024x128xf32>
    %get3A_14 = arith.constant 1 : index
    %get3A_15 = arith.constant 0 : index
    %get3A_16 = arith.constant 0 : index
    %get3A_17 = vector.load %arg2[%get3A_14, %get3A_15, %get3A_16] : memref<2x1024x128xf32, #tpu.memory_space<vmem>>, vector<1x1024x128xf32>
    %get3A_18 = vector.shape_cast %get3A_17 : vector<1x1024x128xf32> to vector<1024x128xf32>
    %add3A_19 = arith.addf %get3A_13, %get3A_18 : vector<1024x128xf32>
    %concatenate3A = tpu.concatenate %add3A, %add3A_19 in 1 : vector<1024x128xf32>, vector<1024x128xf32> -> vector<1024x256xf32>
    %get3A_20 = arith.constant 0 : index
    %get3A_21 = arith.constant 0 : index
    %get3A_22 = vector.load %arg3[%get3A_20, %get3A_21] : memref<1024x1xf32, #tpu.memory_space<vmem>>, vector<1024x1xf32>
    %max3A = arith.constant 1.000000e+00 : f32
    %max3A_23 = vector.broadcast %max3A : f32 to vector<1024x1xf32>
    %max3A_24 = arith.maximumf %get3A_22, %max3A_23 : vector<1024x1xf32>
    %rsqrt3A = math.rsqrt %max3A_24 : vector<1024x1xf32>
    %mul3A = vector.broadcast %rsqrt3A : vector<1024x1xf32> to vector<1024x256xf32>
    %mul3A_25 = arith.mulf %concatenate3A, %mul3A : vector<1024x256xf32>
    %get3A_26 = arith.constant 0 : index
    %get3A_27 = arith.constant 0 : index
    %get3A_28 = vector.load %arg4[%get3A_26, %get3A_27] : memref<256x256xf32, #tpu.memory_space<vmem>>, vector<256x256xf32>
    %dot_general3A = arith.constant dense<0.000000e+00> : vector<1024x256xf32>
    %dot_general3A_29 = tpu.matmul %mul3A_25, %get3A_28, %dot_general3A {dimension_numbers = #tpu.dot_dimension_numbers<[1], [0], [0], [1], [0, 0, 1, 1], [], []>, transpose_lhs_hint = false} : vector<1024x256xf32>, vector<256x256xf32>, vector<1024x256xf32> -> vector<1024x256xf32>
    %get3A_30 = arith.constant 0 : index
    %get3A_31 = arith.constant 0 : index
    %get3A_32 = vector.load %arg5[%get3A_30, %get3A_31] : memref<1x256xf32, #tpu.memory_space<vmem>>, vector<1x256xf32>
    %add3A_33 = vector.broadcast %get3A_32 : vector<1x256xf32> to vector<1024x256xf32>
    %add3A_34 = arith.addf %dot_general3A_29, %add3A_33 : vector<1024x256xf32>
    %max3A_35 = arith.constant 0.000000e+00 : f32
    %max3A_36 = vector.broadcast %max3A_35 : f32 to vector<1024x256xf32>
    %max3A_37 = arith.maximumf %add3A_34, %max3A_36 : vector<1024x256xf32>
    %get3A_38 = arith.constant 0 : index
    %get3A_39 = arith.constant 0 : index
    %get3A_40 = vector.load %arg6[%get3A_38, %get3A_39] : memref<1x256xf32, #tpu.memory_space<vmem>>, vector<1x256xf32>
    %mul3A_41 = vector.broadcast %get3A_40 : vector<1x256xf32> to vector<1024x256xf32>
    %mul3A_42 = arith.mulf %max3A_37, %mul3A_41 : vector<1024x256xf32>
    %reduce_sum3A = arith.constant dense<0.000000e+00> : vector<1024xf32>
    %reduce_sum3A_43 = vector.multi_reduction <add>, %mul3A_42, %reduce_sum3A [1] : vector<1024x256xf32> to vector<1024xf32>
    %get3A_44 = arith.constant 0 : index
    %get3A_45 = arith.constant 0 : index
    %get3A_46 = vector.load %arg7[%get3A_44, %get3A_45] : memref<1x1xf32, #tpu.memory_space<vmem>>, vector<1x1xf32>
    %get3A_47 = vector.extract %get3A_46[0, 0] : f32 from vector<1x1xf32>
    %add3A_48 = vector.broadcast %get3A_47 : f32 to vector<1024xf32>
    %add3A_49 = arith.addf %reduce_sum3A_43, %add3A_48 : vector<1024xf32>
    %mul3A_50 = arith.constant 1024 : i32
    %mul3A_51 = arith.muli %arg0, %mul3A_50 : i32
    %iota3A = tpu.iota {dimensions = array<i32: 1>} : vector<1x1024xi32>
    %iota3A_52 = vector.shape_cast %iota3A : vector<1x1024xi32> to vector<1024xi32>
    %add3A_53 = vector.broadcast %mul3A_51 : i32 to vector<1024xi32>
    %add3A_54 = arith.addi %add3A_53, %iota3A_52 : vector<1024xi32>
    %lt3A = arith.constant 10000 : i32
    %lt3A_55 = vector.broadcast %lt3A : i32 to vector<1024xi32>
    %lt3A_56 = arith.cmpi slt, %add3A_54, %lt3A_55 : vector<1024xi32>
    %jit3A = arith.constant -1.000000e+30 : f32
    %broadcast_in_dim3A = vector.broadcast %jit3A : f32 to vector<1024xf32>
    %select_n3A = arith.select %lt3A_56, %add3A_49, %broadcast_in_dim3A : vector<1024xi1>, vector<1024xf32>
    %eq3A = arith.constant 0 : i32
    %eq3A_57 = arith.cmpi eq, %arg0, %eq3A : i32
    %convert_element_type3A = arith.extui %eq3A_57 : i1 to i32
    %cond3A = arith.constant 0 : i32
    %cond3A_58 = arith.cmpi ne, %convert_element_type3A, %cond3A : i32
    scf.if %cond3A_58 {
      %swap3A_102 = arith.constant -1.000000e+30 : f32
      %swap3A_103 = arith.constant 0 : index
      %swap3A_104 = arith.constant 0 : index
      %swap3A_105 = memref.load %arg11[%swap3A_103, %swap3A_104] : memref<1x1xf32, #tpu.memory_space<smem>>
      memref.store %swap3A_102, %arg11[%swap3A_103, %swap3A_104] : memref<1x1xf32, #tpu.memory_space<smem>>
      %swap3A_106 = arith.constant 0.000000e+00 : f32
      %swap3A_107 = arith.constant 0 : index
      %swap3A_108 = arith.constant 0 : index
      %swap3A_109 = memref.load %arg12[%swap3A_107, %swap3A_108] : memref<1x1xf32, #tpu.memory_space<smem>>
      memref.store %swap3A_106, %arg12[%swap3A_107, %swap3A_108] : memref<1x1xf32, #tpu.memory_space<smem>>
      %broadcast_in_dim3A_110 = arith.constant 0.000000e+00 : f32
      %broadcast_in_dim3A_111 = vector.broadcast %broadcast_in_dim3A_110 : f32 to vector<1x256xf32>
      %swap3A_112 = arith.constant 0 : index
      %swap3A_113 = arith.constant 0 : index
      %swap3A_114 = vector.load %arg13[%swap3A_112, %swap3A_113] : memref<1x256xf32, #tpu.memory_space<vmem>>, vector<1x256xf32>
      tpu.vector_store %arg13[%swap3A_112, %swap3A_113], %broadcast_in_dim3A_111 {strides = array<i32>} : memref<1x256xf32, #tpu.memory_space<vmem>>, vector<1x256xf32>,
    } else {
    }
    %get3A_59 = arith.constant 0 : index
    %get3A_60 = arith.constant 0 : index
    %get3A_61 = memref.load %arg11[%get3A_59, %get3A_60] : memref<1x1xf32, #tpu.memory_space<smem>>
    %reduce_max3A = vector.shape_cast %select_n3A : vector<1024xf32> to vector<1x1024xf32>
    %reduce_max3A_62 = arith.constant dense<0xFF800000> : vector<1xf32>
    %reduce_max3A_63 = vector.multi_reduction <maximumf>, %reduce_max3A, %reduce_max3A_62 [1] : vector<1x1024xf32> to vector<1xf32>
    %reduce_max3A_64 = vector.shape_cast %reduce_max3A_63 : vector<1xf32> to vector<1x1xf32>
    %reduce_max3A_65 = vector.extract %reduce_max3A_64[0, 0] : f32 from vector<1x1xf32>
    %max3A_66 = arith.maximumf %get3A_61, %reduce_max3A_65 : f32
    %sub3A = arith.subf %get3A_61, %max3A_66 : f32
    %exp3A = math.exp %sub3A : f32
    %sub3A_67 = vector.broadcast %max3A_66 : f32 to vector<1024xf32>
    %sub3A_68 = arith.subf %select_n3A, %sub3A_67 : vector<1024xf32>
    %exp3A_69 = math.exp %sub3A_68 : vector<1024xf32>
    %get3A_70 = arith.constant 0 : index
    %get3A_71 = arith.constant 0 : index
    %get3A_72 = memref.load %arg12[%get3A_70, %get3A_71] : memref<1x1xf32, #tpu.memory_space<smem>>
    %mul3A_73 = arith.mulf %get3A_72, %exp3A : f32
    %reduce_sum3A_74 = vector.shape_cast %exp3A_69 : vector<1024xf32> to vector<1x1024xf32>
    %reduce_sum3A_75 = arith.constant dense<0.000000e+00> : vector<1xf32>
    %reduce_sum3A_76 = vector.multi_reduction <add>, %reduce_sum3A_74, %reduce_sum3A_75 [1] : vector<1x1024xf32> to vector<1xf32>
    %reduce_sum3A_77 = vector.shape_cast %reduce_sum3A_76 : vector<1xf32> to vector<1x1xf32>
    %reduce_sum3A_78 = vector.extract %reduce_sum3A_77[0, 0] : f32 from vector<1x1xf32>
    %add3A_79 = arith.addf %mul3A_73, %reduce_sum3A_78 : f32
    %swap3A = arith.constant 0 : index
    %swap3A_80 = arith.constant 0 : index
    %swap3A_81 = memref.load %arg12[%swap3A, %swap3A_80] : memref<1x1xf32, #tpu.memory_space<smem>>
    memref.store %add3A_79, %arg12[%swap3A, %swap3A_80] : memref<1x1xf32, #tpu.memory_space<smem>>
    %get3A_82 = arith.constant 0 : index
    %get3A_83 = arith.constant 0 : index
    %get3A_84 = vector.load %arg13[%get3A_82, %get3A_83] : memref<1x256xf32, #tpu.memory_space<vmem>>, vector<1x256xf32>
    %mul3A_85 = vector.broadcast %exp3A : f32 to vector<1x256xf32>
    %mul3A_86 = arith.mulf %get3A_84, %mul3A_85 : vector<1x256xf32>
    %broadcast_in_dim3A_87 = vector.shape_cast %exp3A_69 : vector<1024xf32> to vector<1x1024xf32>
    %dot_general3A_88 = arith.constant dense<0.000000e+00> : vector<1x256xf32>
    %dot_general3A_89 = tpu.matmul %broadcast_in_dim3A_87, %max3A_37, %dot_general3A_88 {dimension_numbers = #tpu.dot_dimension_numbers<[1], [0], [0], [1], [0, 0, 1, 1], [], []>, transpose_lhs_hint = false} : vector<1x1024xf32>, vector<1024x256xf32>, vector<1x256xf32> -> vector<1x256xf32>
    %add3A_90 = arith.addf %mul3A_86, %dot_general3A_89 : vector<1x256xf32>
    %swap3A_91 = arith.constant 0 : index
    %swap3A_92 = arith.constant 0 : index
    %swap3A_93 = vector.load %arg13[%swap3A_91, %swap3A_92] : memref<1x256xf32, #tpu.memory_space<vmem>>, vector<1x256xf32>
    tpu.vector_store %arg13[%swap3A_91, %swap3A_92], %add3A_90 {strides = array<i32>} : memref<1x256xf32, #tpu.memory_space<vmem>>, vector<1x256xf32>,
    %swap3A_94 = arith.constant 0 : index
    %swap3A_95 = arith.constant 0 : index
    %swap3A_96 = memref.load %arg11[%swap3A_94, %swap3A_95] : memref<1x1xf32, #tpu.memory_space<smem>>
    memref.store %max3A_66, %arg11[%swap3A_94, %swap3A_95] : memref<1x1xf32, #tpu.memory_space<smem>>
    %eq3A_97 = arith.constant 9 : i32
    %eq3A_98 = arith.cmpi eq, %arg0, %eq3A_97 : i32
    %convert_element_type3A_99 = arith.extui %eq3A_98 : i1 to i32
    %cond3A_100 = arith.constant 0 : i32
    %cond3A_101 = arith.cmpi ne, %convert_element_type3A_99, %cond3A_100 : i32
    scf.if %cond3A_101 {
      %get3A_102 = arith.constant 0 : index
      %get3A_103 = arith.constant 0 : index
      %get3A_104 = vector.load %arg13[%get3A_102, %get3A_103] : memref<1x256xf32, #tpu.memory_space<vmem>>, vector<1x256xf32>
      %get3A_105 = arith.constant 0 : index
      %get3A_106 = arith.constant 0 : index
      %get3A_107 = vector.load %arg8[%get3A_105, %get3A_106] : memref<1x256xf32, #tpu.memory_space<vmem>>, vector<1x256xf32>
      %mul3A_108 = arith.mulf %get3A_104, %get3A_107 : vector<1x256xf32>
      %reduce_sum3A_109 = vector.shape_cast %mul3A_108 : vector<1x256xf32> to vector<1x1x256xf32>
      %reduce_sum3A_110 = arith.constant dense<0.000000e+00> : vector<1xf32>
      %reduce_sum3A_111 = vector.multi_reduction <add>, %reduce_sum3A_109, %reduce_sum3A_110 [1, 2] : vector<1x1x256xf32> to vector<1xf32>
      %reduce_sum3A_112 = vector.shape_cast %reduce_sum3A_111 : vector<1xf32> to vector<1x1x1xf32>
      %reduce_sum3A_113 = vector.extract %reduce_sum3A_112[0, 0, 0] : f32 from vector<1x1x1xf32>
      %get3A_114 = arith.constant 0 : index
      %get3A_115 = arith.constant 0 : index
      %get3A_116 = memref.load %arg12[%get3A_114, %get3A_115] : memref<1x1xf32, #tpu.memory_space<smem>>
      %div3A = arith.divf %reduce_sum3A_113, %get3A_116 : f32
      %get3A_117 = arith.constant 0 : index
      %get3A_118 = arith.constant 0 : index
      %get3A_119 = vector.load %arg9[%get3A_117, %get3A_118] : memref<1x1xf32, #tpu.memory_space<vmem>>, vector<1x1xf32>
      %get3A_120 = vector.extract %get3A_119[0, 0] : f32 from vector<1x1xf32>
      %add3A_121 = arith.addf %div3A, %get3A_120 : f32
      %broadcast_in_dim3A_122 = vector.broadcast %add3A_121 : f32 to vector<1x1xf32>
      %swap3A_123 = arith.constant 0 : index
      %swap3A_124 = arith.constant 0 : index
      %swap3A_125 = vector.load %arg10[%swap3A_123, %swap3A_124] : memref<1x1xf32, #tpu.memory_space<vmem>>, vector<1x1xf32>
      tpu.vector_store %arg10[%swap3A_123, %swap3A_124], %broadcast_in_dim3A_122 {strides = array<i32>} : memref<1x1xf32, #tpu.memory_space<vmem>>, vector<1x1xf32>,
    } else {
    }
    return
  }
  func.func @transform_0(%arg0: i32) -> (i32, i32, i32) {
    %c0_i32 = arith.constant 0 : i32
    %c0_i32_0 = arith.constant 0 : i32
    %c0_i32_1 = arith.constant 0 : i32
    return %c0_i32, %arg0, %c0_i32_0 : i32, i32, i32
  }
  func.func @transform_1(%arg0: i32) -> (i32, i32, i32) {
    %c0_i32 = arith.constant 0 : i32
    %c0_i32_0 = arith.constant 0 : i32
    %c0_i32_1 = arith.constant 0 : i32
    return %c0_i32, %arg0, %c0_i32_0 : i32, i32, i32
  }
  func.func @transform_2(%arg0: i32) -> (i32, i32) {
    %c0_i32 = arith.constant 0 : i32
    %c0_i32_0 = arith.constant 0 : i32
    return %arg0, %c0_i32 : i32, i32
  }
  func.func @transform_3(%arg0: i32) -> (i32, i32) {
    %c0_i32 = arith.constant 0 : i32
    %c0_i32_0 = arith.constant 0 : i32
    %c0_i32_1 = arith.constant 0 : i32
    return %c0_i32, %c0_i32_0 : i32, i32
  }
  func.func @transform_4(%arg0: i32) -> (i32, i32) {
    %c0_i32 = arith.constant 0 : i32
    %c0_i32_0 = arith.constant 0 : i32
    %c0_i32_1 = arith.constant 0 : i32
    return %c0_i32, %c0_i32_0 : i32, i32
  }
  func.func @transform_5(%arg0: i32) -> (i32, i32) {
    %c0_i32 = arith.constant 0 : i32
    %c0_i32_0 = arith.constant 0 : i32
    %c0_i32_1 = arith.constant 0 : i32
    return %c0_i32, %c0_i32_0 : i32, i32
  }
  func.func @transform_6(%arg0: i32) -> (i32, i32) {
    %c0_i32 = arith.constant 0 : i32
    %c0_i32_0 = arith.constant 0 : i32
    %c0_i32_1 = arith.constant 0 : i32
    return %c0_i32, %c0_i32_0 : i32, i32
  }
  func.func @transform_7(%arg0: i32) -> (i32, i32) {
    %c0_i32 = arith.constant 0 : i32
    %c0_i32_0 = arith.constant 0 : i32
    %c0_i32_1 = arith.constant 0 : i32
    return %c0_i32, %c0_i32_0 : i32, i32
  }
  func.func @transform_8(%arg0: i32) -> (i32, i32) {
    %c0_i32 = arith.constant 0 : i32
    %c0_i32_0 = arith.constant 0 : i32
    %c0_i32_1 = arith.constant 0 : i32
    return %c0_i32, %c0_i32_0 : i32, i32
  }
  func.func @transform_9(%arg0: i32) -> (i32, i32) {
    %c0_i32 = arith.constant 0 : i32
    %c0_i32_0 = arith.constant 0 : i32
    %c0_i32_1 = arith.constant 0 : i32
    return %c0_i32, %c0_i32_0 : i32, i32
  }
}

</mosaic_0001>

<sc_bundles>
// kernel: _run.12.cloned.1.call-start
scs
__scs_entry_jumppad:
0x0: {  	(pc) =	sbr.rel $0x88, $3  }
0x1: {  	(tag) =	ssettag $0x0;
	lr =	simm.s32 $0x1  }
0x2: {  	[smem:$0x3F96] =	sst lr;
	_ =	strace $0xD0000000  }
0x3: {  	_ = 	snop  }
0x4: {  	_ = 	snop  }
0x5: {  	_ = 	snop  }
0x6: {  	_ = 	snop  }
0x7: {  	_ = 	snop  }
__scs_overlays_trampoline_lowered:
0x8: {  	[smem:$0x3FA5] =	sst s0  }
0x9: {  	[smem:$0x3FA6] =	sst s1  }
0xa: {  	[smem:$0x3FA7] =	sst s2  }
0xb: {  	[smem:$0x3FA8] =	sst s3  }
0xc: {  	[smem:$0x3FA9] =	sst s4  }
0xd: {  	[smem:$0x3FAA] =	sst s5  }
0xe: {  	[smem:$0x3FAB] =	sst s6  }
0xf: {  	[smem:$0x3FAC] =	sst s7  }
0x10: {  	[smem:$0x3FAD] =	sst s8  }
0x11: {  	[smem:$0x3FAE] =	sst s9;
	s0 =	simm.s32 @!p0 $0x0  }
0x12: {  	s1 =	sld [smem:$0x3F94];
	s0 =	simm.s32 @p0 $0x1  }
0x13: {  	[smem:$0x3FAF] =	sst s0;
	s0 =	simm.s32 @!p1 $0x0  }
0x14: {  	s2 =	sld [smem:$0x3F93];
	s0 =	simm.s32 @p1 $0x1  }
0x15: {  	[smem:$0x3FB0] =	sst s0;
	s0 =	simm.s32 @!p2 $0x0  }
0x16: {  	s3 =	sld [smem:$0x3FDB];
	s0 =	simm.s32 @p2 $0x1  }
0x17: {  	s4 =	simm.s32 $0x1BF5;
	[smem:$0x3FB2] =	sst s0  }
0x18: {  	s0 =	sld [smem:$0x3F95];
	_ =	swait.ge [sflag:s4], $0x0  }
0x19: {  	s7 =	sld [smem:$0x3F96]  }
0x1a: {  	s8 =	sadd.s32 $0xFFFFE003, lr  }
0x1b: {  	s9 =	sadd.s32 $0xFFFFFEF7, lr;
	s5 =	simm.s32 $0xFFFFFFFF;
	p2 =	slt.u32 s8, $0xFFFFF086  }
0x1c: {  	p1 =	slt.u32 s9, $0xF7A;
	s5 =	simm.s32 @!p2 $0x0  }
0x1d: {  	s5 =	simm.s32 @p1 $0x1;
	p0 =	seq.s32 s7, s2  }
0x1e: {  	s7 =	smul.u32 @!p0 $0xF7A, s2;
	p2 =	seq.s32 @!p0 s5, $0x0  }
0x1f: {  	s9 =	smul.u32 $0xF7A, s1;
	s8 =	simm.s32 @!p0 $0x1BF5;
	p2 =	por !p2, p0  }
0x20: {  	[sflag:s8] =	ssyncset.s32 @!p0 $0xFFFFF086;
	s6 =	sadd.s32 @!p0 s3, s7;
	s7 =	simm.s32 @!p0 $0x108  }
0x21: {  	s3 =	sadd.s32 s3, s9;
	s6 =	sadd.s32 @!p0 $0x88, s6;
	s7 =	simm.s32 @p2 $0x1082  }
0x22: {  	[simem:s7], [sflag:s8] =	dma.local @!p0 [hbm:s6], $0xF7A  }
0x23: {  	s9 =	sor.u32 $0xD0000000, s2;
	s6 =	simm.s32 $0x108;
	_ =	swait.ge @!p0 [sflag:s8], $0x0  }
0x24: {  	s3 =	sadd.s32 $0x88, s3;
	s6 =	simm.s32 @!p1 $0x1082;
	[sflag:s4] =	ssyncset.s32 $0xFFFFF086  }
0x25: {  	[simem:s6], [sflag:s4] =	dma.local [hbm:s3], $0xF7A  }
0x26: {  	[smem:$0x3F96] =	sst s1;
	(tag) =	ssettag s2;
	_ =	strace s9  }
0x27: {  	s1 =	sld [smem:$0x3FA6]  }
0x28: {  	s2 =	sld [smem:$0x3FA7]  }
0x29: {  	s4 =	sld [smem:$0x3FA9]  }
0x2a: {  	p0 =	seq.s32 s5, $0x0;
	s5 =	sld [smem:$0x3FAA]  }
0x2b: {  	s6 =	sld [smem:$0x3FAB]  }
0x2c: {  	s7 =	sld [smem:$0x3FAC]  }
0x2d: {  	s3 =	simm.s32 $0x108;
	s8 =	sld [smem:$0x3FAD]  }
0x2e: {  	s3 =	simm.s32 @!p0 $0x1082;
	s9 =	sld [smem:$0x3FAE]  }
0x2f: {  	lr =	sadd.s32 s0, s3;
	s0 =	sld [smem:$0x3FA5]  }
0x30: {  	s3 =	sld [smem:$0x3FA8]  }
0x31: {  	[smem:$0x3FB1] =	sst s10  }
0x32: {  	s10 =	sld [smem:$0x3FAF];
	_ =	sdelay $0x3  }
0x33: {  	p0 =	seq.s32 s10, $0x1;
	s10 =	sld [smem:$0x3FB1];
	_ =	sdelay $0x3  }
0x34: {  	[smem:$0x3FB1] =	sst s10  }
0x35: {  	s10 =	sld [smem:$0x3FB0];
	_ =	sdelay $0x3  }
0x36: {  	p1 =	seq.s32 s10, $0x1;
	s10 =	sld [smem:$0x3FB1];
	_ =	sdelay $0x3  }
0x37: {  	[smem:$0x3FB1] =	sst s10  }
0x38: {  	s10 =	sld [smem:$0x3FB2]  }
0x39: {  	_ = 	snop;
	(pc) =	sbr.ind lr, $3  }
0x3a: {  	_ = 	snop  }
0x3b: {  	_ = 	snop  }
0x3c: {  	p2 =	seq.s32 s10, $0x1;
	s10 =	sld [smem:$0x3FB1]  }
0x3d: {  	_ =	shalt  }
0x3e: {  	_ =	shalt  }
0x3f: {  	_ =	shalt  }
0x40: {  	_ =	shalt  }
0x41: {  	_ =	shalt  }
0x42: {  	_ =	shalt  }
0x43: {  	_ =	shalt  }
0x44: {  	_ =	shalt  }
0x45: {  	_ =	shalt  }
0x46: {  	_ =	shalt  }
0x47: {  	_ =	shalt  }
0x48: {  	_ =	shalt  }
0x49: {  	_ =	shalt  }
0x4a: {  	_ =	shalt  }
0x4b: {  	_ =	shalt  }
0x4c: {  	_ =	shalt  }
0x4d: {  	_ =	shalt  }
0x4e: {  	_ =	shalt  }
0x4f: {  	_ =	shalt  }
0x50: {  	_ =	shalt  }
0x51: {  	_ =	shalt  }
0x52: {  	_ =	shalt  }
0x53: {  	_ =	shalt  }
0x54: {  	_ =	shalt  }
0x55: {  	_ =	shalt  }
0x56: {  	_ =	shalt  }
0x57: {  	_ =	shalt  }
0x58: {  	_ =	shalt  }
0x59: {  	_ =	shalt  }
0x5a: {  	_ =	shalt  }
0x5b: {  	_ =	shalt  }
0x5c: {  	_ =	shalt  }
0x5d: {  	_ =	shalt  }
0x5e: {  	_ =	shalt  }
0x5f: {  	_ =	shalt  }
0x60: {  	_ =	shalt  }
0x61: {  	_ =	shalt  }
0x62: {  	_ =	shalt  }
0x63: {  	_ =	shalt  }
0x64: {  	_ =	shalt  }
0x65: {  	_ =	shalt  }
0x66: {  	_ =	shalt  }
0x67: {  	_ =	shalt  }
0x68: {  	_ =	shalt  }
0x69: {  	_ =	shalt  }
0x6a: {  	_ =	shalt  }
0x6b: {  	_ =	shalt  }
0x6c: {  	_ =	shalt  }
0x6d: {  	_ =	shalt  }
0x6e: {  	_ =	shalt  }
0x6f: {  	_ =	shalt  }
0x70: {  	_ =	shalt  }
0x71: {  	_ =	shalt  }
0x72: {  	_ =	shalt  }
0x73: {  	_ =	shalt  }
0x74: {  	_ =	shalt  }
0x75: {  	_ =	shalt  }
0x76: {  	_ =	shalt  }
0x77: {  	_ =	shalt  }
0x78: {  	_ =	shalt  }
0x79: {  	_ =	shalt  }
0x7a: {  	_ =	shalt  }
0x7b: {  	_ =	shalt  }
0x7c: {  	_ =	shalt  }
0x7d: {  	_ =	shalt  }
0x7e: {  	_ =	shalt  }
0x7f: {  	_ =	shalt  }
0x80: {  	_ =	shalt  }
0x81: {  	_ =	shalt  }
0x82: {  	_ =	shalt  }
0x83: {  	_ =	shalt  }
0x84: {  	_ =	shalt  }
0x85: {  	_ =	shalt  }
0x86: {  	_ =	shalt  }
0x87: {  	_ =	shalt  }
.Lfunc_end0:
.L_simem_size_0:
called_computation.1_lowered:
.L_overlay_start_0:
0x88: {  	s2 =	sld [smem:$0x3FD9]  }
0x89: {  	s3 =	sld [smem:$0x3FFE];
	_ =	sdelay $0x1  }
0x8a: {  	s1 =	srdreg.scid  }
0x8b: {  	s0 =	sand.u32 $0x1, s1  }
0x8c: {  	s16 =	sshll.u32 s0, $0xA;
	s2 =	sadd.s32 s3, s2  }
0x8d: {  	s2 =	sadd.s32 s2, s16  }
0x8e: {  	[smem:$0x3FBD] =	sst s2  }
0x8f: {  	_ = 	snop  }
0x90: {  	(tm) =	ssettm $0x1  }
0x91: {  	s17 =	sld [smem:$0x3FFB];
	_ =	sdelay $0x3  }
0x92: {  	_ =	strace s17  }
0x93: {  	s2 =	sld [smem:$0x3FFC];
	_ =	sdelay $0x3  }
0x94: {  	_ =	strace s2  }
0x95: {  	s2 =	sld [smem:$0x3FFD];
	_ =	sdelay $0x3  }
0x96: {  	_ =	strace s2  }
0x97: {  	_ =	strace $0x8FFFFFFF  }
0x98: {  	s18 =	sld [smem:$0x3FDB];
	_ =	sdelay $0x1  }
0x99: {  	s19 =	simm.s32 $_scs_section_size  }
0x9a: {  	s4 =	simm.s32 $_size__tile_overlayer_lowered;
	s5 =	simm.s32 $_tile_overlayer_lowered  }
0x9b: {  	s22 =	simm.s32 $0x1BFF;
	s21 =	sshll.u32 s5, $0x1;
	s2 =	sadd.s32 s19, s18  }
0x9c: {  	s6 =	simm.s32 $0x0;
	s20 =	sshll.u32 s4, $0x1;
	s4 =	sadd.s32 s21, s2  }
0x9d: {  	[timem:s6], [sflag:s22] =	dma.local [hbm:s4], s20  }
0x9e: {  	_ =	swait.ge [sflag:s22], s20  }
0x9f: {  	s3 =	ssub.s32 $0x0, s20;
	[sflag:s22] =	ssyncset.done $0x0  }
0xa0: {  	[sflag:s22] =	ssyncadd.s32 s3;
	_ =	sdelay $0x1  }
0xa1: {  	s23 =	simm.s32 $0x1B8B  }
0xa2: {  	_ =	swait.ge [sflag:s23], $0x1  }
0xa3: {  	[sflag:s23] =	ssyncset.done $0x0  }
0xa4: {  	s25 =	simm.s32 $0x1B8E;
	s24 =	sld [smem:$0x3FFE];
	[sflag:s23] =	ssyncadd.s32 $0xFFFFFFFF  }
0xa5: {  	s26 =	simm.s32 $execute0_lowered;
	[smem:$0x3FD2] =	sst s25  }
0xa6: {  	s4 =	sshll.u32 s26, $0x1;
	_ =	strace $0x80000049;
	[dreg:$0x1] =	wrdreg $0xFFFFFFFF  }
0xa7: {  	s28 =	simm.s32 $_size_execute0_lowered;
	s2 =	sadd.s32 s2, s4;
	[dreg:$0x0] =	wrdreg $0x0  }
0xa8: {  	s4 =	sshll.u32 s28, $0x1;
	[dreg:$0x2] =	wrdreg s2  }
0xa9: {  	[dreg:$0x3] =	wrdreg s4  }
0xaa: {  	[dreg:$0x4] =	wrdreg $0xC0  }
0xab: {  	_ =	task [dreg:s6], $0x5FFFF  }
0xac: {  	[dreg:$0x1] =	wrdreg $0xFFFFFFFF  }
0xad: {  	[dreg:$0x0] =	wrdreg $0x60  }
0xae: {  	[dreg:$0x2] =	wrdreg s24  }
0xaf: {  	[dreg:$0x3] =	wrdreg $0x82000  }
0xb0: {  	[dreg:$0x4] =	wrdreg $0x9  }
0xb1: {  	_ =	task.clear_ibuf [dreg:s6], $0x5FFFF;
	_ =	strace $0x90000049  }
0xb2: {  	s29 =	simm.s32 $0x9;
	_ =	strace $0x8000004B  }
0xb3: {  	_ =	swait.ge [sflag:s29], $0x1  }
0xb4: {  	[sflag:s29] =	ssyncadd.s32 $0xFFFFFFFF  }
0xb5: {  	_ =	strace $0x9000004B  }
0xb6: {  	_ =	sfence  }
0xb7: {  	s30 =	sld [smem:$0x0];
	_ =	sdelay $0x2  }
0xb8: {  	s31 =	sshll.u32 s1, $0xD;
	s1 =	sshrl.u32 s1, $0x2  }
0xb9: {  	s3 =	sand.u32 $0x4000, s31;
	s1 =	sadd.s32 s1, s30  }
0xba: {  	s0 =	sor.u32 s3, s0;
	s1 =	sshll.u32 s1, $0x11  }
0xbb: {  	s0 =	sor.u32 s1, s0  }
0xbc: {  	s0 =	sadd.s32 $0x8F2B, s0  }
0xbd: {  	[sflag:s0] =	ssyncadd.remote.s32 $0x1  }
0xbe: {  	_ =	sfence.sel $0xFFFF  }
0xbf: {  	[dreg:$0x0] =	wrdreg $0xFFFFFFFF;
	(pc) =	sbr.abs _section_cstart, $3  }
0xc0: {  	[dreg:$0x1] =	wrdreg $0xFFFFFFFF  }
0xc1: {  	_ =	task.clear_ibuf [dreg:s6], $0x2FFFF;
	_ =	strace $0x9FFFFFFF  }
0xc2: {  	(tm) =	ssettm $0x7FFFFFFF  }
0xc3: {  	_ =	shalt  }
tec
execute0_lowered:
.L_overlay_start_1:
0x0: {  	(tag) =	ssettag $0x1  }
0x1: {  	s6 =	rddreg [dreg:$0x0]  }
0x2: {  	s2 =	rddreg [dreg:$0x1]  }
0x3: {  	s0 =	stileid.u32;
	s3 =	srdreg.scid  }
0x4: {  	s1 =	rddreg [dreg:$0x2];
	s14 =	simm.s32 $0x200;
	s15 =	simm.s32 $0x3  }
0x5: {  	s16 =	simm.s32 $0x5;
	s17 =	simm.s32 $0x80;
	s18 =	simm.s32 $0x100  }
0x6: {  	s19 =	simm.s32 $0x4200;
	s20 =	simm.s32 $0x1;
	s21 =	simm.s32 $0x2  }
0x7: {  	s22 =	simm.s32 $0x180;
	s23 =	simm.s32 $0x4;
	s4 =	smul.u32 $0x50, s0  }
0x8: {  	s24 =	simm.s32 $0x0;
	s5 =	sand.u32 $0x1, s3;
	s28 =	smul.u32 $0x14000, s0  }
0x9: {  	s3 =	simm.s32 $0x0;
	s10 =	smul.u32 $0x50000, s0;
	p0 =	seq.s32 s5, $0x0  }
0xa: {  	s8 =	smul.u32 $0x140000, s5;
	[smem:$0x7FF] =	sst s3;
	s29 =	ssub.s32 $0x2, s5  }
0xb: {  	s7 =	sadd.s32 $0x500, s4;
	_ =	strace $0x8000004A;
	s30 =	sshrl.u32 s10, $0x2  }
0xc: {  	s31 =	sshrl.u32 s29, $0x1;
	s4 =	smov.u32 @p0 s7;
	s7 =	sadd.s32 s28, s8  }
0xd: {  	s5 =	sadd.s32 s30, s2;
	s13 =	ssub.s32 s29, s31;
	s9 =	sshll.u32 s4, $0x5  }
0xe: {  	s4 =	sadd.s32 $0x3A00, s6;
	s7 =	sshrl.u32 s7, $0x3;
	s8 =	sadd.s32 $0xC000, s5  }
0xf: {  	s13 =	smax.u32 s13, $0x1;
	s11 =	sadd.s32 s9, s6;
	s12 =	sadd.s32 s7, s6  }
0x10: {  	s6 =	sadd.s32 $0x4000, s5;
	s7 =	sadd.s32 $0x8000, s5;
	s9 =	sadd.s32 $0x10000, s5  }
0x11: {  	v0 =	vimm.f32 $0.0e+00;
	s10 =	sadd.s32 $0x2BA00, s11;
	s11 =	sadd.s32 $0x2BA20, s11;
	s12 =	sadd.s32 $0x67A00, s12  }
.LBB2_1:
0x12: {  	s25 =	simm.s32 $0x0;
	s26 =	simm.s32 $0x200  }
.LBB2_2:
0x13: {  	p0 =	sne.s32 s26, $0xFE00;
	[tilespmem:s25+$0x270] =	vst v0  }
0x14: {  	[tilespmem:s25+$0x200] =	vst v0  }
0x15: {  	[tilespmem:s25+$0x210] =	vst v0  }
.Ltmp0:
0x16: {  	[tilespmem:s25+$0x220] =	vst v0;
	(pc) =	sbr.rel @p0 .LBB2_2-.Ltmp0, $4  }
0x17: {  	[tilespmem:s25+$0x230] =	vst v0  }
0x18: {  	[tilespmem:s25+$0x240] =	vst v0  }
0x19: {  	[tilespmem:s25+$0x250] =	vst v0  }
0x1a: {  	[tilespmem:s25+$0x260] =	vst v0;
	s25 =	sshra.s32 s26, $0x2;
	s26 =	sadd.s32 $0x200, s26  }
0x1b: {  	[tilespmem:s25+$0x270] =	vst v0  }
0x1c: {  	[tilespmem:s25+$0x200] =	vst v0  }
0x1d: {  	[tilespmem:s25+$0x210] =	vst v0  }
0x1e: {  	[tilespmem:s25+$0x220] =	vst v0  }
0x1f: {  	[tilespmem:s25+$0x230] =	vst v0  }
0x20: {  	[tilespmem:s25+$0x240] =	vst v0  }
0x21: {  	[tilespmem:s25+$0x250] =	vst v0  }
0x22: {  	[tilespmem:s25+$0x260] =	vst v0  }
0x23: {  	[spmem:s5] =	stream.linear.scatter [tilespmem:s14], [sflag:$0x3], $0x4000, $0x38;
	[tilespmem:$0x1C200] =	vst v63  }
0x24: {  	_ = 	snop  }
0x25: {  	[spmem:s6] =	stream.linear.scatter [tilespmem:s14], [sflag:$0x3], $0x4000, $0x38;
	[tilespmem:$0x1C200] =	vst v63  }
0x26: {  	_ = 	snop  }
0x27: {  	[spmem:s7] =	stream.linear.scatter [tilespmem:s14], [sflag:$0x3], $0x4000, $0x38;
	[tilespmem:$0x1C200] =	vst v63  }
0x28: {  	_ = 	snop  }
0x29: {  	[spmem:s8] =	stream.linear.scatter [tilespmem:s14], [sflag:$0x3], $0x4000, $0x38;
	[tilespmem:$0x1C200] =	vst v63  }
0x2a: {  	_ = 	snop  }
0x2b: {  	[spmem:s9] =	stream.linear.scatter [tilespmem:s14], [sflag:$0x3], $0x4000, $0x38;
	[tilespmem:$0x1C200] =	vst v63  }
0x2c: {  	_ =	swait.ge [sflag:s15], $0x4000  }
0x2d: {  	[sflag:s15] =	ssyncset.done $0x0  }
0x2e: {  	[sflag:s15] =	ssyncadd.s32 $0xFFFFC000  }
0x2f: {  	_ =	swait.ge [sflag:s15], $0x4000  }
0x30: {  	[sflag:s15] =	ssyncset.done $0x0  }
0x31: {  	[sflag:s15] =	ssyncadd.s32 $0xFFFFC000  }
0x32: {  	_ =	swait.ge [sflag:s15], $0x4000  }
0x33: {  	[sflag:s15] =	ssyncset.done $0x0  }
0x34: {  	[sflag:s15] =	ssyncadd.s32 $0xFFFFC000  }
0x35: {  	_ =	swait.ge [sflag:s15], $0x4000  }
0x36: {  	[sflag:s15] =	ssyncset.done $0x0  }
0x37: {  	[sflag:s15] =	ssyncadd.s32 $0xFFFFC000  }
0x38: {  	_ =	swait.ge [sflag:s15], $0x4000  }
0x39: {  	[sflag:s15] =	ssyncset.done $0x0  }
0x3a: {  	[sflag:s15] =	ssyncadd.s32 $0xFFFFC000  }
0x3b: {  	[bflag:$0x0] =	sbarrier.arrive $0xFFFF  }
0x3c: {  	[tilespmem:s3], [sflag:$0x5] =	stream.linear.gather [hbm4b:s10+s3], $0x100, $0x38;
	[tilespmem:$0x1C200] =	vst v63  }
0x3d: {  	_ =	swait.ge [sflag:s16], $0x100  }
0x3e: {  	[sflag:s16] =	ssyncset.done $0x0  }
0x3f: {  	[sflag:s16] =	ssyncadd.s32 $0xFFFFFF00  }
0x40: {  	[tilespmem:s14], [sflag:$0x1] =	stream.indirect.gather [hbm4b:s4+s17], $0x80, s3, s17, $0xb8;
	[tilespmem:$0x1C200] =	vst v63  }
0x41: {  	_ = 	snop  }
0x42: {  	[tilespmem:s18], [sflag:$0x5] =	stream.linear.gather [hbm4b:s11+s3], $0x100, $0x38;
	[tilespmem:$0x1C200] =	vst v63  }
0x43: {  	_ =	swait.ge [sflag:s16], $0x100  }
0x44: {  	[sflag:s16] =	ssyncset.done $0x0  }
0x45: {  	[sflag:s16] =	ssyncadd.s32 $0xFFFFFF00  }
0x46: {  	[tilespmem:s19], [sflag:$0x2] =	stream.indirect.gather [hbm4b:s4+s17], $0x80, s18, s17, $0xb8;
	[tilespmem:$0x1C200] =	vst v63  }
0x47: {  	_ =	swait.ge [sflag:s20], $0x4000  }
0x48: {  	[sflag:s20] =	ssyncset.done $0x0  }
0x49: {  	[sflag:s20] =	ssyncadd.s32 $0xFFFFC000  }
0x4a: {  	[spmem:s2] =	stream.indirect.scatter.add.f32 [tilespmem:s14], [sflag:$0x3], $0x80, s17, s17, $0xb8;
	[tilespmem:$0x1C200] =	vst v63  }
0x4b: {  	_ =	swait.ge [sflag:s21], $0x4000  }
0x4c: {  	[sflag:s21] =	ssyncset.done $0x0  }
0x4d: {  	[sflag:s21] =	ssyncadd.s32 $0xFFFFC000  }
0x4e: {  	[spmem:s2] =	stream.indirect.scatter.add.f32 [tilespmem:s19], [sflag:$0x4], $0x80, s22, s17, $0xb8;
	[tilespmem:$0x1C200] =	vst v63  }
0x4f: {  	_ =	swait.ge [sflag:s15], $0x4000  }
0x50: {  	s31 =	sadd.s32 $0xFFFFF640, s10;
	[sflag:s15] =	ssyncset.done $0x0  }
0x51: {  	s26 =	sadd.s32 $0xA00, s31;
	[sflag:s15] =	ssyncadd.s32 $0xFFFFC000  }
0x52: {  	[tilespmem:s3], [sflag:$0x5] =	stream.linear.gather [hbm4b:s26+s3], $0x100, $0x38;
	[tilespmem:$0x1C200] =	vst v63  }
0x53: {  	_ =	swait.ge [sflag:s16], $0x100  }
0x54: {  	[sflag:s16] =	ssyncset.done $0x0  }
0x55: {  	[sflag:s16] =	ssyncadd.s32 $0xFFFFFF00  }
0x56: {  	[tilespmem:s14], [sflag:$0x1] =	stream.indirect.gather [hbm4b:s4+s17], $0x80, s3, s17, $0xb8;
	[tilespmem:$0x1C200] =	vst v63  }
0x57: {  	_ =	swait.ge [sflag:s23], $0x4000  }
0x58: {  	[sflag:s23] =	ssyncset.done $0x0  }
0x59: {  	s25 =	sadd.s32 $0xA20, s31;
	[sflag:s23] =	ssyncadd.s32 $0xFFFFC000  }
0x5a: {  	[tilespmem:s18], [sflag:$0x5] =	stream.linear.gather [hbm4b:s25+s3], $0x100, $0x38;
	[tilespmem:$0x1C200] =	vst v63  }
0x5b: {  	_ =	swait.ge [sflag:s16], $0x100  }
0x5c: {  	[sflag:s16] =	ssyncset.done $0x0  }
0x5d: {  	s25 =	simm.s32 $0xFFFFF680;
	[sflag:s16] =	ssyncadd.s32 $0xFFFFFF00  }
.LBB2_4:
0x5e: {  	[tilespmem:s19], [sflag:$0x2] =	stream.indirect.gather [hbm4b:s4+s17], $0x80, s18, s17, $0xb8;
	[tilespmem:$0x1C200] =	vst v63  }
0x5f: {  	s26 =	smov.u32 s25  }
0x60: {  	p0 =	sne.s32 s25, $0xFFFFFFC0;
	s25 =	sadd.s32 $0x40, s25;
	_ =	swait.ge [sflag:s20], $0x4000  }
0x61: {  	[sflag:s20] =	ssyncset.done $0x0  }
0x62: {  	[sflag:s20] =	ssyncadd.s32 $0xFFFFC000  }
0x63: {  	[spmem:s2] =	stream.indirect.scatter.add.f32 [tilespmem:s14], [sflag:$0x3], $0x80, s17, s17, $0xb8;
	[tilespmem:$0x1C200] =	vst v63  }
0x64: {  	_ =	swait.ge [sflag:s21], $0x4000  }
0x65: {  	[sflag:s21] =	ssyncset.done $0x0  }
0x66: {  	[sflag:s21] =	ssyncadd.s32 $0xFFFFC000  }
0x67: {  	[spmem:s2] =	stream.indirect.scatter.add.f32 [tilespmem:s19], [sflag:$0x4], $0x80, s22, s17, $0xb8;
	[tilespmem:$0x1C200] =	vst v63  }
0x68: {  	_ =	swait.ge [sflag:s15], $0x4000  }
0x69: {  	s26 =	sadd.s32 s26, s10;
	[sflag:s15] =	ssyncset.done $0x0  }
0x6a: {  	s28 =	sadd.s32 $0xA00, s26;
	[sflag:s15] =	ssyncadd.s32 $0xFFFFC000  }
0x6b: {  	[tilespmem:s3], [sflag:$0x5] =	stream.linear.gather [hbm4b:s28+s3], $0x100, $0x38;
	[tilespmem:$0x1C200] =	vst v63  }
0x6c: {  	_ =	swait.ge [sflag:s16], $0x100  }
0x6d: {  	[sflag:s16] =	ssyncset.done $0x0  }
0x6e: {  	[sflag:s16] =	ssyncadd.s32 $0xFFFFFF00  }
0x6f: {  	[tilespmem:s14], [sflag:$0x1] =	stream.indirect.gather [hbm4b:s4+s17], $0x80, s3, s17, $0xb8;
	[tilespmem:$0x1C200] =	vst v63  }
0x70: {  	_ =	swait.ge [sflag:s23], $0x4000  }
0x71: {  	[sflag:s23] =	ssyncset.done $0x0  }
.Ltmp1:
0x72: {  	s26 =	sadd.s32 $0xA20, s26;
	[sflag:s23] =	ssyncadd.s32 $0xFFFFC000;
	(pc) =	sbr.rel @p0 .LBB2_4-.Ltmp1, $4  }
0x73: {  	[tilespmem:s18], [sflag:$0x5] =	stream.linear.gather [hbm4b:s26+s3], $0x100, $0x38;
	[tilespmem:$0x1C200] =	vst v63  }
0x74: {  	_ =	swait.ge [sflag:s16], $0x100  }
0x75: {  	[sflag:s16] =	ssyncset.done $0x0  }
0x76: {  	[sflag:s16] =	ssyncadd.s32 $0xFFFFFF00  }
0x77: {  	[tilespmem:s19], [sflag:$0x2] =	stream.indirect.gather [hbm4b:s4+s17], $0x80, s18, s17, $0xb8;
	[tilespmem:$0x1C200] =	vst v63  }
0x78: {  	_ =	swait.ge [sflag:s20], $0x4000  }
0x79: {  	[sflag:s20] =	ssyncset.done $0x0  }
0x7a: {  	[sflag:s20] =	ssyncadd.s32 $0xFFFFC000  }
0x7b: {  	[spmem:s2] =	stream.indirect.scatter.add.f32 [tilespmem:s14], [sflag:$0x3], $0x80, s17, s17, $0xb8;
	[tilespmem:$0x1C200] =	vst v63  }
0x7c: {  	_ =	swait.ge [sflag:s21], $0x4000  }
0x7d: {  	[sflag:s21] =	ssyncset.done $0x0  }
0x7e: {  	[sflag:s21] =	ssyncadd.s32 $0xFFFFC000  }
0x7f: {  	[spmem:s2] =	stream.indirect.scatter.add.f32 [tilespmem:s19], [sflag:$0x4], $0x80, s22, s17, $0xb8;
	[tilespmem:$0x1C200] =	vst v63  }
0x80: {  	_ =	swait.ge [sflag:s15], $0x4000  }
0x81: {  	[sflag:s15] =	ssyncset.done $0x0  }
0x82: {  	[sflag:s15] =	ssyncadd.s32 $0xFFFFC000  }
0x83: {  	_ =	swait.ge [sflag:s23], $0x4000  }
0x84: {  	s25 =	sshll.u32 s0, $0x6;
	s24 =	sadd.s32 $0x1, s24;
	[sflag:s23] =	ssyncset.done $0x0  }
0x85: {  	s26 =	sshrl.u32 s5, $0x3;
	p0 =	sne.s32 s24, s13;
	[sflag:s23] =	ssyncadd.s32 $0xFFFFC000  }
.Ltmp2:
0x86: {  	s25 =	sor.u32 $0x1C05, s25;
	[bflag:$0x0] =	sbarrier.arrive $0xFFFF;
	(pc) =	sbr.rel @p0 .LBB2_1-.Ltmp2, $4  }
0x87: {  	[hbm:s12], [sflag:s25] =	dma.local [spmem:s26], $0x2800  }
0x88: {  	_ =	swait.ge [sflag:s16], $0x2800  }
0x89: {  	[sflag:s16] =	ssyncset.done $0x0  }
0x8a: {  	[sflag:s16] =	ssyncadd.s32 $0xFFFFD800  }
0x8b: {  	_ =	sfence.sel $0x180000  }
0x8c: {  	[bflag:$0x0] =	sbarrier.arrive $0xFFFF  }
0x8d: {  	p0 =	sne.s32 s0, $0x0;
	_ =	strace $0x9000004A  }
0x8e: {  	s0 =	sadd.s32 @!p0 $0x100000, s1;
	[bflag:$0x2] =	sbarrier.arrive $0xFFFF  }
0x8f: {  	[sflag:s0] =	ssyncadd.tile.s32 @!p0 $0x1;
	_ =	shalt  }
.Lfunc_end2:
_tile_overlayer_lowered:
.L_overlay_start_2:
0x90: {  	(tag) =	ssettag $0x2  }
0x91: {  	s0 =	rddreg [dreg:$0x0];
	s2 =	stileid.u32  }
0x92: {  	s1 =	rddreg [dreg:$0x1];
	p0 =	sne.s32 s2, $0x0  }
0x93: {  	s3 =	rddreg [dreg:$0x2];
	[bflag:$0x3] =	sbarrier.arrive $0xFFFF;
	s2 =	simm.s32 @!p0 $0x1C05  }
0x94: {  	[timem:s3], [sflag:s2] =	dma.local @!p0 [hbm:s0], s1  }
0x95: {  	s0 =	simm.s32 @!p0 $0x5  }
0x96: {  	_ =	swait.ge @!p0 [sflag:s0], s1  }
0x97: {  	s1 =	ssub.s32 @!p0 $0x0, s1;
	[sflag:s0] =	ssyncset.done @!p0 $0x0  }
0x98: {  	[sflag:s0] =	ssyncadd.s32 @!p0 s1  }
0x99: {  	[bflag:$0x3] =	sbarrier.arrive $0xFFFF  }
0x9a: {  	_ =	shalt  }

// kernel: _run.15.cloned.1.call-start
scs
__scs_entry_jumppad:
0x0: {  	(pc) =	sbr.rel $0x88, $3  }
0x1: {  	(tag) =	ssettag $0x0;
	lr =	simm.s32 $0x1  }
0x2: {  	[smem:$0x3F96] =	sst lr;
	_ =	strace $0xD0000000  }
0x3: {  	_ = 	snop  }
0x4: {  	_ = 	snop  }
0x5: {  	_ = 	snop  }
0x6: {  	_ = 	snop  }
0x7: {  	_ = 	snop  }
__scs_overlays_trampoline_lowered:
0x8: {  	[smem:$0x3FA5] =	sst s0  }
0x9: {  	[smem:$0x3FA6] =	sst s1  }
0xa: {  	[smem:$0x3FA7] =	sst s2  }
0xb: {  	[smem:$0x3FA8] =	sst s3  }
0xc: {  	[smem:$0x3FA9] =	sst s4  }
0xd: {  	[smem:$0x3FAA] =	sst s5  }
0xe: {  	[smem:$0x3FAB] =	sst s6  }
0xf: {  	[smem:$0x3FAC] =	sst s7  }
0x10: {  	[smem:$0x3FAD] =	sst s8  }
0x11: {  	[smem:$0x3FAE] =	sst s9;
	s0 =	simm.s32 @!p0 $0x0  }
0x12: {  	s1 =	sld [smem:$0x3F94];
	s0 =	simm.s32 @p0 $0x1  }
0x13: {  	[smem:$0x3FAF] =	sst s0;
	s0 =	simm.s32 @!p1 $0x0  }
0x14: {  	s2 =	sld [smem:$0x3F93];
	s0 =	simm.s32 @p1 $0x1  }
0x15: {  	[smem:$0x3FB0] =	sst s0;
	s0 =	simm.s32 @!p2 $0x0  }
0x16: {  	s3 =	sld [smem:$0x3FDB];
	s0 =	simm.s32 @p2 $0x1  }
0x17: {  	s4 =	simm.s32 $0x1BF5;
	[smem:$0x3FB2] =	sst s0  }
0x18: {  	s0 =	sld [smem:$0x3F95];
	_ =	swait.ge [sflag:s4], $0x0  }
0x19: {  	s7 =	sld [smem:$0x3F96]  }
0x1a: {  	s8 =	sadd.s32 $0xFFFFE003, lr  }
0x1b: {  	s9 =	sadd.s32 $0xFFFFFEF7, lr;
	s5 =	simm.s32 $0xFFFFFFFF;
	p2 =	slt.u32 s8, $0xFFFFF086  }
0x1c: {  	p1 =	slt.u32 s9, $0xF7A;
	s5 =	simm.s32 @!p2 $0x0  }
0x1d: {  	s5 =	simm.s32 @p1 $0x1;
	p0 =	seq.s32 s7, s2  }
0x1e: {  	s7 =	smul.u32 @!p0 $0xF7A, s2;
	p2 =	seq.s32 @!p0 s5, $0x0  }
0x1f: {  	s9 =	smul.u32 $0xF7A, s1;
	s8 =	simm.s32 @!p0 $0x1BF5;
	p2 =	por !p2, p0  }
0x20: {  	[sflag:s8] =	ssyncset.s32 @!p0 $0xFFFFF086;
	s6 =	sadd.s32 @!p0 s3, s7;
	s7 =	simm.s32 @!p0 $0x108  }
0x21: {  	s3 =	sadd.s32 s3, s9;
	s6 =	sadd.s32 @!p0 $0x88, s6;
	s7 =	simm.s32 @p2 $0x1082  }
0x22: {  	[simem:s7], [sflag:s8] =	dma.local @!p0 [hbm:s6], $0xF7A  }
0x23: {  	s9 =	sor.u32 $0xD0000000, s2;
	s6 =	simm.s32 $0x108;
	_ =	swait.ge @!p0 [sflag:s8], $0x0  }
0x24: {  	s3 =	sadd.s32 $0x88, s3;
	s6 =	simm.s32 @!p1 $0x1082;
	[sflag:s4] =	ssyncset.s32 $0xFFFFF086  }
0x25: {  	[simem:s6], [sflag:s4] =	dma.local [hbm:s3], $0xF7A  }
0x26: {  	[smem:$0x3F96] =	sst s1;
	(tag) =	ssettag s2;
	_ =	strace s9  }
0x27: {  	s1 =	sld [smem:$0x3FA6]  }
0x28: {  	s2 =	sld [smem:$0x3FA7]  }
0x29: {  	s4 =	sld [smem:$0x3FA9]  }
0x2a: {  	p0 =	seq.s32 s5, $0x0;
	s5 =	sld [smem:$0x3FAA]  }
0x2b: {  	s6 =	sld [smem:$0x3FAB]  }
0x2c: {  	s7 =	sld [smem:$0x3FAC]  }
0x2d: {  	s3 =	simm.s32 $0x108;
	s8 =	sld [smem:$0x3FAD]  }
0x2e: {  	s3 =	simm.s32 @!p0 $0x1082;
	s9 =	sld [smem:$0x3FAE]  }
0x2f: {  	lr =	sadd.s32 s0, s3;
	s0 =	sld [smem:$0x3FA5]  }
0x30: {  	s3 =	sld [smem:$0x3FA8]  }
0x31: {  	[smem:$0x3FB1] =	sst s10  }
0x32: {  	s10 =	sld [smem:$0x3FAF];
	_ =	sdelay $0x3  }
0x33: {  	p0 =	seq.s32 s10, $0x1;
	s10 =	sld [smem:$0x3FB1];
	_ =	sdelay $0x3  }
0x34: {  	[smem:$0x3FB1] =	sst s10  }
0x35: {  	s10 =	sld [smem:$0x3FB0];
	_ =	sdelay $0x3  }
0x36: {  	p1 =	seq.s32 s10, $0x1;
	s10 =	sld [smem:$0x3FB1];
	_ =	sdelay $0x3  }
0x37: {  	[smem:$0x3FB1] =	sst s10  }
0x38: {  	s10 =	sld [smem:$0x3FB2]  }
0x39: {  	_ = 	snop;
	(pc) =	sbr.ind lr, $3  }
0x3a: {  	_ = 	snop  }
0x3b: {  	_ = 	snop  }
0x3c: {  	p2 =	seq.s32 s10, $0x1;
	s10 =	sld [smem:$0x3FB1]  }
0x3d: {  	_ =	shalt  }
0x3e: {  	_ =	shalt  }
0x3f: {  	_ =	shalt  }
0x40: {  	_ =	shalt  }
0x41: {  	_ =	shalt  }
0x42: {  	_ =	shalt  }
0x43: {  	_ =	shalt  }
0x44: {  	_ =	shalt  }
0x45: {  	_ =	shalt  }
0x46: {  	_ =	shalt  }
0x47: {  	_ =	shalt  }
0x48: {  	_ =	shalt  }
0x49: {  	_ =	shalt  }
0x4a: {  	_ =	shalt  }
0x4b: {  	_ =	shalt  }
0x4c: {  	_ =	shalt  }
0x4d: {  	_ =	shalt  }
0x4e: {  	_ =	shalt  }
0x4f: {  	_ =	shalt  }
0x50: {  	_ =	shalt  }
0x51: {  	_ =	shalt  }
0x52: {  	_ =	shalt  }
0x53: {  	_ =	shalt  }
0x54: {  	_ =	shalt  }
0x55: {  	_ =	shalt  }
0x56: {  	_ =	shalt  }
0x57: {  	_ =	shalt  }
0x58: {  	_ =	shalt  }
0x59: {  	_ =	shalt  }
0x5a: {  	_ =	shalt  }
0x5b: {  	_ =	shalt  }
0x5c: {  	_ =	shalt  }
0x5d: {  	_ =	shalt  }
0x5e: {  	_ =	shalt  }
0x5f: {  	_ =	shalt  }
0x60: {  	_ =	shalt  }
0x61: {  	_ =	shalt  }
0x62: {  	_ =	shalt  }
0x63: {  	_ =	shalt  }
0x64: {  	_ =	shalt  }
0x65: {  	_ =	shalt  }
0x66: {  	_ =	shalt  }
0x67: {  	_ =	shalt  }
0x68: {  	_ =	shalt  }
0x69: {  	_ =	shalt  }
0x6a: {  	_ =	shalt  }
0x6b: {  	_ =	shalt  }
0x6c: {  	_ =	shalt  }
0x6d: {  	_ =	shalt  }
0x6e: {  	_ =	shalt  }
0x6f: {  	_ =	shalt  }
0x70: {  	_ =	shalt  }
0x71: {  	_ =	shalt  }
0x72: {  	_ =	shalt  }
0x73: {  	_ =	shalt  }
0x74: {  	_ =	shalt  }
0x75: {  	_ =	shalt  }
0x76: {  	_ =	shalt  }
0x77: {  	_ =	shalt  }
0x78: {  	_ =	shalt  }
0x79: {  	_ =	shalt  }
0x7a: {  	_ =	shalt  }
0x7b: {  	_ =	shalt  }
0x7c: {  	_ =	shalt  }
0x7d: {  	_ =	shalt  }
0x7e: {  	_ =	shalt  }
0x7f: {  	_ =	shalt  }
0x80: {  	_ =	shalt  }
0x81: {  	_ =	shalt  }
0x82: {  	_ =	shalt  }
0x83: {  	_ =	shalt  }
0x84: {  	_ =	shalt  }
0x85: {  	_ =	shalt  }
0x86: {  	_ =	shalt  }
0x87: {  	_ =	shalt  }
.Lfunc_end0:
.L_simem_size_0:
called_computation.2_lowered:
.L_overlay_start_0:
0x88: {  	s2 =	sld [smem:$0x3FD9]  }
0x89: {  	s3 =	sld [smem:$0x3FFE];
	_ =	sdelay $0x1  }
0x8a: {  	s1 =	srdreg.scid  }
0x8b: {  	s0 =	sand.u32 $0x1, s1  }
0x8c: {  	s16 =	sshll.u32 s0, $0xA;
	s2 =	sadd.s32 s3, s2  }
0x8d: {  	s2 =	sadd.s32 s2, s16  }
0x8e: {  	[smem:$0x3FBD] =	sst s2  }
0x8f: {  	_ = 	snop  }
0x90: {  	(tm) =	ssettm $0x1  }
0x91: {  	s17 =	sld [smem:$0x3FFB];
	_ =	sdelay $0x3  }
0x92: {  	_ =	strace s17  }
0x93: {  	s2 =	sld [smem:$0x3FFC];
	_ =	sdelay $0x3  }
0x94: {  	_ =	strace s2  }
0x95: {  	s2 =	sld [smem:$0x3FFD];
	_ =	sdelay $0x3  }
0x96: {  	_ =	strace s2  }
0x97: {  	_ =	strace $0x8FFFFFFF  }
0x98: {  	s18 =	sld [smem:$0x3FDB];
	_ =	sdelay $0x1  }
0x99: {  	s19 =	simm.s32 $_scs_section_size  }
0x9a: {  	s4 =	simm.s32 $_size__tile_overlayer_lowered;
	s5 =	simm.s32 $_tile_overlayer_lowered  }
0x9b: {  	s22 =	simm.s32 $0x1BFF;
	s21 =	sshll.u32 s5, $0x1;
	s2 =	sadd.s32 s19, s18  }
0x9c: {  	s6 =	simm.s32 $0x0;
	s20 =	sshll.u32 s4, $0x1;
	s4 =	sadd.s32 s21, s2  }
0x9d: {  	[timem:s6], [sflag:s22] =	dma.local [hbm:s4], s20  }
0x9e: {  	_ =	swait.ge [sflag:s22], s20  }
0x9f: {  	s3 =	ssub.s32 $0x0, s20;
	[sflag:s22] =	ssyncset.done $0x0  }
0xa0: {  	[sflag:s22] =	ssyncadd.s32 s3;
	_ =	sdelay $0x1  }
0xa1: {  	s23 =	simm.s32 $0x1B8B  }
0xa2: {  	_ =	swait.ge [sflag:s23], $0x1  }
0xa3: {  	[sflag:s23] =	ssyncset.done $0x0  }
0xa4: {  	s25 =	simm.s32 $0x1B8E;
	s24 =	sld [smem:$0x3FFE];
	[sflag:s23] =	ssyncadd.s32 $0xFFFFFFFF  }
0xa5: {  	s26 =	simm.s32 $execute0_lowered;
	[smem:$0x3FD2] =	sst s25  }
0xa6: {  	s4 =	sshll.u32 s26, $0x1;
	_ =	strace $0x8000004C;
	[dreg:$0x1] =	wrdreg $0xFFFFFFFF  }
0xa7: {  	s28 =	simm.s32 $_size_execute0_lowered;
	s2 =	sadd.s32 s2, s4;
	[dreg:$0x0] =	wrdreg $0x0  }
0xa8: {  	s4 =	sshll.u32 s28, $0x1;
	[dreg:$0x2] =	wrdreg s2  }
0xa9: {  	[dreg:$0x3] =	wrdreg s4  }
0xaa: {  	[dreg:$0x4] =	wrdreg $0xC0  }
0xab: {  	_ =	task [dreg:s6], $0x5FFFF  }
0xac: {  	[dreg:$0x1] =	wrdreg $0xFFFFFFFF  }
0xad: {  	[dreg:$0x0] =	wrdreg $0x60  }
0xae: {  	[dreg:$0x2] =	wrdreg s24  }
0xaf: {  	[dreg:$0x3] =	wrdreg $0x82000  }
0xb0: {  	[dreg:$0x4] =	wrdreg $0x9  }
0xb1: {  	_ =	task.clear_ibuf [dreg:s6], $0x5FFFF;
	_ =	strace $0x9000004C  }
0xb2: {  	s29 =	simm.s32 $0x9;
	_ =	strace $0x8000004E  }
0xb3: {  	_ =	swait.ge [sflag:s29], $0x1  }
0xb4: {  	[sflag:s29] =	ssyncadd.s32 $0xFFFFFFFF  }
0xb5: {  	_ =	strace $0x9000004E  }
0xb6: {  	_ =	sfence  }
0xb7: {  	s30 =	sld [smem:$0x0];
	_ =	sdelay $0x2  }
0xb8: {  	s31 =	sshll.u32 s1, $0xD;
	s1 =	sshrl.u32 s1, $0x2  }
0xb9: {  	s3 =	sand.u32 $0x4000, s31;
	s1 =	sadd.s32 s1, s30  }
0xba: {  	s0 =	sor.u32 s3, s0;
	s1 =	sshll.u32 s1, $0x11  }
0xbb: {  	s0 =	sor.u32 s1, s0  }
0xbc: {  	s0 =	sadd.s32 $0x8F2B, s0  }
0xbd: {  	[sflag:s0] =	ssyncadd.remote.s32 $0x1  }
0xbe: {  	_ =	sfence.sel $0xFFFF  }
0xbf: {  	[dreg:$0x0] =	wrdreg $0xFFFFFFFF;
	(pc) =	sbr.abs _section_cstart, $3  }
0xc0: {  	[dreg:$0x1] =	wrdreg $0xFFFFFFFF  }
0xc1: {  	_ =	task.clear_ibuf [dreg:s6], $0x2FFFF;
	_ =	strace $0x9FFFFFFF  }
0xc2: {  	(tm) =	ssettm $0x7FFFFFFF  }
0xc3: {  	_ =	shalt  }
tec
execute0_lowered:
.L_overlay_start_1:
0x0: {  	(tag) =	ssettag $0x1  }
0x1: {  	s6 =	rddreg [dreg:$0x0]  }
0x2: {  	s2 =	rddreg [dreg:$0x1]  }
0x3: {  	s0 =	stileid.u32;
	s3 =	srdreg.scid  }
0x4: {  	s1 =	rddreg [dreg:$0x2];
	s14 =	simm.s32 $0x200;
	s15 =	simm.s32 $0x3  }
0x5: {  	s16 =	simm.s32 $0x5;
	s17 =	simm.s32 $0x80;
	s18 =	simm.s32 $0x100  }
0x6: {  	s19 =	simm.s32 $0x4200;
	s20 =	simm.s32 $0x1;
	s21 =	simm.s32 $0x2  }
0x7: {  	s22 =	simm.s32 $0x180;
	s23 =	simm.s32 $0x4;
	s4 =	smul.u32 $0x50, s0  }
0x8: {  	s24 =	simm.s32 $0x0;
	s5 =	sand.u32 $0x1, s3;
	s28 =	smul.u32 $0x14000, s0  }
0x9: {  	s3 =	simm.s32 $0x0;
	s10 =	smul.u32 $0x50000, s0;
	p0 =	seq.s32 s5, $0x0  }
0xa: {  	s8 =	smul.u32 $0x140000, s5;
	[smem:$0x7FF] =	sst s3;
	s29 =	ssub.s32 $0x2, s5  }
0xb: {  	s7 =	sadd.s32 $0x500, s4;
	_ =	strace $0x8000004D;
	s30 =	sshrl.u32 s10, $0x2  }
0xc: {  	s31 =	sshrl.u32 s29, $0x1;
	s4 =	smov.u32 @p0 s7;
	s7 =	sadd.s32 s28, s8  }
0xd: {  	s5 =	sadd.s32 s30, s2;
	s13 =	ssub.s32 s29, s31;
	s9 =	sshll.u32 s4, $0x5  }
0xe: {  	s4 =	sadd.s32 $0x3FA00, s6;
	s7 =	sshrl.u32 s7, $0x3;
	s8 =	sadd.s32 $0xC000, s5  }
0xf: {  	s13 =	smax.u32 s13, $0x1;
	s11 =	sadd.s32 s9, s6;
	s12 =	sadd.s32 s7, s6  }
0x10: {  	s6 =	sadd.s32 $0x4000, s5;
	s7 =	sadd.s32 $0x8000, s5;
	s9 =	sadd.s32 $0x10000, s5  }
0x11: {  	v0 =	vimm.f32 $0.0e+00;
	s10 =	sadd.s32 $0x2BA00, s11;
	s11 =	sadd.s32 $0x2BA20, s11;
	s12 =	sadd.s32 $0xB7A00, s12  }
.LBB2_1:
0x12: {  	s25 =	simm.s32 $0x0;
	s26 =	simm.s32 $0x200  }
.LBB2_2:
0x13: {  	p0 =	sne.s32 s26, $0xFE00;
	[tilespmem:s25+$0x270] =	vst v0  }
0x14: {  	[tilespmem:s25+$0x200] =	vst v0  }
0x15: {  	[tilespmem:s25+$0x210] =	vst v0  }
.Ltmp0:
0x16: {  	[tilespmem:s25+$0x220] =	vst v0;
	(pc) =	sbr.rel @p0 .LBB2_2-.Ltmp0, $4  }
0x17: {  	[tilespmem:s25+$0x230] =	vst v0  }
0x18: {  	[tilespmem:s25+$0x240] =	vst v0  }
0x19: {  	[tilespmem:s25+$0x250] =	vst v0  }
0x1a: {  	[tilespmem:s25+$0x260] =	vst v0;
	s25 =	sshra.s32 s26, $0x2;
	s26 =	sadd.s32 $0x200, s26  }
0x1b: {  	[tilespmem:s25+$0x270] =	vst v0  }
0x1c: {  	[tilespmem:s25+$0x200] =	vst v0  }
0x1d: {  	[tilespmem:s25+$0x210] =	vst v0  }
0x1e: {  	[tilespmem:s25+$0x220] =	vst v0  }
0x1f: {  	[tilespmem:s25+$0x230] =	vst v0  }
0x20: {  	[tilespmem:s25+$0x240] =	vst v0  }
0x21: {  	[tilespmem:s25+$0x250] =	vst v0  }
0x22: {  	[tilespmem:s25+$0x260] =	vst v0  }
0x23: {  	[spmem:s5] =	stream.linear.scatter [tilespmem:s14], [sflag:$0x3], $0x4000, $0x38;
	[tilespmem:$0x1C200] =	vst v63  }
0x24: {  	_ = 	snop  }
0x25: {  	[spmem:s6] =	stream.linear.scatter [tilespmem:s14], [sflag:$0x3], $0x4000, $0x38;
	[tilespmem:$0x1C200] =	vst v63  }
0x26: {  	_ = 	snop  }
0x27: {  	[spmem:s7] =	stream.linear.scatter [tilespmem:s14], [sflag:$0x3], $0x4000, $0x38;
	[tilespmem:$0x1C200] =	vst v63  }
0x28: {  	_ = 	snop  }
0x29: {  	[spmem:s8] =	stream.linear.scatter [tilespmem:s14], [sflag:$0x3], $0x4000, $0x38;
	[tilespmem:$0x1C200] =	vst v63  }
0x2a: {  	_ = 	snop  }
0x2b: {  	[spmem:s9] =	stream.linear.scatter [tilespmem:s14], [sflag:$0x3], $0x4000, $0x38;
	[tilespmem:$0x1C200] =	vst v63  }
0x2c: {  	_ =	swait.ge [sflag:s15], $0x4000  }
0x2d: {  	[sflag:s15] =	ssyncset.done $0x0  }
0x2e: {  	[sflag:s15] =	ssyncadd.s32 $0xFFFFC000  }
0x2f: {  	_ =	swait.ge [sflag:s15], $0x4000  }
0x30: {  	[sflag:s15] =	ssyncset.done $0x0  }
0x31: {  	[sflag:s15] =	ssyncadd.s32 $0xFFFFC000  }
0x32: {  	_ =	swait.ge [sflag:s15], $0x4000  }
0x33: {  	[sflag:s15] =	ssyncset.done $0x0  }
0x34: {  	[sflag:s15] =	ssyncadd.s32 $0xFFFFC000  }
0x35: {  	_ =	swait.ge [sflag:s15], $0x4000  }
0x36: {  	[sflag:s15] =	ssyncset.done $0x0  }
0x37: {  	[sflag:s15] =	ssyncadd.s32 $0xFFFFC000  }
0x38: {  	_ =	swait.ge [sflag:s15], $0x4000  }
0x39: {  	[sflag:s15] =	ssyncset.done $0x0  }
0x3a: {  	[sflag:s15] =	ssyncadd.s32 $0xFFFFC000  }
0x3b: {  	[bflag:$0x0] =	sbarrier.arrive $0xFFFF  }
0x3c: {  	[tilespmem:s3], [sflag:$0x5] =	stream.linear.gather [hbm4b:s10+s3], $0x100, $0x38;
	[tilespmem:$0x1C200] =	vst v63  }
0x3d: {  	_ =	swait.ge [sflag:s16], $0x100  }
0x3e: {  	[sflag:s16] =	ssyncset.done $0x0  }
0x3f: {  	[sflag:s16] =	ssyncadd.s32 $0xFFFFFF00  }
0x40: {  	[tilespmem:s14], [sflag:$0x1] =	stream.indirect.gather [hbm4b:s4+s17], $0x80, s3, s17, $0xb8;
	[tilespmem:$0x1C200] =	vst v63  }
0x41: {  	_ = 	snop  }
0x42: {  	[tilespmem:s18], [sflag:$0x5] =	stream.linear.gather [hbm4b:s11+s3], $0x100, $0x38;
	[tilespmem:$0x1C200] =	vst v63  }
0x43: {  	_ =	swait.ge [sflag:s16], $0x100  }
0x44: {  	[sflag:s16] =	ssyncset.done $0x0  }
0x45: {  	[sflag:s16] =	ssyncadd.s32 $0xFFFFFF00  }
0x46: {  	[tilespmem:s19], [sflag:$0x2] =	stream.indirect.gather [hbm4b:s4+s17], $0x80, s18, s17, $0xb8;
	[tilespmem:$0x1C200] =	vst v63  }
0x47: {  	_ =	swait.ge [sflag:s20], $0x4000  }
0x48: {  	[sflag:s20] =	ssyncset.done $0x0  }
0x49: {  	[sflag:s20] =	ssyncadd.s32 $0xFFFFC000  }
0x4a: {  	[spmem:s2] =	stream.indirect.scatter.add.f32 [tilespmem:s14], [sflag:$0x3], $0x80, s17, s17, $0xb8;
	[tilespmem:$0x1C200] =	vst v63  }
0x4b: {  	_ =	swait.ge [sflag:s21], $0x4000  }
0x4c: {  	[sflag:s21] =	ssyncset.done $0x0  }
0x4d: {  	[sflag:s21] =	ssyncadd.s32 $0xFFFFC000  }
0x4e: {  	[spmem:s2] =	stream.indirect.scatter.add.f32 [tilespmem:s19], [sflag:$0x4], $0x80, s22, s17, $0xb8;
	[tilespmem:$0x1C200] =	vst v63  }
0x4f: {  	_ =	swait.ge [sflag:s15], $0x4000  }
0x50: {  	s31 =	sadd.s32 $0xFFFFF640, s10;
	[sflag:s15] =	ssyncset.done $0x0  }
0x51: {  	s26 =	sadd.s32 $0xA00, s31;
	[sflag:s15] =	ssyncadd.s32 $0xFFFFC000  }
0x52: {  	[tilespmem:s3], [sflag:$0x5] =	stream.linear.gather [hbm4b:s26+s3], $0x100, $0x38;
	[tilespmem:$0x1C200] =	vst v63  }
0x53: {  	_ =	swait.ge [sflag:s16], $0x100  }
0x54: {  	[sflag:s16] =	ssyncset.done $0x0  }
0x55: {  	[sflag:s16] =	ssyncadd.s32 $0xFFFFFF00  }
0x56: {  	[tilespmem:s14], [sflag:$0x1] =	stream.indirect.gather [hbm4b:s4+s17], $0x80, s3, s17, $0xb8;
	[tilespmem:$0x1C200] =	vst v63  }
0x57: {  	_ =	swait.ge [sflag:s23], $0x4000  }
0x58: {  	[sflag:s23] =	ssyncset.done $0x0  }
0x59: {  	s25 =	sadd.s32 $0xA20, s31;
	[sflag:s23] =	ssyncadd.s32 $0xFFFFC000  }
0x5a: {  	[tilespmem:s18], [sflag:$0x5] =	stream.linear.gather [hbm4b:s25+s3], $0x100, $0x38;
	[tilespmem:$0x1C200] =	vst v63  }
0x5b: {  	_ =	swait.ge [sflag:s16], $0x100  }
0x5c: {  	[sflag:s16] =	ssyncset.done $0x0  }
0x5d: {  	s25 =	simm.s32 $0xFFFFF680;
	[sflag:s16] =	ssyncadd.s32 $0xFFFFFF00  }
.LBB2_4:
0x5e: {  	[tilespmem:s19], [sflag:$0x2] =	stream.indirect.gather [hbm4b:s4+s17], $0x80, s18, s17, $0xb8;
	[tilespmem:$0x1C200] =	vst v63  }
0x5f: {  	s26 =	smov.u32 s25  }
0x60: {  	p0 =	sne.s32 s25, $0xFFFFFFC0;
	s25 =	sadd.s32 $0x40, s25;
	_ =	swait.ge [sflag:s20], $0x4000  }
0x61: {  	[sflag:s20] =	ssyncset.done $0x0  }
0x62: {  	[sflag:s20] =	ssyncadd.s32 $0xFFFFC000  }
0x63: {  	[spmem:s2] =	stream.indirect.scatter.add.f32 [tilespmem:s14], [sflag:$0x3], $0x80, s17, s17, $0xb8;
	[tilespmem:$0x1C200] =	vst v63  }
0x64: {  	_ =	swait.ge [sflag:s21], $0x4000  }
0x65: {  	[sflag:s21] =	ssyncset.done $0x0  }
0x66: {  	[sflag:s21] =	ssyncadd.s32 $0xFFFFC000  }
0x67: {  	[spmem:s2] =	stream.indirect.scatter.add.f32 [tilespmem:s19], [sflag:$0x4], $0x80, s22, s17, $0xb8;
	[tilespmem:$0x1C200] =	vst v63  }
0x68: {  	_ =	swait.ge [sflag:s15], $0x4000  }
0x69: {  	s26 =	sadd.s32 s26, s10;
	[sflag:s15] =	ssyncset.done $0x0  }
0x6a: {  	s28 =	sadd.s32 $0xA00, s26;
	[sflag:s15] =	ssyncadd.s32 $0xFFFFC000  }
0x6b: {  	[tilespmem:s3], [sflag:$0x5] =	stream.linear.gather [hbm4b:s28+s3], $0x100, $0x38;
	[tilespmem:$0x1C200] =	vst v63  }
0x6c: {  	_ =	swait.ge [sflag:s16], $0x100  }
0x6d: {  	[sflag:s16] =	ssyncset.done $0x0  }
0x6e: {  	[sflag:s16] =	ssyncadd.s32 $0xFFFFFF00  }
0x6f: {  	[tilespmem:s14], [sflag:$0x1] =	stream.indirect.gather [hbm4b:s4+s17], $0x80, s3, s17, $0xb8;
	[tilespmem:$0x1C200] =	vst v63  }
0x70: {  	_ =	swait.ge [sflag:s23], $0x4000  }
0x71: {  	[sflag:s23] =	ssyncset.done $0x0  }
.Ltmp1:
0x72: {  	s26 =	sadd.s32 $0xA20, s26;
	[sflag:s23] =	ssyncadd.s32 $0xFFFFC000;
	(pc) =	sbr.rel @p0 .LBB2_4-.Ltmp1, $4  }
0x73: {  	[tilespmem:s18], [sflag:$0x5] =	stream.linear.gather [hbm4b:s26+s3], $0x100, $0x38;
	[tilespmem:$0x1C200] =	vst v63  }
0x74: {  	_ =	swait.ge [sflag:s16], $0x100  }
0x75: {  	[sflag:s16] =	ssyncset.done $0x0  }
0x76: {  	[sflag:s16] =	ssyncadd.s32 $0xFFFFFF00  }
0x77: {  	[tilespmem:s19], [sflag:$0x2] =	stream.indirect.gather [hbm4b:s4+s17], $0x80, s18, s17, $0xb8;
	[tilespmem:$0x1C200] =	vst v63  }
0x78: {  	_ =	swait.ge [sflag:s20], $0x4000  }
0x79: {  	[sflag:s20] =	ssyncset.done $0x0  }
0x7a: {  	[sflag:s20] =	ssyncadd.s32 $0xFFFFC000  }
0x7b: {  	[spmem:s2] =	stream.indirect.scatter.add.f32 [tilespmem:s14], [sflag:$0x3], $0x80, s17, s17, $0xb8;
	[tilespmem:$0x1C200] =	vst v63  }
0x7c: {  	_ =	swait.ge [sflag:s21], $0x4000  }
0x7d: {  	[sflag:s21] =	ssyncset.done $0x0  }
0x7e: {  	[sflag:s21] =	ssyncadd.s32 $0xFFFFC000  }
0x7f: {  	[spmem:s2] =	stream.indirect.scatter.add.f32 [tilespmem:s19], [sflag:$0x4], $0x80, s22, s17, $0xb8;
	[tilespmem:$0x1C200] =	vst v63  }
0x80: {  	_ =	swait.ge [sflag:s15], $0x4000  }
0x81: {  	[sflag:s15] =	ssyncset.done $0x0  }
0x82: {  	[sflag:s15] =	ssyncadd.s32 $0xFFFFC000  }
0x83: {  	_ =	swait.ge [sflag:s23], $0x4000  }
0x84: {  	s25 =	sshll.u32 s0, $0x6;
	s24 =	sadd.s32 $0x1, s24;
	[sflag:s23] =	ssyncset.done $0x0  }
0x85: {  	s26 =	sshrl.u32 s5, $0x3;
	p0 =	sne.s32 s24, s13;
	[sflag:s23] =	ssyncadd.s32 $0xFFFFC000  }
.Ltmp2:
0x86: {  	s25 =	sor.u32 $0x1C05, s25;
	[bflag:$0x0] =	sbarrier.arrive $0xFFFF;
	(pc) =	sbr.rel @p0 .LBB2_1-.Ltmp2, $4  }
0x87: {  	[hbm:s12], [sflag:s25] =	dma.local [spmem:s26], $0x2800  }
0x88: {  	_ =	swait.ge [sflag:s16], $0x2800  }
0x89: {  	[sflag:s16] =	ssyncset.done $0x0  }
0x8a: {  	[sflag:s16] =	ssyncadd.s32 $0xFFFFD800  }
0x8b: {  	_ =	sfence.sel $0x180000  }
0x8c: {  	[bflag:$0x0] =	sbarrier.arrive $0xFFFF  }
0x8d: {  	p0 =	sne.s32 s0, $0x0;
	_ =	strace $0x9000004D  }
0x8e: {  	s0 =	sadd.s32 @!p0 $0x100000, s1;
	[bflag:$0x2] =	sbarrier.arrive $0xFFFF  }
0x8f: {  	[sflag:s0] =	ssyncadd.tile.s32 @!p0 $0x1;
	_ =	shalt  }
.Lfunc_end2:
_tile_overlayer_lowered:
.L_overlay_start_2:
0x90: {  	(tag) =	ssettag $0x2  }
0x91: {  	s0 =	rddreg [dreg:$0x0];
	s2 =	stileid.u32  }
0x92: {  	s1 =	rddreg [dreg:$0x1];
	p0 =	sne.s32 s2, $0x0  }
0x93: {  	s3 =	rddreg [dreg:$0x2];
	[bflag:$0x3] =	sbarrier.arrive $0xFFFF;
	s2 =	simm.s32 @!p0 $0x1C05  }
0x94: {  	[timem:s3], [sflag:s2] =	dma.local @!p0 [hbm:s0], s1  }
0x95: {  	s0 =	simm.s32 @!p0 $0x5  }
0x96: {  	_ =	swait.ge @!p0 [sflag:s0], s1  }
0x97: {  	s1 =	ssub.s32 @!p0 $0x0, s1;
	[sflag:s0] =	ssyncset.done @!p0 $0x0  }
0x98: {  	[sflag:s0] =	ssyncadd.s32 @!p0 s1  }
0x99: {  	[bflag:$0x3] =	sbarrier.arrive $0xFFFF  }
0x9a: {  	_ =	shalt  }

// kernel: _run.9.cloned.1.call-start
scs
__scs_entry_jumppad:
0x0: {  	(pc) =	sbr.rel $0x88, $3  }
0x1: {  	(tag) =	ssettag $0x0;
	lr =	simm.s32 $0x1  }
0x2: {  	[smem:$0x3F96] =	sst lr;
	_ =	strace $0xD0000000  }
0x3: {  	_ = 	snop  }
0x4: {  	_ = 	snop  }
0x5: {  	_ = 	snop  }
0x6: {  	_ = 	snop  }
0x7: {  	_ = 	snop  }
__scs_overlays_trampoline_lowered:
0x8: {  	[smem:$0x3FA5] =	sst s0  }
0x9: {  	[smem:$0x3FA6] =	sst s1  }
0xa: {  	[smem:$0x3FA7] =	sst s2  }
0xb: {  	[smem:$0x3FA8] =	sst s3  }
0xc: {  	[smem:$0x3FA9] =	sst s4  }
0xd: {  	[smem:$0x3FAA] =	sst s5  }
0xe: {  	[smem:$0x3FAB] =	sst s6  }
0xf: {  	[smem:$0x3FAC] =	sst s7  }
0x10: {  	[smem:$0x3FAD] =	sst s8  }
0x11: {  	[smem:$0x3FAE] =	sst s9;
	s0 =	simm.s32 @!p0 $0x0  }
0x12: {  	s1 =	sld [smem:$0x3F94];
	s0 =	simm.s32 @p0 $0x1  }
0x13: {  	[smem:$0x3FAF] =	sst s0;
	s0 =	simm.s32 @!p1 $0x0  }
0x14: {  	s2 =	sld [smem:$0x3F93];
	s0 =	simm.s32 @p1 $0x1  }
0x15: {  	[smem:$0x3FB0] =	sst s0;
	s0 =	simm.s32 @!p2 $0x0  }
0x16: {  	s3 =	sld [smem:$0x3FDB];
	s0 =	simm.s32 @p2 $0x1  }
0x17: {  	s4 =	simm.s32 $0x1BF5;
	[smem:$0x3FB2] =	sst s0  }
0x18: {  	s0 =	sld [smem:$0x3F95];
	_ =	swait.ge [sflag:s4], $0x0  }
0x19: {  	s7 =	sld [smem:$0x3F96]  }
0x1a: {  	s8 =	sadd.s32 $0xFFFFE003, lr  }
0x1b: {  	s9 =	sadd.s32 $0xFFFFFEF7, lr;
	s5 =	simm.s32 $0xFFFFFFFF;
	p2 =	slt.u32 s8, $0xFFFFF086  }
0x1c: {  	p1 =	slt.u32 s9, $0xF7A;
	s5 =	simm.s32 @!p2 $0x0  }
0x1d: {  	s5 =	simm.s32 @p1 $0x1;
	p0 =	seq.s32 s7, s2  }
0x1e: {  	s7 =	smul.u32 @!p0 $0xF7A, s2;
	p2 =	seq.s32 @!p0 s5, $0x0  }
0x1f: {  	s9 =	smul.u32 $0xF7A, s1;
	s8 =	simm.s32 @!p0 $0x1BF5;
	p2 =	por !p2, p0  }
0x20: {  	[sflag:s8] =	ssyncset.s32 @!p0 $0xFFFFF086;
	s6 =	sadd.s32 @!p0 s3, s7;
	s7 =	simm.s32 @!p0 $0x108  }
0x21: {  	s3 =	sadd.s32 s3, s9;
	s6 =	sadd.s32 @!p0 $0x88, s6;
	s7 =	simm.s32 @p2 $0x1082  }
0x22: {  	[simem:s7], [sflag:s8] =	dma.local @!p0 [hbm:s6], $0xF7A  }
0x23: {  	s9 =	sor.u32 $0xD0000000, s2;
	s6 =	simm.s32 $0x108;
	_ =	swait.ge @!p0 [sflag:s8], $0x0  }
0x24: {  	s3 =	sadd.s32 $0x88, s3;
	s6 =	simm.s32 @!p1 $0x1082;
	[sflag:s4] =	ssyncset.s32 $0xFFFFF086  }
0x25: {  	[simem:s6], [sflag:s4] =	dma.local [hbm:s3], $0xF7A  }
0x26: {  	[smem:$0x3F96] =	sst s1;
	(tag) =	ssettag s2;
	_ =	strace s9  }
0x27: {  	s1 =	sld [smem:$0x3FA6]  }
0x28: {  	s2 =	sld [smem:$0x3FA7]  }
0x29: {  	s4 =	sld [smem:$0x3FA9]  }
0x2a: {  	p0 =	seq.s32 s5, $0x0;
	s5 =	sld [smem:$0x3FAA]  }
0x2b: {  	s6 =	sld [smem:$0x3FAB]  }
0x2c: {  	s7 =	sld [smem:$0x3FAC]  }
0x2d: {  	s3 =	simm.s32 $0x108;
	s8 =	sld [smem:$0x3FAD]  }
0x2e: {  	s3 =	simm.s32 @!p0 $0x1082;
	s9 =	sld [smem:$0x3FAE]  }
0x2f: {  	lr =	sadd.s32 s0, s3;
	s0 =	sld [smem:$0x3FA5]  }
0x30: {  	s3 =	sld [smem:$0x3FA8]  }
0x31: {  	[smem:$0x3FB1] =	sst s10  }
0x32: {  	s10 =	sld [smem:$0x3FAF];
	_ =	sdelay $0x3  }
0x33: {  	p0 =	seq.s32 s10, $0x1;
	s10 =	sld [smem:$0x3FB1];
	_ =	sdelay $0x3  }
0x34: {  	[smem:$0x3FB1] =	sst s10  }
0x35: {  	s10 =	sld [smem:$0x3FB0];
	_ =	sdelay $0x3  }
0x36: {  	p1 =	seq.s32 s10, $0x1;
	s10 =	sld [smem:$0x3FB1];
	_ =	sdelay $0x3  }
0x37: {  	[smem:$0x3FB1] =	sst s10  }
0x38: {  	s10 =	sld [smem:$0x3FB2]  }
0x39: {  	_ = 	snop;
	(pc) =	sbr.ind lr, $3  }
0x3a: {  	_ = 	snop  }
0x3b: {  	_ = 	snop  }
0x3c: {  	p2 =	seq.s32 s10, $0x1;
	s10 =	sld [smem:$0x3FB1]  }
0x3d: {  	_ =	shalt  }
0x3e: {  	_ =	shalt  }
0x3f: {  	_ =	shalt  }
0x40: {  	_ =	shalt  }
0x41: {  	_ =	shalt  }
0x42: {  	_ =	shalt  }
0x43: {  	_ =	shalt  }
0x44: {  	_ =	shalt  }
0x45: {  	_ =	shalt  }
0x46: {  	_ =	shalt  }
0x47: {  	_ =	shalt  }
0x48: {  	_ =	shalt  }
0x49: {  	_ =	shalt  }
0x4a: {  	_ =	shalt  }
0x4b: {  	_ =	shalt  }
0x4c: {  	_ =	shalt  }
0x4d: {  	_ =	shalt  }
0x4e: {  	_ =	shalt  }
0x4f: {  	_ =	shalt  }
0x50: {  	_ =	shalt  }
0x51: {  	_ =	shalt  }
0x52: {  	_ =	shalt  }
0x53: {  	_ =	shalt  }
0x54: {  	_ =	shalt  }
0x55: {  	_ =	shalt  }
0x56: {  	_ =	shalt  }
0x57: {  	_ =	shalt  }
0x58: {  	_ =	shalt  }
0x59: {  	_ =	shalt  }
0x5a: {  	_ =	shalt  }
0x5b: {  	_ =	shalt  }
0x5c: {  	_ =	shalt  }
0x5d: {  	_ =	shalt  }
0x5e: {  	_ =	shalt  }
0x5f: {  	_ =	shalt  }
0x60: {  	_ =	shalt  }
0x61: {  	_ =	shalt  }
0x62: {  	_ =	shalt  }
0x63: {  	_ =	shalt  }
0x64: {  	_ =	shalt  }
0x65: {  	_ =	shalt  }
0x66: {  	_ =	shalt  }
0x67: {  	_ =	shalt  }
0x68: {  	_ =	shalt  }
0x69: {  	_ =	shalt  }
0x6a: {  	_ =	shalt  }
0x6b: {  	_ =	shalt  }
0x6c: {  	_ =	shalt  }
0x6d: {  	_ =	shalt  }
0x6e: {  	_ =	shalt  }
0x6f: {  	_ =	shalt  }
0x70: {  	_ =	shalt  }
0x71: {  	_ =	shalt  }
0x72: {  	_ =	shalt  }
0x73: {  	_ =	shalt  }
0x74: {  	_ =	shalt  }
0x75: {  	_ =	shalt  }
0x76: {  	_ =	shalt  }
0x77: {  	_ =	shalt  }
0x78: {  	_ =	shalt  }
0x79: {  	_ =	shalt  }
0x7a: {  	_ =	shalt  }
0x7b: {  	_ =	shalt  }
0x7c: {  	_ =	shalt  }
0x7d: {  	_ =	shalt  }
0x7e: {  	_ =	shalt  }
0x7f: {  	_ =	shalt  }
0x80: {  	_ =	shalt  }
0x81: {  	_ =	shalt  }
0x82: {  	_ =	shalt  }
0x83: {  	_ =	shalt  }
0x84: {  	_ =	shalt  }
0x85: {  	_ =	shalt  }
0x86: {  	_ =	shalt  }
0x87: {  	_ =	shalt  }
.Lfunc_end0:
.L_simem_size_0:
called_computation_lowered:
.L_overlay_start_0:
0x88: {  	s2 =	sld [smem:$0x3FD9]  }
0x89: {  	s3 =	sld [smem:$0x3FFE];
	_ =	sdelay $0x1  }
0x8a: {  	s1 =	srdreg.scid  }
0x8b: {  	s0 =	sand.u32 $0x1, s1  }
0x8c: {  	s16 =	sshll.u32 s0, $0xA;
	s2 =	sadd.s32 s3, s2  }
0x8d: {  	s2 =	sadd.s32 s2, s16  }
0x8e: {  	[smem:$0x3FBD] =	sst s2  }
0x8f: {  	_ = 	snop  }
0x90: {  	(tm) =	ssettm $0x1  }
0x91: {  	s17 =	sld [smem:$0x3FFB];
	_ =	sdelay $0x3  }
0x92: {  	_ =	strace s17  }
0x93: {  	s2 =	sld [smem:$0x3FFC];
	_ =	sdelay $0x3  }
0x94: {  	_ =	strace s2  }
0x95: {  	s2 =	sld [smem:$0x3FFD];
	_ =	sdelay $0x3  }
0x96: {  	_ =	strace s2  }
0x97: {  	_ =	strace $0x8FFFFFFF  }
0x98: {  	s18 =	sld [smem:$0x3FDB];
	_ =	sdelay $0x1  }
0x99: {  	s19 =	simm.s32 $_scs_section_size  }
0x9a: {  	s4 =	simm.s32 $_size__tile_overlayer_lowered;
	s5 =	simm.s32 $_tile_overlayer_lowered  }
0x9b: {  	s22 =	simm.s32 $0x1BFF;
	s21 =	sshll.u32 s5, $0x1;
	s2 =	sadd.s32 s19, s18  }
0x9c: {  	s6 =	simm.s32 $0x0;
	s20 =	sshll.u32 s4, $0x1;
	s4 =	sadd.s32 s21, s2  }
0x9d: {  	[timem:s6], [sflag:s22] =	dma.local [hbm:s4], s20  }
0x9e: {  	_ =	swait.ge [sflag:s22], s20  }
0x9f: {  	s3 =	ssub.s32 $0x0, s20;
	[sflag:s22] =	ssyncset.done $0x0  }
0xa0: {  	[sflag:s22] =	ssyncadd.s32 s3;
	_ =	sdelay $0x1  }
0xa1: {  	s23 =	simm.s32 $0x1B8B  }
0xa2: {  	_ =	swait.ge [sflag:s23], $0x1  }
0xa3: {  	[sflag:s23] =	ssyncset.done $0x0  }
0xa4: {  	s25 =	simm.s32 $0x1B8E;
	s24 =	sld [smem:$0x3FFE];
	[sflag:s23] =	ssyncadd.s32 $0xFFFFFFFF  }
0xa5: {  	s26 =	simm.s32 $execute0_lowered;
	[smem:$0x3FD2] =	sst s25  }
0xa6: {  	s4 =	sshll.u32 s26, $0x1;
	_ =	strace $0x80000046;
	[dreg:$0x1] =	wrdreg $0xFFFFFFFF  }
0xa7: {  	s28 =	simm.s32 $_size_execute0_lowered;
	s2 =	sadd.s32 s2, s4;
	[dreg:$0x0] =	wrdreg $0x0  }
0xa8: {  	s4 =	sshll.u32 s28, $0x1;
	[dreg:$0x2] =	wrdreg s2  }
0xa9: {  	[dreg:$0x3] =	wrdreg s4  }
0xaa: {  	[dreg:$0x4] =	wrdreg $0xC0  }
0xab: {  	_ =	task [dreg:s6], $0x5FFFF  }
0xac: {  	[dreg:$0x1] =	wrdreg $0xFFFFFFFF  }
0xad: {  	[dreg:$0x0] =	wrdreg $0x60  }
0xae: {  	[dreg:$0x2] =	wrdreg s24  }
0xaf: {  	[dreg:$0x3] =	wrdreg $0x82000  }
0xb0: {  	[dreg:$0x4] =	wrdreg $0x9  }
0xb1: {  	_ =	task.clear_ibuf [dreg:s6], $0x5FFFF;
	_ =	strace $0x90000046  }
0xb2: {  	s29 =	simm.s32 $0x9;
	_ =	strace $0x80000048  }
0xb3: {  	_ =	swait.ge [sflag:s29], $0x1  }
0xb4: {  	[sflag:s29] =	ssyncadd.s32 $0xFFFFFFFF  }
0xb5: {  	_ =	strace $0x90000048  }
0xb6: {  	_ =	sfence  }
0xb7: {  	s30 =	sld [smem:$0x0];
	_ =	sdelay $0x2  }
0xb8: {  	s31 =	sshll.u32 s1, $0xD;
	s1 =	sshrl.u32 s1, $0x2  }
0xb9: {  	s3 =	sand.u32 $0x4000, s31;
	s1 =	sadd.s32 s1, s30  }
0xba: {  	s0 =	sor.u32 s3, s0;
	s1 =	sshll.u32 s1, $0x11  }
0xbb: {  	s0 =	sor.u32 s1, s0  }
0xbc: {  	s0 =	sadd.s32 $0x8F2B, s0  }
0xbd: {  	[sflag:s0] =	ssyncadd.remote.s32 $0x1  }
0xbe: {  	_ =	sfence.sel $0xFFFF  }
0xbf: {  	[dreg:$0x0] =	wrdreg $0xFFFFFFFF;
	(pc) =	sbr.abs _section_cstart, $3  }
0xc0: {  	[dreg:$0x1] =	wrdreg $0xFFFFFFFF  }
0xc1: {  	_ =	task.clear_ibuf [dreg:s6], $0x2FFFF;
	_ =	strace $0x9FFFFFFF  }
0xc2: {  	(tm) =	ssettm $0x7FFFFFFF  }
0xc3: {  	_ =	shalt  }
tec
execute0_lowered:
.L_overlay_start_1:
0x0: {  	(tag) =	ssettag $0x1  }
0x1: {  	s6 =	rddreg [dreg:$0x0]  }
0x2: {  	s2 =	rddreg [dreg:$0x1]  }
0x3: {  	s0 =	stileid.u32;
	s3 =	srdreg.scid  }
0x4: {  	s1 =	rddreg [dreg:$0x2];
	s14 =	simm.s32 $0x200;
	s15 =	simm.s32 $0x3  }
0x5: {  	s16 =	simm.s32 $0x5;
	s17 =	simm.s32 $0x80;
	s18 =	simm.s32 $0x100  }
0x6: {  	s19 =	simm.s32 $0x4200;
	s20 =	simm.s32 $0x1;
	s21 =	simm.s32 $0x2  }
0x7: {  	s22 =	simm.s32 $0x180;
	s23 =	simm.s32 $0x4;
	s4 =	smul.u32 $0x50, s0  }
0x8: {  	s24 =	simm.s32 $0x0;
	s5 =	sand.u32 $0x1, s3;
	s28 =	smul.u32 $0x14000, s0  }
0x9: {  	s3 =	simm.s32 $0x0;
	s10 =	smul.u32 $0x50000, s0;
	p0 =	seq.s32 s5, $0x0  }
0xa: {  	s8 =	smul.u32 $0x140000, s5;
	[smem:$0x7FF] =	sst s3;
	s29 =	ssub.s32 $0x2, s5  }
0xb: {  	s7 =	sadd.s32 $0x500, s4;
	_ =	strace $0x80000047;
	s30 =	sshrl.u32 s10, $0x2  }
0xc: {  	s31 =	sshrl.u32 s29, $0x1;
	s4 =	smov.u32 @p0 s7;
	s7 =	sadd.s32 s28, s8  }
0xd: {  	s5 =	sadd.s32 s30, s2;
	s13 =	ssub.s32 s29, s31;
	s9 =	sshll.u32 s4, $0x5  }
0xe: {  	s4 =	sadd.s32 $0x3A00, s6;
	s7 =	sshrl.u32 s7, $0x3;
	s8 =	sadd.s32 $0xC000, s5  }
0xf: {  	s13 =	smax.u32 s13, $0x1;
	s11 =	sadd.s32 s9, s6;
	s12 =	sadd.s32 s7, s6  }
0x10: {  	s6 =	sadd.s32 $0x4000, s5;
	s7 =	sadd.s32 $0x8000, s5;
	s9 =	sadd.s32 $0x10000, s5  }
0x11: {  	v0 =	vimm.f32 $0.0e+00;
	s10 =	sadd.s32 $0x2BA00, s11;
	s11 =	sadd.s32 $0x2BA20, s11;
	s12 =	sadd.s32 $0x3FA00, s12  }
.LBB2_1:
0x12: {  	s25 =	simm.s32 $0x0;
	s26 =	simm.s32 $0x200  }
.LBB2_2:
0x13: {  	p0 =	sne.s32 s26, $0xFE00;
	[tilespmem:s25+$0x270] =	vst v0  }
0x14: {  	[tilespmem:s25+$0x200] =	vst v0  }
0x15: {  	[tilespmem:s25+$0x210] =	vst v0  }
.Ltmp0:
0x16: {  	[tilespmem:s25+$0x220] =	vst v0;
	(pc) =	sbr.rel @p0 .LBB2_2-.Ltmp0, $4  }
0x17: {  	[tilespmem:s25+$0x230] =	vst v0  }
0x18: {  	[tilespmem:s25+$0x240] =	vst v0  }
0x19: {  	[tilespmem:s25+$0x250] =	vst v0  }
0x1a: {  	[tilespmem:s25+$0x260] =	vst v0;
	s25 =	sshra.s32 s26, $0x2;
	s26 =	sadd.s32 $0x200, s26  }
0x1b: {  	[tilespmem:s25+$0x270] =	vst v0  }
0x1c: {  	[tilespmem:s25+$0x200] =	vst v0  }
0x1d: {  	[tilespmem:s25+$0x210] =	vst v0  }
0x1e: {  	[tilespmem:s25+$0x220] =	vst v0  }
0x1f: {  	[tilespmem:s25+$0x230] =	vst v0  }
0x20: {  	[tilespmem:s25+$0x240] =	vst v0  }
0x21: {  	[tilespmem:s25+$0x250] =	vst v0  }
0x22: {  	[tilespmem:s25+$0x260] =	vst v0  }
0x23: {  	[spmem:s5] =	stream.linear.scatter [tilespmem:s14], [sflag:$0x3], $0x4000, $0x38;
	[tilespmem:$0x1C200] =	vst v63  }
0x24: {  	_ = 	snop  }
0x25: {  	[spmem:s6] =	stream.linear.scatter [tilespmem:s14], [sflag:$0x3], $0x4000, $0x38;
	[tilespmem:$0x1C200] =	vst v63  }
0x26: {  	_ = 	snop  }
0x27: {  	[spmem:s7] =	stream.linear.scatter [tilespmem:s14], [sflag:$0x3], $0x4000, $0x38;
	[tilespmem:$0x1C200] =	vst v63  }
0x28: {  	_ = 	snop  }
0x29: {  	[spmem:s8] =	stream.linear.scatter [tilespmem:s14], [sflag:$0x3], $0x4000, $0x38;
	[tilespmem:$0x1C200] =	vst v63  }
0x2a: {  	_ = 	snop  }
0x2b: {  	[spmem:s9] =	stream.linear.scatter [tilespmem:s14], [sflag:$0x3], $0x4000, $0x38;
	[tilespmem:$0x1C200] =	vst v63  }
0x2c: {  	_ =	swait.ge [sflag:s15], $0x4000  }
0x2d: {  	[sflag:s15] =	ssyncset.done $0x0  }
0x2e: {  	[sflag:s15] =	ssyncadd.s32 $0xFFFFC000  }
0x2f: {  	_ =	swait.ge [sflag:s15], $0x4000  }
0x30: {  	[sflag:s15] =	ssyncset.done $0x0  }
0x31: {  	[sflag:s15] =	ssyncadd.s32 $0xFFFFC000  }
0x32: {  	_ =	swait.ge [sflag:s15], $0x4000  }
0x33: {  	[sflag:s15] =	ssyncset.done $0x0  }
0x34: {  	[sflag:s15] =	ssyncadd.s32 $0xFFFFC000  }
0x35: {  	_ =	swait.ge [sflag:s15], $0x4000  }
0x36: {  	[sflag:s15] =	ssyncset.done $0x0  }
0x37: {  	[sflag:s15] =	ssyncadd.s32 $0xFFFFC000  }
0x38: {  	_ =	swait.ge [sflag:s15], $0x4000  }
0x39: {  	[sflag:s15] =	ssyncset.done $0x0  }
0x3a: {  	[sflag:s15] =	ssyncadd.s32 $0xFFFFC000  }
0x3b: {  	[bflag:$0x0] =	sbarrier.arrive $0xFFFF  }
0x3c: {  	[tilespmem:s3], [sflag:$0x5] =	stream.linear.gather [hbm4b:s10+s3], $0x100, $0x38;
	[tilespmem:$0x1C200] =	vst v63  }
0x3d: {  	_ =	swait.ge [sflag:s16], $0x100  }
0x3e: {  	[sflag:s16] =	ssyncset.done $0x0  }
0x3f: {  	[sflag:s16] =	ssyncadd.s32 $0xFFFFFF00  }
0x40: {  	[tilespmem:s14], [sflag:$0x1] =	stream.indirect.gather [hbm4b:s4+s17], $0x80, s3, s17, $0xb8;
	[tilespmem:$0x1C200] =	vst v63  }
0x41: {  	_ = 	snop  }
0x42: {  	[tilespmem:s18], [sflag:$0x5] =	stream.linear.gather [hbm4b:s11+s3], $0x100, $0x38;
	[tilespmem:$0x1C200] =	vst v63  }
0x43: {  	_ =	swait.ge [sflag:s16], $0x100  }
0x44: {  	[sflag:s16] =	ssyncset.done $0x0  }
0x45: {  	[sflag:s16] =	ssyncadd.s32 $0xFFFFFF00  }
0x46: {  	[tilespmem:s19], [sflag:$0x2] =	stream.indirect.gather [hbm4b:s4+s17], $0x80, s18, s17, $0xb8;
	[tilespmem:$0x1C200] =	vst v63  }
0x47: {  	_ =	swait.ge [sflag:s20], $0x4000  }
0x48: {  	[sflag:s20] =	ssyncset.done $0x0  }
0x49: {  	[sflag:s20] =	ssyncadd.s32 $0xFFFFC000  }
0x4a: {  	[spmem:s2] =	stream.indirect.scatter.add.f32 [tilespmem:s14], [sflag:$0x3], $0x80, s17, s17, $0xb8;
	[tilespmem:$0x1C200] =	vst v63  }
0x4b: {  	_ =	swait.ge [sflag:s21], $0x4000  }
0x4c: {  	[sflag:s21] =	ssyncset.done $0x0  }
0x4d: {  	[sflag:s21] =	ssyncadd.s32 $0xFFFFC000  }
0x4e: {  	[spmem:s2] =	stream.indirect.scatter.add.f32 [tilespmem:s19], [sflag:$0x4], $0x80, s22, s17, $0xb8;
	[tilespmem:$0x1C200] =	vst v63  }
0x4f: {  	_ =	swait.ge [sflag:s15], $0x4000  }
0x50: {  	s31 =	sadd.s32 $0xFFFFF640, s10;
	[sflag:s15] =	ssyncset.done $0x0  }
0x51: {  	s26 =	sadd.s32 $0xA00, s31;
	[sflag:s15] =	ssyncadd.s32 $0xFFFFC000  }
0x52: {  	[tilespmem:s3], [sflag:$0x5] =	stream.linear.gather [hbm4b:s26+s3], $0x100, $0x38;
	[tilespmem:$0x1C200] =	vst v63  }
0x53: {  	_ =	swait.ge [sflag:s16], $0x100  }
0x54: {  	[sflag:s16] =	ssyncset.done $0x0  }
0x55: {  	[sflag:s16] =	ssyncadd.s32 $0xFFFFFF00  }
0x56: {  	[tilespmem:s14], [sflag:$0x1] =	stream.indirect.gather [hbm4b:s4+s17], $0x80, s3, s17, $0xb8;
	[tilespmem:$0x1C200] =	vst v63  }
0x57: {  	_ =	swait.ge [sflag:s23], $0x4000  }
0x58: {  	[sflag:s23] =	ssyncset.done $0x0  }
0x59: {  	s25 =	sadd.s32 $0xA20, s31;
	[sflag:s23] =	ssyncadd.s32 $0xFFFFC000  }
0x5a: {  	[tilespmem:s18], [sflag:$0x5] =	stream.linear.gather [hbm4b:s25+s3], $0x100, $0x38;
	[tilespmem:$0x1C200] =	vst v63  }
0x5b: {  	_ =	swait.ge [sflag:s16], $0x100  }
0x5c: {  	[sflag:s16] =	ssyncset.done $0x0  }
0x5d: {  	s25 =	simm.s32 $0xFFFFF680;
	[sflag:s16] =	ssyncadd.s32 $0xFFFFFF00  }
.LBB2_4:
0x5e: {  	[tilespmem:s19], [sflag:$0x2] =	stream.indirect.gather [hbm4b:s4+s17], $0x80, s18, s17, $0xb8;
	[tilespmem:$0x1C200] =	vst v63  }
0x5f: {  	s26 =	smov.u32 s25  }
0x60: {  	p0 =	sne.s32 s25, $0xFFFFFFC0;
	s25 =	sadd.s32 $0x40, s25;
	_ =	swait.ge [sflag:s20], $0x4000  }
0x61: {  	[sflag:s20] =	ssyncset.done $0x0  }
0x62: {  	[sflag:s20] =	ssyncadd.s32 $0xFFFFC000  }
0x63: {  	[spmem:s2] =	stream.indirect.scatter.add.f32 [tilespmem:s14], [sflag:$0x3], $0x80, s17, s17, $0xb8;
	[tilespmem:$0x1C200] =	vst v63  }
0x64: {  	_ =	swait.ge [sflag:s21], $0x4000  }
0x65: {  	[sflag:s21] =	ssyncset.done $0x0  }
0x66: {  	[sflag:s21] =	ssyncadd.s32 $0xFFFFC000  }
0x67: {  	[spmem:s2] =	stream.indirect.scatter.add.f32 [tilespmem:s19], [sflag:$0x4], $0x80, s22, s17, $0xb8;
	[tilespmem:$0x1C200] =	vst v63  }
0x68: {  	_ =	swait.ge [sflag:s15], $0x4000  }
0x69: {  	s26 =	sadd.s32 s26, s10;
	[sflag:s15] =	ssyncset.done $0x0  }
0x6a: {  	s28 =	sadd.s32 $0xA00, s26;
	[sflag:s15] =	ssyncadd.s32 $0xFFFFC000  }
0x6b: {  	[tilespmem:s3], [sflag:$0x5] =	stream.linear.gather [hbm4b:s28+s3], $0x100, $0x38;
	[tilespmem:$0x1C200] =	vst v63  }
0x6c: {  	_ =	swait.ge [sflag:s16], $0x100  }
0x6d: {  	[sflag:s16] =	ssyncset.done $0x0  }
0x6e: {  	[sflag:s16] =	ssyncadd.s32 $0xFFFFFF00  }
0x6f: {  	[tilespmem:s14], [sflag:$0x1] =	stream.indirect.gather [hbm4b:s4+s17], $0x80, s3, s17, $0xb8;
	[tilespmem:$0x1C200] =	vst v63  }
0x70: {  	_ =	swait.ge [sflag:s23], $0x4000  }
0x71: {  	[sflag:s23] =	ssyncset.done $0x0  }
.Ltmp1:
0x72: {  	s26 =	sadd.s32 $0xA20, s26;
	[sflag:s23] =	ssyncadd.s32 $0xFFFFC000;
	(pc) =	sbr.rel @p0 .LBB2_4-.Ltmp1, $4  }
0x73: {  	[tilespmem:s18], [sflag:$0x5] =	stream.linear.gather [hbm4b:s26+s3], $0x100, $0x38;
	[tilespmem:$0x1C200] =	vst v63  }
0x74: {  	_ =	swait.ge [sflag:s16], $0x100  }
0x75: {  	[sflag:s16] =	ssyncset.done $0x0  }
0x76: {  	[sflag:s16] =	ssyncadd.s32 $0xFFFFFF00  }
0x77: {  	[tilespmem:s19], [sflag:$0x2] =	stream.indirect.gather [hbm4b:s4+s17], $0x80, s18, s17, $0xb8;
	[tilespmem:$0x1C200] =	vst v63  }
0x78: {  	_ =	swait.ge [sflag:s20], $0x4000  }
0x79: {  	[sflag:s20] =	ssyncset.done $0x0  }
0x7a: {  	[sflag:s20] =	ssyncadd.s32 $0xFFFFC000  }
0x7b: {  	[spmem:s2] =	stream.indirect.scatter.add.f32 [tilespmem:s14], [sflag:$0x3], $0x80, s17, s17, $0xb8;
	[tilespmem:$0x1C200] =	vst v63  }
0x7c: {  	_ =	swait.ge [sflag:s21], $0x4000  }
0x7d: {  	[sflag:s21] =	ssyncset.done $0x0  }
0x7e: {  	[sflag:s21] =	ssyncadd.s32 $0xFFFFC000  }
0x7f: {  	[spmem:s2] =	stream.indirect.scatter.add.f32 [tilespmem:s19], [sflag:$0x4], $0x80, s22, s17, $0xb8;
	[tilespmem:$0x1C200] =	vst v63  }
0x80: {  	_ =	swait.ge [sflag:s15], $0x4000  }
0x81: {  	[sflag:s15] =	ssyncset.done $0x0  }
0x82: {  	[sflag:s15] =	ssyncadd.s32 $0xFFFFC000  }
0x83: {  	_ =	swait.ge [sflag:s23], $0x4000  }
0x84: {  	s25 =	sshll.u32 s0, $0x6;
	s24 =	sadd.s32 $0x1, s24;
	[sflag:s23] =	ssyncset.done $0x0  }
0x85: {  	s26 =	sshrl.u32 s5, $0x3;
	p0 =	sne.s32 s24, s13;
	[sflag:s23] =	ssyncadd.s32 $0xFFFFC000  }
.Ltmp2:
0x86: {  	s25 =	sor.u32 $0x1C05, s25;
	[bflag:$0x0] =	sbarrier.arrive $0xFFFF;
	(pc) =	sbr.rel @p0 .LBB2_1-.Ltmp2, $4  }
0x87: {  	[hbm:s12], [sflag:s25] =	dma.local [spmem:s26], $0x2800  }
0x88: {  	_ =	swait.ge [sflag:s16], $0x2800  }
0x89: {  	[sflag:s16] =	ssyncset.done $0x0  }
0x8a: {  	[sflag:s16] =	ssyncadd.s32 $0xFFFFD800  }
0x8b: {  	_ =	sfence.sel $0x180000  }
0x8c: {  	[bflag:$0x0] =	sbarrier.arrive $0xFFFF  }
0x8d: {  	p0 =	sne.s32 s0, $0x0;
	_ =	strace $0x90000047  }
0x8e: {  	s0 =	sadd.s32 @!p0 $0x100000, s1;
	[bflag:$0x2] =	sbarrier.arrive $0xFFFF  }
0x8f: {  	[sflag:s0] =	ssyncadd.tile.s32 @!p0 $0x1;
	_ =	shalt  }
.Lfunc_end2:
_tile_overlayer_lowered:
.L_overlay_start_2:
0x90: {  	(tag) =	ssettag $0x2  }
0x91: {  	s0 =	rddreg [dreg:$0x0];
	s2 =	stileid.u32  }
0x92: {  	s1 =	rddreg [dreg:$0x1];
	p0 =	sne.s32 s2, $0x0  }
0x93: {  	s3 =	rddreg [dreg:$0x2];
	[bflag:$0x3] =	sbarrier.arrive $0xFFFF;
	s2 =	simm.s32 @!p0 $0x1C05  }
0x94: {  	[timem:s3], [sflag:s2] =	dma.local @!p0 [hbm:s0], s1  }
0x95: {  	s0 =	simm.s32 @!p0 $0x5  }
0x96: {  	_ =	swait.ge @!p0 [sflag:s0], s1  }
0x97: {  	s1 =	ssub.s32 @!p0 $0x0, s1;
	[sflag:s0] =	ssyncset.done @!p0 $0x0  }
0x98: {  	[sflag:s0] =	ssyncadd.s32 @!p0 s1  }
0x99: {  	[bflag:$0x3] =	sbarrier.arrive $0xFFFF  }
0x9a: {  	_ =	shalt  }

</sc_bundles>
